<compile_context>
chip_gen: v7x
topology: tpu7x:2x2x1
jax: 0.10.2.dev20260603
libtpu: 0.0.44.dev20260713+nightly
codegen_flags: <defaults>
</compile_context>

<pallas_src>
import functools

import jax
import jax.numpy as jnp
from jax import lax
from jax.experimental import pallas as pl
from jax.experimental.pallas import tpu as pltpu
from jax.experimental.pallas import tpu_sc as plsc

N = 10000
DEG = 32
E = N * DEG
D = 128
NLAYERS = 4

SPLITS = 2
NH = N // SPLITS
SEG = E // SPLITS

NW = 32
ROWS_W = SEG // NW
CH = 100
NCH = ROWS_W // CH
K = 2
NG = NCH // K

NB = 1
BN = NH // NB


@functools.cache
def _sc_gather_fn():
    mesh = plsc.VectorSubcoreMesh(core_axis_name="c", subcore_axis_name="s")
    return functools.partial(
        pl.kernel,
        mesh=mesh,
        out_type=jax.ShapeDtypeStruct((SEG, D), jnp.float32),
        scratch_types=[
            pltpu.VMEM((NCH, CH), jnp.int32),
            pltpu.VMEM((2, K * CH, D), jnp.float32),
            pltpu.SemaphoreType.DMA,
            pltpu.SemaphoreType.DMA,
        ],
    )(_sc_gather_body)


def _sc_gather(table, idx3):
    return _sc_gather_fn()(table, idx3)


def _sc_gather_body(table_hbm, idx_hbm, out_hbm, idx_v, rows_v, gsem, wsem):
    wid = lax.axis_index("s") * 2 + lax.axis_index("c")
    base = wid * ROWS_W
    pltpu.sync_copy(idx_hbm.at[wid], idx_v)

    def group(g, carry):
        p = lax.rem(g, 2)

        @pl.when(g >= 2)
        def _():
            pltpu.make_async_copy(
                rows_v.at[p], out_hbm.at[pl.ds(0, K * CH)], wsem
            ).wait()

        descs = [
            pltpu.async_copy(
                table_hbm.at[idx_v.at[g * K + b]],
                rows_v.at[p, pl.ds(b * CH, CH)],
                gsem,
            )
            for b in range(K)
        ]
        for d in descs:
            d.wait()
        pltpu.async_copy(
            rows_v.at[p], out_hbm.at[pl.ds(base + g * (K * CH), K * CH)], wsem
        )
        return carry

    lax.fori_loop(0, NG, group, 0)
    for _ in range(2):
        pltpu.make_async_copy(
            rows_v.at[0], out_hbm.at[pl.ds(0, K * CH)], wsem
        ).wait()


_DOT = (((1,), (0,)), ((), ()))


def _lstm_body(g_ref, x_ref, win_ref, b_ref, wlt_ref, wrt_ref, bl_ref,
               out_ref, h_s, c_s, *, relu, resid):
    t = pl.program_id(1)

    @pl.when(t == 0)
    def _():
        h_s[...] = jnp.zeros_like(h_s)
        c_s[...] = jnp.zeros_like(c_s)

    h = h_s[...]
    c = c_s[...]
    for sub in range(4):
        cat = jnp.concatenate(
            [g_ref[sub * BN:(sub + 1) * BN].astype(jnp.bfloat16),
             h.astype(jnp.bfloat16)], axis=1)
        z = lax.dot_general(cat, win_ref[...], _DOT,
                            preferred_element_type=jnp.float32) + b_ref[...]
        tt = jnp.tanh(z)
        gi = 0.5 * tt[:, :D] + 0.5
        gf = 0.5 * tt[:, D:2 * D] + 0.5
        gg = tt[:, 2 * D:3 * D]
        go = 0.5 * tt[:, 3 * D:] + 0.5
        c = gf * c + gi * gg
        h = go * jnp.tanh(c)
    h_s[...] = h
    c_s[...] = c

    @pl.when(t == DEG // 4 - 1)
    def _():
        xb = x_ref[...]
        out = (lax.dot_general(h.astype(jnp.bfloat16), wlt_ref[...],
                               _DOT, preferred_element_type=jnp.float32)
               + lax.dot_general(xb.astype(jnp.bfloat16), wrt_ref[...],
                                 _DOT, preferred_element_type=jnp.float32)
               + bl_ref[...])
        if resid:
            out = out + xb
        if relu:
            out = jnp.maximum(out, 0.0)
        out_ref[...] = out


def _lstm_half(g, xin, win, bsum, wlt, wrt, blv, half, relu, resid):
    return pl.pallas_call(
        functools.partial(_lstm_body, relu=relu, resid=resid),
        grid=(NB, DEG // 4),
        in_specs=[
            pl.BlockSpec((4 * BN, D), lambda nb, t: (t * NB + nb, 0)),
            pl.BlockSpec((BN, D), lambda nb, t, h=half: (h * NB + nb, 0)),
            pl.BlockSpec((2 * D, 4 * D), lambda nb, t: (0, 0)),
            pl.BlockSpec((1, 4 * D), lambda nb, t: (0, 0)),
            pl.BlockSpec((D, D), lambda nb, t: (0, 0)),
            pl.BlockSpec((D, D), lambda nb, t: (0, 0)),
            pl.BlockSpec((1, D), lambda nb, t: (0, 0)),
        ],
        out_specs=pl.BlockSpec((BN, D), lambda nb, t: (nb, 0)),
        out_shape=jax.ShapeDtypeStruct((NH, D), jnp.float32),
        scratch_shapes=[pltpu.VMEM((BN, D), jnp.float32),
                        pltpu.VMEM((BN, D), jnp.float32)],
        compiler_params=pltpu.CompilerParams(
            dimension_semantics=("arbitrary", "arbitrary")),
    )(g, xin, win, bsum, wlt, wrt, blv)


def kernel(x, edge_index, Wih, Whh, bih, bhh, Wl, bl, Wr):
    src = edge_index[0]
    srcT = src.reshape(N, DEG).T
    idx3 = [srcT[:, s * NH:(s + 1) * NH].reshape(NW, NCH, CH)
            for s in range(SPLITS)]
    h = x
    halfs = jnp.concatenate([jnp.full((D,), 0.5, jnp.float32),
                             jnp.full((D,), 0.5, jnp.float32),
                             jnp.ones((D,), jnp.float32),
                             jnp.full((D,), 0.5, jnp.float32)])
    for l in range(NLAYERS):
        win = (jnp.concatenate([Wih[l].T, Whh[l].T], axis=0)
               * halfs).astype(jnp.bfloat16)
        bsum = ((bih[l] + bhh[l]) * halfs).reshape(1, 4 * D)
        wlt = Wl[l].T.astype(jnp.bfloat16)
        wrt = Wr[l].T.astype(jnp.bfloat16)
        blv = bl[l].reshape(1, D)
        gs = [_sc_gather(h, idx3[s]) for s in range(SPLITS)]
        outs = [_lstm_half(gs[s], h, win, bsum, wlt, wrt, blv, half=s,
                           relu=(l < 3), resid=(l in (1, 2)))
                for s in range(SPLITS)]
        h = jnp.concatenate(outs, axis=0)
    return h

# --- scband reference (transcript-rebuilt; emitter-appended) ---
"""Pipeline reference for scband-improved-graph-sage-44444321579083 (READ-ONLY COPY).

The authoritative reference and input builder live on the scoring server;
editing this copy changes nothing except your own understanding.
"""

import jax, jax.numpy as jnp
import numpy as np

N = 10000
DEG = 32
E = N * DEG
D = 128
NL = 4  # number of SAGE layers


def setup_inputs(seed: int = 0) -> dict:
    key = jax.random.key(seed)
    ks = jax.random.split(key, 10)
    x = jax.random.normal(ks[0], (N, D), dtype=jnp.float32)
    src = jax.random.randint(ks[1], (E,), 0, N, dtype=jnp.int32)
    # fixed-degree graph, dst sorted (required by PyG LSTM aggregation)
    dst = jnp.repeat(jnp.arange(N, dtype=jnp.int32), DEG)
    edge_index = jnp.stack([src, dst])
    s = 0.05
    # stacked per-layer params: all layers are 128 -> 128 (hidden LSTM size = in_channels)
    Wih = jax.random.normal(ks[2], (NL, 4 * D, D), dtype=jnp.float32) * s
    Whh = jax.random.normal(ks[3], (NL, 4 * D, D), dtype=jnp.float32) * s
    bih = jax.random.normal(ks[4], (NL, 4 * D), dtype=jnp.float32) * s
    bhh = jax.random.normal(ks[5], (NL, 4 * D), dtype=jnp.float32) * s
    Wl = jax.random.normal(ks[6], (NL, D, D), dtype=jnp.float32) * s
    bl = jax.random.normal(ks[7], (NL, D), dtype=jnp.float32) * s
    Wr = jax.random.normal(ks[8], (NL, D, D), dtype=jnp.float32) * s
    return {"x": x, "edge_index": edge_index, "Wih": Wih, "Whh": Whh,
            "bih": bih, "bhh": bhh, "Wl": Wl, "bl": bl, "Wr": Wr}


def _lstm_last(xseq, Wih, Whh, bih, bhh):
    # xseq: [n, T, d_in]; returns last-step hidden output (PyG LSTMAggregation: lstm(x)[0][:, -1])
    n = xseq.shape[0]
    dh = Whh.shape[1]
    h0 = jnp.zeros((n, dh), dtype=xseq.dtype)
    c0 = jnp.zeros((n, dh), dtype=xseq.dtype)

    def step(carry, xt):
        h, c = carry
        g = xt @ Wih.T + h @ Whh.T + bih + bhh
        i, f, gg, o = jnp.split(g, 4, axis=-1)
        i = jax.nn.sigmoid(i)
        f = jax.nn.sigmoid(f)
        gg = jnp.tanh(gg)
        o = jax.nn.sigmoid(o)
        c = f * c + i * gg
        h = o * jnp.tanh(c)
        return (h, c), None

    (h, _), _ = jax.lax.scan(step, (h0, c0), jnp.swapaxes(xseq, 0, 1))
    return h


def _sage_conv(x, src, dst, pos, Wih, Whh, bih, bhh, Wl, bl, Wr):
    msgs = x[src]  # gather source features [E, d]
    dense = jnp.zeros((N, DEG, x.shape[1]), dtype=x.dtype).at[dst, pos].set(msgs)
    aggr = _lstm_last(dense, Wih, Whh, bih, bhh)
    # SAGEConv: lin_l(aggr) + lin_r(x); bias lives in lin_l
    return aggr @ Wl.T + bl + x @ Wr.T


def reference(x, edge_index, Wih, Whh, bih, bhh, Wl, bl, Wr):
    src, dst = edge_index[0], edge_index[1]
    order = jnp.argsort(dst)
    src = src[order]
    dst = dst[order]
    counts = jnp.bincount(dst, length=N)
    starts = jnp.cumsum(counts) - counts
    pos = jnp.arange(E, dtype=jnp.int32) - starts[dst].astype(jnp.int32)

    h1 = jax.nn.relu(_sage_conv(x, src, dst, pos, Wih[0], Whh[0], bih[0], bhh[0], Wl[0], bl[0], Wr[0]))
    h2 = jax.nn.relu(_sage_conv(h1, src, dst, pos, Wih[1], Whh[1], bih[1], bhh[1], Wl[1], bl[1], Wr[1]) + h1)
    h3 = jax.nn.relu(_sage_conv(h2, src, dst, pos, Wih[2], Whh[2], bih[2], bhh[2], Wl[2], bl[2], Wr[2]) + h2)
    out = _sage_conv(h3, src, dst, pos, Wih[3], Whh[3], bih[3], bhh[3], Wl[3], bl[3], Wr[3])
    return out

if __name__ == "__main__":
    import jax
    _d = setup_inputs()
    print(jax.jit(kernel)(*tuple(_d.values())))

</pallas_src>

<mosaic_0001>
#map = affine_map<(d0, d1) -> (0, 0)>
#map1 = affine_map<(d0, d1) -> (0, 0, 0)>
module attributes {stable_mosaic.version = 14 : i64} {
  func.func @_sc_gather_body(%arg0: i32, %arg1: i32, %arg2: memref<10000x128xf32, #tpu.memory_space<hbm>>, %arg3: memref<32x50x100xi32, #tpu.memory_space<hbm>>, %arg4: memref<160000x128xf32, #tpu.memory_space<hbm>>, %arg5: memref<50x100xi32, #tpu.memory_space<vmem>>, %arg6: memref<2x200x128xf32, #tpu.memory_space<vmem>>, %arg7: memref<!tpu.dma_semaphore, #tpu.memory_space<semaphore_mem>>, %arg8: memref<!tpu.dma_semaphore, #tpu.memory_space<semaphore_mem>>) attributes {dimension_semantics = [#tpu.dimension_semantics<core_parallel>, #tpu.dimension_semantics<subcore_parallel>], iteration_bounds = array<i64: 2, 16>, scalar_prefetch = 0 : i64, scratch_operands = 4 : i64, tpu.core_type = #tpu.core_type<sc_vector_subcore>, window_params = [{transform_indices = #map}, {transform_indices = #map1}, {transform_indices = #map}]} {
    %mul3A = arith.constant 2 : i32
    %mul3A_0 = arith.muli %arg1, %mul3A : i32
    %add3A = arith.addi %mul3A_0, %arg0 : i32
    %mul3A_1 = arith.constant 5000 : i32
    %mul3A_2 = arith.muli %add3A, %mul3A_1 : i32
    "tpu.region"() ({
      %run_scoped3A = tpu.sem_alloc : memref<!tpu.dma_semaphore, #tpu.memory_space<semaphore_mem>>
      %dma_start3A = arith.constant 0 : i32
      %dma_start3A_37 = arith.constant 0 : i32
      %dma_start3A_38 = tpu.memref_slice %arg3[%add3A, %dma_start3A, %dma_start3A_37] : memref<32x50x100xi32, #tpu.memory_space<hbm>> -> memref<1x50x100xi32, #tpu.memory_space<hbm>>
      %dma_start3A_39 = tpu.memref_squeeze %dma_start3A_38 : memref<1x50x100xi32, #tpu.memory_space<hbm>> -> memref<50x100xi32, #tpu.memory_space<hbm>>
      %dma_start3A_40 = arith.constant 0 : i32
      %dma_start3A_41 = arith.constant 0 : i32
      %dma_start3A_42 = tpu.memref_slice %arg3[%add3A, %dma_start3A_40, %dma_start3A_41] : memref<32x50x100xi32, #tpu.memory_space<hbm>> -> memref<1x50x100xi32, #tpu.memory_space<hbm>>
      %dma_start3A_43 = tpu.memref_squeeze %dma_start3A_42 : memref<1x50x100xi32, #tpu.memory_space<hbm>> -> memref<50x100xi32, #tpu.memory_space<hbm>>
      tpu.enqueue_dma source(%dma_start3A_43 : memref<50x100xi32, #tpu.memory_space<hbm>>) target(%arg5 : memref<50x100xi32, #tpu.memory_space<vmem>>) target_semaphore(%run_scoped3A : memref<!tpu.dma_semaphore, #tpu.memory_space<semaphore_mem>>)
      %dma_wait3A_44 = arith.constant 0 : i32
      %dma_wait3A_45 = arith.constant 0 : i32
      %dma_wait3A_46 = tpu.memref_slice %arg3[%add3A, %dma_wait3A_44, %dma_wait3A_45] : memref<32x50x100xi32, #tpu.memory_space<hbm>> -> memref<1x50x100xi32, #tpu.memory_space<hbm>>
      %dma_wait3A_47 = tpu.memref_squeeze %dma_wait3A_46 : memref<1x50x100xi32, #tpu.memory_space<hbm>> -> memref<50x100xi32, #tpu.memory_space<hbm>>
      %dma_wait3A_48 = arith.constant 0 : i32
      %dma_wait3A_49 = arith.constant 0 : i32
      %dma_wait3A_50 = tpu.memref_slice %arg3[%add3A, %dma_wait3A_48, %dma_wait3A_49] : memref<32x50x100xi32, #tpu.memory_space<hbm>> -> memref<1x50x100xi32, #tpu.memory_space<hbm>>
      %dma_wait3A_51 = tpu.memref_squeeze %dma_wait3A_50 : memref<1x50x100xi32, #tpu.memory_space<hbm>> -> memref<50x100xi32, #tpu.memory_space<hbm>>
      tpu.wait_dma2 semaphore(%run_scoped3A : memref<!tpu.dma_semaphore, #tpu.memory_space<semaphore_mem>>) src(%dma_wait3A_51 : memref<50x100xi32, #tpu.memory_space<hbm>>) dst(%arg5 : memref<50x100xi32, #tpu.memory_space<vmem>>)
      tpu.yield
    }) : () -> ()
    %scan3A = arith.constant 0 : i32
    %scan3A_3 = arith.constant 0 : i32
    %scan3A_4 = arith.constant 25 : i32
    %scan3A_5 = arith.addi %scan3A_3, %scan3A_4 : i32
    %scan3A_6 = arith.constant 1 : i32
    scf.for %scan3A_37 = %scan3A_3 to %scan3A_5 step %scan3A_6  : i32 {
      %rem3A = arith.constant 2 : i32
      %rem3A_38 = arith.remsi %scan3A_37, %rem3A : i32
      %ge3A = arith.constant 2 : i32
      %ge3A_39 = arith.cmpi sge, %scan3A_37, %ge3A : i32
      %convert_element_type3A = arith.extui %ge3A_39 : i1 to i32
      %cond3A = arith.constant 0 : i32
      %cond3A_40 = arith.cmpi ne, %convert_element_type3A, %cond3A : i32
      scf.if %cond3A_40 {
        %dma_wait3A_103 = arith.constant 0 : i32
        %dma_wait3A_104 = arith.constant 0 : i32
        %dma_wait3A_105 = tpu.memref_slice %arg6[%rem3A_38, %dma_wait3A_103, %dma_wait3A_104] : memref<2x200x128xf32, #tpu.memory_space<vmem>> -> memref<1x200x128xf32, #tpu.memory_space<vmem>>
        %dma_wait3A_106 = tpu.memref_squeeze %dma_wait3A_105 : memref<1x200x128xf32, #tpu.memory_space<vmem>> -> memref<200x128xf32, #tpu.memory_space<vmem>>
        %dma_wait3A_107 = arith.constant 0 : i32
        %dma_wait3A_108 = arith.constant 0 : i32
        %dma_wait3A_109 = tpu.memref_slice %arg4[%dma_wait3A_107, %dma_wait3A_108] : memref<160000x128xf32, #tpu.memory_space<hbm>> -> memref<200x128xf32, #tpu.memory_space<hbm>>
        %dma_wait3A_110 = arith.constant 0 : i32
        %dma_wait3A_111 = arith.constant 0 : i32
        %dma_wait3A_112 = tpu.memref_slice %arg4[%dma_wait3A_110, %dma_wait3A_111] : memref<160000x128xf32, #tpu.memory_space<hbm>> -> memref<200x128xf32, #tpu.memory_space<hbm>>
        %dma_wait3A_113 = arith.constant 0 : i32
        %dma_wait3A_114 = arith.constant 0 : i32
        %dma_wait3A_115 = tpu.memref_slice %arg6[%rem3A_38, %dma_wait3A_113, %dma_wait3A_114] : memref<2x200x128xf32, #tpu.memory_space<vmem>> -> memref<1x200x128xf32, #tpu.memory_space<vmem>>
        %dma_wait3A_116 = tpu.memref_squeeze %dma_wait3A_115 : memref<1x200x128xf32, #tpu.memory_space<vmem>> -> memref<200x128xf32, #tpu.memory_space<vmem>>
        tpu.wait_dma2 semaphore(%arg8 : memref<!tpu.dma_semaphore, #tpu.memory_space<semaphore_mem>>) src(%dma_wait3A_116 : memref<200x128xf32, #tpu.memory_space<vmem>>) dst(%dma_wait3A_112 : memref<200x128xf32, #tpu.memory_space<hbm>>)
      } else {
      }
      %mul3A_41 = arith.constant 2 : i32
      %mul3A_42 = arith.muli %scan3A_37, %mul3A_41 : i32
      %add3A_43 = arith.constant 0 : i32
      %add3A_44 = arith.addi %mul3A_42, %add3A_43 : i32
      %dma_start3A = arith.constant 0 : i32
      %dma_start3A_45 = arith.constant 0 : i32
      %dma_start3A_46 = tpu.memref_slice %arg6[%rem3A_38, %dma_start3A, %dma_start3A_45] : memref<2x200x128xf32, #tpu.memory_space<vmem>> -> memref<1x100x128xf32, #tpu.memory_space<vmem>>
      %dma_start3A_47 = tpu.memref_squeeze %dma_start3A_46 : memref<1x100x128xf32, #tpu.memory_space<vmem>> -> memref<100x128xf32, #tpu.memory_space<vmem>>
      %dma_start3A_48 = arith.constant 0 : i32
      %dma_start3A_49 = tpu.memref_slice %arg5[%add3A_44, %dma_start3A_48] : memref<50x100xi32, #tpu.memory_space<vmem>> -> memref<1x100xi32, #tpu.memory_space<vmem>>
      %dma_start3A_50 = tpu.memref_squeeze %dma_start3A_49 : memref<1x100xi32, #tpu.memory_space<vmem>> -> memref<100xi32, #tpu.memory_space<vmem>>
      %dma_start3A_51 = arith.constant 0 : i32
      %dma_start3A_52 = arith.constant 0 : i32
      %dma_start3A_53 = tpu.memref_slice %arg2[%dma_start3A_51, %dma_start3A_52] : memref<10000x128xf32, #tpu.memory_space<hbm>> -> memref<10000x128xf32, #tpu.memory_space<hbm>>
      tpu.enqueue_indirect_dma source(%dma_start3A_53 : memref<10000x128xf32, #tpu.memory_space<hbm>>) target(%dma_start3A_47 : memref<100x128xf32, #tpu.memory_space<vmem>>) offsets(%dma_start3A_50 : memref<100xi32, #tpu.memory_space<vmem>>) semaphore(%arg7 : memref<!tpu.dma_semaphore, #tpu.memory_space<semaphore_mem>>)
      %mul3A_54 = arith.constant 2 : i32
      %mul3A_55 = arith.muli %scan3A_37, %mul3A_54 : i32
      %add3A_56 = arith.constant 1 : i32
      %add3A_57 = arith.addi %mul3A_55, %add3A_56 : i32
      %dma_start3A_58 = arith.constant 100 : i32
      %dma_start3A_59 = arith.constant 0 : i32
      %dma_start3A_60 = tpu.memref_slice %arg6[%rem3A_38, %dma_start3A_58, %dma_start3A_59] : memref<2x200x128xf32, #tpu.memory_space<vmem>> -> memref<1x100x128xf32, #tpu.memory_space<vmem>>
      %dma_start3A_61 = tpu.memref_squeeze %dma_start3A_60 : memref<1x100x128xf32, #tpu.memory_space<vmem>> -> memref<100x128xf32, #tpu.memory_space<vmem>>
      %dma_start3A_62 = arith.constant 0 : i32
      %dma_start3A_63 = tpu.memref_slice %arg5[%add3A_57, %dma_start3A_62] : memref<50x100xi32, #tpu.memory_space<vmem>> -> memref<1x100xi32, #tpu.memory_space<vmem>>
      %dma_start3A_64 = tpu.memref_squeeze %dma_start3A_63 : memref<1x100xi32, #tpu.memory_space<vmem>> -> memref<100xi32, #tpu.memory_space<vmem>>
      %dma_start3A_65 = arith.constant 0 : i32
      %dma_start3A_66 = arith.constant 0 : i32
      %dma_start3A_67 = tpu.memref_slice %arg2[%dma_start3A_65, %dma_start3A_66] : memref<10000x128xf32, #tpu.memory_space<hbm>> -> memref<10000x128xf32, #tpu.memory_space<hbm>>
      tpu.enqueue_indirect_dma source(%dma_start3A_67 : memref<10000x128xf32, #tpu.memory_space<hbm>>) target(%dma_start3A_61 : memref<100x128xf32, #tpu.memory_space<vmem>>) offsets(%dma_start3A_64 : memref<100xi32, #tpu.memory_space<vmem>>) semaphore(%arg7 : memref<!tpu.dma_semaphore, #tpu.memory_space<semaphore_mem>>)
      %dma_wait3A_68 = arith.constant 0 : i32
      %dma_wait3A_69 = arith.constant 0 : i32
      %dma_wait3A_70 = tpu.memref_slice %arg6[%rem3A_38, %dma_wait3A_68, %dma_wait3A_69] : memref<2x200x128xf32, #tpu.memory_space<vmem>> -> memref<1x100x128xf32, #tpu.memory_space<vmem>>
      %dma_wait3A_71 = tpu.memref_squeeze %dma_wait3A_70 : memref<1x100x128xf32, #tpu.memory_space<vmem>> -> memref<100x128xf32, #tpu.memory_space<vmem>>
      %dma_wait3A_72 = arith.constant 0 : i32
      %dma_wait3A_73 = tpu.memref_slice %arg5[%add3A_44, %dma_wait3A_72] : memref<50x100xi32, #tpu.memory_space<vmem>> -> memref<1x100xi32, #tpu.memory_space<vmem>>
      %dma_wait3A_74 = tpu.memref_squeeze %dma_wait3A_73 : memref<1x100xi32, #tpu.memory_space<vmem>> -> memref<100xi32, #tpu.memory_space<vmem>>
      %dma_wait3A_75 = arith.constant 0 : i32
      %dma_wait3A_76 = arith.constant 0 : i32
      %dma_wait3A_77 = tpu.memref_slice %arg2[%dma_wait3A_75, %dma_wait3A_76] : memref<10000x128xf32, #tpu.memory_space<hbm>> -> memref<10000x128xf32, #tpu.memory_space<hbm>>
      tpu.wait_indirect_dma semaphore(%arg7 : memref<!tpu.dma_semaphore, #tpu.memory_space<semaphore_mem>>) src(%dma_wait3A_77 : memref<10000x128xf32, #tpu.memory_space<hbm>>) dst(%dma_wait3A_71 : memref<100x128xf32, #tpu.memory_space<vmem>>)
      %dma_wait3A_78 = arith.constant 100 : i32
      %dma_wait3A_79 = arith.constant 0 : i32
      %dma_wait3A_80 = tpu.memref_slice %arg6[%rem3A_38, %dma_wait3A_78, %dma_wait3A_79] : memref<2x200x128xf32, #tpu.memory_space<vmem>> -> memref<1x100x128xf32, #tpu.memory_space<vmem>>
      %dma_wait3A_81 = tpu.memref_squeeze %dma_wait3A_80 : memref<1x100x128xf32, #tpu.memory_space<vmem>> -> memref<100x128xf32, #tpu.memory_space<vmem>>
      %dma_wait3A_82 = arith.constant 0 : i32
      %dma_wait3A_83 = tpu.memref_slice %arg5[%add3A_57, %dma_wait3A_82] : memref<50x100xi32, #tpu.memory_space<vmem>> -> memref<1x100xi32, #tpu.memory_space<vmem>>
      %dma_wait3A_84 = tpu.memref_squeeze %dma_wait3A_83 : memref<1x100xi32, #tpu.memory_space<vmem>> -> memref<100xi32, #tpu.memory_space<vmem>>
      %dma_wait3A_85 = arith.constant 0 : i32
      %dma_wait3A_86 = arith.constant 0 : i32
      %dma_wait3A_87 = tpu.memref_slice %arg2[%dma_wait3A_85, %dma_wait3A_86] : memref<10000x128xf32, #tpu.memory_space<hbm>> -> memref<10000x128xf32, #tpu.memory_space<hbm>>
      tpu.wait_indirect_dma semaphore(%arg7 : memref<!tpu.dma_semaphore, #tpu.memory_space<semaphore_mem>>) src(%dma_wait3A_87 : memref<10000x128xf32, #tpu.memory_space<hbm>>) dst(%dma_wait3A_81 : memref<100x128xf32, #tpu.memory_space<vmem>>)
      %mul3A_88 = arith.constant 200 : i32
      %mul3A_89 = arith.muli %scan3A_37, %mul3A_88 : i32
      %add3A_90 = arith.addi %mul3A_2, %mul3A_89 : i32
      %dma_start3A_91 = arith.constant 0 : i32
      %dma_start3A_92 = arith.constant 0 : i32
      %dma_start3A_93 = tpu.memref_slice %arg6[%rem3A_38, %dma_start3A_91, %dma_start3A_92] : memref<2x200x128xf32, #tpu.memory_space<vmem>> -> memref<1x200x128xf32, #tpu.memory_space<vmem>>
      %dma_start3A_94 = tpu.memref_squeeze %dma_start3A_93 : memref<1x200x128xf32, #tpu.memory_space<vmem>> -> memref<200x128xf32, #tpu.memory_space<vmem>>
      %dma_start3A_95 = arith.constant 0 : i32
      %dma_start3A_96 = tpu.memref_slice %arg4[%add3A_90, %dma_start3A_95] : memref<160000x128xf32, #tpu.memory_space<hbm>> -> memref<200x128xf32, #tpu.memory_space<hbm>>
      %dma_start3A_97 = arith.constant 0 : i32
      %dma_start3A_98 = tpu.memref_slice %arg4[%add3A_90, %dma_start3A_97] : memref<160000x128xf32, #tpu.memory_space<hbm>> -> memref<200x128xf32, #tpu.memory_space<hbm>>
      %dma_start3A_99 = arith.constant 0 : i32
      %dma_start3A_100 = arith.constant 0 : i32
      %dma_start3A_101 = tpu.memref_slice %arg6[%rem3A_38, %dma_start3A_99, %dma_start3A_100] : memref<2x200x128xf32, #tpu.memory_space<vmem>> -> memref<1x200x128xf32, #tpu.memory_space<vmem>>
      %dma_start3A_102 = tpu.memref_squeeze %dma_start3A_101 : memref<1x200x128xf32, #tpu.memory_space<vmem>> -> memref<200x128xf32, #tpu.memory_space<vmem>>
      tpu.enqueue_dma source(%dma_start3A_102 : memref<200x128xf32, #tpu.memory_space<vmem>>) target(%dma_start3A_98 : memref<200x128xf32, #tpu.memory_space<hbm>>) target_semaphore(%arg8 : memref<!tpu.dma_semaphore, #tpu.memory_space<semaphore_mem>>)
    }
    %scan3A_7 = arith.constant 25 : i32
    %dma_wait3A = arith.constant 0 : i32
    %dma_wait3A_8 = arith.constant 0 : i32
    %dma_wait3A_9 = arith.constant 0 : i32
    %dma_wait3A_10 = tpu.memref_slice %arg6[%dma_wait3A, %dma_wait3A_8, %dma_wait3A_9] : memref<2x200x128xf32, #tpu.memory_space<vmem>> -> memref<1x200x128xf32, #tpu.memory_space<vmem>>
    %dma_wait3A_11 = tpu.memref_squeeze %dma_wait3A_10 : memref<1x200x128xf32, #tpu.memory_space<vmem>> -> memref<200x128xf32, #tpu.memory_space<vmem>>
    %dma_wait3A_12 = arith.constant 0 : i32
    %dma_wait3A_13 = arith.constant 0 : i32
    %dma_wait3A_14 = tpu.memref_slice %arg4[%dma_wait3A_12, %dma_wait3A_13] : memref<160000x128xf32, #tpu.memory_space<hbm>> -> memref<200x128xf32, #tpu.memory_space<hbm>>
    %dma_wait3A_15 = arith.constant 0 : i32
    %dma_wait3A_16 = arith.constant 0 : i32
    %dma_wait3A_17 = tpu.memref_slice %arg4[%dma_wait3A_15, %dma_wait3A_16] : memref<160000x128xf32, #tpu.memory_space<hbm>> -> memref<200x128xf32, #tpu.memory_space<hbm>>
    %dma_wait3A_18 = arith.constant 0 : i32
    %dma_wait3A_19 = arith.constant 0 : i32
    %dma_wait3A_20 = tpu.memref_slice %arg6[%dma_wait3A, %dma_wait3A_18, %dma_wait3A_19] : memref<2x200x128xf32, #tpu.memory_space<vmem>> -> memref<1x200x128xf32, #tpu.memory_space<vmem>>
    %dma_wait3A_21 = tpu.memref_squeeze %dma_wait3A_20 : memref<1x200x128xf32, #tpu.memory_space<vmem>> -> memref<200x128xf32, #tpu.memory_space<vmem>>
    tpu.wait_dma2 semaphore(%arg8 : memref<!tpu.dma_semaphore, #tpu.memory_space<semaphore_mem>>) src(%dma_wait3A_21 : memref<200x128xf32, #tpu.memory_space<vmem>>) dst(%dma_wait3A_17 : memref<200x128xf32, #tpu.memory_space<hbm>>)
    %dma_wait3A_22 = arith.constant 0 : i32
    %dma_wait3A_23 = arith.constant 0 : i32
    %dma_wait3A_24 = arith.constant 0 : i32
    %dma_wait3A_25 = tpu.memref_slice %arg6[%dma_wait3A_22, %dma_wait3A_23, %dma_wait3A_24] : memref<2x200x128xf32, #tpu.memory_space<vmem>> -> memref<1x200x128xf32, #tpu.memory_space<vmem>>
    %dma_wait3A_26 = tpu.memref_squeeze %dma_wait3A_25 : memref<1x200x128xf32, #tpu.memory_space<vmem>> -> memref<200x128xf32, #tpu.memory_space<vmem>>
    %dma_wait3A_27 = arith.constant 0 : i32
    %dma_wait3A_28 = arith.constant 0 : i32
    %dma_wait3A_29 = tpu.memref_slice %arg4[%dma_wait3A_27, %dma_wait3A_28] : memref<160000x128xf32, #tpu.memory_space<hbm>> -> memref<200x128xf32, #tpu.memory_space<hbm>>
    %dma_wait3A_30 = arith.constant 0 : i32
    %dma_wait3A_31 = arith.constant 0 : i32
    %dma_wait3A_32 = tpu.memref_slice %arg4[%dma_wait3A_30, %dma_wait3A_31] : memref<160000x128xf32, #tpu.memory_space<hbm>> -> memref<200x128xf32, #tpu.memory_space<hbm>>
    %dma_wait3A_33 = arith.constant 0 : i32
    %dma_wait3A_34 = arith.constant 0 : i32
    %dma_wait3A_35 = tpu.memref_slice %arg6[%dma_wait3A_22, %dma_wait3A_33, %dma_wait3A_34] : memref<2x200x128xf32, #tpu.memory_space<vmem>> -> memref<1x200x128xf32, #tpu.memory_space<vmem>>
    %dma_wait3A_36 = tpu.memref_squeeze %dma_wait3A_35 : memref<1x200x128xf32, #tpu.memory_space<vmem>> -> memref<200x128xf32, #tpu.memory_space<vmem>>
    tpu.wait_dma2 semaphore(%arg8 : memref<!tpu.dma_semaphore, #tpu.memory_space<semaphore_mem>>) src(%dma_wait3A_36 : memref<200x128xf32, #tpu.memory_space<vmem>>) dst(%dma_wait3A_32 : memref<200x128xf32, #tpu.memory_space<hbm>>)
    return
  }
}

#map = affine_map<(d0, d1) -> (0, 0)>
#map1 = affine_map<(d0, d1) -> (0, 0, 0)>
module attributes {stable_mosaic.version = 14 : i64} {
  func.func @_sc_gather_body(%arg0: i32, %arg1: i32, %arg2: memref<10000x128xf32, #tpu.memory_space<hbm>>, %arg3: memref<32x50x100xi32, #tpu.memory_space<hbm>>, %arg4: memref<160000x128xf32, #tpu.memory_space<hbm>>, %arg5: memref<50x100xi32, #tpu.memory_space<vmem>>, %arg6: memref<2x200x128xf32, #tpu.memory_space<vmem>>, %arg7: memref<!tpu.dma_semaphore, #tpu.memory_space<semaphore_mem>>, %arg8: memref<!tpu.dma_semaphore, #tpu.memory_space<semaphore_mem>>) attributes {dimension_semantics = [#tpu.dimension_semantics<core_parallel>, #tpu.dimension_semantics<subcore_parallel>], iteration_bounds = array<i64: 2, 16>, scalar_prefetch = 0 : i64, scratch_operands = 4 : i64, tpu.core_type = #tpu.core_type<sc_vector_subcore>, window_params = [{transform_indices = #map}, {transform_indices = #map1}, {transform_indices = #map}]} {
    %mul3A = arith.constant 2 : i32
    %mul3A_0 = arith.muli %arg1, %mul3A : i32
    %add3A = arith.addi %mul3A_0, %arg0 : i32
    %mul3A_1 = arith.constant 5000 : i32
    %mul3A_2 = arith.muli %add3A, %mul3A_1 : i32
    "tpu.region"() ({
      %run_scoped3A = tpu.sem_alloc : memref<!tpu.dma_semaphore, #tpu.memory_space<semaphore_mem>>
      %dma_start3A = arith.constant 0 : i32
      %dma_start3A_37 = arith.constant 0 : i32
      %dma_start3A_38 = tpu.memref_slice %arg3[%add3A, %dma_start3A, %dma_start3A_37] : memref<32x50x100xi32, #tpu.memory_space<hbm>> -> memref<1x50x100xi32, #tpu.memory_space<hbm>>
      %dma_start3A_39 = tpu.memref_squeeze %dma_start3A_38 : memref<1x50x100xi32, #tpu.memory_space<hbm>> -> memref<50x100xi32, #tpu.memory_space<hbm>>
      %dma_start3A_40 = arith.constant 0 : i32
      %dma_start3A_41 = arith.constant 0 : i32
      %dma_start3A_42 = tpu.memref_slice %arg3[%add3A, %dma_start3A_40, %dma_start3A_41] : memref<32x50x100xi32, #tpu.memory_space<hbm>> -> memref<1x50x100xi32, #tpu.memory_space<hbm>>
      %dma_start3A_43 = tpu.memref_squeeze %dma_start3A_42 : memref<1x50x100xi32, #tpu.memory_space<hbm>> -> memref<50x100xi32, #tpu.memory_space<hbm>>
      tpu.enqueue_dma source(%dma_start3A_43 : memref<50x100xi32, #tpu.memory_space<hbm>>) target(%arg5 : memref<50x100xi32, #tpu.memory_space<vmem>>) target_semaphore(%run_scoped3A : memref<!tpu.dma_semaphore, #tpu.memory_space<semaphore_mem>>)
      %dma_wait3A_44 = arith.constant 0 : i32
      %dma_wait3A_45 = arith.constant 0 : i32
      %dma_wait3A_46 = tpu.memref_slice %arg3[%add3A, %dma_wait3A_44, %dma_wait3A_45] : memref<32x50x100xi32, #tpu.memory_space<hbm>> -> memref<1x50x100xi32, #tpu.memory_space<hbm>>
      %dma_wait3A_47 = tpu.memref_squeeze %dma_wait3A_46 : memref<1x50x100xi32, #tpu.memory_space<hbm>> -> memref<50x100xi32, #tpu.memory_space<hbm>>
      %dma_wait3A_48 = arith.constant 0 : i32
      %dma_wait3A_49 = arith.constant 0 : i32
      %dma_wait3A_50 = tpu.memref_slice %arg3[%add3A, %dma_wait3A_48, %dma_wait3A_49] : memref<32x50x100xi32, #tpu.memory_space<hbm>> -> memref<1x50x100xi32, #tpu.memory_space<hbm>>
      %dma_wait3A_51 = tpu.memref_squeeze %dma_wait3A_50 : memref<1x50x100xi32, #tpu.memory_space<hbm>> -> memref<50x100xi32, #tpu.memory_space<hbm>>
      tpu.wait_dma2 semaphore(%run_scoped3A : memref<!tpu.dma_semaphore, #tpu.memory_space<semaphore_mem>>) src(%dma_wait3A_51 : memref<50x100xi32, #tpu.memory_space<hbm>>) dst(%arg5 : memref<50x100xi32, #tpu.memory_space<vmem>>)
      tpu.yield
    }) : () -> ()
    %scan3A = arith.constant 0 : i32
    %scan3A_3 = arith.constant 0 : i32
    %scan3A_4 = arith.constant 25 : i32
    %scan3A_5 = arith.addi %scan3A_3, %scan3A_4 : i32
    %scan3A_6 = arith.constant 1 : i32
    scf.for %scan3A_37 = %scan3A_3 to %scan3A_5 step %scan3A_6  : i32 {
      %rem3A = arith.constant 2 : i32
      %rem3A_38 = arith.remsi %scan3A_37, %rem3A : i32
      %ge3A = arith.constant 2 : i32
      %ge3A_39 = arith.cmpi sge, %scan3A_37, %ge3A : i32
      %convert_element_type3A = arith.extui %ge3A_39 : i1 to i32
      %cond3A = arith.constant 0 : i32
      %cond3A_40 = arith.cmpi ne, %convert_element_type3A, %cond3A : i32
      scf.if %cond3A_40 {
        %dma_wait3A_103 = arith.constant 0 : i32
        %dma_wait3A_104 = arith.constant 0 : i32
        %dma_wait3A_105 = tpu.memref_slice %arg6[%rem3A_38, %dma_wait3A_103, %dma_wait3A_104] : memref<2x200x128xf32, #tpu.memory_space<vmem>> -> memref<1x200x128xf32, #tpu.memory_space<vmem>>
        %dma_wait3A_106 = tpu.memref_squeeze %dma_wait3A_105 : memref<1x200x128xf32, #tpu.memory_space<vmem>> -> memref<200x128xf32, #tpu.memory_space<vmem>>
        %dma_wait3A_107 = arith.constant 0 : i32
        %dma_wait3A_108 = arith.constant 0 : i32
        %dma_wait3A_109 = tpu.memref_slice %arg4[%dma_wait3A_107, %dma_wait3A_108] : memref<160000x128xf32, #tpu.memory_space<hbm>> -> memref<200x128xf32, #tpu.memory_space<hbm>>
        %dma_wait3A_110 = arith.constant 0 : i32
        %dma_wait3A_111 = arith.constant 0 : i32
        %dma_wait3A_112 = tpu.memref_slice %arg4[%dma_wait3A_110, %dma_wait3A_111] : memref<160000x128xf32, #tpu.memory_space<hbm>> -> memref<200x128xf32, #tpu.memory_space<hbm>>
        %dma_wait3A_113 = arith.constant 0 : i32
        %dma_wait3A_114 = arith.constant 0 : i32
        %dma_wait3A_115 = tpu.memref_slice %arg6[%rem3A_38, %dma_wait3A_113, %dma_wait3A_114] : memref<2x200x128xf32, #tpu.memory_space<vmem>> -> memref<1x200x128xf32, #tpu.memory_space<vmem>>
        %dma_wait3A_116 = tpu.memref_squeeze %dma_wait3A_115 : memref<1x200x128xf32, #tpu.memory_space<vmem>> -> memref<200x128xf32, #tpu.memory_space<vmem>>
        tpu.wait_dma2 semaphore(%arg8 : memref<!tpu.dma_semaphore, #tpu.memory_space<semaphore_mem>>) src(%dma_wait3A_116 : memref<200x128xf32, #tpu.memory_space<vmem>>) dst(%dma_wait3A_112 : memref<200x128xf32, #tpu.memory_space<hbm>>)
      } else {
      }
      %mul3A_41 = arith.constant 2 : i32
      %mul3A_42 = arith.muli %scan3A_37, %mul3A_41 : i32
      %add3A_43 = arith.constant 0 : i32
      %add3A_44 = arith.addi %mul3A_42, %add3A_43 : i32
      %dma_start3A = arith.constant 0 : i32
      %dma_start3A_45 = arith.constant 0 : i32
      %dma_start3A_46 = tpu.memref_slice %arg6[%rem3A_38, %dma_start3A, %dma_start3A_45] : memref<2x200x128xf32, #tpu.memory_space<vmem>> -> memref<1x100x128xf32, #tpu.memory_space<vmem>>
      %dma_start3A_47 = tpu.memref_squeeze %dma_start3A_46 : memref<1x100x128xf32, #tpu.memory_space<vmem>> -> memref<100x128xf32, #tpu.memory_space<vmem>>
      %dma_start3A_48 = arith.constant 0 : i32
      %dma_start3A_49 = tpu.memref_slice %arg5[%add3A_44, %dma_start3A_48] : memref<50x100xi32, #tpu.memory_space<vmem>> -> memref<1x100xi32, #tpu.memory_space<vmem>>
      %dma_start3A_50 = tpu.memref_squeeze %dma_start3A_49 : memref<1x100xi32, #tpu.memory_space<vmem>> -> memref<100xi32, #tpu.memory_space<vmem>>
      %dma_start3A_51 = arith.constant 0 : i32
      %dma_start3A_52 = arith.constant 0 : i32
      %dma_start3A_53 = tpu.memref_slice %arg2[%dma_start3A_51, %dma_start3A_52] : memref<10000x128xf32, #tpu.memory_space<hbm>> -> memref<10000x128xf32, #tpu.memory_space<hbm>>
      tpu.enqueue_indirect_dma source(%dma_start3A_53 : memref<10000x128xf32, #tpu.memory_space<hbm>>) target(%dma_start3A_47 : memref<100x128xf32, #tpu.memory_space<vmem>>) offsets(%dma_start3A_50 : memref<100xi32, #tpu.memory_space<vmem>>) semaphore(%arg7 : memref<!tpu.dma_semaphore, #tpu.memory_space<semaphore_mem>>)
      %mul3A_54 = arith.constant 2 : i32
      %mul3A_55 = arith.muli %scan3A_37, %mul3A_54 : i32
      %add3A_56 = arith.constant 1 : i32
      %add3A_57 = arith.addi %mul3A_55, %add3A_56 : i32
      %dma_start3A_58 = arith.constant 100 : i32
      %dma_start3A_59 = arith.constant 0 : i32
      %dma_start3A_60 = tpu.memref_slice %arg6[%rem3A_38, %dma_start3A_58, %dma_start3A_59] : memref<2x200x128xf32, #tpu.memory_space<vmem>> -> memref<1x100x128xf32, #tpu.memory_space<vmem>>
      %dma_start3A_61 = tpu.memref_squeeze %dma_start3A_60 : memref<1x100x128xf32, #tpu.memory_space<vmem>> -> memref<100x128xf32, #tpu.memory_space<vmem>>
      %dma_start3A_62 = arith.constant 0 : i32
      %dma_start3A_63 = tpu.memref_slice %arg5[%add3A_57, %dma_start3A_62] : memref<50x100xi32, #tpu.memory_space<vmem>> -> memref<1x100xi32, #tpu.memory_space<vmem>>
      %dma_start3A_64 = tpu.memref_squeeze %dma_start3A_63 : memref<1x100xi32, #tpu.memory_space<vmem>> -> memref<100xi32, #tpu.memory_space<vmem>>
      %dma_start3A_65 = arith.constant 0 : i32
      %dma_start3A_66 = arith.constant 0 : i32
      %dma_start3A_67 = tpu.memref_slice %arg2[%dma_start3A_65, %dma_start3A_66] : memref<10000x128xf32, #tpu.memory_space<hbm>> -> memref<10000x128xf32, #tpu.memory_space<hbm>>
      tpu.enqueue_indirect_dma source(%dma_start3A_67 : memref<10000x128xf32, #tpu.memory_space<hbm>>) target(%dma_start3A_61 : memref<100x128xf32, #tpu.memory_space<vmem>>) offsets(%dma_start3A_64 : memref<100xi32, #tpu.memory_space<vmem>>) semaphore(%arg7 : memref<!tpu.dma_semaphore, #tpu.memory_space<semaphore_mem>>)
      %dma_wait3A_68 = arith.constant 0 : i32
      %dma_wait3A_69 = arith.constant 0 : i32
      %dma_wait3A_70 = tpu.memref_slice %arg6[%rem3A_38, %dma_wait3A_68, %dma_wait3A_69] : memref<2x200x128xf32, #tpu.memory_space<vmem>> -> memref<1x100x128xf32, #tpu.memory_space<vmem>>
      %dma_wait3A_71 = tpu.memref_squeeze %dma_wait3A_70 : memref<1x100x128xf32, #tpu.memory_space<vmem>> -> memref<100x128xf32, #tpu.memory_space<vmem>>
      %dma_wait3A_72 = arith.constant 0 : i32
      %dma_wait3A_73 = tpu.memref_slice %arg5[%add3A_44, %dma_wait3A_72] : memref<50x100xi32, #tpu.memory_space<vmem>> -> memref<1x100xi32, #tpu.memory_space<vmem>>
      %dma_wait3A_74 = tpu.memref_squeeze %dma_wait3A_73 : memref<1x100xi32, #tpu.memory_space<vmem>> -> memref<100xi32, #tpu.memory_space<vmem>>
      %dma_wait3A_75 = arith.constant 0 : i32
      %dma_wait3A_76 = arith.constant 0 : i32
      %dma_wait3A_77 = tpu.memref_slice %arg2[%dma_wait3A_75, %dma_wait3A_76] : memref<10000x128xf32, #tpu.memory_space<hbm>> -> memref<10000x128xf32, #tpu.memory_space<hbm>>
      tpu.wait_indirect_dma semaphore(%arg7 : memref<!tpu.dma_semaphore, #tpu.memory_space<semaphore_mem>>) src(%dma_wait3A_77 : memref<10000x128xf32, #tpu.memory_space<hbm>>) dst(%dma_wait3A_71 : memref<100x128xf32, #tpu.memory_space<vmem>>)
      %dma_wait3A_78 = arith.constant 100 : i32
      %dma_wait3A_79 = arith.constant 0 : i32
      %dma_wait3A_80 = tpu.memref_slice %arg6[%rem3A_38, %dma_wait3A_78, %dma_wait3A_79] : memref<2x200x128xf32, #tpu.memory_space<vmem>> -> memref<1x100x128xf32, #tpu.memory_space<vmem>>
      %dma_wait3A_81 = tpu.memref_squeeze %dma_wait3A_80 : memref<1x100x128xf32, #tpu.memory_space<vmem>> -> memref<100x128xf32, #tpu.memory_space<vmem>>
      %dma_wait3A_82 = arith.constant 0 : i32
      %dma_wait3A_83 = tpu.memref_slice %arg5[%add3A_57, %dma_wait3A_82] : memref<50x100xi32, #tpu.memory_space<vmem>> -> memref<1x100xi32, #tpu.memory_space<vmem>>
      %dma_wait3A_84 = tpu.memref_squeeze %dma_wait3A_83 : memref<1x100xi32, #tpu.memory_space<vmem>> -> memref<100xi32, #tpu.memory_space<vmem>>
      %dma_wait3A_85 = arith.constant 0 : i32
      %dma_wait3A_86 = arith.constant 0 : i32
      %dma_wait3A_87 = tpu.memref_slice %arg2[%dma_wait3A_85, %dma_wait3A_86] : memref<10000x128xf32, #tpu.memory_space<hbm>> -> memref<10000x128xf32, #tpu.memory_space<hbm>>
      tpu.wait_indirect_dma semaphore(%arg7 : memref<!tpu.dma_semaphore, #tpu.memory_space<semaphore_mem>>) src(%dma_wait3A_87 : memref<10000x128xf32, #tpu.memory_space<hbm>>) dst(%dma_wait3A_81 : memref<100x128xf32, #tpu.memory_space<vmem>>)
      %mul3A_88 = arith.constant 200 : i32
      %mul3A_89 = arith.muli %scan3A_37, %mul3A_88 : i32
      %add3A_90 = arith.addi %mul3A_2, %mul3A_89 : i32
      %dma_start3A_91 = arith.constant 0 : i32
      %dma_start3A_92 = arith.constant 0 : i32
      %dma_start3A_93 = tpu.memref_slice %arg6[%rem3A_38, %dma_start3A_91, %dma_start3A_92] : memref<2x200x128xf32, #tpu.memory_space<vmem>> -> memref<1x200x128xf32, #tpu.memory_space<vmem>>
      %dma_start3A_94 = tpu.memref_squeeze %dma_start3A_93 : memref<1x200x128xf32, #tpu.memory_space<vmem>> -> memref<200x128xf32, #tpu.memory_space<vmem>>
      %dma_start3A_95 = arith.constant 0 : i32
      %dma_start3A_96 = tpu.memref_slice %arg4[%add3A_90, %dma_start3A_95] : memref<160000x128xf32, #tpu.memory_space<hbm>> -> memref<200x128xf32, #tpu.memory_space<hbm>>
      %dma_start3A_97 = arith.constant 0 : i32
      %dma_start3A_98 = tpu.memref_slice %arg4[%add3A_90, %dma_start3A_97] : memref<160000x128xf32, #tpu.memory_space<hbm>> -> memref<200x128xf32, #tpu.memory_space<hbm>>
      %dma_start3A_99 = arith.constant 0 : i32
      %dma_start3A_100 = arith.constant 0 : i32
      %dma_start3A_101 = tpu.memref_slice %arg6[%rem3A_38, %dma_start3A_99, %dma_start3A_100] : memref<2x200x128xf32, #tpu.memory_space<vmem>> -> memref<1x200x128xf32, #tpu.memory_space<vmem>>
      %dma_start3A_102 = tpu.memref_squeeze %dma_start3A_101 : memref<1x200x128xf32, #tpu.memory_space<vmem>> -> memref<200x128xf32, #tpu.memory_space<vmem>>
      tpu.enqueue_dma source(%dma_start3A_102 : memref<200x128xf32, #tpu.memory_space<vmem>>) target(%dma_start3A_98 : memref<200x128xf32, #tpu.memory_space<hbm>>) target_semaphore(%arg8 : memref<!tpu.dma_semaphore, #tpu.memory_space<semaphore_mem>>)
    }
    %scan3A_7 = arith.constant 25 : i32
    %dma_wait3A = arith.constant 0 : i32
    %dma_wait3A_8 = arith.constant 0 : i32
    %dma_wait3A_9 = arith.constant 0 : i32
    %dma_wait3A_10 = tpu.memref_slice %arg6[%dma_wait3A, %dma_wait3A_8, %dma_wait3A_9] : memref<2x200x128xf32, #tpu.memory_space<vmem>> -> memref<1x200x128xf32, #tpu.memory_space<vmem>>
    %dma_wait3A_11 = tpu.memref_squeeze %dma_wait3A_10 : memref<1x200x128xf32, #tpu.memory_space<vmem>> -> memref<200x128xf32, #tpu.memory_space<vmem>>
    %dma_wait3A_12 = arith.constant 0 : i32
    %dma_wait3A_13 = arith.constant 0 : i32
    %dma_wait3A_14 = tpu.memref_slice %arg4[%dma_wait3A_12, %dma_wait3A_13] : memref<160000x128xf32, #tpu.memory_space<hbm>> -> memref<200x128xf32, #tpu.memory_space<hbm>>
    %dma_wait3A_15 = arith.constant 0 : i32
    %dma_wait3A_16 = arith.constant 0 : i32
    %dma_wait3A_17 = tpu.memref_slice %arg4[%dma_wait3A_15, %dma_wait3A_16] : memref<160000x128xf32, #tpu.memory_space<hbm>> -> memref<200x128xf32, #tpu.memory_space<hbm>>
    %dma_wait3A_18 = arith.constant 0 : i32
    %dma_wait3A_19 = arith.constant 0 : i32
    %dma_wait3A_20 = tpu.memref_slice %arg6[%dma_wait3A, %dma_wait3A_18, %dma_wait3A_19] : memref<2x200x128xf32, #tpu.memory_space<vmem>> -> memref<1x200x128xf32, #tpu.memory_space<vmem>>
    %dma_wait3A_21 = tpu.memref_squeeze %dma_wait3A_20 : memref<1x200x128xf32, #tpu.memory_space<vmem>> -> memref<200x128xf32, #tpu.memory_space<vmem>>
    tpu.wait_dma2 semaphore(%arg8 : memref<!tpu.dma_semaphore, #tpu.memory_space<semaphore_mem>>) src(%dma_wait3A_21 : memref<200x128xf32, #tpu.memory_space<vmem>>) dst(%dma_wait3A_17 : memref<200x128xf32, #tpu.memory_space<hbm>>)
    %dma_wait3A_22 = arith.constant 0 : i32
    %dma_wait3A_23 = arith.constant 0 : i32
    %dma_wait3A_24 = arith.constant 0 : i32
    %dma_wait3A_25 = tpu.memref_slice %arg6[%dma_wait3A_22, %dma_wait3A_23, %dma_wait3A_24] : memref<2x200x128xf32, #tpu.memory_space<vmem>> -> memref<1x200x128xf32, #tpu.memory_space<vmem>>
    %dma_wait3A_26 = tpu.memref_squeeze %dma_wait3A_25 : memref<1x200x128xf32, #tpu.memory_space<vmem>> -> memref<200x128xf32, #tpu.memory_space<vmem>>
    %dma_wait3A_27 = arith.constant 0 : i32
    %dma_wait3A_28 = arith.constant 0 : i32
    %dma_wait3A_29 = tpu.memref_slice %arg4[%dma_wait3A_27, %dma_wait3A_28] : memref<160000x128xf32, #tpu.memory_space<hbm>> -> memref<200x128xf32, #tpu.memory_space<hbm>>
    %dma_wait3A_30 = arith.constant 0 : i32
    %dma_wait3A_31 = arith.constant 0 : i32
    %dma_wait3A_32 = tpu.memref_slice %arg4[%dma_wait3A_30, %dma_wait3A_31] : memref<160000x128xf32, #tpu.memory_space<hbm>> -> memref<200x128xf32, #tpu.memory_space<hbm>>
    %dma_wait3A_33 = arith.constant 0 : i32
    %dma_wait3A_34 = arith.constant 0 : i32
    %dma_wait3A_35 = tpu.memref_slice %arg6[%dma_wait3A_22, %dma_wait3A_33, %dma_wait3A_34] : memref<2x200x128xf32, #tpu.memory_space<vmem>> -> memref<1x200x128xf32, #tpu.memory_space<vmem>>
    %dma_wait3A_36 = tpu.memref_squeeze %dma_wait3A_35 : memref<1x200x128xf32, #tpu.memory_space<vmem>> -> memref<200x128xf32, #tpu.memory_space<vmem>>
    tpu.wait_dma2 semaphore(%arg8 : memref<!tpu.dma_semaphore, #tpu.memory_space<semaphore_mem>>) src(%dma_wait3A_36 : memref<200x128xf32, #tpu.memory_space<vmem>>) dst(%dma_wait3A_32 : memref<200x128xf32, #tpu.memory_space<hbm>>)
    return
  }
}

#map = affine_map<(d0, d1) -> (0, 0)>
#map1 = affine_map<(d0, d1) -> (0, 0, 0)>
module attributes {stable_mosaic.version = 14 : i64} {
  func.func @_sc_gather_body(%arg0: i32, %arg1: i32, %arg2: memref<10000x128xf32, #tpu.memory_space<hbm>>, %arg3: memref<32x50x100xi32, #tpu.memory_space<hbm>>, %arg4: memref<160000x128xf32, #tpu.memory_space<hbm>>, %arg5: memref<50x100xi32, #tpu.memory_space<vmem>>, %arg6: memref<2x200x128xf32, #tpu.memory_space<vmem>>, %arg7: memref<!tpu.dma_semaphore, #tpu.memory_space<semaphore_mem>>, %arg8: memref<!tpu.dma_semaphore, #tpu.memory_space<semaphore_mem>>) attributes {dimension_semantics = [#tpu.dimension_semantics<core_parallel>, #tpu.dimension_semantics<subcore_parallel>], iteration_bounds = array<i64: 2, 16>, scalar_prefetch = 0 : i64, scratch_operands = 4 : i64, tpu.core_type = #tpu.core_type<sc_vector_subcore>, window_params = [{transform_indices = #map}, {transform_indices = #map1}, {transform_indices = #map}]} {
    %mul3A = arith.constant 2 : i32
    %mul3A_0 = arith.muli %arg1, %mul3A : i32
    %add3A = arith.addi %mul3A_0, %arg0 : i32
    %mul3A_1 = arith.constant 5000 : i32
    %mul3A_2 = arith.muli %add3A, %mul3A_1 : i32
    "tpu.region"() ({
      %run_scoped3A = tpu.sem_alloc : memref<!tpu.dma_semaphore, #tpu.memory_space<semaphore_mem>>
      %dma_start3A = arith.constant 0 : i32
      %dma_start3A_37 = arith.constant 0 : i32
      %dma_start3A_38 = tpu.memref_slice %arg3[%add3A, %dma_start3A, %dma_start3A_37] : memref<32x50x100xi32, #tpu.memory_space<hbm>> -> memref<1x50x100xi32, #tpu.memory_space<hbm>>
      %dma_start3A_39 = tpu.memref_squeeze %dma_start3A_38 : memref<1x50x100xi32, #tpu.memory_space<hbm>> -> memref<50x100xi32, #tpu.memory_space<hbm>>
      %dma_start3A_40 = arith.constant 0 : i32
      %dma_start3A_41 = arith.constant 0 : i32
      %dma_start3A_42 = tpu.memref_slice %arg3[%add3A, %dma_start3A_40, %dma_start3A_41] : memref<32x50x100xi32, #tpu.memory_space<hbm>> -> memref<1x50x100xi32, #tpu.memory_space<hbm>>
      %dma_start3A_43 = tpu.memref_squeeze %dma_start3A_42 : memref<1x50x100xi32, #tpu.memory_space<hbm>> -> memref<50x100xi32, #tpu.memory_space<hbm>>
      tpu.enqueue_dma source(%dma_start3A_43 : memref<50x100xi32, #tpu.memory_space<hbm>>) target(%arg5 : memref<50x100xi32, #tpu.memory_space<vmem>>) target_semaphore(%run_scoped3A : memref<!tpu.dma_semaphore, #tpu.memory_space<semaphore_mem>>)
      %dma_wait3A_44 = arith.constant 0 : i32
      %dma_wait3A_45 = arith.constant 0 : i32
      %dma_wait3A_46 = tpu.memref_slice %arg3[%add3A, %dma_wait3A_44, %dma_wait3A_45] : memref<32x50x100xi32, #tpu.memory_space<hbm>> -> memref<1x50x100xi32, #tpu.memory_space<hbm>>
      %dma_wait3A_47 = tpu.memref_squeeze %dma_wait3A_46 : memref<1x50x100xi32, #tpu.memory_space<hbm>> -> memref<50x100xi32, #tpu.memory_space<hbm>>
      %dma_wait3A_48 = arith.constant 0 : i32
      %dma_wait3A_49 = arith.constant 0 : i32
      %dma_wait3A_50 = tpu.memref_slice %arg3[%add3A, %dma_wait3A_48, %dma_wait3A_49] : memref<32x50x100xi32, #tpu.memory_space<hbm>> -> memref<1x50x100xi32, #tpu.memory_space<hbm>>
      %dma_wait3A_51 = tpu.memref_squeeze %dma_wait3A_50 : memref<1x50x100xi32, #tpu.memory_space<hbm>> -> memref<50x100xi32, #tpu.memory_space<hbm>>
      tpu.wait_dma2 semaphore(%run_scoped3A : memref<!tpu.dma_semaphore, #tpu.memory_space<semaphore_mem>>) src(%dma_wait3A_51 : memref<50x100xi32, #tpu.memory_space<hbm>>) dst(%arg5 : memref<50x100xi32, #tpu.memory_space<vmem>>)
      tpu.yield
    }) : () -> ()
    %scan3A = arith.constant 0 : i32
    %scan3A_3 = arith.constant 0 : i32
    %scan3A_4 = arith.constant 25 : i32
    %scan3A_5 = arith.addi %scan3A_3, %scan3A_4 : i32
    %scan3A_6 = arith.constant 1 : i32
    scf.for %scan3A_37 = %scan3A_3 to %scan3A_5 step %scan3A_6  : i32 {
      %rem3A = arith.constant 2 : i32
      %rem3A_38 = arith.remsi %scan3A_37, %rem3A : i32
      %ge3A = arith.constant 2 : i32
      %ge3A_39 = arith.cmpi sge, %scan3A_37, %ge3A : i32
      %convert_element_type3A = arith.extui %ge3A_39 : i1 to i32
      %cond3A = arith.constant 0 : i32
      %cond3A_40 = arith.cmpi ne, %convert_element_type3A, %cond3A : i32
      scf.if %cond3A_40 {
        %dma_wait3A_103 = arith.constant 0 : i32
        %dma_wait3A_104 = arith.constant 0 : i32
        %dma_wait3A_105 = tpu.memref_slice %arg6[%rem3A_38, %dma_wait3A_103, %dma_wait3A_104] : memref<2x200x128xf32, #tpu.memory_space<vmem>> -> memref<1x200x128xf32, #tpu.memory_space<vmem>>
        %dma_wait3A_106 = tpu.memref_squeeze %dma_wait3A_105 : memref<1x200x128xf32, #tpu.memory_space<vmem>> -> memref<200x128xf32, #tpu.memory_space<vmem>>
        %dma_wait3A_107 = arith.constant 0 : i32
        %dma_wait3A_108 = arith.constant 0 : i32
        %dma_wait3A_109 = tpu.memref_slice %arg4[%dma_wait3A_107, %dma_wait3A_108] : memref<160000x128xf32, #tpu.memory_space<hbm>> -> memref<200x128xf32, #tpu.memory_space<hbm>>
        %dma_wait3A_110 = arith.constant 0 : i32
        %dma_wait3A_111 = arith.constant 0 : i32
        %dma_wait3A_112 = tpu.memref_slice %arg4[%dma_wait3A_110, %dma_wait3A_111] : memref<160000x128xf32, #tpu.memory_space<hbm>> -> memref<200x128xf32, #tpu.memory_space<hbm>>
        %dma_wait3A_113 = arith.constant 0 : i32
        %dma_wait3A_114 = arith.constant 0 : i32
        %dma_wait3A_115 = tpu.memref_slice %arg6[%rem3A_38, %dma_wait3A_113, %dma_wait3A_114] : memref<2x200x128xf32, #tpu.memory_space<vmem>> -> memref<1x200x128xf32, #tpu.memory_space<vmem>>
        %dma_wait3A_116 = tpu.memref_squeeze %dma_wait3A_115 : memref<1x200x128xf32, #tpu.memory_space<vmem>> -> memref<200x128xf32, #tpu.memory_space<vmem>>
        tpu.wait_dma2 semaphore(%arg8 : memref<!tpu.dma_semaphore, #tpu.memory_space<semaphore_mem>>) src(%dma_wait3A_116 : memref<200x128xf32, #tpu.memory_space<vmem>>) dst(%dma_wait3A_112 : memref<200x128xf32, #tpu.memory_space<hbm>>)
      } else {
      }
      %mul3A_41 = arith.constant 2 : i32
      %mul3A_42 = arith.muli %scan3A_37, %mul3A_41 : i32
      %add3A_43 = arith.constant 0 : i32
      %add3A_44 = arith.addi %mul3A_42, %add3A_43 : i32
      %dma_start3A = arith.constant 0 : i32
      %dma_start3A_45 = arith.constant 0 : i32
      %dma_start3A_46 = tpu.memref_slice %arg6[%rem3A_38, %dma_start3A, %dma_start3A_45] : memref<2x200x128xf32, #tpu.memory_space<vmem>> -> memref<1x100x128xf32, #tpu.memory_space<vmem>>
      %dma_start3A_47 = tpu.memref_squeeze %dma_start3A_46 : memref<1x100x128xf32, #tpu.memory_space<vmem>> -> memref<100x128xf32, #tpu.memory_space<vmem>>
      %dma_start3A_48 = arith.constant 0 : i32
      %dma_start3A_49 = tpu.memref_slice %arg5[%add3A_44, %dma_start3A_48] : memref<50x100xi32, #tpu.memory_space<vmem>> -> memref<1x100xi32, #tpu.memory_space<vmem>>
      %dma_start3A_50 = tpu.memref_squeeze %dma_start3A_49 : memref<1x100xi32, #tpu.memory_space<vmem>> -> memref<100xi32, #tpu.memory_space<vmem>>
      %dma_start3A_51 = arith.constant 0 : i32
      %dma_start3A_52 = arith.constant 0 : i32
      %dma_start3A_53 = tpu.memref_slice %arg2[%dma_start3A_51, %dma_start3A_52] : memref<10000x128xf32, #tpu.memory_space<hbm>> -> memref<10000x128xf32, #tpu.memory_space<hbm>>
      tpu.enqueue_indirect_dma source(%dma_start3A_53 : memref<10000x128xf32, #tpu.memory_space<hbm>>) target(%dma_start3A_47 : memref<100x128xf32, #tpu.memory_space<vmem>>) offsets(%dma_start3A_50 : memref<100xi32, #tpu.memory_space<vmem>>) semaphore(%arg7 : memref<!tpu.dma_semaphore, #tpu.memory_space<semaphore_mem>>)
      %mul3A_54 = arith.constant 2 : i32
      %mul3A_55 = arith.muli %scan3A_37, %mul3A_54 : i32
      %add3A_56 = arith.constant 1 : i32
      %add3A_57 = arith.addi %mul3A_55, %add3A_56 : i32
      %dma_start3A_58 = arith.constant 100 : i32
      %dma_start3A_59 = arith.constant 0 : i32
      %dma_start3A_60 = tpu.memref_slice %arg6[%rem3A_38, %dma_start3A_58, %dma_start3A_59] : memref<2x200x128xf32, #tpu.memory_space<vmem>> -> memref<1x100x128xf32, #tpu.memory_space<vmem>>
      %dma_start3A_61 = tpu.memref_squeeze %dma_start3A_60 : memref<1x100x128xf32, #tpu.memory_space<vmem>> -> memref<100x128xf32, #tpu.memory_space<vmem>>
      %dma_start3A_62 = arith.constant 0 : i32
      %dma_start3A_63 = tpu.memref_slice %arg5[%add3A_57, %dma_start3A_62] : memref<50x100xi32, #tpu.memory_space<vmem>> -> memref<1x100xi32, #tpu.memory_space<vmem>>
      %dma_start3A_64 = tpu.memref_squeeze %dma_start3A_63 : memref<1x100xi32, #tpu.memory_space<vmem>> -> memref<100xi32, #tpu.memory_space<vmem>>
      %dma_start3A_65 = arith.constant 0 : i32
      %dma_start3A_66 = arith.constant 0 : i32
      %dma_start3A_67 = tpu.memref_slice %arg2[%dma_start3A_65, %dma_start3A_66] : memref<10000x128xf32, #tpu.memory_space<hbm>> -> memref<10000x128xf32, #tpu.memory_space<hbm>>
      tpu.enqueue_indirect_dma source(%dma_start3A_67 : memref<10000x128xf32, #tpu.memory_space<hbm>>) target(%dma_start3A_61 : memref<100x128xf32, #tpu.memory_space<vmem>>) offsets(%dma_start3A_64 : memref<100xi32, #tpu.memory_space<vmem>>) semaphore(%arg7 : memref<!tpu.dma_semaphore, #tpu.memory_space<semaphore_mem>>)
      %dma_wait3A_68 = arith.constant 0 : i32
      %dma_wait3A_69 = arith.constant 0 : i32
      %dma_wait3A_70 = tpu.memref_slice %arg6[%rem3A_38, %dma_wait3A_68, %dma_wait3A_69] : memref<2x200x128xf32, #tpu.memory_space<vmem>> -> memref<1x100x128xf32, #tpu.memory_space<vmem>>
      %dma_wait3A_71 = tpu.memref_squeeze %dma_wait3A_70 : memref<1x100x128xf32, #tpu.memory_space<vmem>> -> memref<100x128xf32, #tpu.memory_space<vmem>>
      %dma_wait3A_72 = arith.constant 0 : i32
      %dma_wait3A_73 = tpu.memref_slice %arg5[%add3A_44, %dma_wait3A_72] : memref<50x100xi32, #tpu.memory_space<vmem>> -> memref<1x100xi32, #tpu.memory_space<vmem>>
      %dma_wait3A_74 = tpu.memref_squeeze %dma_wait3A_73 : memref<1x100xi32, #tpu.memory_space<vmem>> -> memref<100xi32, #tpu.memory_space<vmem>>
      %dma_wait3A_75 = arith.constant 0 : i32
      %dma_wait3A_76 = arith.constant 0 : i32
      %dma_wait3A_77 = tpu.memref_slice %arg2[%dma_wait3A_75, %dma_wait3A_76] : memref<10000x128xf32, #tpu.memory_space<hbm>> -> memref<10000x128xf32, #tpu.memory_space<hbm>>
      tpu.wait_indirect_dma semaphore(%arg7 : memref<!tpu.dma_semaphore, #tpu.memory_space<semaphore_mem>>) src(%dma_wait3A_77 : memref<10000x128xf32, #tpu.memory_space<hbm>>) dst(%dma_wait3A_71 : memref<100x128xf32, #tpu.memory_space<vmem>>)
      %dma_wait3A_78 = arith.constant 100 : i32
      %dma_wait3A_79 = arith.constant 0 : i32
      %dma_wait3A_80 = tpu.memref_slice %arg6[%rem3A_38, %dma_wait3A_78, %dma_wait3A_79] : memref<2x200x128xf32, #tpu.memory_space<vmem>> -> memref<1x100x128xf32, #tpu.memory_space<vmem>>
      %dma_wait3A_81 = tpu.memref_squeeze %dma_wait3A_80 : memref<1x100x128xf32, #tpu.memory_space<vmem>> -> memref<100x128xf32, #tpu.memory_space<vmem>>
      %dma_wait3A_82 = arith.constant 0 : i32
      %dma_wait3A_83 = tpu.memref_slice %arg5[%add3A_57, %dma_wait3A_82] : memref<50x100xi32, #tpu.memory_space<vmem>> -> memref<1x100xi32, #tpu.memory_space<vmem>>
      %dma_wait3A_84 = tpu.memref_squeeze %dma_wait3A_83 : memref<1x100xi32, #tpu.memory_space<vmem>> -> memref<100xi32, #tpu.memory_space<vmem>>
      %dma_wait3A_85 = arith.constant 0 : i32
      %dma_wait3A_86 = arith.constant 0 : i32
      %dma_wait3A_87 = tpu.memref_slice %arg2[%dma_wait3A_85, %dma_wait3A_86] : memref<10000x128xf32, #tpu.memory_space<hbm>> -> memref<10000x128xf32, #tpu.memory_space<hbm>>
      tpu.wait_indirect_dma semaphore(%arg7 : memref<!tpu.dma_semaphore, #tpu.memory_space<semaphore_mem>>) src(%dma_wait3A_87 : memref<10000x128xf32, #tpu.memory_space<hbm>>) dst(%dma_wait3A_81 : memref<100x128xf32, #tpu.memory_space<vmem>>)
      %mul3A_88 = arith.constant 200 : i32
      %mul3A_89 = arith.muli %scan3A_37, %mul3A_88 : i32
      %add3A_90 = arith.addi %mul3A_2, %mul3A_89 : i32
      %dma_start3A_91 = arith.constant 0 : i32
      %dma_start3A_92 = arith.constant 0 : i32
      %dma_start3A_93 = tpu.memref_slice %arg6[%rem3A_38, %dma_start3A_91, %dma_start3A_92] : memref<2x200x128xf32, #tpu.memory_space<vmem>> -> memref<1x200x128xf32, #tpu.memory_space<vmem>>
      %dma_start3A_94 = tpu.memref_squeeze %dma_start3A_93 : memref<1x200x128xf32, #tpu.memory_space<vmem>> -> memref<200x128xf32, #tpu.memory_space<vmem>>
      %dma_start3A_95 = arith.constant 0 : i32
      %dma_start3A_96 = tpu.memref_slice %arg4[%add3A_90, %dma_start3A_95] : memref<160000x128xf32, #tpu.memory_space<hbm>> -> memref<200x128xf32, #tpu.memory_space<hbm>>
      %dma_start3A_97 = arith.constant 0 : i32
      %dma_start3A_98 = tpu.memref_slice %arg4[%add3A_90, %dma_start3A_97] : memref<160000x128xf32, #tpu.memory_space<hbm>> -> memref<200x128xf32, #tpu.memory_space<hbm>>
      %dma_start3A_99 = arith.constant 0 : i32
      %dma_start3A_100 = arith.constant 0 : i32
      %dma_start3A_101 = tpu.memref_slice %arg6[%rem3A_38, %dma_start3A_99, %dma_start3A_100] : memref<2x200x128xf32, #tpu.memory_space<vmem>> -> memref<1x200x128xf32, #tpu.memory_space<vmem>>
      %dma_start3A_102 = tpu.memref_squeeze %dma_start3A_101 : memref<1x200x128xf32, #tpu.memory_space<vmem>> -> memref<200x128xf32, #tpu.memory_space<vmem>>
      tpu.enqueue_dma source(%dma_start3A_102 : memref<200x128xf32, #tpu.memory_space<vmem>>) target(%dma_start3A_98 : memref<200x128xf32, #tpu.memory_space<hbm>>) target_semaphore(%arg8 : memref<!tpu.dma_semaphore, #tpu.memory_space<semaphore_mem>>)
    }
    %scan3A_7 = arith.constant 25 : i32
    %dma_wait3A = arith.constant 0 : i32
    %dma_wait3A_8 = arith.constant 0 : i32
    %dma_wait3A_9 = arith.constant 0 : i32
    %dma_wait3A_10 = tpu.memref_slice %arg6[%dma_wait3A, %dma_wait3A_8, %dma_wait3A_9] : memref<2x200x128xf32, #tpu.memory_space<vmem>> -> memref<1x200x128xf32, #tpu.memory_space<vmem>>
    %dma_wait3A_11 = tpu.memref_squeeze %dma_wait3A_10 : memref<1x200x128xf32, #tpu.memory_space<vmem>> -> memref<200x128xf32, #tpu.memory_space<vmem>>
    %dma_wait3A_12 = arith.constant 0 : i32
    %dma_wait3A_13 = arith.constant 0 : i32
    %dma_wait3A_14 = tpu.memref_slice %arg4[%dma_wait3A_12, %dma_wait3A_13] : memref<160000x128xf32, #tpu.memory_space<hbm>> -> memref<200x128xf32, #tpu.memory_space<hbm>>
    %dma_wait3A_15 = arith.constant 0 : i32
    %dma_wait3A_16 = arith.constant 0 : i32
    %dma_wait3A_17 = tpu.memref_slice %arg4[%dma_wait3A_15, %dma_wait3A_16] : memref<160000x128xf32, #tpu.memory_space<hbm>> -> memref<200x128xf32, #tpu.memory_space<hbm>>
    %dma_wait3A_18 = arith.constant 0 : i32
    %dma_wait3A_19 = arith.constant 0 : i32
    %dma_wait3A_20 = tpu.memref_slice %arg6[%dma_wait3A, %dma_wait3A_18, %dma_wait3A_19] : memref<2x200x128xf32, #tpu.memory_space<vmem>> -> memref<1x200x128xf32, #tpu.memory_space<vmem>>
    %dma_wait3A_21 = tpu.memref_squeeze %dma_wait3A_20 : memref<1x200x128xf32, #tpu.memory_space<vmem>> -> memref<200x128xf32, #tpu.memory_space<vmem>>
    tpu.wait_dma2 semaphore(%arg8 : memref<!tpu.dma_semaphore, #tpu.memory_space<semaphore_mem>>) src(%dma_wait3A_21 : memref<200x128xf32, #tpu.memory_space<vmem>>) dst(%dma_wait3A_17 : memref<200x128xf32, #tpu.memory_space<hbm>>)
    %dma_wait3A_22 = arith.constant 0 : i32
    %dma_wait3A_23 = arith.constant 0 : i32
    %dma_wait3A_24 = arith.constant 0 : i32
    %dma_wait3A_25 = tpu.memref_slice %arg6[%dma_wait3A_22, %dma_wait3A_23, %dma_wait3A_24] : memref<2x200x128xf32, #tpu.memory_space<vmem>> -> memref<1x200x128xf32, #tpu.memory_space<vmem>>
    %dma_wait3A_26 = tpu.memref_squeeze %dma_wait3A_25 : memref<1x200x128xf32, #tpu.memory_space<vmem>> -> memref<200x128xf32, #tpu.memory_space<vmem>>
    %dma_wait3A_27 = arith.constant 0 : i32
    %dma_wait3A_28 = arith.constant 0 : i32
    %dma_wait3A_29 = tpu.memref_slice %arg4[%dma_wait3A_27, %dma_wait3A_28] : memref<160000x128xf32, #tpu.memory_space<hbm>> -> memref<200x128xf32, #tpu.memory_space<hbm>>
    %dma_wait3A_30 = arith.constant 0 : i32
    %dma_wait3A_31 = arith.constant 0 : i32
    %dma_wait3A_32 = tpu.memref_slice %arg4[%dma_wait3A_30, %dma_wait3A_31] : memref<160000x128xf32, #tpu.memory_space<hbm>> -> memref<200x128xf32, #tpu.memory_space<hbm>>
    %dma_wait3A_33 = arith.constant 0 : i32
    %dma_wait3A_34 = arith.constant 0 : i32
    %dma_wait3A_35 = tpu.memref_slice %arg6[%dma_wait3A_22, %dma_wait3A_33, %dma_wait3A_34] : memref<2x200x128xf32, #tpu.memory_space<vmem>> -> memref<1x200x128xf32, #tpu.memory_space<vmem>>
    %dma_wait3A_36 = tpu.memref_squeeze %dma_wait3A_35 : memref<1x200x128xf32, #tpu.memory_space<vmem>> -> memref<200x128xf32, #tpu.memory_space<vmem>>
    tpu.wait_dma2 semaphore(%arg8 : memref<!tpu.dma_semaphore, #tpu.memory_space<semaphore_mem>>) src(%dma_wait3A_36 : memref<200x128xf32, #tpu.memory_space<vmem>>) dst(%dma_wait3A_32 : memref<200x128xf32, #tpu.memory_space<hbm>>)
    return
  }
}

#map = affine_map<(d0, d1) -> (0, 0)>
#map1 = affine_map<(d0, d1) -> (0, 0, 0)>
module attributes {stable_mosaic.version = 14 : i64} {
  func.func @_sc_gather_body(%arg0: i32, %arg1: i32, %arg2: memref<10000x128xf32, #tpu.memory_space<hbm>>, %arg3: memref<32x50x100xi32, #tpu.memory_space<hbm>>, %arg4: memref<160000x128xf32, #tpu.memory_space<hbm>>, %arg5: memref<50x100xi32, #tpu.memory_space<vmem>>, %arg6: memref<2x200x128xf32, #tpu.memory_space<vmem>>, %arg7: memref<!tpu.dma_semaphore, #tpu.memory_space<semaphore_mem>>, %arg8: memref<!tpu.dma_semaphore, #tpu.memory_space<semaphore_mem>>) attributes {dimension_semantics = [#tpu.dimension_semantics<core_parallel>, #tpu.dimension_semantics<subcore_parallel>], iteration_bounds = array<i64: 2, 16>, scalar_prefetch = 0 : i64, scratch_operands = 4 : i64, tpu.core_type = #tpu.core_type<sc_vector_subcore>, window_params = [{transform_indices = #map}, {transform_indices = #map1}, {transform_indices = #map}]} {
    %mul3A = arith.constant 2 : i32
    %mul3A_0 = arith.muli %arg1, %mul3A : i32
    %add3A = arith.addi %mul3A_0, %arg0 : i32
    %mul3A_1 = arith.constant 5000 : i32
    %mul3A_2 = arith.muli %add3A, %mul3A_1 : i32
    "tpu.region"() ({
      %run_scoped3A = tpu.sem_alloc : memref<!tpu.dma_semaphore, #tpu.memory_space<semaphore_mem>>
      %dma_start3A = arith.constant 0 : i32
      %dma_start3A_37 = arith.constant 0 : i32
      %dma_start3A_38 = tpu.memref_slice %arg3[%add3A, %dma_start3A, %dma_start3A_37] : memref<32x50x100xi32, #tpu.memory_space<hbm>> -> memref<1x50x100xi32, #tpu.memory_space<hbm>>
      %dma_start3A_39 = tpu.memref_squeeze %dma_start3A_38 : memref<1x50x100xi32, #tpu.memory_space<hbm>> -> memref<50x100xi32, #tpu.memory_space<hbm>>
      %dma_start3A_40 = arith.constant 0 : i32
      %dma_start3A_41 = arith.constant 0 : i32
      %dma_start3A_42 = tpu.memref_slice %arg3[%add3A, %dma_start3A_40, %dma_start3A_41] : memref<32x50x100xi32, #tpu.memory_space<hbm>> -> memref<1x50x100xi32, #tpu.memory_space<hbm>>
      %dma_start3A_43 = tpu.memref_squeeze %dma_start3A_42 : memref<1x50x100xi32, #tpu.memory_space<hbm>> -> memref<50x100xi32, #tpu.memory_space<hbm>>
      tpu.enqueue_dma source(%dma_start3A_43 : memref<50x100xi32, #tpu.memory_space<hbm>>) target(%arg5 : memref<50x100xi32, #tpu.memory_space<vmem>>) target_semaphore(%run_scoped3A : memref<!tpu.dma_semaphore, #tpu.memory_space<semaphore_mem>>)
      %dma_wait3A_44 = arith.constant 0 : i32
      %dma_wait3A_45 = arith.constant 0 : i32
      %dma_wait3A_46 = tpu.memref_slice %arg3[%add3A, %dma_wait3A_44, %dma_wait3A_45] : memref<32x50x100xi32, #tpu.memory_space<hbm>> -> memref<1x50x100xi32, #tpu.memory_space<hbm>>
      %dma_wait3A_47 = tpu.memref_squeeze %dma_wait3A_46 : memref<1x50x100xi32, #tpu.memory_space<hbm>> -> memref<50x100xi32, #tpu.memory_space<hbm>>
      %dma_wait3A_48 = arith.constant 0 : i32
      %dma_wait3A_49 = arith.constant 0 : i32
      %dma_wait3A_50 = tpu.memref_slice %arg3[%add3A, %dma_wait3A_48, %dma_wait3A_49] : memref<32x50x100xi32, #tpu.memory_space<hbm>> -> memref<1x50x100xi32, #tpu.memory_space<hbm>>
      %dma_wait3A_51 = tpu.memref_squeeze %dma_wait3A_50 : memref<1x50x100xi32, #tpu.memory_space<hbm>> -> memref<50x100xi32, #tpu.memory_space<hbm>>
      tpu.wait_dma2 semaphore(%run_scoped3A : memref<!tpu.dma_semaphore, #tpu.memory_space<semaphore_mem>>) src(%dma_wait3A_51 : memref<50x100xi32, #tpu.memory_space<hbm>>) dst(%arg5 : memref<50x100xi32, #tpu.memory_space<vmem>>)
      tpu.yield
    }) : () -> ()
    %scan3A = arith.constant 0 : i32
    %scan3A_3 = arith.constant 0 : i32
    %scan3A_4 = arith.constant 25 : i32
    %scan3A_5 = arith.addi %scan3A_3, %scan3A_4 : i32
    %scan3A_6 = arith.constant 1 : i32
    scf.for %scan3A_37 = %scan3A_3 to %scan3A_5 step %scan3A_6  : i32 {
      %rem3A = arith.constant 2 : i32
      %rem3A_38 = arith.remsi %scan3A_37, %rem3A : i32
      %ge3A = arith.constant 2 : i32
      %ge3A_39 = arith.cmpi sge, %scan3A_37, %ge3A : i32
      %convert_element_type3A = arith.extui %ge3A_39 : i1 to i32
      %cond3A = arith.constant 0 : i32
      %cond3A_40 = arith.cmpi ne, %convert_element_type3A, %cond3A : i32
      scf.if %cond3A_40 {
        %dma_wait3A_103 = arith.constant 0 : i32
        %dma_wait3A_104 = arith.constant 0 : i32
        %dma_wait3A_105 = tpu.memref_slice %arg6[%rem3A_38, %dma_wait3A_103, %dma_wait3A_104] : memref<2x200x128xf32, #tpu.memory_space<vmem>> -> memref<1x200x128xf32, #tpu.memory_space<vmem>>
        %dma_wait3A_106 = tpu.memref_squeeze %dma_wait3A_105 : memref<1x200x128xf32, #tpu.memory_space<vmem>> -> memref<200x128xf32, #tpu.memory_space<vmem>>
        %dma_wait3A_107 = arith.constant 0 : i32
        %dma_wait3A_108 = arith.constant 0 : i32
        %dma_wait3A_109 = tpu.memref_slice %arg4[%dma_wait3A_107, %dma_wait3A_108] : memref<160000x128xf32, #tpu.memory_space<hbm>> -> memref<200x128xf32, #tpu.memory_space<hbm>>
        %dma_wait3A_110 = arith.constant 0 : i32
        %dma_wait3A_111 = arith.constant 0 : i32
        %dma_wait3A_112 = tpu.memref_slice %arg4[%dma_wait3A_110, %dma_wait3A_111] : memref<160000x128xf32, #tpu.memory_space<hbm>> -> memref<200x128xf32, #tpu.memory_space<hbm>>
        %dma_wait3A_113 = arith.constant 0 : i32
        %dma_wait3A_114 = arith.constant 0 : i32
        %dma_wait3A_115 = tpu.memref_slice %arg6[%rem3A_38, %dma_wait3A_113, %dma_wait3A_114] : memref<2x200x128xf32, #tpu.memory_space<vmem>> -> memref<1x200x128xf32, #tpu.memory_space<vmem>>
        %dma_wait3A_116 = tpu.memref_squeeze %dma_wait3A_115 : memref<1x200x128xf32, #tpu.memory_space<vmem>> -> memref<200x128xf32, #tpu.memory_space<vmem>>
        tpu.wait_dma2 semaphore(%arg8 : memref<!tpu.dma_semaphore, #tpu.memory_space<semaphore_mem>>) src(%dma_wait3A_116 : memref<200x128xf32, #tpu.memory_space<vmem>>) dst(%dma_wait3A_112 : memref<200x128xf32, #tpu.memory_space<hbm>>)
      } else {
      }
      %mul3A_41 = arith.constant 2 : i32
      %mul3A_42 = arith.muli %scan3A_37, %mul3A_41 : i32
      %add3A_43 = arith.constant 0 : i32
      %add3A_44 = arith.addi %mul3A_42, %add3A_43 : i32
      %dma_start3A = arith.constant 0 : i32
      %dma_start3A_45 = arith.constant 0 : i32
      %dma_start3A_46 = tpu.memref_slice %arg6[%rem3A_38, %dma_start3A, %dma_start3A_45] : memref<2x200x128xf32, #tpu.memory_space<vmem>> -> memref<1x100x128xf32, #tpu.memory_space<vmem>>
      %dma_start3A_47 = tpu.memref_squeeze %dma_start3A_46 : memref<1x100x128xf32, #tpu.memory_space<vmem>> -> memref<100x128xf32, #tpu.memory_space<vmem>>
      %dma_start3A_48 = arith.constant 0 : i32
      %dma_start3A_49 = tpu.memref_slice %arg5[%add3A_44, %dma_start3A_48] : memref<50x100xi32, #tpu.memory_space<vmem>> -> memref<1x100xi32, #tpu.memory_space<vmem>>
      %dma_start3A_50 = tpu.memref_squeeze %dma_start3A_49 : memref<1x100xi32, #tpu.memory_space<vmem>> -> memref<100xi32, #tpu.memory_space<vmem>>
      %dma_start3A_51 = arith.constant 0 : i32
      %dma_start3A_52 = arith.constant 0 : i32
      %dma_start3A_53 = tpu.memref_slice %arg2[%dma_start3A_51, %dma_start3A_52] : memref<10000x128xf32, #tpu.memory_space<hbm>> -> memref<10000x128xf32, #tpu.memory_space<hbm>>
      tpu.enqueue_indirect_dma source(%dma_start3A_53 : memref<10000x128xf32, #tpu.memory_space<hbm>>) target(%dma_start3A_47 : memref<100x128xf32, #tpu.memory_space<vmem>>) offsets(%dma_start3A_50 : memref<100xi32, #tpu.memory_space<vmem>>) semaphore(%arg7 : memref<!tpu.dma_semaphore, #tpu.memory_space<semaphore_mem>>)
      %mul3A_54 = arith.constant 2 : i32
      %mul3A_55 = arith.muli %scan3A_37, %mul3A_54 : i32
      %add3A_56 = arith.constant 1 : i32
      %add3A_57 = arith.addi %mul3A_55, %add3A_56 : i32
      %dma_start3A_58 = arith.constant 100 : i32
      %dma_start3A_59 = arith.constant 0 : i32
      %dma_start3A_60 = tpu.memref_slice %arg6[%rem3A_38, %dma_start3A_58, %dma_start3A_59] : memref<2x200x128xf32, #tpu.memory_space<vmem>> -> memref<1x100x128xf32, #tpu.memory_space<vmem>>
      %dma_start3A_61 = tpu.memref_squeeze %dma_start3A_60 : memref<1x100x128xf32, #tpu.memory_space<vmem>> -> memref<100x128xf32, #tpu.memory_space<vmem>>
      %dma_start3A_62 = arith.constant 0 : i32
      %dma_start3A_63 = tpu.memref_slice %arg5[%add3A_57, %dma_start3A_62] : memref<50x100xi32, #tpu.memory_space<vmem>> -> memref<1x100xi32, #tpu.memory_space<vmem>>
      %dma_start3A_64 = tpu.memref_squeeze %dma_start3A_63 : memref<1x100xi32, #tpu.memory_space<vmem>> -> memref<100xi32, #tpu.memory_space<vmem>>
      %dma_start3A_65 = arith.constant 0 : i32
      %dma_start3A_66 = arith.constant 0 : i32
      %dma_start3A_67 = tpu.memref_slice %arg2[%dma_start3A_65, %dma_start3A_66] : memref<10000x128xf32, #tpu.memory_space<hbm>> -> memref<10000x128xf32, #tpu.memory_space<hbm>>
      tpu.enqueue_indirect_dma source(%dma_start3A_67 : memref<10000x128xf32, #tpu.memory_space<hbm>>) target(%dma_start3A_61 : memref<100x128xf32, #tpu.memory_space<vmem>>) offsets(%dma_start3A_64 : memref<100xi32, #tpu.memory_space<vmem>>) semaphore(%arg7 : memref<!tpu.dma_semaphore, #tpu.memory_space<semaphore_mem>>)
      %dma_wait3A_68 = arith.constant 0 : i32
      %dma_wait3A_69 = arith.constant 0 : i32
      %dma_wait3A_70 = tpu.memref_slice %arg6[%rem3A_38, %dma_wait3A_68, %dma_wait3A_69] : memref<2x200x128xf32, #tpu.memory_space<vmem>> -> memref<1x100x128xf32, #tpu.memory_space<vmem>>
      %dma_wait3A_71 = tpu.memref_squeeze %dma_wait3A_70 : memref<1x100x128xf32, #tpu.memory_space<vmem>> -> memref<100x128xf32, #tpu.memory_space<vmem>>
      %dma_wait3A_72 = arith.constant 0 : i32
      %dma_wait3A_73 = tpu.memref_slice %arg5[%add3A_44, %dma_wait3A_72] : memref<50x100xi32, #tpu.memory_space<vmem>> -> memref<1x100xi32, #tpu.memory_space<vmem>>
      %dma_wait3A_74 = tpu.memref_squeeze %dma_wait3A_73 : memref<1x100xi32, #tpu.memory_space<vmem>> -> memref<100xi32, #tpu.memory_space<vmem>>
      %dma_wait3A_75 = arith.constant 0 : i32
      %dma_wait3A_76 = arith.constant 0 : i32
      %dma_wait3A_77 = tpu.memref_slice %arg2[%dma_wait3A_75, %dma_wait3A_76] : memref<10000x128xf32, #tpu.memory_space<hbm>> -> memref<10000x128xf32, #tpu.memory_space<hbm>>
      tpu.wait_indirect_dma semaphore(%arg7 : memref<!tpu.dma_semaphore, #tpu.memory_space<semaphore_mem>>) src(%dma_wait3A_77 : memref<10000x128xf32, #tpu.memory_space<hbm>>) dst(%dma_wait3A_71 : memref<100x128xf32, #tpu.memory_space<vmem>>)
      %dma_wait3A_78 = arith.constant 100 : i32
      %dma_wait3A_79 = arith.constant 0 : i32
      %dma_wait3A_80 = tpu.memref_slice %arg6[%rem3A_38, %dma_wait3A_78, %dma_wait3A_79] : memref<2x200x128xf32, #tpu.memory_space<vmem>> -> memref<1x100x128xf32, #tpu.memory_space<vmem>>
      %dma_wait3A_81 = tpu.memref_squeeze %dma_wait3A_80 : memref<1x100x128xf32, #tpu.memory_space<vmem>> -> memref<100x128xf32, #tpu.memory_space<vmem>>
      %dma_wait3A_82 = arith.constant 0 : i32
      %dma_wait3A_83 = tpu.memref_slice %arg5[%add3A_57, %dma_wait3A_82] : memref<50x100xi32, #tpu.memory_space<vmem>> -> memref<1x100xi32, #tpu.memory_space<vmem>>
      %dma_wait3A_84 = tpu.memref_squeeze %dma_wait3A_83 : memref<1x100xi32, #tpu.memory_space<vmem>> -> memref<100xi32, #tpu.memory_space<vmem>>
      %dma_wait3A_85 = arith.constant 0 : i32
      %dma_wait3A_86 = arith.constant 0 : i32
      %dma_wait3A_87 = tpu.memref_slice %arg2[%dma_wait3A_85, %dma_wait3A_86] : memref<10000x128xf32, #tpu.memory_space<hbm>> -> memref<10000x128xf32, #tpu.memory_space<hbm>>
      tpu.wait_indirect_dma semaphore(%arg7 : memref<!tpu.dma_semaphore, #tpu.memory_space<semaphore_mem>>) src(%dma_wait3A_87 : memref<10000x128xf32, #tpu.memory_space<hbm>>) dst(%dma_wait3A_81 : memref<100x128xf32, #tpu.memory_space<vmem>>)
      %mul3A_88 = arith.constant 200 : i32
      %mul3A_89 = arith.muli %scan3A_37, %mul3A_88 : i32
      %add3A_90 = arith.addi %mul3A_2, %mul3A_89 : i32
      %dma_start3A_91 = arith.constant 0 : i32
      %dma_start3A_92 = arith.constant 0 : i32
      %dma_start3A_93 = tpu.memref_slice %arg6[%rem3A_38, %dma_start3A_91, %dma_start3A_92] : memref<2x200x128xf32, #tpu.memory_space<vmem>> -> memref<1x200x128xf32, #tpu.memory_space<vmem>>
      %dma_start3A_94 = tpu.memref_squeeze %dma_start3A_93 : memref<1x200x128xf32, #tpu.memory_space<vmem>> -> memref<200x128xf32, #tpu.memory_space<vmem>>
      %dma_start3A_95 = arith.constant 0 : i32
      %dma_start3A_96 = tpu.memref_slice %arg4[%add3A_90, %dma_start3A_95] : memref<160000x128xf32, #tpu.memory_space<hbm>> -> memref<200x128xf32, #tpu.memory_space<hbm>>
      %dma_start3A_97 = arith.constant 0 : i32
      %dma_start3A_98 = tpu.memref_slice %arg4[%add3A_90, %dma_start3A_97] : memref<160000x128xf32, #tpu.memory_space<hbm>> -> memref<200x128xf32, #tpu.memory_space<hbm>>
      %dma_start3A_99 = arith.constant 0 : i32
      %dma_start3A_100 = arith.constant 0 : i32
      %dma_start3A_101 = tpu.memref_slice %arg6[%rem3A_38, %dma_start3A_99, %dma_start3A_100] : memref<2x200x128xf32, #tpu.memory_space<vmem>> -> memref<1x200x128xf32, #tpu.memory_space<vmem>>
      %dma_start3A_102 = tpu.memref_squeeze %dma_start3A_101 : memref<1x200x128xf32, #tpu.memory_space<vmem>> -> memref<200x128xf32, #tpu.memory_space<vmem>>
      tpu.enqueue_dma source(%dma_start3A_102 : memref<200x128xf32, #tpu.memory_space<vmem>>) target(%dma_start3A_98 : memref<200x128xf32, #tpu.memory_space<hbm>>) target_semaphore(%arg8 : memref<!tpu.dma_semaphore, #tpu.memory_space<semaphore_mem>>)
    }
    %scan3A_7 = arith.constant 25 : i32
    %dma_wait3A = arith.constant 0 : i32
    %dma_wait3A_8 = arith.constant 0 : i32
    %dma_wait3A_9 = arith.constant 0 : i32
    %dma_wait3A_10 = tpu.memref_slice %arg6[%dma_wait3A, %dma_wait3A_8, %dma_wait3A_9] : memref<2x200x128xf32, #tpu.memory_space<vmem>> -> memref<1x200x128xf32, #tpu.memory_space<vmem>>
    %dma_wait3A_11 = tpu.memref_squeeze %dma_wait3A_10 : memref<1x200x128xf32, #tpu.memory_space<vmem>> -> memref<200x128xf32, #tpu.memory_space<vmem>>
    %dma_wait3A_12 = arith.constant 0 : i32
    %dma_wait3A_13 = arith.constant 0 : i32
    %dma_wait3A_14 = tpu.memref_slice %arg4[%dma_wait3A_12, %dma_wait3A_13] : memref<160000x128xf32, #tpu.memory_space<hbm>> -> memref<200x128xf32, #tpu.memory_space<hbm>>
    %dma_wait3A_15 = arith.constant 0 : i32
    %dma_wait3A_16 = arith.constant 0 : i32
    %dma_wait3A_17 = tpu.memref_slice %arg4[%dma_wait3A_15, %dma_wait3A_16] : memref<160000x128xf32, #tpu.memory_space<hbm>> -> memref<200x128xf32, #tpu.memory_space<hbm>>
    %dma_wait3A_18 = arith.constant 0 : i32
    %dma_wait3A_19 = arith.constant 0 : i32
    %dma_wait3A_20 = tpu.memref_slice %arg6[%dma_wait3A, %dma_wait3A_18, %dma_wait3A_19] : memref<2x200x128xf32, #tpu.memory_space<vmem>> -> memref<1x200x128xf32, #tpu.memory_space<vmem>>
    %dma_wait3A_21 = tpu.memref_squeeze %dma_wait3A_20 : memref<1x200x128xf32, #tpu.memory_space<vmem>> -> memref<200x128xf32, #tpu.memory_space<vmem>>
    tpu.wait_dma2 semaphore(%arg8 : memref<!tpu.dma_semaphore, #tpu.memory_space<semaphore_mem>>) src(%dma_wait3A_21 : memref<200x128xf32, #tpu.memory_space<vmem>>) dst(%dma_wait3A_17 : memref<200x128xf32, #tpu.memory_space<hbm>>)
    %dma_wait3A_22 = arith.constant 0 : i32
    %dma_wait3A_23 = arith.constant 0 : i32
    %dma_wait3A_24 = arith.constant 0 : i32
    %dma_wait3A_25 = tpu.memref_slice %arg6[%dma_wait3A_22, %dma_wait3A_23, %dma_wait3A_24] : memref<2x200x128xf32, #tpu.memory_space<vmem>> -> memref<1x200x128xf32, #tpu.memory_space<vmem>>
    %dma_wait3A_26 = tpu.memref_squeeze %dma_wait3A_25 : memref<1x200x128xf32, #tpu.memory_space<vmem>> -> memref<200x128xf32, #tpu.memory_space<vmem>>
    %dma_wait3A_27 = arith.constant 0 : i32
    %dma_wait3A_28 = arith.constant 0 : i32
    %dma_wait3A_29 = tpu.memref_slice %arg4[%dma_wait3A_27, %dma_wait3A_28] : memref<160000x128xf32, #tpu.memory_space<hbm>> -> memref<200x128xf32, #tpu.memory_space<hbm>>
    %dma_wait3A_30 = arith.constant 0 : i32
    %dma_wait3A_31 = arith.constant 0 : i32
    %dma_wait3A_32 = tpu.memref_slice %arg4[%dma_wait3A_30, %dma_wait3A_31] : memref<160000x128xf32, #tpu.memory_space<hbm>> -> memref<200x128xf32, #tpu.memory_space<hbm>>
    %dma_wait3A_33 = arith.constant 0 : i32
    %dma_wait3A_34 = arith.constant 0 : i32
    %dma_wait3A_35 = tpu.memref_slice %arg6[%dma_wait3A_22, %dma_wait3A_33, %dma_wait3A_34] : memref<2x200x128xf32, #tpu.memory_space<vmem>> -> memref<1x200x128xf32, #tpu.memory_space<vmem>>
    %dma_wait3A_36 = tpu.memref_squeeze %dma_wait3A_35 : memref<1x200x128xf32, #tpu.memory_space<vmem>> -> memref<200x128xf32, #tpu.memory_space<vmem>>
    tpu.wait_dma2 semaphore(%arg8 : memref<!tpu.dma_semaphore, #tpu.memory_space<semaphore_mem>>) src(%dma_wait3A_36 : memref<200x128xf32, #tpu.memory_space<vmem>>) dst(%dma_wait3A_32 : memref<200x128xf32, #tpu.memory_space<hbm>>)
    return
  }
}

#map = affine_map<(d0, d1) -> (0, 0)>
#map1 = affine_map<(d0, d1) -> (0, 0, 0)>
module attributes {stable_mosaic.version = 14 : i64} {
  func.func @_sc_gather_body(%arg0: i32, %arg1: i32, %arg2: memref<10000x128xf32, #tpu.memory_space<hbm>>, %arg3: memref<32x50x100xi32, #tpu.memory_space<hbm>>, %arg4: memref<160000x128xf32, #tpu.memory_space<hbm>>, %arg5: memref<50x100xi32, #tpu.memory_space<vmem>>, %arg6: memref<2x200x128xf32, #tpu.memory_space<vmem>>, %arg7: memref<!tpu.dma_semaphore, #tpu.memory_space<semaphore_mem>>, %arg8: memref<!tpu.dma_semaphore, #tpu.memory_space<semaphore_mem>>) attributes {dimension_semantics = [#tpu.dimension_semantics<core_parallel>, #tpu.dimension_semantics<subcore_parallel>], iteration_bounds = array<i64: 2, 16>, scalar_prefetch = 0 : i64, scratch_operands = 4 : i64, tpu.core_type = #tpu.core_type<sc_vector_subcore>, window_params = [{transform_indices = #map}, {transform_indices = #map1}, {transform_indices = #map}]} {
    %mul3A = arith.constant 2 : i32
    %mul3A_0 = arith.muli %arg1, %mul3A : i32
    %add3A = arith.addi %mul3A_0, %arg0 : i32
    %mul3A_1 = arith.constant 5000 : i32
    %mul3A_2 = arith.muli %add3A, %mul3A_1 : i32
    "tpu.region"() ({
      %run_scoped3A = tpu.sem_alloc : memref<!tpu.dma_semaphore, #tpu.memory_space<semaphore_mem>>
      %dma_start3A = arith.constant 0 : i32
      %dma_start3A_37 = arith.constant 0 : i32
      %dma_start3A_38 = tpu.memref_slice %arg3[%add3A, %dma_start3A, %dma_start3A_37] : memref<32x50x100xi32, #tpu.memory_space<hbm>> -> memref<1x50x100xi32, #tpu.memory_space<hbm>>
      %dma_start3A_39 = tpu.memref_squeeze %dma_start3A_38 : memref<1x50x100xi32, #tpu.memory_space<hbm>> -> memref<50x100xi32, #tpu.memory_space<hbm>>
      %dma_start3A_40 = arith.constant 0 : i32
      %dma_start3A_41 = arith.constant 0 : i32
      %dma_start3A_42 = tpu.memref_slice %arg3[%add3A, %dma_start3A_40, %dma_start3A_41] : memref<32x50x100xi32, #tpu.memory_space<hbm>> -> memref<1x50x100xi32, #tpu.memory_space<hbm>>
      %dma_start3A_43 = tpu.memref_squeeze %dma_start3A_42 : memref<1x50x100xi32, #tpu.memory_space<hbm>> -> memref<50x100xi32, #tpu.memory_space<hbm>>
      tpu.enqueue_dma source(%dma_start3A_43 : memref<50x100xi32, #tpu.memory_space<hbm>>) target(%arg5 : memref<50x100xi32, #tpu.memory_space<vmem>>) target_semaphore(%run_scoped3A : memref<!tpu.dma_semaphore, #tpu.memory_space<semaphore_mem>>)
      %dma_wait3A_44 = arith.constant 0 : i32
      %dma_wait3A_45 = arith.constant 0 : i32
      %dma_wait3A_46 = tpu.memref_slice %arg3[%add3A, %dma_wait3A_44, %dma_wait3A_45] : memref<32x50x100xi32, #tpu.memory_space<hbm>> -> memref<1x50x100xi32, #tpu.memory_space<hbm>>
      %dma_wait3A_47 = tpu.memref_squeeze %dma_wait3A_46 : memref<1x50x100xi32, #tpu.memory_space<hbm>> -> memref<50x100xi32, #tpu.memory_space<hbm>>
      %dma_wait3A_48 = arith.constant 0 : i32
      %dma_wait3A_49 = arith.constant 0 : i32
      %dma_wait3A_50 = tpu.memref_slice %arg3[%add3A, %dma_wait3A_48, %dma_wait3A_49] : memref<32x50x100xi32, #tpu.memory_space<hbm>> -> memref<1x50x100xi32, #tpu.memory_space<hbm>>
      %dma_wait3A_51 = tpu.memref_squeeze %dma_wait3A_50 : memref<1x50x100xi32, #tpu.memory_space<hbm>> -> memref<50x100xi32, #tpu.memory_space<hbm>>
      tpu.wait_dma2 semaphore(%run_scoped3A : memref<!tpu.dma_semaphore, #tpu.memory_space<semaphore_mem>>) src(%dma_wait3A_51 : memref<50x100xi32, #tpu.memory_space<hbm>>) dst(%arg5 : memref<50x100xi32, #tpu.memory_space<vmem>>)
      tpu.yield
    }) : () -> ()
    %scan3A = arith.constant 0 : i32
    %scan3A_3 = arith.constant 0 : i32
    %scan3A_4 = arith.constant 25 : i32
    %scan3A_5 = arith.addi %scan3A_3, %scan3A_4 : i32
    %scan3A_6 = arith.constant 1 : i32
    scf.for %scan3A_37 = %scan3A_3 to %scan3A_5 step %scan3A_6  : i32 {
      %rem3A = arith.constant 2 : i32
      %rem3A_38 = arith.remsi %scan3A_37, %rem3A : i32
      %ge3A = arith.constant 2 : i32
      %ge3A_39 = arith.cmpi sge, %scan3A_37, %ge3A : i32
      %convert_element_type3A = arith.extui %ge3A_39 : i1 to i32
      %cond3A = arith.constant 0 : i32
      %cond3A_40 = arith.cmpi ne, %convert_element_type3A, %cond3A : i32
      scf.if %cond3A_40 {
        %dma_wait3A_103 = arith.constant 0 : i32
        %dma_wait3A_104 = arith.constant 0 : i32
        %dma_wait3A_105 = tpu.memref_slice %arg6[%rem3A_38, %dma_wait3A_103, %dma_wait3A_104] : memref<2x200x128xf32, #tpu.memory_space<vmem>> -> memref<1x200x128xf32, #tpu.memory_space<vmem>>
        %dma_wait3A_106 = tpu.memref_squeeze %dma_wait3A_105 : memref<1x200x128xf32, #tpu.memory_space<vmem>> -> memref<200x128xf32, #tpu.memory_space<vmem>>
        %dma_wait3A_107 = arith.constant 0 : i32
        %dma_wait3A_108 = arith.constant 0 : i32
        %dma_wait3A_109 = tpu.memref_slice %arg4[%dma_wait3A_107, %dma_wait3A_108] : memref<160000x128xf32, #tpu.memory_space<hbm>> -> memref<200x128xf32, #tpu.memory_space<hbm>>
        %dma_wait3A_110 = arith.constant 0 : i32
        %dma_wait3A_111 = arith.constant 0 : i32
        %dma_wait3A_112 = tpu.memref_slice %arg4[%dma_wait3A_110, %dma_wait3A_111] : memref<160000x128xf32, #tpu.memory_space<hbm>> -> memref<200x128xf32, #tpu.memory_space<hbm>>
        %dma_wait3A_113 = arith.constant 0 : i32
        %dma_wait3A_114 = arith.constant 0 : i32
        %dma_wait3A_115 = tpu.memref_slice %arg6[%rem3A_38, %dma_wait3A_113, %dma_wait3A_114] : memref<2x200x128xf32, #tpu.memory_space<vmem>> -> memref<1x200x128xf32, #tpu.memory_space<vmem>>
        %dma_wait3A_116 = tpu.memref_squeeze %dma_wait3A_115 : memref<1x200x128xf32, #tpu.memory_space<vmem>> -> memref<200x128xf32, #tpu.memory_space<vmem>>
        tpu.wait_dma2 semaphore(%arg8 : memref<!tpu.dma_semaphore, #tpu.memory_space<semaphore_mem>>) src(%dma_wait3A_116 : memref<200x128xf32, #tpu.memory_space<vmem>>) dst(%dma_wait3A_112 : memref<200x128xf32, #tpu.memory_space<hbm>>)
      } else {
      }
      %mul3A_41 = arith.constant 2 : i32
      %mul3A_42 = arith.muli %scan3A_37, %mul3A_41 : i32
      %add3A_43 = arith.constant 0 : i32
      %add3A_44 = arith.addi %mul3A_42, %add3A_43 : i32
      %dma_start3A = arith.constant 0 : i32
      %dma_start3A_45 = arith.constant 0 : i32
      %dma_start3A_46 = tpu.memref_slice %arg6[%rem3A_38, %dma_start3A, %dma_start3A_45] : memref<2x200x128xf32, #tpu.memory_space<vmem>> -> memref<1x100x128xf32, #tpu.memory_space<vmem>>
      %dma_start3A_47 = tpu.memref_squeeze %dma_start3A_46 : memref<1x100x128xf32, #tpu.memory_space<vmem>> -> memref<100x128xf32, #tpu.memory_space<vmem>>
      %dma_start3A_48 = arith.constant 0 : i32
      %dma_start3A_49 = tpu.memref_slice %arg5[%add3A_44, %dma_start3A_48] : memref<50x100xi32, #tpu.memory_space<vmem>> -> memref<1x100xi32, #tpu.memory_space<vmem>>
      %dma_start3A_50 = tpu.memref_squeeze %dma_start3A_49 : memref<1x100xi32, #tpu.memory_space<vmem>> -> memref<100xi32, #tpu.memory_space<vmem>>
      %dma_start3A_51 = arith.constant 0 : i32
      %dma_start3A_52 = arith.constant 0 : i32
      %dma_start3A_53 = tpu.memref_slice %arg2[%dma_start3A_51, %dma_start3A_52] : memref<10000x128xf32, #tpu.memory_space<hbm>> -> memref<10000x128xf32, #tpu.memory_space<hbm>>
      tpu.enqueue_indirect_dma source(%dma_start3A_53 : memref<10000x128xf32, #tpu.memory_space<hbm>>) target(%dma_start3A_47 : memref<100x128xf32, #tpu.memory_space<vmem>>) offsets(%dma_start3A_50 : memref<100xi32, #tpu.memory_space<vmem>>) semaphore(%arg7 : memref<!tpu.dma_semaphore, #tpu.memory_space<semaphore_mem>>)
      %mul3A_54 = arith.constant 2 : i32
      %mul3A_55 = arith.muli %scan3A_37, %mul3A_54 : i32
      %add3A_56 = arith.constant 1 : i32
      %add3A_57 = arith.addi %mul3A_55, %add3A_56 : i32
      %dma_start3A_58 = arith.constant 100 : i32
      %dma_start3A_59 = arith.constant 0 : i32
      %dma_start3A_60 = tpu.memref_slice %arg6[%rem3A_38, %dma_start3A_58, %dma_start3A_59] : memref<2x200x128xf32, #tpu.memory_space<vmem>> -> memref<1x100x128xf32, #tpu.memory_space<vmem>>
      %dma_start3A_61 = tpu.memref_squeeze %dma_start3A_60 : memref<1x100x128xf32, #tpu.memory_space<vmem>> -> memref<100x128xf32, #tpu.memory_space<vmem>>
      %dma_start3A_62 = arith.constant 0 : i32
      %dma_start3A_63 = tpu.memref_slice %arg5[%add3A_57, %dma_start3A_62] : memref<50x100xi32, #tpu.memory_space<vmem>> -> memref<1x100xi32, #tpu.memory_space<vmem>>
      %dma_start3A_64 = tpu.memref_squeeze %dma_start3A_63 : memref<1x100xi32, #tpu.memory_space<vmem>> -> memref<100xi32, #tpu.memory_space<vmem>>
      %dma_start3A_65 = arith.constant 0 : i32
      %dma_start3A_66 = arith.constant 0 : i32
      %dma_start3A_67 = tpu.memref_slice %arg2[%dma_start3A_65, %dma_start3A_66] : memref<10000x128xf32, #tpu.memory_space<hbm>> -> memref<10000x128xf32, #tpu.memory_space<hbm>>
      tpu.enqueue_indirect_dma source(%dma_start3A_67 : memref<10000x128xf32, #tpu.memory_space<hbm>>) target(%dma_start3A_61 : memref<100x128xf32, #tpu.memory_space<vmem>>) offsets(%dma_start3A_64 : memref<100xi32, #tpu.memory_space<vmem>>) semaphore(%arg7 : memref<!tpu.dma_semaphore, #tpu.memory_space<semaphore_mem>>)
      %dma_wait3A_68 = arith.constant 0 : i32
      %dma_wait3A_69 = arith.constant 0 : i32
      %dma_wait3A_70 = tpu.memref_slice %arg6[%rem3A_38, %dma_wait3A_68, %dma_wait3A_69] : memref<2x200x128xf32, #tpu.memory_space<vmem>> -> memref<1x100x128xf32, #tpu.memory_space<vmem>>
      %dma_wait3A_71 = tpu.memref_squeeze %dma_wait3A_70 : memref<1x100x128xf32, #tpu.memory_space<vmem>> -> memref<100x128xf32, #tpu.memory_space<vmem>>
      %dma_wait3A_72 = arith.constant 0 : i32
      %dma_wait3A_73 = tpu.memref_slice %arg5[%add3A_44, %dma_wait3A_72] : memref<50x100xi32, #tpu.memory_space<vmem>> -> memref<1x100xi32, #tpu.memory_space<vmem>>
      %dma_wait3A_74 = tpu.memref_squeeze %dma_wait3A_73 : memref<1x100xi32, #tpu.memory_space<vmem>> -> memref<100xi32, #tpu.memory_space<vmem>>
      %dma_wait3A_75 = arith.constant 0 : i32
      %dma_wait3A_76 = arith.constant 0 : i32
      %dma_wait3A_77 = tpu.memref_slice %arg2[%dma_wait3A_75, %dma_wait3A_76] : memref<10000x128xf32, #tpu.memory_space<hbm>> -> memref<10000x128xf32, #tpu.memory_space<hbm>>
      tpu.wait_indirect_dma semaphore(%arg7 : memref<!tpu.dma_semaphore, #tpu.memory_space<semaphore_mem>>) src(%dma_wait3A_77 : memref<10000x128xf32, #tpu.memory_space<hbm>>) dst(%dma_wait3A_71 : memref<100x128xf32, #tpu.memory_space<vmem>>)
      %dma_wait3A_78 = arith.constant 100 : i32
      %dma_wait3A_79 = arith.constant 0 : i32
      %dma_wait3A_80 = tpu.memref_slice %arg6[%rem3A_38, %dma_wait3A_78, %dma_wait3A_79] : memref<2x200x128xf32, #tpu.memory_space<vmem>> -> memref<1x100x128xf32, #tpu.memory_space<vmem>>
      %dma_wait3A_81 = tpu.memref_squeeze %dma_wait3A_80 : memref<1x100x128xf32, #tpu.memory_space<vmem>> -> memref<100x128xf32, #tpu.memory_space<vmem>>
      %dma_wait3A_82 = arith.constant 0 : i32
      %dma_wait3A_83 = tpu.memref_slice %arg5[%add3A_57, %dma_wait3A_82] : memref<50x100xi32, #tpu.memory_space<vmem>> -> memref<1x100xi32, #tpu.memory_space<vmem>>
      %dma_wait3A_84 = tpu.memref_squeeze %dma_wait3A_83 : memref<1x100xi32, #tpu.memory_space<vmem>> -> memref<100xi32, #tpu.memory_space<vmem>>
      %dma_wait3A_85 = arith.constant 0 : i32
      %dma_wait3A_86 = arith.constant 0 : i32
      %dma_wait3A_87 = tpu.memref_slice %arg2[%dma_wait3A_85, %dma_wait3A_86] : memref<10000x128xf32, #tpu.memory_space<hbm>> -> memref<10000x128xf32, #tpu.memory_space<hbm>>
      tpu.wait_indirect_dma semaphore(%arg7 : memref<!tpu.dma_semaphore, #tpu.memory_space<semaphore_mem>>) src(%dma_wait3A_87 : memref<10000x128xf32, #tpu.memory_space<hbm>>) dst(%dma_wait3A_81 : memref<100x128xf32, #tpu.memory_space<vmem>>)
      %mul3A_88 = arith.constant 200 : i32
      %mul3A_89 = arith.muli %scan3A_37, %mul3A_88 : i32
      %add3A_90 = arith.addi %mul3A_2, %mul3A_89 : i32
      %dma_start3A_91 = arith.constant 0 : i32
      %dma_start3A_92 = arith.constant 0 : i32
      %dma_start3A_93 = tpu.memref_slice %arg6[%rem3A_38, %dma_start3A_91, %dma_start3A_92] : memref<2x200x128xf32, #tpu.memory_space<vmem>> -> memref<1x200x128xf32, #tpu.memory_space<vmem>>
      %dma_start3A_94 = tpu.memref_squeeze %dma_start3A_93 : memref<1x200x128xf32, #tpu.memory_space<vmem>> -> memref<200x128xf32, #tpu.memory_space<vmem>>
      %dma_start3A_95 = arith.constant 0 : i32
      %dma_start3A_96 = tpu.memref_slice %arg4[%add3A_90, %dma_start3A_95] : memref<160000x128xf32, #tpu.memory_space<hbm>> -> memref<200x128xf32, #tpu.memory_space<hbm>>
      %dma_start3A_97 = arith.constant 0 : i32
      %dma_start3A_98 = tpu.memref_slice %arg4[%add3A_90, %dma_start3A_97] : memref<160000x128xf32, #tpu.memory_space<hbm>> -> memref<200x128xf32, #tpu.memory_space<hbm>>
      %dma_start3A_99 = arith.constant 0 : i32
      %dma_start3A_100 = arith.constant 0 : i32
      %dma_start3A_101 = tpu.memref_slice %arg6[%rem3A_38, %dma_start3A_99, %dma_start3A_100] : memref<2x200x128xf32, #tpu.memory_space<vmem>> -> memref<1x200x128xf32, #tpu.memory_space<vmem>>
      %dma_start3A_102 = tpu.memref_squeeze %dma_start3A_101 : memref<1x200x128xf32, #tpu.memory_space<vmem>> -> memref<200x128xf32, #tpu.memory_space<vmem>>
      tpu.enqueue_dma source(%dma_start3A_102 : memref<200x128xf32, #tpu.memory_space<vmem>>) target(%dma_start3A_98 : memref<200x128xf32, #tpu.memory_space<hbm>>) target_semaphore(%arg8 : memref<!tpu.dma_semaphore, #tpu.memory_space<semaphore_mem>>)
    }
    %scan3A_7 = arith.constant 25 : i32
    %dma_wait3A = arith.constant 0 : i32
    %dma_wait3A_8 = arith.constant 0 : i32
    %dma_wait3A_9 = arith.constant 0 : i32
    %dma_wait3A_10 = tpu.memref_slice %arg6[%dma_wait3A, %dma_wait3A_8, %dma_wait3A_9] : memref<2x200x128xf32, #tpu.memory_space<vmem>> -> memref<1x200x128xf32, #tpu.memory_space<vmem>>
    %dma_wait3A_11 = tpu.memref_squeeze %dma_wait3A_10 : memref<1x200x128xf32, #tpu.memory_space<vmem>> -> memref<200x128xf32, #tpu.memory_space<vmem>>
    %dma_wait3A_12 = arith.constant 0 : i32
    %dma_wait3A_13 = arith.constant 0 : i32
    %dma_wait3A_14 = tpu.memref_slice %arg4[%dma_wait3A_12, %dma_wait3A_13] : memref<160000x128xf32, #tpu.memory_space<hbm>> -> memref<200x128xf32, #tpu.memory_space<hbm>>
    %dma_wait3A_15 = arith.constant 0 : i32
    %dma_wait3A_16 = arith.constant 0 : i32
    %dma_wait3A_17 = tpu.memref_slice %arg4[%dma_wait3A_15, %dma_wait3A_16] : memref<160000x128xf32, #tpu.memory_space<hbm>> -> memref<200x128xf32, #tpu.memory_space<hbm>>
    %dma_wait3A_18 = arith.constant 0 : i32
    %dma_wait3A_19 = arith.constant 0 : i32
    %dma_wait3A_20 = tpu.memref_slice %arg6[%dma_wait3A, %dma_wait3A_18, %dma_wait3A_19] : memref<2x200x128xf32, #tpu.memory_space<vmem>> -> memref<1x200x128xf32, #tpu.memory_space<vmem>>
    %dma_wait3A_21 = tpu.memref_squeeze %dma_wait3A_20 : memref<1x200x128xf32, #tpu.memory_space<vmem>> -> memref<200x128xf32, #tpu.memory_space<vmem>>
    tpu.wait_dma2 semaphore(%arg8 : memref<!tpu.dma_semaphore, #tpu.memory_space<semaphore_mem>>) src(%dma_wait3A_21 : memref<200x128xf32, #tpu.memory_space<vmem>>) dst(%dma_wait3A_17 : memref<200x128xf32, #tpu.memory_space<hbm>>)
    %dma_wait3A_22 = arith.constant 0 : i32
    %dma_wait3A_23 = arith.constant 0 : i32
    %dma_wait3A_24 = arith.constant 0 : i32
    %dma_wait3A_25 = tpu.memref_slice %arg6[%dma_wait3A_22, %dma_wait3A_23, %dma_wait3A_24] : memref<2x200x128xf32, #tpu.memory_space<vmem>> -> memref<1x200x128xf32, #tpu.memory_space<vmem>>
    %dma_wait3A_26 = tpu.memref_squeeze %dma_wait3A_25 : memref<1x200x128xf32, #tpu.memory_space<vmem>> -> memref<200x128xf32, #tpu.memory_space<vmem>>
    %dma_wait3A_27 = arith.constant 0 : i32
    %dma_wait3A_28 = arith.constant 0 : i32
    %dma_wait3A_29 = tpu.memref_slice %arg4[%dma_wait3A_27, %dma_wait3A_28] : memref<160000x128xf32, #tpu.memory_space<hbm>> -> memref<200x128xf32, #tpu.memory_space<hbm>>
    %dma_wait3A_30 = arith.constant 0 : i32
    %dma_wait3A_31 = arith.constant 0 : i32
    %dma_wait3A_32 = tpu.memref_slice %arg4[%dma_wait3A_30, %dma_wait3A_31] : memref<160000x128xf32, #tpu.memory_space<hbm>> -> memref<200x128xf32, #tpu.memory_space<hbm>>
    %dma_wait3A_33 = arith.constant 0 : i32
    %dma_wait3A_34 = arith.constant 0 : i32
    %dma_wait3A_35 = tpu.memref_slice %arg6[%dma_wait3A_22, %dma_wait3A_33, %dma_wait3A_34] : memref<2x200x128xf32, #tpu.memory_space<vmem>> -> memref<1x200x128xf32, #tpu.memory_space<vmem>>
    %dma_wait3A_36 = tpu.memref_squeeze %dma_wait3A_35 : memref<1x200x128xf32, #tpu.memory_space<vmem>> -> memref<200x128xf32, #tpu.memory_space<vmem>>
    tpu.wait_dma2 semaphore(%arg8 : memref<!tpu.dma_semaphore, #tpu.memory_space<semaphore_mem>>) src(%dma_wait3A_36 : memref<200x128xf32, #tpu.memory_space<vmem>>) dst(%dma_wait3A_32 : memref<200x128xf32, #tpu.memory_space<hbm>>)
    return
  }
}

#map = affine_map<(d0, d1) -> (0, 0)>
#map1 = affine_map<(d0, d1) -> (0, 0, 0)>
module attributes {stable_mosaic.version = 14 : i64} {
  func.func @_sc_gather_body(%arg0: i32, %arg1: i32, %arg2: memref<10000x128xf32, #tpu.memory_space<hbm>>, %arg3: memref<32x50x100xi32, #tpu.memory_space<hbm>>, %arg4: memref<160000x128xf32, #tpu.memory_space<hbm>>, %arg5: memref<50x100xi32, #tpu.memory_space<vmem>>, %arg6: memref<2x200x128xf32, #tpu.memory_space<vmem>>, %arg7: memref<!tpu.dma_semaphore, #tpu.memory_space<semaphore_mem>>, %arg8: memref<!tpu.dma_semaphore, #tpu.memory_space<semaphore_mem>>) attributes {dimension_semantics = [#tpu.dimension_semantics<core_parallel>, #tpu.dimension_semantics<subcore_parallel>], iteration_bounds = array<i64: 2, 16>, scalar_prefetch = 0 : i64, scratch_operands = 4 : i64, tpu.core_type = #tpu.core_type<sc_vector_subcore>, window_params = [{transform_indices = #map}, {transform_indices = #map1}, {transform_indices = #map}]} {
    %mul3A = arith.constant 2 : i32
    %mul3A_0 = arith.muli %arg1, %mul3A : i32
    %add3A = arith.addi %mul3A_0, %arg0 : i32
    %mul3A_1 = arith.constant 5000 : i32
    %mul3A_2 = arith.muli %add3A, %mul3A_1 : i32
    "tpu.region"() ({
      %run_scoped3A = tpu.sem_alloc : memref<!tpu.dma_semaphore, #tpu.memory_space<semaphore_mem>>
      %dma_start3A = arith.constant 0 : i32
      %dma_start3A_37 = arith.constant 0 : i32
      %dma_start3A_38 = tpu.memref_slice %arg3[%add3A, %dma_start3A, %dma_start3A_37] : memref<32x50x100xi32, #tpu.memory_space<hbm>> -> memref<1x50x100xi32, #tpu.memory_space<hbm>>
      %dma_start3A_39 = tpu.memref_squeeze %dma_start3A_38 : memref<1x50x100xi32, #tpu.memory_space<hbm>> -> memref<50x100xi32, #tpu.memory_space<hbm>>
      %dma_start3A_40 = arith.constant 0 : i32
      %dma_start3A_41 = arith.constant 0 : i32
      %dma_start3A_42 = tpu.memref_slice %arg3[%add3A, %dma_start3A_40, %dma_start3A_41] : memref<32x50x100xi32, #tpu.memory_space<hbm>> -> memref<1x50x100xi32, #tpu.memory_space<hbm>>
      %dma_start3A_43 = tpu.memref_squeeze %dma_start3A_42 : memref<1x50x100xi32, #tpu.memory_space<hbm>> -> memref<50x100xi32, #tpu.memory_space<hbm>>
      tpu.enqueue_dma source(%dma_start3A_43 : memref<50x100xi32, #tpu.memory_space<hbm>>) target(%arg5 : memref<50x100xi32, #tpu.memory_space<vmem>>) target_semaphore(%run_scoped3A : memref<!tpu.dma_semaphore, #tpu.memory_space<semaphore_mem>>)
      %dma_wait3A_44 = arith.constant 0 : i32
      %dma_wait3A_45 = arith.constant 0 : i32
      %dma_wait3A_46 = tpu.memref_slice %arg3[%add3A, %dma_wait3A_44, %dma_wait3A_45] : memref<32x50x100xi32, #tpu.memory_space<hbm>> -> memref<1x50x100xi32, #tpu.memory_space<hbm>>
      %dma_wait3A_47 = tpu.memref_squeeze %dma_wait3A_46 : memref<1x50x100xi32, #tpu.memory_space<hbm>> -> memref<50x100xi32, #tpu.memory_space<hbm>>
      %dma_wait3A_48 = arith.constant 0 : i32
      %dma_wait3A_49 = arith.constant 0 : i32
      %dma_wait3A_50 = tpu.memref_slice %arg3[%add3A, %dma_wait3A_48, %dma_wait3A_49] : memref<32x50x100xi32, #tpu.memory_space<hbm>> -> memref<1x50x100xi32, #tpu.memory_space<hbm>>
      %dma_wait3A_51 = tpu.memref_squeeze %dma_wait3A_50 : memref<1x50x100xi32, #tpu.memory_space<hbm>> -> memref<50x100xi32, #tpu.memory_space<hbm>>
      tpu.wait_dma2 semaphore(%run_scoped3A : memref<!tpu.dma_semaphore, #tpu.memory_space<semaphore_mem>>) src(%dma_wait3A_51 : memref<50x100xi32, #tpu.memory_space<hbm>>) dst(%arg5 : memref<50x100xi32, #tpu.memory_space<vmem>>)
      tpu.yield
    }) : () -> ()
    %scan3A = arith.constant 0 : i32
    %scan3A_3 = arith.constant 0 : i32
    %scan3A_4 = arith.constant 25 : i32
    %scan3A_5 = arith.addi %scan3A_3, %scan3A_4 : i32
    %scan3A_6 = arith.constant 1 : i32
    scf.for %scan3A_37 = %scan3A_3 to %scan3A_5 step %scan3A_6  : i32 {
      %rem3A = arith.constant 2 : i32
      %rem3A_38 = arith.remsi %scan3A_37, %rem3A : i32
      %ge3A = arith.constant 2 : i32
      %ge3A_39 = arith.cmpi sge, %scan3A_37, %ge3A : i32
      %convert_element_type3A = arith.extui %ge3A_39 : i1 to i32
      %cond3A = arith.constant 0 : i32
      %cond3A_40 = arith.cmpi ne, %convert_element_type3A, %cond3A : i32
      scf.if %cond3A_40 {
        %dma_wait3A_103 = arith.constant 0 : i32
        %dma_wait3A_104 = arith.constant 0 : i32
        %dma_wait3A_105 = tpu.memref_slice %arg6[%rem3A_38, %dma_wait3A_103, %dma_wait3A_104] : memref<2x200x128xf32, #tpu.memory_space<vmem>> -> memref<1x200x128xf32, #tpu.memory_space<vmem>>
        %dma_wait3A_106 = tpu.memref_squeeze %dma_wait3A_105 : memref<1x200x128xf32, #tpu.memory_space<vmem>> -> memref<200x128xf32, #tpu.memory_space<vmem>>
        %dma_wait3A_107 = arith.constant 0 : i32
        %dma_wait3A_108 = arith.constant 0 : i32
        %dma_wait3A_109 = tpu.memref_slice %arg4[%dma_wait3A_107, %dma_wait3A_108] : memref<160000x128xf32, #tpu.memory_space<hbm>> -> memref<200x128xf32, #tpu.memory_space<hbm>>
        %dma_wait3A_110 = arith.constant 0 : i32
        %dma_wait3A_111 = arith.constant 0 : i32
        %dma_wait3A_112 = tpu.memref_slice %arg4[%dma_wait3A_110, %dma_wait3A_111] : memref<160000x128xf32, #tpu.memory_space<hbm>> -> memref<200x128xf32, #tpu.memory_space<hbm>>
        %dma_wait3A_113 = arith.constant 0 : i32
        %dma_wait3A_114 = arith.constant 0 : i32
        %dma_wait3A_115 = tpu.memref_slice %arg6[%rem3A_38, %dma_wait3A_113, %dma_wait3A_114] : memref<2x200x128xf32, #tpu.memory_space<vmem>> -> memref<1x200x128xf32, #tpu.memory_space<vmem>>
        %dma_wait3A_116 = tpu.memref_squeeze %dma_wait3A_115 : memref<1x200x128xf32, #tpu.memory_space<vmem>> -> memref<200x128xf32, #tpu.memory_space<vmem>>
        tpu.wait_dma2 semaphore(%arg8 : memref<!tpu.dma_semaphore, #tpu.memory_space<semaphore_mem>>) src(%dma_wait3A_116 : memref<200x128xf32, #tpu.memory_space<vmem>>) dst(%dma_wait3A_112 : memref<200x128xf32, #tpu.memory_space<hbm>>)
      } else {
      }
      %mul3A_41 = arith.constant 2 : i32
      %mul3A_42 = arith.muli %scan3A_37, %mul3A_41 : i32
      %add3A_43 = arith.constant 0 : i32
      %add3A_44 = arith.addi %mul3A_42, %add3A_43 : i32
      %dma_start3A = arith.constant 0 : i32
      %dma_start3A_45 = arith.constant 0 : i32
      %dma_start3A_46 = tpu.memref_slice %arg6[%rem3A_38, %dma_start3A, %dma_start3A_45] : memref<2x200x128xf32, #tpu.memory_space<vmem>> -> memref<1x100x128xf32, #tpu.memory_space<vmem>>
      %dma_start3A_47 = tpu.memref_squeeze %dma_start3A_46 : memref<1x100x128xf32, #tpu.memory_space<vmem>> -> memref<100x128xf32, #tpu.memory_space<vmem>>
      %dma_start3A_48 = arith.constant 0 : i32
      %dma_start3A_49 = tpu.memref_slice %arg5[%add3A_44, %dma_start3A_48] : memref<50x100xi32, #tpu.memory_space<vmem>> -> memref<1x100xi32, #tpu.memory_space<vmem>>
      %dma_start3A_50 = tpu.memref_squeeze %dma_start3A_49 : memref<1x100xi32, #tpu.memory_space<vmem>> -> memref<100xi32, #tpu.memory_space<vmem>>
      %dma_start3A_51 = arith.constant 0 : i32
      %dma_start3A_52 = arith.constant 0 : i32
      %dma_start3A_53 = tpu.memref_slice %arg2[%dma_start3A_51, %dma_start3A_52] : memref<10000x128xf32, #tpu.memory_space<hbm>> -> memref<10000x128xf32, #tpu.memory_space<hbm>>
      tpu.enqueue_indirect_dma source(%dma_start3A_53 : memref<10000x128xf32, #tpu.memory_space<hbm>>) target(%dma_start3A_47 : memref<100x128xf32, #tpu.memory_space<vmem>>) offsets(%dma_start3A_50 : memref<100xi32, #tpu.memory_space<vmem>>) semaphore(%arg7 : memref<!tpu.dma_semaphore, #tpu.memory_space<semaphore_mem>>)
      %mul3A_54 = arith.constant 2 : i32
      %mul3A_55 = arith.muli %scan3A_37, %mul3A_54 : i32
      %add3A_56 = arith.constant 1 : i32
      %add3A_57 = arith.addi %mul3A_55, %add3A_56 : i32
      %dma_start3A_58 = arith.constant 100 : i32
      %dma_start3A_59 = arith.constant 0 : i32
      %dma_start3A_60 = tpu.memref_slice %arg6[%rem3A_38, %dma_start3A_58, %dma_start3A_59] : memref<2x200x128xf32, #tpu.memory_space<vmem>> -> memref<1x100x128xf32, #tpu.memory_space<vmem>>
      %dma_start3A_61 = tpu.memref_squeeze %dma_start3A_60 : memref<1x100x128xf32, #tpu.memory_space<vmem>> -> memref<100x128xf32, #tpu.memory_space<vmem>>
      %dma_start3A_62 = arith.constant 0 : i32
      %dma_start3A_63 = tpu.memref_slice %arg5[%add3A_57, %dma_start3A_62] : memref<50x100xi32, #tpu.memory_space<vmem>> -> memref<1x100xi32, #tpu.memory_space<vmem>>
      %dma_start3A_64 = tpu.memref_squeeze %dma_start3A_63 : memref<1x100xi32, #tpu.memory_space<vmem>> -> memref<100xi32, #tpu.memory_space<vmem>>
      %dma_start3A_65 = arith.constant 0 : i32
      %dma_start3A_66 = arith.constant 0 : i32
      %dma_start3A_67 = tpu.memref_slice %arg2[%dma_start3A_65, %dma_start3A_66] : memref<10000x128xf32, #tpu.memory_space<hbm>> -> memref<10000x128xf32, #tpu.memory_space<hbm>>
      tpu.enqueue_indirect_dma source(%dma_start3A_67 : memref<10000x128xf32, #tpu.memory_space<hbm>>) target(%dma_start3A_61 : memref<100x128xf32, #tpu.memory_space<vmem>>) offsets(%dma_start3A_64 : memref<100xi32, #tpu.memory_space<vmem>>) semaphore(%arg7 : memref<!tpu.dma_semaphore, #tpu.memory_space<semaphore_mem>>)
      %dma_wait3A_68 = arith.constant 0 : i32
      %dma_wait3A_69 = arith.constant 0 : i32
      %dma_wait3A_70 = tpu.memref_slice %arg6[%rem3A_38, %dma_wait3A_68, %dma_wait3A_69] : memref<2x200x128xf32, #tpu.memory_space<vmem>> -> memref<1x100x128xf32, #tpu.memory_space<vmem>>
      %dma_wait3A_71 = tpu.memref_squeeze %dma_wait3A_70 : memref<1x100x128xf32, #tpu.memory_space<vmem>> -> memref<100x128xf32, #tpu.memory_space<vmem>>
      %dma_wait3A_72 = arith.constant 0 : i32
      %dma_wait3A_73 = tpu.memref_slice %arg5[%add3A_44, %dma_wait3A_72] : memref<50x100xi32, #tpu.memory_space<vmem>> -> memref<1x100xi32, #tpu.memory_space<vmem>>
      %dma_wait3A_74 = tpu.memref_squeeze %dma_wait3A_73 : memref<1x100xi32, #tpu.memory_space<vmem>> -> memref<100xi32, #tpu.memory_space<vmem>>
      %dma_wait3A_75 = arith.constant 0 : i32
      %dma_wait3A_76 = arith.constant 0 : i32
      %dma_wait3A_77 = tpu.memref_slice %arg2[%dma_wait3A_75, %dma_wait3A_76] : memref<10000x128xf32, #tpu.memory_space<hbm>> -> memref<10000x128xf32, #tpu.memory_space<hbm>>
      tpu.wait_indirect_dma semaphore(%arg7 : memref<!tpu.dma_semaphore, #tpu.memory_space<semaphore_mem>>) src(%dma_wait3A_77 : memref<10000x128xf32, #tpu.memory_space<hbm>>) dst(%dma_wait3A_71 : memref<100x128xf32, #tpu.memory_space<vmem>>)
      %dma_wait3A_78 = arith.constant 100 : i32
      %dma_wait3A_79 = arith.constant 0 : i32
      %dma_wait3A_80 = tpu.memref_slice %arg6[%rem3A_38, %dma_wait3A_78, %dma_wait3A_79] : memref<2x200x128xf32, #tpu.memory_space<vmem>> -> memref<1x100x128xf32, #tpu.memory_space<vmem>>
      %dma_wait3A_81 = tpu.memref_squeeze %dma_wait3A_80 : memref<1x100x128xf32, #tpu.memory_space<vmem>> -> memref<100x128xf32, #tpu.memory_space<vmem>>
      %dma_wait3A_82 = arith.constant 0 : i32
      %dma_wait3A_83 = tpu.memref_slice %arg5[%add3A_57, %dma_wait3A_82] : memref<50x100xi32, #tpu.memory_space<vmem>> -> memref<1x100xi32, #tpu.memory_space<vmem>>
      %dma_wait3A_84 = tpu.memref_squeeze %dma_wait3A_83 : memref<1x100xi32, #tpu.memory_space<vmem>> -> memref<100xi32, #tpu.memory_space<vmem>>
      %dma_wait3A_85 = arith.constant 0 : i32
      %dma_wait3A_86 = arith.constant 0 : i32
      %dma_wait3A_87 = tpu.memref_slice %arg2[%dma_wait3A_85, %dma_wait3A_86] : memref<10000x128xf32, #tpu.memory_space<hbm>> -> memref<10000x128xf32, #tpu.memory_space<hbm>>
      tpu.wait_indirect_dma semaphore(%arg7 : memref<!tpu.dma_semaphore, #tpu.memory_space<semaphore_mem>>) src(%dma_wait3A_87 : memref<10000x128xf32, #tpu.memory_space<hbm>>) dst(%dma_wait3A_81 : memref<100x128xf32, #tpu.memory_space<vmem>>)
      %mul3A_88 = arith.constant 200 : i32
      %mul3A_89 = arith.muli %scan3A_37, %mul3A_88 : i32
      %add3A_90 = arith.addi %mul3A_2, %mul3A_89 : i32
      %dma_start3A_91 = arith.constant 0 : i32
      %dma_start3A_92 = arith.constant 0 : i32
      %dma_start3A_93 = tpu.memref_slice %arg6[%rem3A_38, %dma_start3A_91, %dma_start3A_92] : memref<2x200x128xf32, #tpu.memory_space<vmem>> -> memref<1x200x128xf32, #tpu.memory_space<vmem>>
      %dma_start3A_94 = tpu.memref_squeeze %dma_start3A_93 : memref<1x200x128xf32, #tpu.memory_space<vmem>> -> memref<200x128xf32, #tpu.memory_space<vmem>>
      %dma_start3A_95 = arith.constant 0 : i32
      %dma_start3A_96 = tpu.memref_slice %arg4[%add3A_90, %dma_start3A_95] : memref<160000x128xf32, #tpu.memory_space<hbm>> -> memref<200x128xf32, #tpu.memory_space<hbm>>
      %dma_start3A_97 = arith.constant 0 : i32
      %dma_start3A_98 = tpu.memref_slice %arg4[%add3A_90, %dma_start3A_97] : memref<160000x128xf32, #tpu.memory_space<hbm>> -> memref<200x128xf32, #tpu.memory_space<hbm>>
      %dma_start3A_99 = arith.constant 0 : i32
      %dma_start3A_100 = arith.constant 0 : i32
      %dma_start3A_101 = tpu.memref_slice %arg6[%rem3A_38, %dma_start3A_99, %dma_start3A_100] : memref<2x200x128xf32, #tpu.memory_space<vmem>> -> memref<1x200x128xf32, #tpu.memory_space<vmem>>
      %dma_start3A_102 = tpu.memref_squeeze %dma_start3A_101 : memref<1x200x128xf32, #tpu.memory_space<vmem>> -> memref<200x128xf32, #tpu.memory_space<vmem>>
      tpu.enqueue_dma source(%dma_start3A_102 : memref<200x128xf32, #tpu.memory_space<vmem>>) target(%dma_start3A_98 : memref<200x128xf32, #tpu.memory_space<hbm>>) target_semaphore(%arg8 : memref<!tpu.dma_semaphore, #tpu.memory_space<semaphore_mem>>)
    }
    %scan3A_7 = arith.constant 25 : i32
    %dma_wait3A = arith.constant 0 : i32
    %dma_wait3A_8 = arith.constant 0 : i32
    %dma_wait3A_9 = arith.constant 0 : i32
    %dma_wait3A_10 = tpu.memref_slice %arg6[%dma_wait3A, %dma_wait3A_8, %dma_wait3A_9] : memref<2x200x128xf32, #tpu.memory_space<vmem>> -> memref<1x200x128xf32, #tpu.memory_space<vmem>>
    %dma_wait3A_11 = tpu.memref_squeeze %dma_wait3A_10 : memref<1x200x128xf32, #tpu.memory_space<vmem>> -> memref<200x128xf32, #tpu.memory_space<vmem>>
    %dma_wait3A_12 = arith.constant 0 : i32
    %dma_wait3A_13 = arith.constant 0 : i32
    %dma_wait3A_14 = tpu.memref_slice %arg4[%dma_wait3A_12, %dma_wait3A_13] : memref<160000x128xf32, #tpu.memory_space<hbm>> -> memref<200x128xf32, #tpu.memory_space<hbm>>
    %dma_wait3A_15 = arith.constant 0 : i32
    %dma_wait3A_16 = arith.constant 0 : i32
    %dma_wait3A_17 = tpu.memref_slice %arg4[%dma_wait3A_15, %dma_wait3A_16] : memref<160000x128xf32, #tpu.memory_space<hbm>> -> memref<200x128xf32, #tpu.memory_space<hbm>>
    %dma_wait3A_18 = arith.constant 0 : i32
    %dma_wait3A_19 = arith.constant 0 : i32
    %dma_wait3A_20 = tpu.memref_slice %arg6[%dma_wait3A, %dma_wait3A_18, %dma_wait3A_19] : memref<2x200x128xf32, #tpu.memory_space<vmem>> -> memref<1x200x128xf32, #tpu.memory_space<vmem>>
    %dma_wait3A_21 = tpu.memref_squeeze %dma_wait3A_20 : memref<1x200x128xf32, #tpu.memory_space<vmem>> -> memref<200x128xf32, #tpu.memory_space<vmem>>
    tpu.wait_dma2 semaphore(%arg8 : memref<!tpu.dma_semaphore, #tpu.memory_space<semaphore_mem>>) src(%dma_wait3A_21 : memref<200x128xf32, #tpu.memory_space<vmem>>) dst(%dma_wait3A_17 : memref<200x128xf32, #tpu.memory_space<hbm>>)
    %dma_wait3A_22 = arith.constant 0 : i32
    %dma_wait3A_23 = arith.constant 0 : i32
    %dma_wait3A_24 = arith.constant 0 : i32
    %dma_wait3A_25 = tpu.memref_slice %arg6[%dma_wait3A_22, %dma_wait3A_23, %dma_wait3A_24] : memref<2x200x128xf32, #tpu.memory_space<vmem>> -> memref<1x200x128xf32, #tpu.memory_space<vmem>>
    %dma_wait3A_26 = tpu.memref_squeeze %dma_wait3A_25 : memref<1x200x128xf32, #tpu.memory_space<vmem>> -> memref<200x128xf32, #tpu.memory_space<vmem>>
    %dma_wait3A_27 = arith.constant 0 : i32
    %dma_wait3A_28 = arith.constant 0 : i32
    %dma_wait3A_29 = tpu.memref_slice %arg4[%dma_wait3A_27, %dma_wait3A_28] : memref<160000x128xf32, #tpu.memory_space<hbm>> -> memref<200x128xf32, #tpu.memory_space<hbm>>
    %dma_wait3A_30 = arith.constant 0 : i32
    %dma_wait3A_31 = arith.constant 0 : i32
    %dma_wait3A_32 = tpu.memref_slice %arg4[%dma_wait3A_30, %dma_wait3A_31] : memref<160000x128xf32, #tpu.memory_space<hbm>> -> memref<200x128xf32, #tpu.memory_space<hbm>>
    %dma_wait3A_33 = arith.constant 0 : i32
    %dma_wait3A_34 = arith.constant 0 : i32
    %dma_wait3A_35 = tpu.memref_slice %arg6[%dma_wait3A_22, %dma_wait3A_33, %dma_wait3A_34] : memref<2x200x128xf32, #tpu.memory_space<vmem>> -> memref<1x200x128xf32, #tpu.memory_space<vmem>>
    %dma_wait3A_36 = tpu.memref_squeeze %dma_wait3A_35 : memref<1x200x128xf32, #tpu.memory_space<vmem>> -> memref<200x128xf32, #tpu.memory_space<vmem>>
    tpu.wait_dma2 semaphore(%arg8 : memref<!tpu.dma_semaphore, #tpu.memory_space<semaphore_mem>>) src(%dma_wait3A_36 : memref<200x128xf32, #tpu.memory_space<vmem>>) dst(%dma_wait3A_32 : memref<200x128xf32, #tpu.memory_space<hbm>>)
    return
  }
}

#map = affine_map<(d0, d1) -> (0, 0)>
#map1 = affine_map<(d0, d1) -> (0, 0, 0)>
module attributes {stable_mosaic.version = 14 : i64} {
  func.func @_sc_gather_body(%arg0: i32, %arg1: i32, %arg2: memref<10000x128xf32, #tpu.memory_space<hbm>>, %arg3: memref<32x50x100xi32, #tpu.memory_space<hbm>>, %arg4: memref<160000x128xf32, #tpu.memory_space<hbm>>, %arg5: memref<50x100xi32, #tpu.memory_space<vmem>>, %arg6: memref<2x200x128xf32, #tpu.memory_space<vmem>>, %arg7: memref<!tpu.dma_semaphore, #tpu.memory_space<semaphore_mem>>, %arg8: memref<!tpu.dma_semaphore, #tpu.memory_space<semaphore_mem>>) attributes {dimension_semantics = [#tpu.dimension_semantics<core_parallel>, #tpu.dimension_semantics<subcore_parallel>], iteration_bounds = array<i64: 2, 16>, scalar_prefetch = 0 : i64, scratch_operands = 4 : i64, tpu.core_type = #tpu.core_type<sc_vector_subcore>, window_params = [{transform_indices = #map}, {transform_indices = #map1}, {transform_indices = #map}]} {
    %mul3A = arith.constant 2 : i32
    %mul3A_0 = arith.muli %arg1, %mul3A : i32
    %add3A = arith.addi %mul3A_0, %arg0 : i32
    %mul3A_1 = arith.constant 5000 : i32
    %mul3A_2 = arith.muli %add3A, %mul3A_1 : i32
    "tpu.region"() ({
      %run_scoped3A = tpu.sem_alloc : memref<!tpu.dma_semaphore, #tpu.memory_space<semaphore_mem>>
      %dma_start3A = arith.constant 0 : i32
      %dma_start3A_37 = arith.constant 0 : i32
      %dma_start3A_38 = tpu.memref_slice %arg3[%add3A, %dma_start3A, %dma_start3A_37] : memref<32x50x100xi32, #tpu.memory_space<hbm>> -> memref<1x50x100xi32, #tpu.memory_space<hbm>>
      %dma_start3A_39 = tpu.memref_squeeze %dma_start3A_38 : memref<1x50x100xi32, #tpu.memory_space<hbm>> -> memref<50x100xi32, #tpu.memory_space<hbm>>
      %dma_start3A_40 = arith.constant 0 : i32
      %dma_start3A_41 = arith.constant 0 : i32
      %dma_start3A_42 = tpu.memref_slice %arg3[%add3A, %dma_start3A_40, %dma_start3A_41] : memref<32x50x100xi32, #tpu.memory_space<hbm>> -> memref<1x50x100xi32, #tpu.memory_space<hbm>>
      %dma_start3A_43 = tpu.memref_squeeze %dma_start3A_42 : memref<1x50x100xi32, #tpu.memory_space<hbm>> -> memref<50x100xi32, #tpu.memory_space<hbm>>
      tpu.enqueue_dma source(%dma_start3A_43 : memref<50x100xi32, #tpu.memory_space<hbm>>) target(%arg5 : memref<50x100xi32, #tpu.memory_space<vmem>>) target_semaphore(%run_scoped3A : memref<!tpu.dma_semaphore, #tpu.memory_space<semaphore_mem>>)
      %dma_wait3A_44 = arith.constant 0 : i32
      %dma_wait3A_45 = arith.constant 0 : i32
      %dma_wait3A_46 = tpu.memref_slice %arg3[%add3A, %dma_wait3A_44, %dma_wait3A_45] : memref<32x50x100xi32, #tpu.memory_space<hbm>> -> memref<1x50x100xi32, #tpu.memory_space<hbm>>
      %dma_wait3A_47 = tpu.memref_squeeze %dma_wait3A_46 : memref<1x50x100xi32, #tpu.memory_space<hbm>> -> memref<50x100xi32, #tpu.memory_space<hbm>>
      %dma_wait3A_48 = arith.constant 0 : i32
      %dma_wait3A_49 = arith.constant 0 : i32
      %dma_wait3A_50 = tpu.memref_slice %arg3[%add3A, %dma_wait3A_48, %dma_wait3A_49] : memref<32x50x100xi32, #tpu.memory_space<hbm>> -> memref<1x50x100xi32, #tpu.memory_space<hbm>>
      %dma_wait3A_51 = tpu.memref_squeeze %dma_wait3A_50 : memref<1x50x100xi32, #tpu.memory_space<hbm>> -> memref<50x100xi32, #tpu.memory_space<hbm>>
      tpu.wait_dma2 semaphore(%run_scoped3A : memref<!tpu.dma_semaphore, #tpu.memory_space<semaphore_mem>>) src(%dma_wait3A_51 : memref<50x100xi32, #tpu.memory_space<hbm>>) dst(%arg5 : memref<50x100xi32, #tpu.memory_space<vmem>>)
      tpu.yield
    }) : () -> ()
    %scan3A = arith.constant 0 : i32
    %scan3A_3 = arith.constant 0 : i32
    %scan3A_4 = arith.constant 25 : i32
    %scan3A_5 = arith.addi %scan3A_3, %scan3A_4 : i32
    %scan3A_6 = arith.constant 1 : i32
    scf.for %scan3A_37 = %scan3A_3 to %scan3A_5 step %scan3A_6  : i32 {
      %rem3A = arith.constant 2 : i32
      %rem3A_38 = arith.remsi %scan3A_37, %rem3A : i32
      %ge3A = arith.constant 2 : i32
      %ge3A_39 = arith.cmpi sge, %scan3A_37, %ge3A : i32
      %convert_element_type3A = arith.extui %ge3A_39 : i1 to i32
      %cond3A = arith.constant 0 : i32
      %cond3A_40 = arith.cmpi ne, %convert_element_type3A, %cond3A : i32
      scf.if %cond3A_40 {
        %dma_wait3A_103 = arith.constant 0 : i32
        %dma_wait3A_104 = arith.constant 0 : i32
        %dma_wait3A_105 = tpu.memref_slice %arg6[%rem3A_38, %dma_wait3A_103, %dma_wait3A_104] : memref<2x200x128xf32, #tpu.memory_space<vmem>> -> memref<1x200x128xf32, #tpu.memory_space<vmem>>
        %dma_wait3A_106 = tpu.memref_squeeze %dma_wait3A_105 : memref<1x200x128xf32, #tpu.memory_space<vmem>> -> memref<200x128xf32, #tpu.memory_space<vmem>>
        %dma_wait3A_107 = arith.constant 0 : i32
        %dma_wait3A_108 = arith.constant 0 : i32
        %dma_wait3A_109 = tpu.memref_slice %arg4[%dma_wait3A_107, %dma_wait3A_108] : memref<160000x128xf32, #tpu.memory_space<hbm>> -> memref<200x128xf32, #tpu.memory_space<hbm>>
        %dma_wait3A_110 = arith.constant 0 : i32
        %dma_wait3A_111 = arith.constant 0 : i32
        %dma_wait3A_112 = tpu.memref_slice %arg4[%dma_wait3A_110, %dma_wait3A_111] : memref<160000x128xf32, #tpu.memory_space<hbm>> -> memref<200x128xf32, #tpu.memory_space<hbm>>
        %dma_wait3A_113 = arith.constant 0 : i32
        %dma_wait3A_114 = arith.constant 0 : i32
        %dma_wait3A_115 = tpu.memref_slice %arg6[%rem3A_38, %dma_wait3A_113, %dma_wait3A_114] : memref<2x200x128xf32, #tpu.memory_space<vmem>> -> memref<1x200x128xf32, #tpu.memory_space<vmem>>
        %dma_wait3A_116 = tpu.memref_squeeze %dma_wait3A_115 : memref<1x200x128xf32, #tpu.memory_space<vmem>> -> memref<200x128xf32, #tpu.memory_space<vmem>>
        tpu.wait_dma2 semaphore(%arg8 : memref<!tpu.dma_semaphore, #tpu.memory_space<semaphore_mem>>) src(%dma_wait3A_116 : memref<200x128xf32, #tpu.memory_space<vmem>>) dst(%dma_wait3A_112 : memref<200x128xf32, #tpu.memory_space<hbm>>)
      } else {
      }
      %mul3A_41 = arith.constant 2 : i32
      %mul3A_42 = arith.muli %scan3A_37, %mul3A_41 : i32
      %add3A_43 = arith.constant 0 : i32
      %add3A_44 = arith.addi %mul3A_42, %add3A_43 : i32
      %dma_start3A = arith.constant 0 : i32
      %dma_start3A_45 = arith.constant 0 : i32
      %dma_start3A_46 = tpu.memref_slice %arg6[%rem3A_38, %dma_start3A, %dma_start3A_45] : memref<2x200x128xf32, #tpu.memory_space<vmem>> -> memref<1x100x128xf32, #tpu.memory_space<vmem>>
      %dma_start3A_47 = tpu.memref_squeeze %dma_start3A_46 : memref<1x100x128xf32, #tpu.memory_space<vmem>> -> memref<100x128xf32, #tpu.memory_space<vmem>>
      %dma_start3A_48 = arith.constant 0 : i32
      %dma_start3A_49 = tpu.memref_slice %arg5[%add3A_44, %dma_start3A_48] : memref<50x100xi32, #tpu.memory_space<vmem>> -> memref<1x100xi32, #tpu.memory_space<vmem>>
      %dma_start3A_50 = tpu.memref_squeeze %dma_start3A_49 : memref<1x100xi32, #tpu.memory_space<vmem>> -> memref<100xi32, #tpu.memory_space<vmem>>
      %dma_start3A_51 = arith.constant 0 : i32
      %dma_start3A_52 = arith.constant 0 : i32
      %dma_start3A_53 = tpu.memref_slice %arg2[%dma_start3A_51, %dma_start3A_52] : memref<10000x128xf32, #tpu.memory_space<hbm>> -> memref<10000x128xf32, #tpu.memory_space<hbm>>
      tpu.enqueue_indirect_dma source(%dma_start3A_53 : memref<10000x128xf32, #tpu.memory_space<hbm>>) target(%dma_start3A_47 : memref<100x128xf32, #tpu.memory_space<vmem>>) offsets(%dma_start3A_50 : memref<100xi32, #tpu.memory_space<vmem>>) semaphore(%arg7 : memref<!tpu.dma_semaphore, #tpu.memory_space<semaphore_mem>>)
      %mul3A_54 = arith.constant 2 : i32
      %mul3A_55 = arith.muli %scan3A_37, %mul3A_54 : i32
      %add3A_56 = arith.constant 1 : i32
      %add3A_57 = arith.addi %mul3A_55, %add3A_56 : i32
      %dma_start3A_58 = arith.constant 100 : i32
      %dma_start3A_59 = arith.constant 0 : i32
      %dma_start3A_60 = tpu.memref_slice %arg6[%rem3A_38, %dma_start3A_58, %dma_start3A_59] : memref<2x200x128xf32, #tpu.memory_space<vmem>> -> memref<1x100x128xf32, #tpu.memory_space<vmem>>
      %dma_start3A_61 = tpu.memref_squeeze %dma_start3A_60 : memref<1x100x128xf32, #tpu.memory_space<vmem>> -> memref<100x128xf32, #tpu.memory_space<vmem>>
      %dma_start3A_62 = arith.constant 0 : i32
      %dma_start3A_63 = tpu.memref_slice %arg5[%add3A_57, %dma_start3A_62] : memref<50x100xi32, #tpu.memory_space<vmem>> -> memref<1x100xi32, #tpu.memory_space<vmem>>
      %dma_start3A_64 = tpu.memref_squeeze %dma_start3A_63 : memref<1x100xi32, #tpu.memory_space<vmem>> -> memref<100xi32, #tpu.memory_space<vmem>>
      %dma_start3A_65 = arith.constant 0 : i32
      %dma_start3A_66 = arith.constant 0 : i32
      %dma_start3A_67 = tpu.memref_slice %arg2[%dma_start3A_65, %dma_start3A_66] : memref<10000x128xf32, #tpu.memory_space<hbm>> -> memref<10000x128xf32, #tpu.memory_space<hbm>>
      tpu.enqueue_indirect_dma source(%dma_start3A_67 : memref<10000x128xf32, #tpu.memory_space<hbm>>) target(%dma_start3A_61 : memref<100x128xf32, #tpu.memory_space<vmem>>) offsets(%dma_start3A_64 : memref<100xi32, #tpu.memory_space<vmem>>) semaphore(%arg7 : memref<!tpu.dma_semaphore, #tpu.memory_space<semaphore_mem>>)
      %dma_wait3A_68 = arith.constant 0 : i32
      %dma_wait3A_69 = arith.constant 0 : i32
      %dma_wait3A_70 = tpu.memref_slice %arg6[%rem3A_38, %dma_wait3A_68, %dma_wait3A_69] : memref<2x200x128xf32, #tpu.memory_space<vmem>> -> memref<1x100x128xf32, #tpu.memory_space<vmem>>
      %dma_wait3A_71 = tpu.memref_squeeze %dma_wait3A_70 : memref<1x100x128xf32, #tpu.memory_space<vmem>> -> memref<100x128xf32, #tpu.memory_space<vmem>>
      %dma_wait3A_72 = arith.constant 0 : i32
      %dma_wait3A_73 = tpu.memref_slice %arg5[%add3A_44, %dma_wait3A_72] : memref<50x100xi32, #tpu.memory_space<vmem>> -> memref<1x100xi32, #tpu.memory_space<vmem>>
      %dma_wait3A_74 = tpu.memref_squeeze %dma_wait3A_73 : memref<1x100xi32, #tpu.memory_space<vmem>> -> memref<100xi32, #tpu.memory_space<vmem>>
      %dma_wait3A_75 = arith.constant 0 : i32
      %dma_wait3A_76 = arith.constant 0 : i32
      %dma_wait3A_77 = tpu.memref_slice %arg2[%dma_wait3A_75, %dma_wait3A_76] : memref<10000x128xf32, #tpu.memory_space<hbm>> -> memref<10000x128xf32, #tpu.memory_space<hbm>>
      tpu.wait_indirect_dma semaphore(%arg7 : memref<!tpu.dma_semaphore, #tpu.memory_space<semaphore_mem>>) src(%dma_wait3A_77 : memref<10000x128xf32, #tpu.memory_space<hbm>>) dst(%dma_wait3A_71 : memref<100x128xf32, #tpu.memory_space<vmem>>)
      %dma_wait3A_78 = arith.constant 100 : i32
      %dma_wait3A_79 = arith.constant 0 : i32
      %dma_wait3A_80 = tpu.memref_slice %arg6[%rem3A_38, %dma_wait3A_78, %dma_wait3A_79] : memref<2x200x128xf32, #tpu.memory_space<vmem>> -> memref<1x100x128xf32, #tpu.memory_space<vmem>>
      %dma_wait3A_81 = tpu.memref_squeeze %dma_wait3A_80 : memref<1x100x128xf32, #tpu.memory_space<vmem>> -> memref<100x128xf32, #tpu.memory_space<vmem>>
      %dma_wait3A_82 = arith.constant 0 : i32
      %dma_wait3A_83 = tpu.memref_slice %arg5[%add3A_57, %dma_wait3A_82] : memref<50x100xi32, #tpu.memory_space<vmem>> -> memref<1x100xi32, #tpu.memory_space<vmem>>
      %dma_wait3A_84 = tpu.memref_squeeze %dma_wait3A_83 : memref<1x100xi32, #tpu.memory_space<vmem>> -> memref<100xi32, #tpu.memory_space<vmem>>
      %dma_wait3A_85 = arith.constant 0 : i32
      %dma_wait3A_86 = arith.constant 0 : i32
      %dma_wait3A_87 = tpu.memref_slice %arg2[%dma_wait3A_85, %dma_wait3A_86] : memref<10000x128xf32, #tpu.memory_space<hbm>> -> memref<10000x128xf32, #tpu.memory_space<hbm>>
      tpu.wait_indirect_dma semaphore(%arg7 : memref<!tpu.dma_semaphore, #tpu.memory_space<semaphore_mem>>) src(%dma_wait3A_87 : memref<10000x128xf32, #tpu.memory_space<hbm>>) dst(%dma_wait3A_81 : memref<100x128xf32, #tpu.memory_space<vmem>>)
      %mul3A_88 = arith.constant 200 : i32
      %mul3A_89 = arith.muli %scan3A_37, %mul3A_88 : i32
      %add3A_90 = arith.addi %mul3A_2, %mul3A_89 : i32
      %dma_start3A_91 = arith.constant 0 : i32
      %dma_start3A_92 = arith.constant 0 : i32
      %dma_start3A_93 = tpu.memref_slice %arg6[%rem3A_38, %dma_start3A_91, %dma_start3A_92] : memref<2x200x128xf32, #tpu.memory_space<vmem>> -> memref<1x200x128xf32, #tpu.memory_space<vmem>>
      %dma_start3A_94 = tpu.memref_squeeze %dma_start3A_93 : memref<1x200x128xf32, #tpu.memory_space<vmem>> -> memref<200x128xf32, #tpu.memory_space<vmem>>
      %dma_start3A_95 = arith.constant 0 : i32
      %dma_start3A_96 = tpu.memref_slice %arg4[%add3A_90, %dma_start3A_95] : memref<160000x128xf32, #tpu.memory_space<hbm>> -> memref<200x128xf32, #tpu.memory_space<hbm>>
      %dma_start3A_97 = arith.constant 0 : i32
      %dma_start3A_98 = tpu.memref_slice %arg4[%add3A_90, %dma_start3A_97] : memref<160000x128xf32, #tpu.memory_space<hbm>> -> memref<200x128xf32, #tpu.memory_space<hbm>>
      %dma_start3A_99 = arith.constant 0 : i32
      %dma_start3A_100 = arith.constant 0 : i32
      %dma_start3A_101 = tpu.memref_slice %arg6[%rem3A_38, %dma_start3A_99, %dma_start3A_100] : memref<2x200x128xf32, #tpu.memory_space<vmem>> -> memref<1x200x128xf32, #tpu.memory_space<vmem>>
      %dma_start3A_102 = tpu.memref_squeeze %dma_start3A_101 : memref<1x200x128xf32, #tpu.memory_space<vmem>> -> memref<200x128xf32, #tpu.memory_space<vmem>>
      tpu.enqueue_dma source(%dma_start3A_102 : memref<200x128xf32, #tpu.memory_space<vmem>>) target(%dma_start3A_98 : memref<200x128xf32, #tpu.memory_space<hbm>>) target_semaphore(%arg8 : memref<!tpu.dma_semaphore, #tpu.memory_space<semaphore_mem>>)
    }
    %scan3A_7 = arith.constant 25 : i32
    %dma_wait3A = arith.constant 0 : i32
    %dma_wait3A_8 = arith.constant 0 : i32
    %dma_wait3A_9 = arith.constant 0 : i32
    %dma_wait3A_10 = tpu.memref_slice %arg6[%dma_wait3A, %dma_wait3A_8, %dma_wait3A_9] : memref<2x200x128xf32, #tpu.memory_space<vmem>> -> memref<1x200x128xf32, #tpu.memory_space<vmem>>
    %dma_wait3A_11 = tpu.memref_squeeze %dma_wait3A_10 : memref<1x200x128xf32, #tpu.memory_space<vmem>> -> memref<200x128xf32, #tpu.memory_space<vmem>>
    %dma_wait3A_12 = arith.constant 0 : i32
    %dma_wait3A_13 = arith.constant 0 : i32
    %dma_wait3A_14 = tpu.memref_slice %arg4[%dma_wait3A_12, %dma_wait3A_13] : memref<160000x128xf32, #tpu.memory_space<hbm>> -> memref<200x128xf32, #tpu.memory_space<hbm>>
    %dma_wait3A_15 = arith.constant 0 : i32
    %dma_wait3A_16 = arith.constant 0 : i32
    %dma_wait3A_17 = tpu.memref_slice %arg4[%dma_wait3A_15, %dma_wait3A_16] : memref<160000x128xf32, #tpu.memory_space<hbm>> -> memref<200x128xf32, #tpu.memory_space<hbm>>
    %dma_wait3A_18 = arith.constant 0 : i32
    %dma_wait3A_19 = arith.constant 0 : i32
    %dma_wait3A_20 = tpu.memref_slice %arg6[%dma_wait3A, %dma_wait3A_18, %dma_wait3A_19] : memref<2x200x128xf32, #tpu.memory_space<vmem>> -> memref<1x200x128xf32, #tpu.memory_space<vmem>>
    %dma_wait3A_21 = tpu.memref_squeeze %dma_wait3A_20 : memref<1x200x128xf32, #tpu.memory_space<vmem>> -> memref<200x128xf32, #tpu.memory_space<vmem>>
    tpu.wait_dma2 semaphore(%arg8 : memref<!tpu.dma_semaphore, #tpu.memory_space<semaphore_mem>>) src(%dma_wait3A_21 : memref<200x128xf32, #tpu.memory_space<vmem>>) dst(%dma_wait3A_17 : memref<200x128xf32, #tpu.memory_space<hbm>>)
    %dma_wait3A_22 = arith.constant 0 : i32
    %dma_wait3A_23 = arith.constant 0 : i32
    %dma_wait3A_24 = arith.constant 0 : i32
    %dma_wait3A_25 = tpu.memref_slice %arg6[%dma_wait3A_22, %dma_wait3A_23, %dma_wait3A_24] : memref<2x200x128xf32, #tpu.memory_space<vmem>> -> memref<1x200x128xf32, #tpu.memory_space<vmem>>
    %dma_wait3A_26 = tpu.memref_squeeze %dma_wait3A_25 : memref<1x200x128xf32, #tpu.memory_space<vmem>> -> memref<200x128xf32, #tpu.memory_space<vmem>>
    %dma_wait3A_27 = arith.constant 0 : i32
    %dma_wait3A_28 = arith.constant 0 : i32
    %dma_wait3A_29 = tpu.memref_slice %arg4[%dma_wait3A_27, %dma_wait3A_28] : memref<160000x128xf32, #tpu.memory_space<hbm>> -> memref<200x128xf32, #tpu.memory_space<hbm>>
    %dma_wait3A_30 = arith.constant 0 : i32
    %dma_wait3A_31 = arith.constant 0 : i32
    %dma_wait3A_32 = tpu.memref_slice %arg4[%dma_wait3A_30, %dma_wait3A_31] : memref<160000x128xf32, #tpu.memory_space<hbm>> -> memref<200x128xf32, #tpu.memory_space<hbm>>
    %dma_wait3A_33 = arith.constant 0 : i32
    %dma_wait3A_34 = arith.constant 0 : i32
    %dma_wait3A_35 = tpu.memref_slice %arg6[%dma_wait3A_22, %dma_wait3A_33, %dma_wait3A_34] : memref<2x200x128xf32, #tpu.memory_space<vmem>> -> memref<1x200x128xf32, #tpu.memory_space<vmem>>
    %dma_wait3A_36 = tpu.memref_squeeze %dma_wait3A_35 : memref<1x200x128xf32, #tpu.memory_space<vmem>> -> memref<200x128xf32, #tpu.memory_space<vmem>>
    tpu.wait_dma2 semaphore(%arg8 : memref<!tpu.dma_semaphore, #tpu.memory_space<semaphore_mem>>) src(%dma_wait3A_36 : memref<200x128xf32, #tpu.memory_space<vmem>>) dst(%dma_wait3A_32 : memref<200x128xf32, #tpu.memory_space<hbm>>)
    return
  }
}

#map = affine_map<(d0, d1) -> (0, 0)>
#map1 = affine_map<(d0, d1) -> (0, 0, 0)>
module attributes {stable_mosaic.version = 14 : i64} {
  func.func @_sc_gather_body(%arg0: i32, %arg1: i32, %arg2: memref<10000x128xf32, #tpu.memory_space<hbm>>, %arg3: memref<32x50x100xi32, #tpu.memory_space<hbm>>, %arg4: memref<160000x128xf32, #tpu.memory_space<hbm>>, %arg5: memref<50x100xi32, #tpu.memory_space<vmem>>, %arg6: memref<2x200x128xf32, #tpu.memory_space<vmem>>, %arg7: memref<!tpu.dma_semaphore, #tpu.memory_space<semaphore_mem>>, %arg8: memref<!tpu.dma_semaphore, #tpu.memory_space<semaphore_mem>>) attributes {dimension_semantics = [#tpu.dimension_semantics<core_parallel>, #tpu.dimension_semantics<subcore_parallel>], iteration_bounds = array<i64: 2, 16>, scalar_prefetch = 0 : i64, scratch_operands = 4 : i64, tpu.core_type = #tpu.core_type<sc_vector_subcore>, window_params = [{transform_indices = #map}, {transform_indices = #map1}, {transform_indices = #map}]} {
    %mul3A = arith.constant 2 : i32
    %mul3A_0 = arith.muli %arg1, %mul3A : i32
    %add3A = arith.addi %mul3A_0, %arg0 : i32
    %mul3A_1 = arith.constant 5000 : i32
    %mul3A_2 = arith.muli %add3A, %mul3A_1 : i32
    "tpu.region"() ({
      %run_scoped3A = tpu.sem_alloc : memref<!tpu.dma_semaphore, #tpu.memory_space<semaphore_mem>>
      %dma_start3A = arith.constant 0 : i32
      %dma_start3A_37 = arith.constant 0 : i32
      %dma_start3A_38 = tpu.memref_slice %arg3[%add3A, %dma_start3A, %dma_start3A_37] : memref<32x50x100xi32, #tpu.memory_space<hbm>> -> memref<1x50x100xi32, #tpu.memory_space<hbm>>
      %dma_start3A_39 = tpu.memref_squeeze %dma_start3A_38 : memref<1x50x100xi32, #tpu.memory_space<hbm>> -> memref<50x100xi32, #tpu.memory_space<hbm>>
      %dma_start3A_40 = arith.constant 0 : i32
      %dma_start3A_41 = arith.constant 0 : i32
      %dma_start3A_42 = tpu.memref_slice %arg3[%add3A, %dma_start3A_40, %dma_start3A_41] : memref<32x50x100xi32, #tpu.memory_space<hbm>> -> memref<1x50x100xi32, #tpu.memory_space<hbm>>
      %dma_start3A_43 = tpu.memref_squeeze %dma_start3A_42 : memref<1x50x100xi32, #tpu.memory_space<hbm>> -> memref<50x100xi32, #tpu.memory_space<hbm>>
      tpu.enqueue_dma source(%dma_start3A_43 : memref<50x100xi32, #tpu.memory_space<hbm>>) target(%arg5 : memref<50x100xi32, #tpu.memory_space<vmem>>) target_semaphore(%run_scoped3A : memref<!tpu.dma_semaphore, #tpu.memory_space<semaphore_mem>>)
      %dma_wait3A_44 = arith.constant 0 : i32
      %dma_wait3A_45 = arith.constant 0 : i32
      %dma_wait3A_46 = tpu.memref_slice %arg3[%add3A, %dma_wait3A_44, %dma_wait3A_45] : memref<32x50x100xi32, #tpu.memory_space<hbm>> -> memref<1x50x100xi32, #tpu.memory_space<hbm>>
      %dma_wait3A_47 = tpu.memref_squeeze %dma_wait3A_46 : memref<1x50x100xi32, #tpu.memory_space<hbm>> -> memref<50x100xi32, #tpu.memory_space<hbm>>
      %dma_wait3A_48 = arith.constant 0 : i32
      %dma_wait3A_49 = arith.constant 0 : i32
      %dma_wait3A_50 = tpu.memref_slice %arg3[%add3A, %dma_wait3A_48, %dma_wait3A_49] : memref<32x50x100xi32, #tpu.memory_space<hbm>> -> memref<1x50x100xi32, #tpu.memory_space<hbm>>
      %dma_wait3A_51 = tpu.memref_squeeze %dma_wait3A_50 : memref<1x50x100xi32, #tpu.memory_space<hbm>> -> memref<50x100xi32, #tpu.memory_space<hbm>>
      tpu.wait_dma2 semaphore(%run_scoped3A : memref<!tpu.dma_semaphore, #tpu.memory_space<semaphore_mem>>) src(%dma_wait3A_51 : memref<50x100xi32, #tpu.memory_space<hbm>>) dst(%arg5 : memref<50x100xi32, #tpu.memory_space<vmem>>)
      tpu.yield
    }) : () -> ()
    %scan3A = arith.constant 0 : i32
    %scan3A_3 = arith.constant 0 : i32
    %scan3A_4 = arith.constant 25 : i32
    %scan3A_5 = arith.addi %scan3A_3, %scan3A_4 : i32
    %scan3A_6 = arith.constant 1 : i32
    scf.for %scan3A_37 = %scan3A_3 to %scan3A_5 step %scan3A_6  : i32 {
      %rem3A = arith.constant 2 : i32
      %rem3A_38 = arith.remsi %scan3A_37, %rem3A : i32
      %ge3A = arith.constant 2 : i32
      %ge3A_39 = arith.cmpi sge, %scan3A_37, %ge3A : i32
      %convert_element_type3A = arith.extui %ge3A_39 : i1 to i32
      %cond3A = arith.constant 0 : i32
      %cond3A_40 = arith.cmpi ne, %convert_element_type3A, %cond3A : i32
      scf.if %cond3A_40 {
        %dma_wait3A_103 = arith.constant 0 : i32
        %dma_wait3A_104 = arith.constant 0 : i32
        %dma_wait3A_105 = tpu.memref_slice %arg6[%rem3A_38, %dma_wait3A_103, %dma_wait3A_104] : memref<2x200x128xf32, #tpu.memory_space<vmem>> -> memref<1x200x128xf32, #tpu.memory_space<vmem>>
        %dma_wait3A_106 = tpu.memref_squeeze %dma_wait3A_105 : memref<1x200x128xf32, #tpu.memory_space<vmem>> -> memref<200x128xf32, #tpu.memory_space<vmem>>
        %dma_wait3A_107 = arith.constant 0 : i32
        %dma_wait3A_108 = arith.constant 0 : i32
        %dma_wait3A_109 = tpu.memref_slice %arg4[%dma_wait3A_107, %dma_wait3A_108] : memref<160000x128xf32, #tpu.memory_space<hbm>> -> memref<200x128xf32, #tpu.memory_space<hbm>>
        %dma_wait3A_110 = arith.constant 0 : i32
        %dma_wait3A_111 = arith.constant 0 : i32
        %dma_wait3A_112 = tpu.memref_slice %arg4[%dma_wait3A_110, %dma_wait3A_111] : memref<160000x128xf32, #tpu.memory_space<hbm>> -> memref<200x128xf32, #tpu.memory_space<hbm>>
        %dma_wait3A_113 = arith.constant 0 : i32
        %dma_wait3A_114 = arith.constant 0 : i32
        %dma_wait3A_115 = tpu.memref_slice %arg6[%rem3A_38, %dma_wait3A_113, %dma_wait3A_114] : memref<2x200x128xf32, #tpu.memory_space<vmem>> -> memref<1x200x128xf32, #tpu.memory_space<vmem>>
        %dma_wait3A_116 = tpu.memref_squeeze %dma_wait3A_115 : memref<1x200x128xf32, #tpu.memory_space<vmem>> -> memref<200x128xf32, #tpu.memory_space<vmem>>
        tpu.wait_dma2 semaphore(%arg8 : memref<!tpu.dma_semaphore, #tpu.memory_space<semaphore_mem>>) src(%dma_wait3A_116 : memref<200x128xf32, #tpu.memory_space<vmem>>) dst(%dma_wait3A_112 : memref<200x128xf32, #tpu.memory_space<hbm>>)
      } else {
      }
      %mul3A_41 = arith.constant 2 : i32
      %mul3A_42 = arith.muli %scan3A_37, %mul3A_41 : i32
      %add3A_43 = arith.constant 0 : i32
      %add3A_44 = arith.addi %mul3A_42, %add3A_43 : i32
      %dma_start3A = arith.constant 0 : i32
      %dma_start3A_45 = arith.constant 0 : i32
      %dma_start3A_46 = tpu.memref_slice %arg6[%rem3A_38, %dma_start3A, %dma_start3A_45] : memref<2x200x128xf32, #tpu.memory_space<vmem>> -> memref<1x100x128xf32, #tpu.memory_space<vmem>>
      %dma_start3A_47 = tpu.memref_squeeze %dma_start3A_46 : memref<1x100x128xf32, #tpu.memory_space<vmem>> -> memref<100x128xf32, #tpu.memory_space<vmem>>
      %dma_start3A_48 = arith.constant 0 : i32
      %dma_start3A_49 = tpu.memref_slice %arg5[%add3A_44, %dma_start3A_48] : memref<50x100xi32, #tpu.memory_space<vmem>> -> memref<1x100xi32, #tpu.memory_space<vmem>>
      %dma_start3A_50 = tpu.memref_squeeze %dma_start3A_49 : memref<1x100xi32, #tpu.memory_space<vmem>> -> memref<100xi32, #tpu.memory_space<vmem>>
      %dma_start3A_51 = arith.constant 0 : i32
      %dma_start3A_52 = arith.constant 0 : i32
      %dma_start3A_53 = tpu.memref_slice %arg2[%dma_start3A_51, %dma_start3A_52] : memref<10000x128xf32, #tpu.memory_space<hbm>> -> memref<10000x128xf32, #tpu.memory_space<hbm>>
      tpu.enqueue_indirect_dma source(%dma_start3A_53 : memref<10000x128xf32, #tpu.memory_space<hbm>>) target(%dma_start3A_47 : memref<100x128xf32, #tpu.memory_space<vmem>>) offsets(%dma_start3A_50 : memref<100xi32, #tpu.memory_space<vmem>>) semaphore(%arg7 : memref<!tpu.dma_semaphore, #tpu.memory_space<semaphore_mem>>)
      %mul3A_54 = arith.constant 2 : i32
      %mul3A_55 = arith.muli %scan3A_37, %mul3A_54 : i32
      %add3A_56 = arith.constant 1 : i32
      %add3A_57 = arith.addi %mul3A_55, %add3A_56 : i32
      %dma_start3A_58 = arith.constant 100 : i32
      %dma_start3A_59 = arith.constant 0 : i32
      %dma_start3A_60 = tpu.memref_slice %arg6[%rem3A_38, %dma_start3A_58, %dma_start3A_59] : memref<2x200x128xf32, #tpu.memory_space<vmem>> -> memref<1x100x128xf32, #tpu.memory_space<vmem>>
      %dma_start3A_61 = tpu.memref_squeeze %dma_start3A_60 : memref<1x100x128xf32, #tpu.memory_space<vmem>> -> memref<100x128xf32, #tpu.memory_space<vmem>>
      %dma_start3A_62 = arith.constant 0 : i32
      %dma_start3A_63 = tpu.memref_slice %arg5[%add3A_57, %dma_start3A_62] : memref<50x100xi32, #tpu.memory_space<vmem>> -> memref<1x100xi32, #tpu.memory_space<vmem>>
      %dma_start3A_64 = tpu.memref_squeeze %dma_start3A_63 : memref<1x100xi32, #tpu.memory_space<vmem>> -> memref<100xi32, #tpu.memory_space<vmem>>
      %dma_start3A_65 = arith.constant 0 : i32
      %dma_start3A_66 = arith.constant 0 : i32
      %dma_start3A_67 = tpu.memref_slice %arg2[%dma_start3A_65, %dma_start3A_66] : memref<10000x128xf32, #tpu.memory_space<hbm>> -> memref<10000x128xf32, #tpu.memory_space<hbm>>
      tpu.enqueue_indirect_dma source(%dma_start3A_67 : memref<10000x128xf32, #tpu.memory_space<hbm>>) target(%dma_start3A_61 : memref<100x128xf32, #tpu.memory_space<vmem>>) offsets(%dma_start3A_64 : memref<100xi32, #tpu.memory_space<vmem>>) semaphore(%arg7 : memref<!tpu.dma_semaphore, #tpu.memory_space<semaphore_mem>>)
      %dma_wait3A_68 = arith.constant 0 : i32
      %dma_wait3A_69 = arith.constant 0 : i32
      %dma_wait3A_70 = tpu.memref_slice %arg6[%rem3A_38, %dma_wait3A_68, %dma_wait3A_69] : memref<2x200x128xf32, #tpu.memory_space<vmem>> -> memref<1x100x128xf32, #tpu.memory_space<vmem>>
      %dma_wait3A_71 = tpu.memref_squeeze %dma_wait3A_70 : memref<1x100x128xf32, #tpu.memory_space<vmem>> -> memref<100x128xf32, #tpu.memory_space<vmem>>
      %dma_wait3A_72 = arith.constant 0 : i32
      %dma_wait3A_73 = tpu.memref_slice %arg5[%add3A_44, %dma_wait3A_72] : memref<50x100xi32, #tpu.memory_space<vmem>> -> memref<1x100xi32, #tpu.memory_space<vmem>>
      %dma_wait3A_74 = tpu.memref_squeeze %dma_wait3A_73 : memref<1x100xi32, #tpu.memory_space<vmem>> -> memref<100xi32, #tpu.memory_space<vmem>>
      %dma_wait3A_75 = arith.constant 0 : i32
      %dma_wait3A_76 = arith.constant 0 : i32
      %dma_wait3A_77 = tpu.memref_slice %arg2[%dma_wait3A_75, %dma_wait3A_76] : memref<10000x128xf32, #tpu.memory_space<hbm>> -> memref<10000x128xf32, #tpu.memory_space<hbm>>
      tpu.wait_indirect_dma semaphore(%arg7 : memref<!tpu.dma_semaphore, #tpu.memory_space<semaphore_mem>>) src(%dma_wait3A_77 : memref<10000x128xf32, #tpu.memory_space<hbm>>) dst(%dma_wait3A_71 : memref<100x128xf32, #tpu.memory_space<vmem>>)
      %dma_wait3A_78 = arith.constant 100 : i32
      %dma_wait3A_79 = arith.constant 0 : i32
      %dma_wait3A_80 = tpu.memref_slice %arg6[%rem3A_38, %dma_wait3A_78, %dma_wait3A_79] : memref<2x200x128xf32, #tpu.memory_space<vmem>> -> memref<1x100x128xf32, #tpu.memory_space<vmem>>
      %dma_wait3A_81 = tpu.memref_squeeze %dma_wait3A_80 : memref<1x100x128xf32, #tpu.memory_space<vmem>> -> memref<100x128xf32, #tpu.memory_space<vmem>>
      %dma_wait3A_82 = arith.constant 0 : i32
      %dma_wait3A_83 = tpu.memref_slice %arg5[%add3A_57, %dma_wait3A_82] : memref<50x100xi32, #tpu.memory_space<vmem>> -> memref<1x100xi32, #tpu.memory_space<vmem>>
      %dma_wait3A_84 = tpu.memref_squeeze %dma_wait3A_83 : memref<1x100xi32, #tpu.memory_space<vmem>> -> memref<100xi32, #tpu.memory_space<vmem>>
      %dma_wait3A_85 = arith.constant 0 : i32
      %dma_wait3A_86 = arith.constant 0 : i32
      %dma_wait3A_87 = tpu.memref_slice %arg2[%dma_wait3A_85, %dma_wait3A_86] : memref<10000x128xf32, #tpu.memory_space<hbm>> -> memref<10000x128xf32, #tpu.memory_space<hbm>>
      tpu.wait_indirect_dma semaphore(%arg7 : memref<!tpu.dma_semaphore, #tpu.memory_space<semaphore_mem>>) src(%dma_wait3A_87 : memref<10000x128xf32, #tpu.memory_space<hbm>>) dst(%dma_wait3A_81 : memref<100x128xf32, #tpu.memory_space<vmem>>)
      %mul3A_88 = arith.constant 200 : i32
      %mul3A_89 = arith.muli %scan3A_37, %mul3A_88 : i32
      %add3A_90 = arith.addi %mul3A_2, %mul3A_89 : i32
      %dma_start3A_91 = arith.constant 0 : i32
      %dma_start3A_92 = arith.constant 0 : i32
      %dma_start3A_93 = tpu.memref_slice %arg6[%rem3A_38, %dma_start3A_91, %dma_start3A_92] : memref<2x200x128xf32, #tpu.memory_space<vmem>> -> memref<1x200x128xf32, #tpu.memory_space<vmem>>
      %dma_start3A_94 = tpu.memref_squeeze %dma_start3A_93 : memref<1x200x128xf32, #tpu.memory_space<vmem>> -> memref<200x128xf32, #tpu.memory_space<vmem>>
      %dma_start3A_95 = arith.constant 0 : i32
      %dma_start3A_96 = tpu.memref_slice %arg4[%add3A_90, %dma_start3A_95] : memref<160000x128xf32, #tpu.memory_space<hbm>> -> memref<200x128xf32, #tpu.memory_space<hbm>>
      %dma_start3A_97 = arith.constant 0 : i32
      %dma_start3A_98 = tpu.memref_slice %arg4[%add3A_90, %dma_start3A_97] : memref<160000x128xf32, #tpu.memory_space<hbm>> -> memref<200x128xf32, #tpu.memory_space<hbm>>
      %dma_start3A_99 = arith.constant 0 : i32
      %dma_start3A_100 = arith.constant 0 : i32
      %dma_start3A_101 = tpu.memref_slice %arg6[%rem3A_38, %dma_start3A_99, %dma_start3A_100] : memref<2x200x128xf32, #tpu.memory_space<vmem>> -> memref<1x200x128xf32, #tpu.memory_space<vmem>>
      %dma_start3A_102 = tpu.memref_squeeze %dma_start3A_101 : memref<1x200x128xf32, #tpu.memory_space<vmem>> -> memref<200x128xf32, #tpu.memory_space<vmem>>
      tpu.enqueue_dma source(%dma_start3A_102 : memref<200x128xf32, #tpu.memory_space<vmem>>) target(%dma_start3A_98 : memref<200x128xf32, #tpu.memory_space<hbm>>) target_semaphore(%arg8 : memref<!tpu.dma_semaphore, #tpu.memory_space<semaphore_mem>>)
    }
    %scan3A_7 = arith.constant 25 : i32
    %dma_wait3A = arith.constant 0 : i32
    %dma_wait3A_8 = arith.constant 0 : i32
    %dma_wait3A_9 = arith.constant 0 : i32
    %dma_wait3A_10 = tpu.memref_slice %arg6[%dma_wait3A, %dma_wait3A_8, %dma_wait3A_9] : memref<2x200x128xf32, #tpu.memory_space<vmem>> -> memref<1x200x128xf32, #tpu.memory_space<vmem>>
    %dma_wait3A_11 = tpu.memref_squeeze %dma_wait3A_10 : memref<1x200x128xf32, #tpu.memory_space<vmem>> -> memref<200x128xf32, #tpu.memory_space<vmem>>
    %dma_wait3A_12 = arith.constant 0 : i32
    %dma_wait3A_13 = arith.constant 0 : i32
    %dma_wait3A_14 = tpu.memref_slice %arg4[%dma_wait3A_12, %dma_wait3A_13] : memref<160000x128xf32, #tpu.memory_space<hbm>> -> memref<200x128xf32, #tpu.memory_space<hbm>>
    %dma_wait3A_15 = arith.constant 0 : i32
    %dma_wait3A_16 = arith.constant 0 : i32
    %dma_wait3A_17 = tpu.memref_slice %arg4[%dma_wait3A_15, %dma_wait3A_16] : memref<160000x128xf32, #tpu.memory_space<hbm>> -> memref<200x128xf32, #tpu.memory_space<hbm>>
    %dma_wait3A_18 = arith.constant 0 : i32
    %dma_wait3A_19 = arith.constant 0 : i32
    %dma_wait3A_20 = tpu.memref_slice %arg6[%dma_wait3A, %dma_wait3A_18, %dma_wait3A_19] : memref<2x200x128xf32, #tpu.memory_space<vmem>> -> memref<1x200x128xf32, #tpu.memory_space<vmem>>
    %dma_wait3A_21 = tpu.memref_squeeze %dma_wait3A_20 : memref<1x200x128xf32, #tpu.memory_space<vmem>> -> memref<200x128xf32, #tpu.memory_space<vmem>>
    tpu.wait_dma2 semaphore(%arg8 : memref<!tpu.dma_semaphore, #tpu.memory_space<semaphore_mem>>) src(%dma_wait3A_21 : memref<200x128xf32, #tpu.memory_space<vmem>>) dst(%dma_wait3A_17 : memref<200x128xf32, #tpu.memory_space<hbm>>)
    %dma_wait3A_22 = arith.constant 0 : i32
    %dma_wait3A_23 = arith.constant 0 : i32
    %dma_wait3A_24 = arith.constant 0 : i32
    %dma_wait3A_25 = tpu.memref_slice %arg6[%dma_wait3A_22, %dma_wait3A_23, %dma_wait3A_24] : memref<2x200x128xf32, #tpu.memory_space<vmem>> -> memref<1x200x128xf32, #tpu.memory_space<vmem>>
    %dma_wait3A_26 = tpu.memref_squeeze %dma_wait3A_25 : memref<1x200x128xf32, #tpu.memory_space<vmem>> -> memref<200x128xf32, #tpu.memory_space<vmem>>
    %dma_wait3A_27 = arith.constant 0 : i32
    %dma_wait3A_28 = arith.constant 0 : i32
    %dma_wait3A_29 = tpu.memref_slice %arg4[%dma_wait3A_27, %dma_wait3A_28] : memref<160000x128xf32, #tpu.memory_space<hbm>> -> memref<200x128xf32, #tpu.memory_space<hbm>>
    %dma_wait3A_30 = arith.constant 0 : i32
    %dma_wait3A_31 = arith.constant 0 : i32
    %dma_wait3A_32 = tpu.memref_slice %arg4[%dma_wait3A_30, %dma_wait3A_31] : memref<160000x128xf32, #tpu.memory_space<hbm>> -> memref<200x128xf32, #tpu.memory_space<hbm>>
    %dma_wait3A_33 = arith.constant 0 : i32
    %dma_wait3A_34 = arith.constant 0 : i32
    %dma_wait3A_35 = tpu.memref_slice %arg6[%dma_wait3A_22, %dma_wait3A_33, %dma_wait3A_34] : memref<2x200x128xf32, #tpu.memory_space<vmem>> -> memref<1x200x128xf32, #tpu.memory_space<vmem>>
    %dma_wait3A_36 = tpu.memref_squeeze %dma_wait3A_35 : memref<1x200x128xf32, #tpu.memory_space<vmem>> -> memref<200x128xf32, #tpu.memory_space<vmem>>
    tpu.wait_dma2 semaphore(%arg8 : memref<!tpu.dma_semaphore, #tpu.memory_space<semaphore_mem>>) src(%dma_wait3A_36 : memref<200x128xf32, #tpu.memory_space<vmem>>) dst(%dma_wait3A_32 : memref<200x128xf32, #tpu.memory_space<hbm>>)
    return
  }
}

module attributes {stable_mosaic.version = 14 : i64} {
  func.func @_lstm_body(%arg0: i32, %arg1: i32, %arg2: memref<20000x128xf32, #tpu.memory_space<vmem>>, %arg3: memref<5000x128xf32, #tpu.memory_space<vmem>>, %arg4: memref<256x512xbf16, #tpu.memory_space<vmem>>, %arg5: memref<1x512xf32, #tpu.memory_space<vmem>>, %arg6: memref<128x128xbf16, #tpu.memory_space<vmem>>, %arg7: memref<128x128xbf16, #tpu.memory_space<vmem>>, %arg8: memref<1x128xf32, #tpu.memory_space<vmem>>, %arg9: memref<5000x128xf32, #tpu.memory_space<vmem>>, %arg10: memref<5000x128xf32, #tpu.memory_space<vmem>>, %arg11: memref<5000x128xf32, #tpu.memory_space<vmem>>) attributes {dimension_semantics = [#tpu.dimension_semantics<arbitrary>, #tpu.dimension_semantics<arbitrary>], iteration_bounds = array<i64: 1, 8>, scalar_prefetch = 0 : i64, scratch_operands = 2 : i64, tpu.core_type = #tpu.core_type<tc>, window_params = [{transform_indices = @transform_0, window_bounds = array<i64: 20000, 128>}, {transform_indices = @transform_1, window_bounds = array<i64: 5000, 128>}, {pipeline_mode = #tpu.pipeline_mode<synchronous>, transform_indices = @transform_2, window_bounds = array<i64: 256, 512>}, {pipeline_mode = #tpu.pipeline_mode<synchronous>, transform_indices = @transform_3, window_bounds = array<i64: 1, 512>}, {pipeline_mode = #tpu.pipeline_mode<synchronous>, transform_indices = @transform_4, window_bounds = array<i64: 128, 128>}, {pipeline_mode = #tpu.pipeline_mode<synchronous>, transform_indices = @transform_5, window_bounds = array<i64: 128, 128>}, {pipeline_mode = #tpu.pipeline_mode<synchronous>, transform_indices = @transform_6, window_bounds = array<i64: 1, 128>}, {transform_indices = @transform_7, window_bounds = array<i64: 5000, 128>}]} {
    %eq3A = arith.constant 0 : i32
    %eq3A_0 = arith.cmpi eq, %arg1, %eq3A : i32
    %convert_element_type3A = arith.extui %eq3A_0 : i1 to i32
    %cond3A = arith.constant 0 : i32
    %cond3A_1 = arith.cmpi ne, %convert_element_type3A, %cond3A : i32
    scf.if %cond3A_1 {
      %broadcast_in_dim3A = arith.constant 0.000000e+00 : f32
      %broadcast_in_dim3A_187 = vector.broadcast %broadcast_in_dim3A : f32 to vector<5000x128xf32>
      %swap3A_188 = arith.constant 0 : index
      %swap3A_189 = arith.constant 0 : index
      %swap3A_190 = vector.load %arg10[%swap3A_188, %swap3A_189] : memref<5000x128xf32, #tpu.memory_space<vmem>>, vector<5000x128xf32>
      tpu.vector_store %arg10[%swap3A_188, %swap3A_189], %broadcast_in_dim3A_187 {strides = array<i32>} : memref<5000x128xf32, #tpu.memory_space<vmem>>, vector<5000x128xf32>,
      %broadcast_in_dim3A_191 = arith.constant 0.000000e+00 : f32
      %broadcast_in_dim3A_192 = vector.broadcast %broadcast_in_dim3A_191 : f32 to vector<5000x128xf32>
      %swap3A_193 = arith.constant 0 : index
      %swap3A_194 = arith.constant 0 : index
      %swap3A_195 = vector.load %arg11[%swap3A_193, %swap3A_194] : memref<5000x128xf32, #tpu.memory_space<vmem>>, vector<5000x128xf32>
      tpu.vector_store %arg11[%swap3A_193, %swap3A_194], %broadcast_in_dim3A_192 {strides = array<i32>} : memref<5000x128xf32, #tpu.memory_space<vmem>>, vector<5000x128xf32>,
    } else {
    }
    %get3A = arith.constant 0 : index
    %get3A_2 = arith.constant 0 : index
    %get3A_3 = vector.load %arg10[%get3A, %get3A_2] : memref<5000x128xf32, #tpu.memory_space<vmem>>, vector<5000x128xf32>
    %get3A_4 = arith.constant 0 : index
    %get3A_5 = arith.constant 0 : index
    %get3A_6 = vector.load %arg11[%get3A_4, %get3A_5] : memref<5000x128xf32, #tpu.memory_space<vmem>>, vector<5000x128xf32>
    %get3A_7 = arith.constant 0 : index
    %get3A_8 = arith.constant 0 : index
    %get3A_9 = vector.load %arg2[%get3A_7, %get3A_8] : memref<20000x128xf32, #tpu.memory_space<vmem>>, vector<5000x128xf32>
    %convert_element_type3A_10 = arith.truncf %get3A_9 : vector<5000x128xf32> to vector<5000x128xbf16>
    %convert_element_type3A_11 = arith.truncf %get3A_3 : vector<5000x128xf32> to vector<5000x128xbf16>
    %concatenate3A = tpu.concatenate %convert_element_type3A_10, %convert_element_type3A_11 in 1 : vector<5000x128xbf16>, vector<5000x128xbf16> -> vector<5000x256xbf16>
    %get3A_12 = arith.constant 0 : index
    %get3A_13 = arith.constant 0 : index
    %get3A_14 = vector.load %arg4[%get3A_12, %get3A_13] : memref<256x512xbf16, #tpu.memory_space<vmem>>, vector<256x512xbf16>
    %dot_general3A = arith.constant dense<0.000000e+00> : vector<5000x512xf32>
    %dot_general3A_15 = tpu.matmul %concatenate3A, %get3A_14, %dot_general3A {dimension_numbers = #tpu.dot_dimension_numbers<[1], [0], [0], [1], [0, 0, 1, 1], [], []>, transpose_lhs_hint = false} : vector<5000x256xbf16>, vector<256x512xbf16>, vector<5000x512xf32> -> vector<5000x512xf32>
    %get3A_16 = arith.constant 0 : index
    %get3A_17 = arith.constant 0 : index
    %get3A_18 = vector.load %arg5[%get3A_16, %get3A_17] : memref<1x512xf32, #tpu.memory_space<vmem>>, vector<1x512xf32>
    %add3A = vector.broadcast %get3A_18 : vector<1x512xf32> to vector<5000x512xf32>
    %add3A_19 = arith.addf %dot_general3A_15, %add3A : vector<5000x512xf32>
    %tanh3A = math.tanh %add3A_19 : vector<5000x512xf32>
    %slice3A = vector.extract_strided_slice %tanh3A {offsets = [0, 0], sizes = [5000, 128], strides = [1, 1]} : vector<5000x512xf32> to vector<5000x128xf32>
    %mul3A = arith.constant 5.000000e-01 : f32
    %mul3A_20 = vector.broadcast %mul3A : f32 to vector<5000x128xf32>
    %mul3A_21 = arith.mulf %mul3A_20, %slice3A : vector<5000x128xf32>
    %add3A_22 = arith.constant 5.000000e-01 : f32
    %add3A_23 = vector.broadcast %add3A_22 : f32 to vector<5000x128xf32>
    %add3A_24 = arith.addf %mul3A_21, %add3A_23 : vector<5000x128xf32>
    %slice3A_25 = vector.extract_strided_slice %tanh3A {offsets = [0, 128], sizes = [5000, 128], strides = [1, 1]} : vector<5000x512xf32> to vector<5000x128xf32>
    %mul3A_26 = arith.constant 5.000000e-01 : f32
    %mul3A_27 = vector.broadcast %mul3A_26 : f32 to vector<5000x128xf32>
    %mul3A_28 = arith.mulf %mul3A_27, %slice3A_25 : vector<5000x128xf32>
    %add3A_29 = arith.constant 5.000000e-01 : f32
    %add3A_30 = vector.broadcast %add3A_29 : f32 to vector<5000x128xf32>
    %add3A_31 = arith.addf %mul3A_28, %add3A_30 : vector<5000x128xf32>
    %slice3A_32 = vector.extract_strided_slice %tanh3A {offsets = [0, 256], sizes = [5000, 128], strides = [1, 1]} : vector<5000x512xf32> to vector<5000x128xf32>
    %slice3A_33 = vector.extract_strided_slice %tanh3A {offsets = [0, 384], sizes = [5000, 128], strides = [1, 1]} : vector<5000x512xf32> to vector<5000x128xf32>
    %mul3A_34 = arith.constant 5.000000e-01 : f32
    %mul3A_35 = vector.broadcast %mul3A_34 : f32 to vector<5000x128xf32>
    %mul3A_36 = arith.mulf %mul3A_35, %slice3A_33 : vector<5000x128xf32>
    %add3A_37 = arith.constant 5.000000e-01 : f32
    %add3A_38 = vector.broadcast %add3A_37 : f32 to vector<5000x128xf32>
    %add3A_39 = arith.addf %mul3A_36, %add3A_38 : vector<5000x128xf32>
    %mul3A_40 = arith.mulf %add3A_31, %get3A_6 : vector<5000x128xf32>
    %mul3A_41 = arith.mulf %add3A_24, %slice3A_32 : vector<5000x128xf32>
    %add3A_42 = arith.addf %mul3A_40, %mul3A_41 : vector<5000x128xf32>
    %tanh3A_43 = math.tanh %add3A_42 : vector<5000x128xf32>
    %mul3A_44 = arith.mulf %add3A_39, %tanh3A_43 : vector<5000x128xf32>
    %get3A_45 = arith.constant 5000 : index
    %get3A_46 = arith.constant 0 : index
    %get3A_47 = vector.load %arg2[%get3A_45, %get3A_46] : memref<20000x128xf32, #tpu.memory_space<vmem>>, vector<5000x128xf32>
    %convert_element_type3A_48 = arith.truncf %get3A_47 : vector<5000x128xf32> to vector<5000x128xbf16>
    %convert_element_type3A_49 = arith.truncf %mul3A_44 : vector<5000x128xf32> to vector<5000x128xbf16>
    %concatenate3A_50 = tpu.concatenate %convert_element_type3A_48, %convert_element_type3A_49 in 1 : vector<5000x128xbf16>, vector<5000x128xbf16> -> vector<5000x256xbf16>
    %get3A_51 = arith.constant 0 : index
    %get3A_52 = arith.constant 0 : index
    %get3A_53 = vector.load %arg4[%get3A_51, %get3A_52] : memref<256x512xbf16, #tpu.memory_space<vmem>>, vector<256x512xbf16>
    %dot_general3A_54 = arith.constant dense<0.000000e+00> : vector<5000x512xf32>
    %dot_general3A_55 = tpu.matmul %concatenate3A_50, %get3A_53, %dot_general3A_54 {dimension_numbers = #tpu.dot_dimension_numbers<[1], [0], [0], [1], [0, 0, 1, 1], [], []>, transpose_lhs_hint = false} : vector<5000x256xbf16>, vector<256x512xbf16>, vector<5000x512xf32> -> vector<5000x512xf32>
    %get3A_56 = arith.constant 0 : index
    %get3A_57 = arith.constant 0 : index
    %get3A_58 = vector.load %arg5[%get3A_56, %get3A_57] : memref<1x512xf32, #tpu.memory_space<vmem>>, vector<1x512xf32>
    %add3A_59 = vector.broadcast %get3A_58 : vector<1x512xf32> to vector<5000x512xf32>
    %add3A_60 = arith.addf %dot_general3A_55, %add3A_59 : vector<5000x512xf32>
    %tanh3A_61 = math.tanh %add3A_60 : vector<5000x512xf32>
    %slice3A_62 = vector.extract_strided_slice %tanh3A_61 {offsets = [0, 0], sizes = [5000, 128], strides = [1, 1]} : vector<5000x512xf32> to vector<5000x128xf32>
    %mul3A_63 = arith.constant 5.000000e-01 : f32
    %mul3A_64 = vector.broadcast %mul3A_63 : f32 to vector<5000x128xf32>
    %mul3A_65 = arith.mulf %mul3A_64, %slice3A_62 : vector<5000x128xf32>
    %add3A_66 = arith.constant 5.000000e-01 : f32
    %add3A_67 = vector.broadcast %add3A_66 : f32 to vector<5000x128xf32>
    %add3A_68 = arith.addf %mul3A_65, %add3A_67 : vector<5000x128xf32>
    %slice3A_69 = vector.extract_strided_slice %tanh3A_61 {offsets = [0, 128], sizes = [5000, 128], strides = [1, 1]} : vector<5000x512xf32> to vector<5000x128xf32>
    %mul3A_70 = arith.constant 5.000000e-01 : f32
    %mul3A_71 = vector.broadcast %mul3A_70 : f32 to vector<5000x128xf32>
    %mul3A_72 = arith.mulf %mul3A_71, %slice3A_69 : vector<5000x128xf32>
    %add3A_73 = arith.constant 5.000000e-01 : f32
    %add3A_74 = vector.broadcast %add3A_73 : f32 to vector<5000x128xf32>
    %add3A_75 = arith.addf %mul3A_72, %add3A_74 : vector<5000x128xf32>
    %slice3A_76 = vector.extract_strided_slice %tanh3A_61 {offsets = [0, 256], sizes = [5000, 128], strides = [1, 1]} : vector<5000x512xf32> to vector<5000x128xf32>
    %slice3A_77 = vector.extract_strided_slice %tanh3A_61 {offsets = [0, 384], sizes = [5000, 128], strides = [1, 1]} : vector<5000x512xf32> to vector<5000x128xf32>
    %mul3A_78 = arith.constant 5.000000e-01 : f32
    %mul3A_79 = vector.broadcast %mul3A_78 : f32 to vector<5000x128xf32>
    %mul3A_80 = arith.mulf %mul3A_79, %slice3A_77 : vector<5000x128xf32>
    %add3A_81 = arith.constant 5.000000e-01 : f32
    %add3A_82 = vector.broadcast %add3A_81 : f32 to vector<5000x128xf32>
    %add3A_83 = arith.addf %mul3A_80, %add3A_82 : vector<5000x128xf32>
    %mul3A_84 = arith.mulf %add3A_75, %add3A_42 : vector<5000x128xf32>
    %mul3A_85 = arith.mulf %add3A_68, %slice3A_76 : vector<5000x128xf32>
    %add3A_86 = arith.addf %mul3A_84, %mul3A_85 : vector<5000x128xf32>
    %tanh3A_87 = math.tanh %add3A_86 : vector<5000x128xf32>
    %mul3A_88 = arith.mulf %add3A_83, %tanh3A_87 : vector<5000x128xf32>
    %get3A_89 = arith.constant 10000 : index
    %get3A_90 = arith.constant 0 : index
    %get3A_91 = vector.load %arg2[%get3A_89, %get3A_90] : memref<20000x128xf32, #tpu.memory_space<vmem>>, vector<5000x128xf32>
    %convert_element_type3A_92 = arith.truncf %get3A_91 : vector<5000x128xf32> to vector<5000x128xbf16>
    %convert_element_type3A_93 = arith.truncf %mul3A_88 : vector<5000x128xf32> to vector<5000x128xbf16>
    %concatenate3A_94 = tpu.concatenate %convert_element_type3A_92, %convert_element_type3A_93 in 1 : vector<5000x128xbf16>, vector<5000x128xbf16> -> vector<5000x256xbf16>
    %get3A_95 = arith.constant 0 : index
    %get3A_96 = arith.constant 0 : index
    %get3A_97 = vector.load %arg4[%get3A_95, %get3A_96] : memref<256x512xbf16, #tpu.memory_space<vmem>>, vector<256x512xbf16>
    %dot_general3A_98 = arith.constant dense<0.000000e+00> : vector<5000x512xf32>
    %dot_general3A_99 = tpu.matmul %concatenate3A_94, %get3A_97, %dot_general3A_98 {dimension_numbers = #tpu.dot_dimension_numbers<[1], [0], [0], [1], [0, 0, 1, 1], [], []>, transpose_lhs_hint = false} : vector<5000x256xbf16>, vector<256x512xbf16>, vector<5000x512xf32> -> vector<5000x512xf32>
    %get3A_100 = arith.constant 0 : index
    %get3A_101 = arith.constant 0 : index
    %get3A_102 = vector.load %arg5[%get3A_100, %get3A_101] : memref<1x512xf32, #tpu.memory_space<vmem>>, vector<1x512xf32>
    %add3A_103 = vector.broadcast %get3A_102 : vector<1x512xf32> to vector<5000x512xf32>
    %add3A_104 = arith.addf %dot_general3A_99, %add3A_103 : vector<5000x512xf32>
    %tanh3A_105 = math.tanh %add3A_104 : vector<5000x512xf32>
    %slice3A_106 = vector.extract_strided_slice %tanh3A_105 {offsets = [0, 0], sizes = [5000, 128], strides = [1, 1]} : vector<5000x512xf32> to vector<5000x128xf32>
    %mul3A_107 = arith.constant 5.000000e-01 : f32
    %mul3A_108 = vector.broadcast %mul3A_107 : f32 to vector<5000x128xf32>
    %mul3A_109 = arith.mulf %mul3A_108, %slice3A_106 : vector<5000x128xf32>
    %add3A_110 = arith.constant 5.000000e-01 : f32
    %add3A_111 = vector.broadcast %add3A_110 : f32 to vector<5000x128xf32>
    %add3A_112 = arith.addf %mul3A_109, %add3A_111 : vector<5000x128xf32>
    %slice3A_113 = vector.extract_strided_slice %tanh3A_105 {offsets = [0, 128], sizes = [5000, 128], strides = [1, 1]} : vector<5000x512xf32> to vector<5000x128xf32>
    %mul3A_114 = arith.constant 5.000000e-01 : f32
    %mul3A_115 = vector.broadcast %mul3A_114 : f32 to vector<5000x128xf32>
    %mul3A_116 = arith.mulf %mul3A_115, %slice3A_113 : vector<5000x128xf32>
    %add3A_117 = arith.constant 5.000000e-01 : f32
    %add3A_118 = vector.broadcast %add3A_117 : f32 to vector<5000x128xf32>
    %add3A_119 = arith.addf %mul3A_116, %add3A_118 : vector<5000x128xf32>
    %slice3A_120 = vector.extract_strided_slice %tanh3A_105 {offsets = [0, 256], sizes = [5000, 128], strides = [1, 1]} : vector<5000x512xf32> to vector<5000x128xf32>
    %slice3A_121 = vector.extract_strided_slice %tanh3A_105 {offsets = [0, 384], sizes = [5000, 128], strides = [1, 1]} : vector<5000x512xf32> to vector<5000x128xf32>
    %mul3A_122 = arith.constant 5.000000e-01 : f32
    %mul3A_123 = vector.broadcast %mul3A_122 : f32 to vector<5000x128xf32>
    %mul3A_124 = arith.mulf %mul3A_123, %slice3A_121 : vector<5000x128xf32>
    %add3A_125 = arith.constant 5.000000e-01 : f32
    %add3A_126 = vector.broadcast %add3A_125 : f32 to vector<5000x128xf32>
    %add3A_127 = arith.addf %mul3A_124, %add3A_126 : vector<5000x128xf32>
    %mul3A_128 = arith.mulf %add3A_119, %add3A_86 : vector<5000x128xf32>
    %mul3A_129 = arith.mulf %add3A_112, %slice3A_120 : vector<5000x128xf32>
    %add3A_130 = arith.addf %mul3A_128, %mul3A_129 : vector<5000x128xf32>
    %tanh3A_131 = math.tanh %add3A_130 : vector<5000x128xf32>
    %mul3A_132 = arith.mulf %add3A_127, %tanh3A_131 : vector<5000x128xf32>
    %get3A_133 = arith.constant 15000 : index
    %get3A_134 = arith.constant 0 : index
    %get3A_135 = vector.load %arg2[%get3A_133, %get3A_134] : memref<20000x128xf32, #tpu.memory_space<vmem>>, vector<5000x128xf32>
    %convert_element_type3A_136 = arith.truncf %get3A_135 : vector<5000x128xf32> to vector<5000x128xbf16>
    %convert_element_type3A_137 = arith.truncf %mul3A_132 : vector<5000x128xf32> to vector<5000x128xbf16>
    %concatenate3A_138 = tpu.concatenate %convert_element_type3A_136, %convert_element_type3A_137 in 1 : vector<5000x128xbf16>, vector<5000x128xbf16> -> vector<5000x256xbf16>
    %get3A_139 = arith.constant 0 : index
    %get3A_140 = arith.constant 0 : index
    %get3A_141 = vector.load %arg4[%get3A_139, %get3A_140] : memref<256x512xbf16, #tpu.memory_space<vmem>>, vector<256x512xbf16>
    %dot_general3A_142 = arith.constant dense<0.000000e+00> : vector<5000x512xf32>
    %dot_general3A_143 = tpu.matmul %concatenate3A_138, %get3A_141, %dot_general3A_142 {dimension_numbers = #tpu.dot_dimension_numbers<[1], [0], [0], [1], [0, 0, 1, 1], [], []>, transpose_lhs_hint = false} : vector<5000x256xbf16>, vector<256x512xbf16>, vector<5000x512xf32> -> vector<5000x512xf32>
    %get3A_144 = arith.constant 0 : index
    %get3A_145 = arith.constant 0 : index
    %get3A_146 = vector.load %arg5[%get3A_144, %get3A_145] : memref<1x512xf32, #tpu.memory_space<vmem>>, vector<1x512xf32>
    %add3A_147 = vector.broadcast %get3A_146 : vector<1x512xf32> to vector<5000x512xf32>
    %add3A_148 = arith.addf %dot_general3A_143, %add3A_147 : vector<5000x512xf32>
    %tanh3A_149 = math.tanh %add3A_148 : vector<5000x512xf32>
    %slice3A_150 = vector.extract_strided_slice %tanh3A_149 {offsets = [0, 0], sizes = [5000, 128], strides = [1, 1]} : vector<5000x512xf32> to vector<5000x128xf32>
    %mul3A_151 = arith.constant 5.000000e-01 : f32
    %mul3A_152 = vector.broadcast %mul3A_151 : f32 to vector<5000x128xf32>
    %mul3A_153 = arith.mulf %mul3A_152, %slice3A_150 : vector<5000x128xf32>
    %add3A_154 = arith.constant 5.000000e-01 : f32
    %add3A_155 = vector.broadcast %add3A_154 : f32 to vector<5000x128xf32>
    %add3A_156 = arith.addf %mul3A_153, %add3A_155 : vector<5000x128xf32>
    %slice3A_157 = vector.extract_strided_slice %tanh3A_149 {offsets = [0, 128], sizes = [5000, 128], strides = [1, 1]} : vector<5000x512xf32> to vector<5000x128xf32>
    %mul3A_158 = arith.constant 5.000000e-01 : f32
    %mul3A_159 = vector.broadcast %mul3A_158 : f32 to vector<5000x128xf32>
    %mul3A_160 = arith.mulf %mul3A_159, %slice3A_157 : vector<5000x128xf32>
    %add3A_161 = arith.constant 5.000000e-01 : f32
    %add3A_162 = vector.broadcast %add3A_161 : f32 to vector<5000x128xf32>
    %add3A_163 = arith.addf %mul3A_160, %add3A_162 : vector<5000x128xf32>
    %slice3A_164 = vector.extract_strided_slice %tanh3A_149 {offsets = [0, 256], sizes = [5000, 128], strides = [1, 1]} : vector<5000x512xf32> to vector<5000x128xf32>
    %slice3A_165 = vector.extract_strided_slice %tanh3A_149 {offsets = [0, 384], sizes = [5000, 128], strides = [1, 1]} : vector<5000x512xf32> to vector<5000x128xf32>
    %mul3A_166 = arith.constant 5.000000e-01 : f32
    %mul3A_167 = vector.broadcast %mul3A_166 : f32 to vector<5000x128xf32>
    %mul3A_168 = arith.mulf %mul3A_167, %slice3A_165 : vector<5000x128xf32>
    %add3A_169 = arith.constant 5.000000e-01 : f32
    %add3A_170 = vector.broadcast %add3A_169 : f32 to vector<5000x128xf32>
    %add3A_171 = arith.addf %mul3A_168, %add3A_170 : vector<5000x128xf32>
    %mul3A_172 = arith.mulf %add3A_163, %add3A_130 : vector<5000x128xf32>
    %mul3A_173 = arith.mulf %add3A_156, %slice3A_164 : vector<5000x128xf32>
    %add3A_174 = arith.addf %mul3A_172, %mul3A_173 : vector<5000x128xf32>
    %tanh3A_175 = math.tanh %add3A_174 : vector<5000x128xf32>
    %mul3A_176 = arith.mulf %add3A_171, %tanh3A_175 : vector<5000x128xf32>
    %swap3A = arith.constant 0 : index
    %swap3A_177 = arith.constant 0 : index
    %swap3A_178 = vector.load %arg10[%swap3A, %swap3A_177] : memref<5000x128xf32, #tpu.memory_space<vmem>>, vector<5000x128xf32>
    tpu.vector_store %arg10[%swap3A, %swap3A_177], %mul3A_176 {strides = array<i32>} : memref<5000x128xf32, #tpu.memory_space<vmem>>, vector<5000x128xf32>,
    %swap3A_179 = arith.constant 0 : index
    %swap3A_180 = arith.constant 0 : index
    %swap3A_181 = vector.load %arg11[%swap3A_179, %swap3A_180] : memref<5000x128xf32, #tpu.memory_space<vmem>>, vector<5000x128xf32>
    tpu.vector_store %arg11[%swap3A_179, %swap3A_180], %add3A_174 {strides = array<i32>} : memref<5000x128xf32, #tpu.memory_space<vmem>>, vector<5000x128xf32>,
    %eq3A_182 = arith.constant 7 : i32
    %eq3A_183 = arith.cmpi eq, %arg1, %eq3A_182 : i32
    %convert_element_type3A_184 = arith.extui %eq3A_183 : i1 to i32
    %cond3A_185 = arith.constant 0 : i32
    %cond3A_186 = arith.cmpi ne, %convert_element_type3A_184, %cond3A_185 : i32
    scf.if %cond3A_186 {
      %get3A_187 = arith.constant 0 : index
      %get3A_188 = arith.constant 0 : index
      %get3A_189 = vector.load %arg3[%get3A_187, %get3A_188] : memref<5000x128xf32, #tpu.memory_space<vmem>>, vector<5000x128xf32>
      %convert_element_type3A_190 = arith.truncf %mul3A_176 : vector<5000x128xf32> to vector<5000x128xbf16>
      %get3A_191 = arith.constant 0 : index
      %get3A_192 = arith.constant 0 : index
      %get3A_193 = vector.load %arg6[%get3A_191, %get3A_192] : memref<128x128xbf16, #tpu.memory_space<vmem>>, vector<128x128xbf16>
      %dot_general3A_194 = arith.constant dense<0.000000e+00> : vector<5000x128xf32>
      %dot_general3A_195 = tpu.matmul %convert_element_type3A_190, %get3A_193, %dot_general3A_194 {dimension_numbers = #tpu.dot_dimension_numbers<[1], [0], [0], [1], [0, 0, 1, 1], [], []>, transpose_lhs_hint = false} : vector<5000x128xbf16>, vector<128x128xbf16>, vector<5000x128xf32> -> vector<5000x128xf32>
      %convert_element_type3A_196 = arith.truncf %get3A_189 : vector<5000x128xf32> to vector<5000x128xbf16>
      %get3A_197 = arith.constant 0 : index
      %get3A_198 = arith.constant 0 : index
      %get3A_199 = vector.load %arg7[%get3A_197, %get3A_198] : memref<128x128xbf16, #tpu.memory_space<vmem>>, vector<128x128xbf16>
      %dot_general3A_200 = arith.constant dense<0.000000e+00> : vector<5000x128xf32>
      %dot_general3A_201 = tpu.matmul %convert_element_type3A_196, %get3A_199, %dot_general3A_200 {dimension_numbers = #tpu.dot_dimension_numbers<[1], [0], [0], [1], [0, 0, 1, 1], [], []>, transpose_lhs_hint = false} : vector<5000x128xbf16>, vector<128x128xbf16>, vector<5000x128xf32> -> vector<5000x128xf32>
      %add3A_202 = arith.addf %dot_general3A_195, %dot_general3A_201 : vector<5000x128xf32>
      %get3A_203 = arith.constant 0 : index
      %get3A_204 = arith.constant 0 : index
      %get3A_205 = vector.load %arg8[%get3A_203, %get3A_204] : memref<1x128xf32, #tpu.memory_space<vmem>>, vector<1x128xf32>
      %add3A_206 = vector.broadcast %get3A_205 : vector<1x128xf32> to vector<5000x128xf32>
      %add3A_207 = arith.addf %add3A_202, %add3A_206 : vector<5000x128xf32>
      %max3A = arith.constant 0.000000e+00 : f32
      %max3A_208 = vector.broadcast %max3A : f32 to vector<5000x128xf32>
      %max3A_209 = arith.maximumf %add3A_207, %max3A_208 : vector<5000x128xf32>
      %swap3A_210 = arith.constant 0 : index
      %swap3A_211 = arith.constant 0 : index
      %swap3A_212 = vector.load %arg9[%swap3A_210, %swap3A_211] : memref<5000x128xf32, #tpu.memory_space<vmem>>, vector<5000x128xf32>
      tpu.vector_store %arg9[%swap3A_210, %swap3A_211], %max3A_209 {strides = array<i32>} : memref<5000x128xf32, #tpu.memory_space<vmem>>, vector<5000x128xf32>,
    } else {
    }
    return
  }
  func.func @transform_0(%arg0: i32, %arg1: i32) -> (i32, i32) {
    %mul3A = arith.constant 1 : i32
    %mul3A_0 = arith.muli %arg1, %mul3A : i32
    %add3A = arith.addi %mul3A_0, %arg0 : i32
    %c0_i32 = arith.constant 0 : i32
    %c0_i32_1 = arith.constant 0 : i32
    return %add3A, %c0_i32 : i32, i32
  }
  func.func @transform_1(%arg0: i32, %arg1: i32) -> (i32, i32) {
    %add3A = arith.constant 1 : i32
    %add3A_0 = arith.addi %add3A, %arg0 : i32
    %c0_i32 = arith.constant 0 : i32
    %c0_i32_1 = arith.constant 0 : i32
    return %add3A_0, %c0_i32 : i32, i32
  }
  func.func @transform_2(%arg0: i32, %arg1: i32) -> (i32, i32) {
    %c0_i32 = arith.constant 0 : i32
    %c0_i32_0 = arith.constant 0 : i32
    %c0_i32_1 = arith.constant 0 : i32
    return %c0_i32, %c0_i32_0 : i32, i32
  }
  func.func @transform_3(%arg0: i32, %arg1: i32) -> (i32, i32) {
    %c0_i32 = arith.constant 0 : i32
    %c0_i32_0 = arith.constant 0 : i32
    %c0_i32_1 = arith.constant 0 : i32
    return %c0_i32, %c0_i32_0 : i32, i32
  }
  func.func @transform_4(%arg0: i32, %arg1: i32) -> (i32, i32) {
    %c0_i32 = arith.constant 0 : i32
    %c0_i32_0 = arith.constant 0 : i32
    %c0_i32_1 = arith.constant 0 : i32
    return %c0_i32, %c0_i32_0 : i32, i32
  }
  func.func @transform_5(%arg0: i32, %arg1: i32) -> (i32, i32) {
    %c0_i32 = arith.constant 0 : i32
    %c0_i32_0 = arith.constant 0 : i32
    %c0_i32_1 = arith.constant 0 : i32
    return %c0_i32, %c0_i32_0 : i32, i32
  }
  func.func @transform_6(%arg0: i32, %arg1: i32) -> (i32, i32) {
    %c0_i32 = arith.constant 0 : i32
    %c0_i32_0 = arith.constant 0 : i32
    %c0_i32_1 = arith.constant 0 : i32
    return %c0_i32, %c0_i32_0 : i32, i32
  }
  func.func @transform_7(%arg0: i32, %arg1: i32) -> (i32, i32) {
    %c0_i32 = arith.constant 0 : i32
    %c0_i32_0 = arith.constant 0 : i32
    return %arg0, %c0_i32 : i32, i32
  }
}

module attributes {stable_mosaic.version = 14 : i64} {
  func.func @_lstm_body(%arg0: i32, %arg1: i32, %arg2: memref<20000x128xf32, #tpu.memory_space<vmem>>, %arg3: memref<5000x128xf32, #tpu.memory_space<vmem>>, %arg4: memref<256x512xbf16, #tpu.memory_space<vmem>>, %arg5: memref<1x512xf32, #tpu.memory_space<vmem>>, %arg6: memref<128x128xbf16, #tpu.memory_space<vmem>>, %arg7: memref<128x128xbf16, #tpu.memory_space<vmem>>, %arg8: memref<1x128xf32, #tpu.memory_space<vmem>>, %arg9: memref<5000x128xf32, #tpu.memory_space<vmem>>, %arg10: memref<5000x128xf32, #tpu.memory_space<vmem>>, %arg11: memref<5000x128xf32, #tpu.memory_space<vmem>>) attributes {dimension_semantics = [#tpu.dimension_semantics<arbitrary>, #tpu.dimension_semantics<arbitrary>], iteration_bounds = array<i64: 1, 8>, scalar_prefetch = 0 : i64, scratch_operands = 2 : i64, tpu.core_type = #tpu.core_type<tc>, window_params = [{transform_indices = @transform_0, window_bounds = array<i64: 20000, 128>}, {transform_indices = @transform_1, window_bounds = array<i64: 5000, 128>}, {pipeline_mode = #tpu.pipeline_mode<synchronous>, transform_indices = @transform_2, window_bounds = array<i64: 256, 512>}, {pipeline_mode = #tpu.pipeline_mode<synchronous>, transform_indices = @transform_3, window_bounds = array<i64: 1, 512>}, {pipeline_mode = #tpu.pipeline_mode<synchronous>, transform_indices = @transform_4, window_bounds = array<i64: 128, 128>}, {pipeline_mode = #tpu.pipeline_mode<synchronous>, transform_indices = @transform_5, window_bounds = array<i64: 128, 128>}, {pipeline_mode = #tpu.pipeline_mode<synchronous>, transform_indices = @transform_6, window_bounds = array<i64: 1, 128>}, {transform_indices = @transform_7, window_bounds = array<i64: 5000, 128>}]} {
    %eq3A = arith.constant 0 : i32
    %eq3A_0 = arith.cmpi eq, %arg1, %eq3A : i32
    %convert_element_type3A = arith.extui %eq3A_0 : i1 to i32
    %cond3A = arith.constant 0 : i32
    %cond3A_1 = arith.cmpi ne, %convert_element_type3A, %cond3A : i32
    scf.if %cond3A_1 {
      %broadcast_in_dim3A = arith.constant 0.000000e+00 : f32
      %broadcast_in_dim3A_187 = vector.broadcast %broadcast_in_dim3A : f32 to vector<5000x128xf32>
      %swap3A_188 = arith.constant 0 : index
      %swap3A_189 = arith.constant 0 : index
      %swap3A_190 = vector.load %arg10[%swap3A_188, %swap3A_189] : memref<5000x128xf32, #tpu.memory_space<vmem>>, vector<5000x128xf32>
      tpu.vector_store %arg10[%swap3A_188, %swap3A_189], %broadcast_in_dim3A_187 {strides = array<i32>} : memref<5000x128xf32, #tpu.memory_space<vmem>>, vector<5000x128xf32>,
      %broadcast_in_dim3A_191 = arith.constant 0.000000e+00 : f32
      %broadcast_in_dim3A_192 = vector.broadcast %broadcast_in_dim3A_191 : f32 to vector<5000x128xf32>
      %swap3A_193 = arith.constant 0 : index
      %swap3A_194 = arith.constant 0 : index
      %swap3A_195 = vector.load %arg11[%swap3A_193, %swap3A_194] : memref<5000x128xf32, #tpu.memory_space<vmem>>, vector<5000x128xf32>
      tpu.vector_store %arg11[%swap3A_193, %swap3A_194], %broadcast_in_dim3A_192 {strides = array<i32>} : memref<5000x128xf32, #tpu.memory_space<vmem>>, vector<5000x128xf32>,
    } else {
    }
    %get3A = arith.constant 0 : index
    %get3A_2 = arith.constant 0 : index
    %get3A_3 = vector.load %arg10[%get3A, %get3A_2] : memref<5000x128xf32, #tpu.memory_space<vmem>>, vector<5000x128xf32>
    %get3A_4 = arith.constant 0 : index
    %get3A_5 = arith.constant 0 : index
    %get3A_6 = vector.load %arg11[%get3A_4, %get3A_5] : memref<5000x128xf32, #tpu.memory_space<vmem>>, vector<5000x128xf32>
    %get3A_7 = arith.constant 0 : index
    %get3A_8 = arith.constant 0 : index
    %get3A_9 = vector.load %arg2[%get3A_7, %get3A_8] : memref<20000x128xf32, #tpu.memory_space<vmem>>, vector<5000x128xf32>
    %convert_element_type3A_10 = arith.truncf %get3A_9 : vector<5000x128xf32> to vector<5000x128xbf16>
    %convert_element_type3A_11 = arith.truncf %get3A_3 : vector<5000x128xf32> to vector<5000x128xbf16>
    %concatenate3A = tpu.concatenate %convert_element_type3A_10, %convert_element_type3A_11 in 1 : vector<5000x128xbf16>, vector<5000x128xbf16> -> vector<5000x256xbf16>
    %get3A_12 = arith.constant 0 : index
    %get3A_13 = arith.constant 0 : index
    %get3A_14 = vector.load %arg4[%get3A_12, %get3A_13] : memref<256x512xbf16, #tpu.memory_space<vmem>>, vector<256x512xbf16>
    %dot_general3A = arith.constant dense<0.000000e+00> : vector<5000x512xf32>
    %dot_general3A_15 = tpu.matmul %concatenate3A, %get3A_14, %dot_general3A {dimension_numbers = #tpu.dot_dimension_numbers<[1], [0], [0], [1], [0, 0, 1, 1], [], []>, transpose_lhs_hint = false} : vector<5000x256xbf16>, vector<256x512xbf16>, vector<5000x512xf32> -> vector<5000x512xf32>
    %get3A_16 = arith.constant 0 : index
    %get3A_17 = arith.constant 0 : index
    %get3A_18 = vector.load %arg5[%get3A_16, %get3A_17] : memref<1x512xf32, #tpu.memory_space<vmem>>, vector<1x512xf32>
    %add3A = vector.broadcast %get3A_18 : vector<1x512xf32> to vector<5000x512xf32>
    %add3A_19 = arith.addf %dot_general3A_15, %add3A : vector<5000x512xf32>
    %tanh3A = math.tanh %add3A_19 : vector<5000x512xf32>
    %slice3A = vector.extract_strided_slice %tanh3A {offsets = [0, 0], sizes = [5000, 128], strides = [1, 1]} : vector<5000x512xf32> to vector<5000x128xf32>
    %mul3A = arith.constant 5.000000e-01 : f32
    %mul3A_20 = vector.broadcast %mul3A : f32 to vector<5000x128xf32>
    %mul3A_21 = arith.mulf %mul3A_20, %slice3A : vector<5000x128xf32>
    %add3A_22 = arith.constant 5.000000e-01 : f32
    %add3A_23 = vector.broadcast %add3A_22 : f32 to vector<5000x128xf32>
    %add3A_24 = arith.addf %mul3A_21, %add3A_23 : vector<5000x128xf32>
    %slice3A_25 = vector.extract_strided_slice %tanh3A {offsets = [0, 128], sizes = [5000, 128], strides = [1, 1]} : vector<5000x512xf32> to vector<5000x128xf32>
    %mul3A_26 = arith.constant 5.000000e-01 : f32
    %mul3A_27 = vector.broadcast %mul3A_26 : f32 to vector<5000x128xf32>
    %mul3A_28 = arith.mulf %mul3A_27, %slice3A_25 : vector<5000x128xf32>
    %add3A_29 = arith.constant 5.000000e-01 : f32
    %add3A_30 = vector.broadcast %add3A_29 : f32 to vector<5000x128xf32>
    %add3A_31 = arith.addf %mul3A_28, %add3A_30 : vector<5000x128xf32>
    %slice3A_32 = vector.extract_strided_slice %tanh3A {offsets = [0, 256], sizes = [5000, 128], strides = [1, 1]} : vector<5000x512xf32> to vector<5000x128xf32>
    %slice3A_33 = vector.extract_strided_slice %tanh3A {offsets = [0, 384], sizes = [5000, 128], strides = [1, 1]} : vector<5000x512xf32> to vector<5000x128xf32>
    %mul3A_34 = arith.constant 5.000000e-01 : f32
    %mul3A_35 = vector.broadcast %mul3A_34 : f32 to vector<5000x128xf32>
    %mul3A_36 = arith.mulf %mul3A_35, %slice3A_33 : vector<5000x128xf32>
    %add3A_37 = arith.constant 5.000000e-01 : f32
    %add3A_38 = vector.broadcast %add3A_37 : f32 to vector<5000x128xf32>
    %add3A_39 = arith.addf %mul3A_36, %add3A_38 : vector<5000x128xf32>
    %mul3A_40 = arith.mulf %add3A_31, %get3A_6 : vector<5000x128xf32>
    %mul3A_41 = arith.mulf %add3A_24, %slice3A_32 : vector<5000x128xf32>
    %add3A_42 = arith.addf %mul3A_40, %mul3A_41 : vector<5000x128xf32>
    %tanh3A_43 = math.tanh %add3A_42 : vector<5000x128xf32>
    %mul3A_44 = arith.mulf %add3A_39, %tanh3A_43 : vector<5000x128xf32>
    %get3A_45 = arith.constant 5000 : index
    %get3A_46 = arith.constant 0 : index
    %get3A_47 = vector.load %arg2[%get3A_45, %get3A_46] : memref<20000x128xf32, #tpu.memory_space<vmem>>, vector<5000x128xf32>
    %convert_element_type3A_48 = arith.truncf %get3A_47 : vector<5000x128xf32> to vector<5000x128xbf16>
    %convert_element_type3A_49 = arith.truncf %mul3A_44 : vector<5000x128xf32> to vector<5000x128xbf16>
    %concatenate3A_50 = tpu.concatenate %convert_element_type3A_48, %convert_element_type3A_49 in 1 : vector<5000x128xbf16>, vector<5000x128xbf16> -> vector<5000x256xbf16>
    %get3A_51 = arith.constant 0 : index
    %get3A_52 = arith.constant 0 : index
    %get3A_53 = vector.load %arg4[%get3A_51, %get3A_52] : memref<256x512xbf16, #tpu.memory_space<vmem>>, vector<256x512xbf16>
    %dot_general3A_54 = arith.constant dense<0.000000e+00> : vector<5000x512xf32>
    %dot_general3A_55 = tpu.matmul %concatenate3A_50, %get3A_53, %dot_general3A_54 {dimension_numbers = #tpu.dot_dimension_numbers<[1], [0], [0], [1], [0, 0, 1, 1], [], []>, transpose_lhs_hint = false} : vector<5000x256xbf16>, vector<256x512xbf16>, vector<5000x512xf32> -> vector<5000x512xf32>
    %get3A_56 = arith.constant 0 : index
    %get3A_57 = arith.constant 0 : index
    %get3A_58 = vector.load %arg5[%get3A_56, %get3A_57] : memref<1x512xf32, #tpu.memory_space<vmem>>, vector<1x512xf32>
    %add3A_59 = vector.broadcast %get3A_58 : vector<1x512xf32> to vector<5000x512xf32>
    %add3A_60 = arith.addf %dot_general3A_55, %add3A_59 : vector<5000x512xf32>
    %tanh3A_61 = math.tanh %add3A_60 : vector<5000x512xf32>
    %slice3A_62 = vector.extract_strided_slice %tanh3A_61 {offsets = [0, 0], sizes = [5000, 128], strides = [1, 1]} : vector<5000x512xf32> to vector<5000x128xf32>
    %mul3A_63 = arith.constant 5.000000e-01 : f32
    %mul3A_64 = vector.broadcast %mul3A_63 : f32 to vector<5000x128xf32>
    %mul3A_65 = arith.mulf %mul3A_64, %slice3A_62 : vector<5000x128xf32>
    %add3A_66 = arith.constant 5.000000e-01 : f32
    %add3A_67 = vector.broadcast %add3A_66 : f32 to vector<5000x128xf32>
    %add3A_68 = arith.addf %mul3A_65, %add3A_67 : vector<5000x128xf32>
    %slice3A_69 = vector.extract_strided_slice %tanh3A_61 {offsets = [0, 128], sizes = [5000, 128], strides = [1, 1]} : vector<5000x512xf32> to vector<5000x128xf32>
    %mul3A_70 = arith.constant 5.000000e-01 : f32
    %mul3A_71 = vector.broadcast %mul3A_70 : f32 to vector<5000x128xf32>
    %mul3A_72 = arith.mulf %mul3A_71, %slice3A_69 : vector<5000x128xf32>
    %add3A_73 = arith.constant 5.000000e-01 : f32
    %add3A_74 = vector.broadcast %add3A_73 : f32 to vector<5000x128xf32>
    %add3A_75 = arith.addf %mul3A_72, %add3A_74 : vector<5000x128xf32>
    %slice3A_76 = vector.extract_strided_slice %tanh3A_61 {offsets = [0, 256], sizes = [5000, 128], strides = [1, 1]} : vector<5000x512xf32> to vector<5000x128xf32>
    %slice3A_77 = vector.extract_strided_slice %tanh3A_61 {offsets = [0, 384], sizes = [5000, 128], strides = [1, 1]} : vector<5000x512xf32> to vector<5000x128xf32>
    %mul3A_78 = arith.constant 5.000000e-01 : f32
    %mul3A_79 = vector.broadcast %mul3A_78 : f32 to vector<5000x128xf32>
    %mul3A_80 = arith.mulf %mul3A_79, %slice3A_77 : vector<5000x128xf32>
    %add3A_81 = arith.constant 5.000000e-01 : f32
    %add3A_82 = vector.broadcast %add3A_81 : f32 to vector<5000x128xf32>
    %add3A_83 = arith.addf %mul3A_80, %add3A_82 : vector<5000x128xf32>
    %mul3A_84 = arith.mulf %add3A_75, %add3A_42 : vector<5000x128xf32>
    %mul3A_85 = arith.mulf %add3A_68, %slice3A_76 : vector<5000x128xf32>
    %add3A_86 = arith.addf %mul3A_84, %mul3A_85 : vector<5000x128xf32>
    %tanh3A_87 = math.tanh %add3A_86 : vector<5000x128xf32>
    %mul3A_88 = arith.mulf %add3A_83, %tanh3A_87 : vector<5000x128xf32>
    %get3A_89 = arith.constant 10000 : index
    %get3A_90 = arith.constant 0 : index
    %get3A_91 = vector.load %arg2[%get3A_89, %get3A_90] : memref<20000x128xf32, #tpu.memory_space<vmem>>, vector<5000x128xf32>
    %convert_element_type3A_92 = arith.truncf %get3A_91 : vector<5000x128xf32> to vector<5000x128xbf16>
    %convert_element_type3A_93 = arith.truncf %mul3A_88 : vector<5000x128xf32> to vector<5000x128xbf16>
    %concatenate3A_94 = tpu.concatenate %convert_element_type3A_92, %convert_element_type3A_93 in 1 : vector<5000x128xbf16>, vector<5000x128xbf16> -> vector<5000x256xbf16>
    %get3A_95 = arith.constant 0 : index
    %get3A_96 = arith.constant 0 : index
    %get3A_97 = vector.load %arg4[%get3A_95, %get3A_96] : memref<256x512xbf16, #tpu.memory_space<vmem>>, vector<256x512xbf16>
    %dot_general3A_98 = arith.constant dense<0.000000e+00> : vector<5000x512xf32>
    %dot_general3A_99 = tpu.matmul %concatenate3A_94, %get3A_97, %dot_general3A_98 {dimension_numbers = #tpu.dot_dimension_numbers<[1], [0], [0], [1], [0, 0, 1, 1], [], []>, transpose_lhs_hint = false} : vector<5000x256xbf16>, vector<256x512xbf16>, vector<5000x512xf32> -> vector<5000x512xf32>
    %get3A_100 = arith.constant 0 : index
    %get3A_101 = arith.constant 0 : index
    %get3A_102 = vector.load %arg5[%get3A_100, %get3A_101] : memref<1x512xf32, #tpu.memory_space<vmem>>, vector<1x512xf32>
    %add3A_103 = vector.broadcast %get3A_102 : vector<1x512xf32> to vector<5000x512xf32>
    %add3A_104 = arith.addf %dot_general3A_99, %add3A_103 : vector<5000x512xf32>
    %tanh3A_105 = math.tanh %add3A_104 : vector<5000x512xf32>
    %slice3A_106 = vector.extract_strided_slice %tanh3A_105 {offsets = [0, 0], sizes = [5000, 128], strides = [1, 1]} : vector<5000x512xf32> to vector<5000x128xf32>
    %mul3A_107 = arith.constant 5.000000e-01 : f32
    %mul3A_108 = vector.broadcast %mul3A_107 : f32 to vector<5000x128xf32>
    %mul3A_109 = arith.mulf %mul3A_108, %slice3A_106 : vector<5000x128xf32>
    %add3A_110 = arith.constant 5.000000e-01 : f32
    %add3A_111 = vector.broadcast %add3A_110 : f32 to vector<5000x128xf32>
    %add3A_112 = arith.addf %mul3A_109, %add3A_111 : vector<5000x128xf32>
    %slice3A_113 = vector.extract_strided_slice %tanh3A_105 {offsets = [0, 128], sizes = [5000, 128], strides = [1, 1]} : vector<5000x512xf32> to vector<5000x128xf32>
    %mul3A_114 = arith.constant 5.000000e-01 : f32
    %mul3A_115 = vector.broadcast %mul3A_114 : f32 to vector<5000x128xf32>
    %mul3A_116 = arith.mulf %mul3A_115, %slice3A_113 : vector<5000x128xf32>
    %add3A_117 = arith.constant 5.000000e-01 : f32
    %add3A_118 = vector.broadcast %add3A_117 : f32 to vector<5000x128xf32>
    %add3A_119 = arith.addf %mul3A_116, %add3A_118 : vector<5000x128xf32>
    %slice3A_120 = vector.extract_strided_slice %tanh3A_105 {offsets = [0, 256], sizes = [5000, 128], strides = [1, 1]} : vector<5000x512xf32> to vector<5000x128xf32>
    %slice3A_121 = vector.extract_strided_slice %tanh3A_105 {offsets = [0, 384], sizes = [5000, 128], strides = [1, 1]} : vector<5000x512xf32> to vector<5000x128xf32>
    %mul3A_122 = arith.constant 5.000000e-01 : f32
    %mul3A_123 = vector.broadcast %mul3A_122 : f32 to vector<5000x128xf32>
    %mul3A_124 = arith.mulf %mul3A_123, %slice3A_121 : vector<5000x128xf32>
    %add3A_125 = arith.constant 5.000000e-01 : f32
    %add3A_126 = vector.broadcast %add3A_125 : f32 to vector<5000x128xf32>
    %add3A_127 = arith.addf %mul3A_124, %add3A_126 : vector<5000x128xf32>
    %mul3A_128 = arith.mulf %add3A_119, %add3A_86 : vector<5000x128xf32>
    %mul3A_129 = arith.mulf %add3A_112, %slice3A_120 : vector<5000x128xf32>
    %add3A_130 = arith.addf %mul3A_128, %mul3A_129 : vector<5000x128xf32>
    %tanh3A_131 = math.tanh %add3A_130 : vector<5000x128xf32>
    %mul3A_132 = arith.mulf %add3A_127, %tanh3A_131 : vector<5000x128xf32>
    %get3A_133 = arith.constant 15000 : index
    %get3A_134 = arith.constant 0 : index
    %get3A_135 = vector.load %arg2[%get3A_133, %get3A_134] : memref<20000x128xf32, #tpu.memory_space<vmem>>, vector<5000x128xf32>
    %convert_element_type3A_136 = arith.truncf %get3A_135 : vector<5000x128xf32> to vector<5000x128xbf16>
    %convert_element_type3A_137 = arith.truncf %mul3A_132 : vector<5000x128xf32> to vector<5000x128xbf16>
    %concatenate3A_138 = tpu.concatenate %convert_element_type3A_136, %convert_element_type3A_137 in 1 : vector<5000x128xbf16>, vector<5000x128xbf16> -> vector<5000x256xbf16>
    %get3A_139 = arith.constant 0 : index
    %get3A_140 = arith.constant 0 : index
    %get3A_141 = vector.load %arg4[%get3A_139, %get3A_140] : memref<256x512xbf16, #tpu.memory_space<vmem>>, vector<256x512xbf16>
    %dot_general3A_142 = arith.constant dense<0.000000e+00> : vector<5000x512xf32>
    %dot_general3A_143 = tpu.matmul %concatenate3A_138, %get3A_141, %dot_general3A_142 {dimension_numbers = #tpu.dot_dimension_numbers<[1], [0], [0], [1], [0, 0, 1, 1], [], []>, transpose_lhs_hint = false} : vector<5000x256xbf16>, vector<256x512xbf16>, vector<5000x512xf32> -> vector<5000x512xf32>
    %get3A_144 = arith.constant 0 : index
    %get3A_145 = arith.constant 0 : index
    %get3A_146 = vector.load %arg5[%get3A_144, %get3A_145] : memref<1x512xf32, #tpu.memory_space<vmem>>, vector<1x512xf32>
    %add3A_147 = vector.broadcast %get3A_146 : vector<1x512xf32> to vector<5000x512xf32>
    %add3A_148 = arith.addf %dot_general3A_143, %add3A_147 : vector<5000x512xf32>
    %tanh3A_149 = math.tanh %add3A_148 : vector<5000x512xf32>
    %slice3A_150 = vector.extract_strided_slice %tanh3A_149 {offsets = [0, 0], sizes = [5000, 128], strides = [1, 1]} : vector<5000x512xf32> to vector<5000x128xf32>
    %mul3A_151 = arith.constant 5.000000e-01 : f32
    %mul3A_152 = vector.broadcast %mul3A_151 : f32 to vector<5000x128xf32>
    %mul3A_153 = arith.mulf %mul3A_152, %slice3A_150 : vector<5000x128xf32>
    %add3A_154 = arith.constant 5.000000e-01 : f32
    %add3A_155 = vector.broadcast %add3A_154 : f32 to vector<5000x128xf32>
    %add3A_156 = arith.addf %mul3A_153, %add3A_155 : vector<5000x128xf32>
    %slice3A_157 = vector.extract_strided_slice %tanh3A_149 {offsets = [0, 128], sizes = [5000, 128], strides = [1, 1]} : vector<5000x512xf32> to vector<5000x128xf32>
    %mul3A_158 = arith.constant 5.000000e-01 : f32
    %mul3A_159 = vector.broadcast %mul3A_158 : f32 to vector<5000x128xf32>
    %mul3A_160 = arith.mulf %mul3A_159, %slice3A_157 : vector<5000x128xf32>
    %add3A_161 = arith.constant 5.000000e-01 : f32
    %add3A_162 = vector.broadcast %add3A_161 : f32 to vector<5000x128xf32>
    %add3A_163 = arith.addf %mul3A_160, %add3A_162 : vector<5000x128xf32>
    %slice3A_164 = vector.extract_strided_slice %tanh3A_149 {offsets = [0, 256], sizes = [5000, 128], strides = [1, 1]} : vector<5000x512xf32> to vector<5000x128xf32>
    %slice3A_165 = vector.extract_strided_slice %tanh3A_149 {offsets = [0, 384], sizes = [5000, 128], strides = [1, 1]} : vector<5000x512xf32> to vector<5000x128xf32>
    %mul3A_166 = arith.constant 5.000000e-01 : f32
    %mul3A_167 = vector.broadcast %mul3A_166 : f32 to vector<5000x128xf32>
    %mul3A_168 = arith.mulf %mul3A_167, %slice3A_165 : vector<5000x128xf32>
    %add3A_169 = arith.constant 5.000000e-01 : f32
    %add3A_170 = vector.broadcast %add3A_169 : f32 to vector<5000x128xf32>
    %add3A_171 = arith.addf %mul3A_168, %add3A_170 : vector<5000x128xf32>
    %mul3A_172 = arith.mulf %add3A_163, %add3A_130 : vector<5000x128xf32>
    %mul3A_173 = arith.mulf %add3A_156, %slice3A_164 : vector<5000x128xf32>
    %add3A_174 = arith.addf %mul3A_172, %mul3A_173 : vector<5000x128xf32>
    %tanh3A_175 = math.tanh %add3A_174 : vector<5000x128xf32>
    %mul3A_176 = arith.mulf %add3A_171, %tanh3A_175 : vector<5000x128xf32>
    %swap3A = arith.constant 0 : index
    %swap3A_177 = arith.constant 0 : index
    %swap3A_178 = vector.load %arg10[%swap3A, %swap3A_177] : memref<5000x128xf32, #tpu.memory_space<vmem>>, vector<5000x128xf32>
    tpu.vector_store %arg10[%swap3A, %swap3A_177], %mul3A_176 {strides = array<i32>} : memref<5000x128xf32, #tpu.memory_space<vmem>>, vector<5000x128xf32>,
    %swap3A_179 = arith.constant 0 : index
    %swap3A_180 = arith.constant 0 : index
    %swap3A_181 = vector.load %arg11[%swap3A_179, %swap3A_180] : memref<5000x128xf32, #tpu.memory_space<vmem>>, vector<5000x128xf32>
    tpu.vector_store %arg11[%swap3A_179, %swap3A_180], %add3A_174 {strides = array<i32>} : memref<5000x128xf32, #tpu.memory_space<vmem>>, vector<5000x128xf32>,
    %eq3A_182 = arith.constant 7 : i32
    %eq3A_183 = arith.cmpi eq, %arg1, %eq3A_182 : i32
    %convert_element_type3A_184 = arith.extui %eq3A_183 : i1 to i32
    %cond3A_185 = arith.constant 0 : i32
    %cond3A_186 = arith.cmpi ne, %convert_element_type3A_184, %cond3A_185 : i32
    scf.if %cond3A_186 {
      %get3A_187 = arith.constant 0 : index
      %get3A_188 = arith.constant 0 : index
      %get3A_189 = vector.load %arg3[%get3A_187, %get3A_188] : memref<5000x128xf32, #tpu.memory_space<vmem>>, vector<5000x128xf32>
      %convert_element_type3A_190 = arith.truncf %mul3A_176 : vector<5000x128xf32> to vector<5000x128xbf16>
      %get3A_191 = arith.constant 0 : index
      %get3A_192 = arith.constant 0 : index
      %get3A_193 = vector.load %arg6[%get3A_191, %get3A_192] : memref<128x128xbf16, #tpu.memory_space<vmem>>, vector<128x128xbf16>
      %dot_general3A_194 = arith.constant dense<0.000000e+00> : vector<5000x128xf32>
      %dot_general3A_195 = tpu.matmul %convert_element_type3A_190, %get3A_193, %dot_general3A_194 {dimension_numbers = #tpu.dot_dimension_numbers<[1], [0], [0], [1], [0, 0, 1, 1], [], []>, transpose_lhs_hint = false} : vector<5000x128xbf16>, vector<128x128xbf16>, vector<5000x128xf32> -> vector<5000x128xf32>
      %convert_element_type3A_196 = arith.truncf %get3A_189 : vector<5000x128xf32> to vector<5000x128xbf16>
      %get3A_197 = arith.constant 0 : index
      %get3A_198 = arith.constant 0 : index
      %get3A_199 = vector.load %arg7[%get3A_197, %get3A_198] : memref<128x128xbf16, #tpu.memory_space<vmem>>, vector<128x128xbf16>
      %dot_general3A_200 = arith.constant dense<0.000000e+00> : vector<5000x128xf32>
      %dot_general3A_201 = tpu.matmul %convert_element_type3A_196, %get3A_199, %dot_general3A_200 {dimension_numbers = #tpu.dot_dimension_numbers<[1], [0], [0], [1], [0, 0, 1, 1], [], []>, transpose_lhs_hint = false} : vector<5000x128xbf16>, vector<128x128xbf16>, vector<5000x128xf32> -> vector<5000x128xf32>
      %add3A_202 = arith.addf %dot_general3A_195, %dot_general3A_201 : vector<5000x128xf32>
      %get3A_203 = arith.constant 0 : index
      %get3A_204 = arith.constant 0 : index
      %get3A_205 = vector.load %arg8[%get3A_203, %get3A_204] : memref<1x128xf32, #tpu.memory_space<vmem>>, vector<1x128xf32>
      %add3A_206 = vector.broadcast %get3A_205 : vector<1x128xf32> to vector<5000x128xf32>
      %add3A_207 = arith.addf %add3A_202, %add3A_206 : vector<5000x128xf32>
      %max3A = arith.constant 0.000000e+00 : f32
      %max3A_208 = vector.broadcast %max3A : f32 to vector<5000x128xf32>
      %max3A_209 = arith.maximumf %add3A_207, %max3A_208 : vector<5000x128xf32>
      %swap3A_210 = arith.constant 0 : index
      %swap3A_211 = arith.constant 0 : index
      %swap3A_212 = vector.load %arg9[%swap3A_210, %swap3A_211] : memref<5000x128xf32, #tpu.memory_space<vmem>>, vector<5000x128xf32>
      tpu.vector_store %arg9[%swap3A_210, %swap3A_211], %max3A_209 {strides = array<i32>} : memref<5000x128xf32, #tpu.memory_space<vmem>>, vector<5000x128xf32>,
    } else {
    }
    return
  }
  func.func @transform_0(%arg0: i32, %arg1: i32) -> (i32, i32) {
    %mul3A = arith.constant 1 : i32
    %mul3A_0 = arith.muli %arg1, %mul3A : i32
    %add3A = arith.addi %mul3A_0, %arg0 : i32
    %c0_i32 = arith.constant 0 : i32
    %c0_i32_1 = arith.constant 0 : i32
    return %add3A, %c0_i32 : i32, i32
  }
  func.func @transform_1(%arg0: i32, %arg1: i32) -> (i32, i32) {
    %add3A = arith.constant 0 : i32
    %add3A_0 = arith.addi %add3A, %arg0 : i32
    %c0_i32 = arith.constant 0 : i32
    %c0_i32_1 = arith.constant 0 : i32
    return %add3A_0, %c0_i32 : i32, i32
  }
  func.func @transform_2(%arg0: i32, %arg1: i32) -> (i32, i32) {
    %c0_i32 = arith.constant 0 : i32
    %c0_i32_0 = arith.constant 0 : i32
    %c0_i32_1 = arith.constant 0 : i32
    return %c0_i32, %c0_i32_0 : i32, i32
  }
  func.func @transform_3(%arg0: i32, %arg1: i32) -> (i32, i32) {
    %c0_i32 = arith.constant 0 : i32
    %c0_i32_0 = arith.constant 0 : i32
    %c0_i32_1 = arith.constant 0 : i32
    return %c0_i32, %c0_i32_0 : i32, i32
  }
  func.func @transform_4(%arg0: i32, %arg1: i32) -> (i32, i32) {
    %c0_i32 = arith.constant 0 : i32
    %c0_i32_0 = arith.constant 0 : i32
    %c0_i32_1 = arith.constant 0 : i32
    return %c0_i32, %c0_i32_0 : i32, i32
  }
  func.func @transform_5(%arg0: i32, %arg1: i32) -> (i32, i32) {
    %c0_i32 = arith.constant 0 : i32
    %c0_i32_0 = arith.constant 0 : i32
    %c0_i32_1 = arith.constant 0 : i32
    return %c0_i32, %c0_i32_0 : i32, i32
  }
  func.func @transform_6(%arg0: i32, %arg1: i32) -> (i32, i32) {
    %c0_i32 = arith.constant 0 : i32
    %c0_i32_0 = arith.constant 0 : i32
    %c0_i32_1 = arith.constant 0 : i32
    return %c0_i32, %c0_i32_0 : i32, i32
  }
  func.func @transform_7(%arg0: i32, %arg1: i32) -> (i32, i32) {
    %c0_i32 = arith.constant 0 : i32
    %c0_i32_0 = arith.constant 0 : i32
    return %arg0, %c0_i32 : i32, i32
  }
}

module attributes {stable_mosaic.version = 14 : i64} {
  func.func @_lstm_body(%arg0: i32, %arg1: i32, %arg2: memref<20000x128xf32, #tpu.memory_space<vmem>>, %arg3: memref<5000x128xf32, #tpu.memory_space<vmem>>, %arg4: memref<256x512xbf16, #tpu.memory_space<vmem>>, %arg5: memref<1x512xf32, #tpu.memory_space<vmem>>, %arg6: memref<128x128xbf16, #tpu.memory_space<vmem>>, %arg7: memref<128x128xbf16, #tpu.memory_space<vmem>>, %arg8: memref<1x128xf32, #tpu.memory_space<vmem>>, %arg9: memref<5000x128xf32, #tpu.memory_space<vmem>>, %arg10: memref<5000x128xf32, #tpu.memory_space<vmem>>, %arg11: memref<5000x128xf32, #tpu.memory_space<vmem>>) attributes {dimension_semantics = [#tpu.dimension_semantics<arbitrary>, #tpu.dimension_semantics<arbitrary>], iteration_bounds = array<i64: 1, 8>, scalar_prefetch = 0 : i64, scratch_operands = 2 : i64, tpu.core_type = #tpu.core_type<tc>, window_params = [{transform_indices = @transform_0, window_bounds = array<i64: 20000, 128>}, {transform_indices = @transform_1, window_bounds = array<i64: 5000, 128>}, {pipeline_mode = #tpu.pipeline_mode<synchronous>, transform_indices = @transform_2, window_bounds = array<i64: 256, 512>}, {pipeline_mode = #tpu.pipeline_mode<synchronous>, transform_indices = @transform_3, window_bounds = array<i64: 1, 512>}, {pipeline_mode = #tpu.pipeline_mode<synchronous>, transform_indices = @transform_4, window_bounds = array<i64: 128, 128>}, {pipeline_mode = #tpu.pipeline_mode<synchronous>, transform_indices = @transform_5, window_bounds = array<i64: 128, 128>}, {pipeline_mode = #tpu.pipeline_mode<synchronous>, transform_indices = @transform_6, window_bounds = array<i64: 1, 128>}, {transform_indices = @transform_7, window_bounds = array<i64: 5000, 128>}]} {
    %eq3A = arith.constant 0 : i32
    %eq3A_0 = arith.cmpi eq, %arg1, %eq3A : i32
    %convert_element_type3A = arith.extui %eq3A_0 : i1 to i32
    %cond3A = arith.constant 0 : i32
    %cond3A_1 = arith.cmpi ne, %convert_element_type3A, %cond3A : i32
    scf.if %cond3A_1 {
      %broadcast_in_dim3A = arith.constant 0.000000e+00 : f32
      %broadcast_in_dim3A_187 = vector.broadcast %broadcast_in_dim3A : f32 to vector<5000x128xf32>
      %swap3A_188 = arith.constant 0 : index
      %swap3A_189 = arith.constant 0 : index
      %swap3A_190 = vector.load %arg10[%swap3A_188, %swap3A_189] : memref<5000x128xf32, #tpu.memory_space<vmem>>, vector<5000x128xf32>
      tpu.vector_store %arg10[%swap3A_188, %swap3A_189], %broadcast_in_dim3A_187 {strides = array<i32>} : memref<5000x128xf32, #tpu.memory_space<vmem>>, vector<5000x128xf32>,
      %broadcast_in_dim3A_191 = arith.constant 0.000000e+00 : f32
      %broadcast_in_dim3A_192 = vector.broadcast %broadcast_in_dim3A_191 : f32 to vector<5000x128xf32>
      %swap3A_193 = arith.constant 0 : index
      %swap3A_194 = arith.constant 0 : index
      %swap3A_195 = vector.load %arg11[%swap3A_193, %swap3A_194] : memref<5000x128xf32, #tpu.memory_space<vmem>>, vector<5000x128xf32>
      tpu.vector_store %arg11[%swap3A_193, %swap3A_194], %broadcast_in_dim3A_192 {strides = array<i32>} : memref<5000x128xf32, #tpu.memory_space<vmem>>, vector<5000x128xf32>,
    } else {
    }
    %get3A = arith.constant 0 : index
    %get3A_2 = arith.constant 0 : index
    %get3A_3 = vector.load %arg10[%get3A, %get3A_2] : memref<5000x128xf32, #tpu.memory_space<vmem>>, vector<5000x128xf32>
    %get3A_4 = arith.constant 0 : index
    %get3A_5 = arith.constant 0 : index
    %get3A_6 = vector.load %arg11[%get3A_4, %get3A_5] : memref<5000x128xf32, #tpu.memory_space<vmem>>, vector<5000x128xf32>
    %get3A_7 = arith.constant 0 : index
    %get3A_8 = arith.constant 0 : index
    %get3A_9 = vector.load %arg2[%get3A_7, %get3A_8] : memref<20000x128xf32, #tpu.memory_space<vmem>>, vector<5000x128xf32>
    %convert_element_type3A_10 = arith.truncf %get3A_9 : vector<5000x128xf32> to vector<5000x128xbf16>
    %convert_element_type3A_11 = arith.truncf %get3A_3 : vector<5000x128xf32> to vector<5000x128xbf16>
    %concatenate3A = tpu.concatenate %convert_element_type3A_10, %convert_element_type3A_11 in 1 : vector<5000x128xbf16>, vector<5000x128xbf16> -> vector<5000x256xbf16>
    %get3A_12 = arith.constant 0 : index
    %get3A_13 = arith.constant 0 : index
    %get3A_14 = vector.load %arg4[%get3A_12, %get3A_13] : memref<256x512xbf16, #tpu.memory_space<vmem>>, vector<256x512xbf16>
    %dot_general3A = arith.constant dense<0.000000e+00> : vector<5000x512xf32>
    %dot_general3A_15 = tpu.matmul %concatenate3A, %get3A_14, %dot_general3A {dimension_numbers = #tpu.dot_dimension_numbers<[1], [0], [0], [1], [0, 0, 1, 1], [], []>, transpose_lhs_hint = false} : vector<5000x256xbf16>, vector<256x512xbf16>, vector<5000x512xf32> -> vector<5000x512xf32>
    %get3A_16 = arith.constant 0 : index
    %get3A_17 = arith.constant 0 : index
    %get3A_18 = vector.load %arg5[%get3A_16, %get3A_17] : memref<1x512xf32, #tpu.memory_space<vmem>>, vector<1x512xf32>
    %add3A = vector.broadcast %get3A_18 : vector<1x512xf32> to vector<5000x512xf32>
    %add3A_19 = arith.addf %dot_general3A_15, %add3A : vector<5000x512xf32>
    %tanh3A = math.tanh %add3A_19 : vector<5000x512xf32>
    %slice3A = vector.extract_strided_slice %tanh3A {offsets = [0, 0], sizes = [5000, 128], strides = [1, 1]} : vector<5000x512xf32> to vector<5000x128xf32>
    %mul3A = arith.constant 5.000000e-01 : f32
    %mul3A_20 = vector.broadcast %mul3A : f32 to vector<5000x128xf32>
    %mul3A_21 = arith.mulf %mul3A_20, %slice3A : vector<5000x128xf32>
    %add3A_22 = arith.constant 5.000000e-01 : f32
    %add3A_23 = vector.broadcast %add3A_22 : f32 to vector<5000x128xf32>
    %add3A_24 = arith.addf %mul3A_21, %add3A_23 : vector<5000x128xf32>
    %slice3A_25 = vector.extract_strided_slice %tanh3A {offsets = [0, 128], sizes = [5000, 128], strides = [1, 1]} : vector<5000x512xf32> to vector<5000x128xf32>
    %mul3A_26 = arith.constant 5.000000e-01 : f32
    %mul3A_27 = vector.broadcast %mul3A_26 : f32 to vector<5000x128xf32>
    %mul3A_28 = arith.mulf %mul3A_27, %slice3A_25 : vector<5000x128xf32>
    %add3A_29 = arith.constant 5.000000e-01 : f32
    %add3A_30 = vector.broadcast %add3A_29 : f32 to vector<5000x128xf32>
    %add3A_31 = arith.addf %mul3A_28, %add3A_30 : vector<5000x128xf32>
    %slice3A_32 = vector.extract_strided_slice %tanh3A {offsets = [0, 256], sizes = [5000, 128], strides = [1, 1]} : vector<5000x512xf32> to vector<5000x128xf32>
    %slice3A_33 = vector.extract_strided_slice %tanh3A {offsets = [0, 384], sizes = [5000, 128], strides = [1, 1]} : vector<5000x512xf32> to vector<5000x128xf32>
    %mul3A_34 = arith.constant 5.000000e-01 : f32
    %mul3A_35 = vector.broadcast %mul3A_34 : f32 to vector<5000x128xf32>
    %mul3A_36 = arith.mulf %mul3A_35, %slice3A_33 : vector<5000x128xf32>
    %add3A_37 = arith.constant 5.000000e-01 : f32
    %add3A_38 = vector.broadcast %add3A_37 : f32 to vector<5000x128xf32>
    %add3A_39 = arith.addf %mul3A_36, %add3A_38 : vector<5000x128xf32>
    %mul3A_40 = arith.mulf %add3A_31, %get3A_6 : vector<5000x128xf32>
    %mul3A_41 = arith.mulf %add3A_24, %slice3A_32 : vector<5000x128xf32>
    %add3A_42 = arith.addf %mul3A_40, %mul3A_41 : vector<5000x128xf32>
    %tanh3A_43 = math.tanh %add3A_42 : vector<5000x128xf32>
    %mul3A_44 = arith.mulf %add3A_39, %tanh3A_43 : vector<5000x128xf32>
    %get3A_45 = arith.constant 5000 : index
    %get3A_46 = arith.constant 0 : index
    %get3A_47 = vector.load %arg2[%get3A_45, %get3A_46] : memref<20000x128xf32, #tpu.memory_space<vmem>>, vector<5000x128xf32>
    %convert_element_type3A_48 = arith.truncf %get3A_47 : vector<5000x128xf32> to vector<5000x128xbf16>
    %convert_element_type3A_49 = arith.truncf %mul3A_44 : vector<5000x128xf32> to vector<5000x128xbf16>
    %concatenate3A_50 = tpu.concatenate %convert_element_type3A_48, %convert_element_type3A_49 in 1 : vector<5000x128xbf16>, vector<5000x128xbf16> -> vector<5000x256xbf16>
    %get3A_51 = arith.constant 0 : index
    %get3A_52 = arith.constant 0 : index
    %get3A_53 = vector.load %arg4[%get3A_51, %get3A_52] : memref<256x512xbf16, #tpu.memory_space<vmem>>, vector<256x512xbf16>
    %dot_general3A_54 = arith.constant dense<0.000000e+00> : vector<5000x512xf32>
    %dot_general3A_55 = tpu.matmul %concatenate3A_50, %get3A_53, %dot_general3A_54 {dimension_numbers = #tpu.dot_dimension_numbers<[1], [0], [0], [1], [0, 0, 1, 1], [], []>, transpose_lhs_hint = false} : vector<5000x256xbf16>, vector<256x512xbf16>, vector<5000x512xf32> -> vector<5000x512xf32>
    %get3A_56 = arith.constant 0 : index
    %get3A_57 = arith.constant 0 : index
    %get3A_58 = vector.load %arg5[%get3A_56, %get3A_57] : memref<1x512xf32, #tpu.memory_space<vmem>>, vector<1x512xf32>
    %add3A_59 = vector.broadcast %get3A_58 : vector<1x512xf32> to vector<5000x512xf32>
    %add3A_60 = arith.addf %dot_general3A_55, %add3A_59 : vector<5000x512xf32>
    %tanh3A_61 = math.tanh %add3A_60 : vector<5000x512xf32>
    %slice3A_62 = vector.extract_strided_slice %tanh3A_61 {offsets = [0, 0], sizes = [5000, 128], strides = [1, 1]} : vector<5000x512xf32> to vector<5000x128xf32>
    %mul3A_63 = arith.constant 5.000000e-01 : f32
    %mul3A_64 = vector.broadcast %mul3A_63 : f32 to vector<5000x128xf32>
    %mul3A_65 = arith.mulf %mul3A_64, %slice3A_62 : vector<5000x128xf32>
    %add3A_66 = arith.constant 5.000000e-01 : f32
    %add3A_67 = vector.broadcast %add3A_66 : f32 to vector<5000x128xf32>
    %add3A_68 = arith.addf %mul3A_65, %add3A_67 : vector<5000x128xf32>
    %slice3A_69 = vector.extract_strided_slice %tanh3A_61 {offsets = [0, 128], sizes = [5000, 128], strides = [1, 1]} : vector<5000x512xf32> to vector<5000x128xf32>
    %mul3A_70 = arith.constant 5.000000e-01 : f32
    %mul3A_71 = vector.broadcast %mul3A_70 : f32 to vector<5000x128xf32>
    %mul3A_72 = arith.mulf %mul3A_71, %slice3A_69 : vector<5000x128xf32>
    %add3A_73 = arith.constant 5.000000e-01 : f32
    %add3A_74 = vector.broadcast %add3A_73 : f32 to vector<5000x128xf32>
    %add3A_75 = arith.addf %mul3A_72, %add3A_74 : vector<5000x128xf32>
    %slice3A_76 = vector.extract_strided_slice %tanh3A_61 {offsets = [0, 256], sizes = [5000, 128], strides = [1, 1]} : vector<5000x512xf32> to vector<5000x128xf32>
    %slice3A_77 = vector.extract_strided_slice %tanh3A_61 {offsets = [0, 384], sizes = [5000, 128], strides = [1, 1]} : vector<5000x512xf32> to vector<5000x128xf32>
    %mul3A_78 = arith.constant 5.000000e-01 : f32
    %mul3A_79 = vector.broadcast %mul3A_78 : f32 to vector<5000x128xf32>
    %mul3A_80 = arith.mulf %mul3A_79, %slice3A_77 : vector<5000x128xf32>
    %add3A_81 = arith.constant 5.000000e-01 : f32
    %add3A_82 = vector.broadcast %add3A_81 : f32 to vector<5000x128xf32>
    %add3A_83 = arith.addf %mul3A_80, %add3A_82 : vector<5000x128xf32>
    %mul3A_84 = arith.mulf %add3A_75, %add3A_42 : vector<5000x128xf32>
    %mul3A_85 = arith.mulf %add3A_68, %slice3A_76 : vector<5000x128xf32>
    %add3A_86 = arith.addf %mul3A_84, %mul3A_85 : vector<5000x128xf32>
    %tanh3A_87 = math.tanh %add3A_86 : vector<5000x128xf32>
    %mul3A_88 = arith.mulf %add3A_83, %tanh3A_87 : vector<5000x128xf32>
    %get3A_89 = arith.constant 10000 : index
    %get3A_90 = arith.constant 0 : index
    %get3A_91 = vector.load %arg2[%get3A_89, %get3A_90] : memref<20000x128xf32, #tpu.memory_space<vmem>>, vector<5000x128xf32>
    %convert_element_type3A_92 = arith.truncf %get3A_91 : vector<5000x128xf32> to vector<5000x128xbf16>
    %convert_element_type3A_93 = arith.truncf %mul3A_88 : vector<5000x128xf32> to vector<5000x128xbf16>
    %concatenate3A_94 = tpu.concatenate %convert_element_type3A_92, %convert_element_type3A_93 in 1 : vector<5000x128xbf16>, vector<5000x128xbf16> -> vector<5000x256xbf16>
    %get3A_95 = arith.constant 0 : index
    %get3A_96 = arith.constant 0 : index
    %get3A_97 = vector.load %arg4[%get3A_95, %get3A_96] : memref<256x512xbf16, #tpu.memory_space<vmem>>, vector<256x512xbf16>
    %dot_general3A_98 = arith.constant dense<0.000000e+00> : vector<5000x512xf32>
    %dot_general3A_99 = tpu.matmul %concatenate3A_94, %get3A_97, %dot_general3A_98 {dimension_numbers = #tpu.dot_dimension_numbers<[1], [0], [0], [1], [0, 0, 1, 1], [], []>, transpose_lhs_hint = false} : vector<5000x256xbf16>, vector<256x512xbf16>, vector<5000x512xf32> -> vector<5000x512xf32>
    %get3A_100 = arith.constant 0 : index
    %get3A_101 = arith.constant 0 : index
    %get3A_102 = vector.load %arg5[%get3A_100, %get3A_101] : memref<1x512xf32, #tpu.memory_space<vmem>>, vector<1x512xf32>
    %add3A_103 = vector.broadcast %get3A_102 : vector<1x512xf32> to vector<5000x512xf32>
    %add3A_104 = arith.addf %dot_general3A_99, %add3A_103 : vector<5000x512xf32>
    %tanh3A_105 = math.tanh %add3A_104 : vector<5000x512xf32>
    %slice3A_106 = vector.extract_strided_slice %tanh3A_105 {offsets = [0, 0], sizes = [5000, 128], strides = [1, 1]} : vector<5000x512xf32> to vector<5000x128xf32>
    %mul3A_107 = arith.constant 5.000000e-01 : f32
    %mul3A_108 = vector.broadcast %mul3A_107 : f32 to vector<5000x128xf32>
    %mul3A_109 = arith.mulf %mul3A_108, %slice3A_106 : vector<5000x128xf32>
    %add3A_110 = arith.constant 5.000000e-01 : f32
    %add3A_111 = vector.broadcast %add3A_110 : f32 to vector<5000x128xf32>
    %add3A_112 = arith.addf %mul3A_109, %add3A_111 : vector<5000x128xf32>
    %slice3A_113 = vector.extract_strided_slice %tanh3A_105 {offsets = [0, 128], sizes = [5000, 128], strides = [1, 1]} : vector<5000x512xf32> to vector<5000x128xf32>
    %mul3A_114 = arith.constant 5.000000e-01 : f32
    %mul3A_115 = vector.broadcast %mul3A_114 : f32 to vector<5000x128xf32>
    %mul3A_116 = arith.mulf %mul3A_115, %slice3A_113 : vector<5000x128xf32>
    %add3A_117 = arith.constant 5.000000e-01 : f32
    %add3A_118 = vector.broadcast %add3A_117 : f32 to vector<5000x128xf32>
    %add3A_119 = arith.addf %mul3A_116, %add3A_118 : vector<5000x128xf32>
    %slice3A_120 = vector.extract_strided_slice %tanh3A_105 {offsets = [0, 256], sizes = [5000, 128], strides = [1, 1]} : vector<5000x512xf32> to vector<5000x128xf32>
    %slice3A_121 = vector.extract_strided_slice %tanh3A_105 {offsets = [0, 384], sizes = [5000, 128], strides = [1, 1]} : vector<5000x512xf32> to vector<5000x128xf32>
    %mul3A_122 = arith.constant 5.000000e-01 : f32
    %mul3A_123 = vector.broadcast %mul3A_122 : f32 to vector<5000x128xf32>
    %mul3A_124 = arith.mulf %mul3A_123, %slice3A_121 : vector<5000x128xf32>
    %add3A_125 = arith.constant 5.000000e-01 : f32
    %add3A_126 = vector.broadcast %add3A_125 : f32 to vector<5000x128xf32>
    %add3A_127 = arith.addf %mul3A_124, %add3A_126 : vector<5000x128xf32>
    %mul3A_128 = arith.mulf %add3A_119, %add3A_86 : vector<5000x128xf32>
    %mul3A_129 = arith.mulf %add3A_112, %slice3A_120 : vector<5000x128xf32>
    %add3A_130 = arith.addf %mul3A_128, %mul3A_129 : vector<5000x128xf32>
    %tanh3A_131 = math.tanh %add3A_130 : vector<5000x128xf32>
    %mul3A_132 = arith.mulf %add3A_127, %tanh3A_131 : vector<5000x128xf32>
    %get3A_133 = arith.constant 15000 : index
    %get3A_134 = arith.constant 0 : index
    %get3A_135 = vector.load %arg2[%get3A_133, %get3A_134] : memref<20000x128xf32, #tpu.memory_space<vmem>>, vector<5000x128xf32>
    %convert_element_type3A_136 = arith.truncf %get3A_135 : vector<5000x128xf32> to vector<5000x128xbf16>
    %convert_element_type3A_137 = arith.truncf %mul3A_132 : vector<5000x128xf32> to vector<5000x128xbf16>
    %concatenate3A_138 = tpu.concatenate %convert_element_type3A_136, %convert_element_type3A_137 in 1 : vector<5000x128xbf16>, vector<5000x128xbf16> -> vector<5000x256xbf16>
    %get3A_139 = arith.constant 0 : index
    %get3A_140 = arith.constant 0 : index
    %get3A_141 = vector.load %arg4[%get3A_139, %get3A_140] : memref<256x512xbf16, #tpu.memory_space<vmem>>, vector<256x512xbf16>
    %dot_general3A_142 = arith.constant dense<0.000000e+00> : vector<5000x512xf32>
    %dot_general3A_143 = tpu.matmul %concatenate3A_138, %get3A_141, %dot_general3A_142 {dimension_numbers = #tpu.dot_dimension_numbers<[1], [0], [0], [1], [0, 0, 1, 1], [], []>, transpose_lhs_hint = false} : vector<5000x256xbf16>, vector<256x512xbf16>, vector<5000x512xf32> -> vector<5000x512xf32>
    %get3A_144 = arith.constant 0 : index
    %get3A_145 = arith.constant 0 : index
    %get3A_146 = vector.load %arg5[%get3A_144, %get3A_145] : memref<1x512xf32, #tpu.memory_space<vmem>>, vector<1x512xf32>
    %add3A_147 = vector.broadcast %get3A_146 : vector<1x512xf32> to vector<5000x512xf32>
    %add3A_148 = arith.addf %dot_general3A_143, %add3A_147 : vector<5000x512xf32>
    %tanh3A_149 = math.tanh %add3A_148 : vector<5000x512xf32>
    %slice3A_150 = vector.extract_strided_slice %tanh3A_149 {offsets = [0, 0], sizes = [5000, 128], strides = [1, 1]} : vector<5000x512xf32> to vector<5000x128xf32>
    %mul3A_151 = arith.constant 5.000000e-01 : f32
    %mul3A_152 = vector.broadcast %mul3A_151 : f32 to vector<5000x128xf32>
    %mul3A_153 = arith.mulf %mul3A_152, %slice3A_150 : vector<5000x128xf32>
    %add3A_154 = arith.constant 5.000000e-01 : f32
    %add3A_155 = vector.broadcast %add3A_154 : f32 to vector<5000x128xf32>
    %add3A_156 = arith.addf %mul3A_153, %add3A_155 : vector<5000x128xf32>
    %slice3A_157 = vector.extract_strided_slice %tanh3A_149 {offsets = [0, 128], sizes = [5000, 128], strides = [1, 1]} : vector<5000x512xf32> to vector<5000x128xf32>
    %mul3A_158 = arith.constant 5.000000e-01 : f32
    %mul3A_159 = vector.broadcast %mul3A_158 : f32 to vector<5000x128xf32>
    %mul3A_160 = arith.mulf %mul3A_159, %slice3A_157 : vector<5000x128xf32>
    %add3A_161 = arith.constant 5.000000e-01 : f32
    %add3A_162 = vector.broadcast %add3A_161 : f32 to vector<5000x128xf32>
    %add3A_163 = arith.addf %mul3A_160, %add3A_162 : vector<5000x128xf32>
    %slice3A_164 = vector.extract_strided_slice %tanh3A_149 {offsets = [0, 256], sizes = [5000, 128], strides = [1, 1]} : vector<5000x512xf32> to vector<5000x128xf32>
    %slice3A_165 = vector.extract_strided_slice %tanh3A_149 {offsets = [0, 384], sizes = [5000, 128], strides = [1, 1]} : vector<5000x512xf32> to vector<5000x128xf32>
    %mul3A_166 = arith.constant 5.000000e-01 : f32
    %mul3A_167 = vector.broadcast %mul3A_166 : f32 to vector<5000x128xf32>
    %mul3A_168 = arith.mulf %mul3A_167, %slice3A_165 : vector<5000x128xf32>
    %add3A_169 = arith.constant 5.000000e-01 : f32
    %add3A_170 = vector.broadcast %add3A_169 : f32 to vector<5000x128xf32>
    %add3A_171 = arith.addf %mul3A_168, %add3A_170 : vector<5000x128xf32>
    %mul3A_172 = arith.mulf %add3A_163, %add3A_130 : vector<5000x128xf32>
    %mul3A_173 = arith.mulf %add3A_156, %slice3A_164 : vector<5000x128xf32>
    %add3A_174 = arith.addf %mul3A_172, %mul3A_173 : vector<5000x128xf32>
    %tanh3A_175 = math.tanh %add3A_174 : vector<5000x128xf32>
    %mul3A_176 = arith.mulf %add3A_171, %tanh3A_175 : vector<5000x128xf32>
    %swap3A = arith.constant 0 : index
    %swap3A_177 = arith.constant 0 : index
    %swap3A_178 = vector.load %arg10[%swap3A, %swap3A_177] : memref<5000x128xf32, #tpu.memory_space<vmem>>, vector<5000x128xf32>
    tpu.vector_store %arg10[%swap3A, %swap3A_177], %mul3A_176 {strides = array<i32>} : memref<5000x128xf32, #tpu.memory_space<vmem>>, vector<5000x128xf32>,
    %swap3A_179 = arith.constant 0 : index
    %swap3A_180 = arith.constant 0 : index
    %swap3A_181 = vector.load %arg11[%swap3A_179, %swap3A_180] : memref<5000x128xf32, #tpu.memory_space<vmem>>, vector<5000x128xf32>
    tpu.vector_store %arg11[%swap3A_179, %swap3A_180], %add3A_174 {strides = array<i32>} : memref<5000x128xf32, #tpu.memory_space<vmem>>, vector<5000x128xf32>,
    %eq3A_182 = arith.constant 7 : i32
    %eq3A_183 = arith.cmpi eq, %arg1, %eq3A_182 : i32
    %convert_element_type3A_184 = arith.extui %eq3A_183 : i1 to i32
    %cond3A_185 = arith.constant 0 : i32
    %cond3A_186 = arith.cmpi ne, %convert_element_type3A_184, %cond3A_185 : i32
    scf.if %cond3A_186 {
      %get3A_187 = arith.constant 0 : index
      %get3A_188 = arith.constant 0 : index
      %get3A_189 = vector.load %arg3[%get3A_187, %get3A_188] : memref<5000x128xf32, #tpu.memory_space<vmem>>, vector<5000x128xf32>
      %convert_element_type3A_190 = arith.truncf %mul3A_176 : vector<5000x128xf32> to vector<5000x128xbf16>
      %get3A_191 = arith.constant 0 : index
      %get3A_192 = arith.constant 0 : index
      %get3A_193 = vector.load %arg6[%get3A_191, %get3A_192] : memref<128x128xbf16, #tpu.memory_space<vmem>>, vector<128x128xbf16>
      %dot_general3A_194 = arith.constant dense<0.000000e+00> : vector<5000x128xf32>
      %dot_general3A_195 = tpu.matmul %convert_element_type3A_190, %get3A_193, %dot_general3A_194 {dimension_numbers = #tpu.dot_dimension_numbers<[1], [0], [0], [1], [0, 0, 1, 1], [], []>, transpose_lhs_hint = false} : vector<5000x128xbf16>, vector<128x128xbf16>, vector<5000x128xf32> -> vector<5000x128xf32>
      %convert_element_type3A_196 = arith.truncf %get3A_189 : vector<5000x128xf32> to vector<5000x128xbf16>
      %get3A_197 = arith.constant 0 : index
      %get3A_198 = arith.constant 0 : index
      %get3A_199 = vector.load %arg7[%get3A_197, %get3A_198] : memref<128x128xbf16, #tpu.memory_space<vmem>>, vector<128x128xbf16>
      %dot_general3A_200 = arith.constant dense<0.000000e+00> : vector<5000x128xf32>
      %dot_general3A_201 = tpu.matmul %convert_element_type3A_196, %get3A_199, %dot_general3A_200 {dimension_numbers = #tpu.dot_dimension_numbers<[1], [0], [0], [1], [0, 0, 1, 1], [], []>, transpose_lhs_hint = false} : vector<5000x128xbf16>, vector<128x128xbf16>, vector<5000x128xf32> -> vector<5000x128xf32>
      %add3A_202 = arith.addf %dot_general3A_195, %dot_general3A_201 : vector<5000x128xf32>
      %get3A_203 = arith.constant 0 : index
      %get3A_204 = arith.constant 0 : index
      %get3A_205 = vector.load %arg8[%get3A_203, %get3A_204] : memref<1x128xf32, #tpu.memory_space<vmem>>, vector<1x128xf32>
      %add3A_206 = vector.broadcast %get3A_205 : vector<1x128xf32> to vector<5000x128xf32>
      %add3A_207 = arith.addf %add3A_202, %add3A_206 : vector<5000x128xf32>
      %add3A_208 = arith.addf %add3A_207, %get3A_189 : vector<5000x128xf32>
      %max3A = arith.constant 0.000000e+00 : f32
      %max3A_209 = vector.broadcast %max3A : f32 to vector<5000x128xf32>
      %max3A_210 = arith.maximumf %add3A_208, %max3A_209 : vector<5000x128xf32>
      %swap3A_211 = arith.constant 0 : index
      %swap3A_212 = arith.constant 0 : index
      %swap3A_213 = vector.load %arg9[%swap3A_211, %swap3A_212] : memref<5000x128xf32, #tpu.memory_space<vmem>>, vector<5000x128xf32>
      tpu.vector_store %arg9[%swap3A_211, %swap3A_212], %max3A_210 {strides = array<i32>} : memref<5000x128xf32, #tpu.memory_space<vmem>>, vector<5000x128xf32>,
    } else {
    }
    return
  }
  func.func @transform_0(%arg0: i32, %arg1: i32) -> (i32, i32) {
    %mul3A = arith.constant 1 : i32
    %mul3A_0 = arith.muli %arg1, %mul3A : i32
    %add3A = arith.addi %mul3A_0, %arg0 : i32
    %c0_i32 = arith.constant 0 : i32
    %c0_i32_1 = arith.constant 0 : i32
    return %add3A, %c0_i32 : i32, i32
  }
  func.func @transform_1(%arg0: i32, %arg1: i32) -> (i32, i32) {
    %add3A = arith.constant 1 : i32
    %add3A_0 = arith.addi %add3A, %arg0 : i32
    %c0_i32 = arith.constant 0 : i32
    %c0_i32_1 = arith.constant 0 : i32
    return %add3A_0, %c0_i32 : i32, i32
  }
  func.func @transform_2(%arg0: i32, %arg1: i32) -> (i32, i32) {
    %c0_i32 = arith.constant 0 : i32
    %c0_i32_0 = arith.constant 0 : i32
    %c0_i32_1 = arith.constant 0 : i32
    return %c0_i32, %c0_i32_0 : i32, i32
  }
  func.func @transform_3(%arg0: i32, %arg1: i32) -> (i32, i32) {
    %c0_i32 = arith.constant 0 : i32
    %c0_i32_0 = arith.constant 0 : i32
    %c0_i32_1 = arith.constant 0 : i32
    return %c0_i32, %c0_i32_0 : i32, i32
  }
  func.func @transform_4(%arg0: i32, %arg1: i32) -> (i32, i32) {
    %c0_i32 = arith.constant 0 : i32
    %c0_i32_0 = arith.constant 0 : i32
    %c0_i32_1 = arith.constant 0 : i32
    return %c0_i32, %c0_i32_0 : i32, i32
  }
  func.func @transform_5(%arg0: i32, %arg1: i32) -> (i32, i32) {
    %c0_i32 = arith.constant 0 : i32
    %c0_i32_0 = arith.constant 0 : i32
    %c0_i32_1 = arith.constant 0 : i32
    return %c0_i32, %c0_i32_0 : i32, i32
  }
  func.func @transform_6(%arg0: i32, %arg1: i32) -> (i32, i32) {
    %c0_i32 = arith.constant 0 : i32
    %c0_i32_0 = arith.constant 0 : i32
    %c0_i32_1 = arith.constant 0 : i32
    return %c0_i32, %c0_i32_0 : i32, i32
  }
  func.func @transform_7(%arg0: i32, %arg1: i32) -> (i32, i32) {
    %c0_i32 = arith.constant 0 : i32
    %c0_i32_0 = arith.constant 0 : i32
    return %arg0, %c0_i32 : i32, i32
  }
}

module attributes {stable_mosaic.version = 14 : i64} {
  func.func @_lstm_body(%arg0: i32, %arg1: i32, %arg2: memref<20000x128xf32, #tpu.memory_space<vmem>>, %arg3: memref<5000x128xf32, #tpu.memory_space<vmem>>, %arg4: memref<256x512xbf16, #tpu.memory_space<vmem>>, %arg5: memref<1x512xf32, #tpu.memory_space<vmem>>, %arg6: memref<128x128xbf16, #tpu.memory_space<vmem>>, %arg7: memref<128x128xbf16, #tpu.memory_space<vmem>>, %arg8: memref<1x128xf32, #tpu.memory_space<vmem>>, %arg9: memref<5000x128xf32, #tpu.memory_space<vmem>>, %arg10: memref<5000x128xf32, #tpu.memory_space<vmem>>, %arg11: memref<5000x128xf32, #tpu.memory_space<vmem>>) attributes {dimension_semantics = [#tpu.dimension_semantics<arbitrary>, #tpu.dimension_semantics<arbitrary>], iteration_bounds = array<i64: 1, 8>, scalar_prefetch = 0 : i64, scratch_operands = 2 : i64, tpu.core_type = #tpu.core_type<tc>, window_params = [{transform_indices = @transform_0, window_bounds = array<i64: 20000, 128>}, {transform_indices = @transform_1, window_bounds = array<i64: 5000, 128>}, {pipeline_mode = #tpu.pipeline_mode<synchronous>, transform_indices = @transform_2, window_bounds = array<i64: 256, 512>}, {pipeline_mode = #tpu.pipeline_mode<synchronous>, transform_indices = @transform_3, window_bounds = array<i64: 1, 512>}, {pipeline_mode = #tpu.pipeline_mode<synchronous>, transform_indices = @transform_4, window_bounds = array<i64: 128, 128>}, {pipeline_mode = #tpu.pipeline_mode<synchronous>, transform_indices = @transform_5, window_bounds = array<i64: 128, 128>}, {pipeline_mode = #tpu.pipeline_mode<synchronous>, transform_indices = @transform_6, window_bounds = array<i64: 1, 128>}, {transform_indices = @transform_7, window_bounds = array<i64: 5000, 128>}]} {
    %eq3A = arith.constant 0 : i32
    %eq3A_0 = arith.cmpi eq, %arg1, %eq3A : i32
    %convert_element_type3A = arith.extui %eq3A_0 : i1 to i32
    %cond3A = arith.constant 0 : i32
    %cond3A_1 = arith.cmpi ne, %convert_element_type3A, %cond3A : i32
    scf.if %cond3A_1 {
      %broadcast_in_dim3A = arith.constant 0.000000e+00 : f32
      %broadcast_in_dim3A_187 = vector.broadcast %broadcast_in_dim3A : f32 to vector<5000x128xf32>
      %swap3A_188 = arith.constant 0 : index
      %swap3A_189 = arith.constant 0 : index
      %swap3A_190 = vector.load %arg10[%swap3A_188, %swap3A_189] : memref<5000x128xf32, #tpu.memory_space<vmem>>, vector<5000x128xf32>
      tpu.vector_store %arg10[%swap3A_188, %swap3A_189], %broadcast_in_dim3A_187 {strides = array<i32>} : memref<5000x128xf32, #tpu.memory_space<vmem>>, vector<5000x128xf32>,
      %broadcast_in_dim3A_191 = arith.constant 0.000000e+00 : f32
      %broadcast_in_dim3A_192 = vector.broadcast %broadcast_in_dim3A_191 : f32 to vector<5000x128xf32>
      %swap3A_193 = arith.constant 0 : index
      %swap3A_194 = arith.constant 0 : index
      %swap3A_195 = vector.load %arg11[%swap3A_193, %swap3A_194] : memref<5000x128xf32, #tpu.memory_space<vmem>>, vector<5000x128xf32>
      tpu.vector_store %arg11[%swap3A_193, %swap3A_194], %broadcast_in_dim3A_192 {strides = array<i32>} : memref<5000x128xf32, #tpu.memory_space<vmem>>, vector<5000x128xf32>,
    } else {
    }
    %get3A = arith.constant 0 : index
    %get3A_2 = arith.constant 0 : index
    %get3A_3 = vector.load %arg10[%get3A, %get3A_2] : memref<5000x128xf32, #tpu.memory_space<vmem>>, vector<5000x128xf32>
    %get3A_4 = arith.constant 0 : index
    %get3A_5 = arith.constant 0 : index
    %get3A_6 = vector.load %arg11[%get3A_4, %get3A_5] : memref<5000x128xf32, #tpu.memory_space<vmem>>, vector<5000x128xf32>
    %get3A_7 = arith.constant 0 : index
    %get3A_8 = arith.constant 0 : index
    %get3A_9 = vector.load %arg2[%get3A_7, %get3A_8] : memref<20000x128xf32, #tpu.memory_space<vmem>>, vector<5000x128xf32>
    %convert_element_type3A_10 = arith.truncf %get3A_9 : vector<5000x128xf32> to vector<5000x128xbf16>
    %convert_element_type3A_11 = arith.truncf %get3A_3 : vector<5000x128xf32> to vector<5000x128xbf16>
    %concatenate3A = tpu.concatenate %convert_element_type3A_10, %convert_element_type3A_11 in 1 : vector<5000x128xbf16>, vector<5000x128xbf16> -> vector<5000x256xbf16>
    %get3A_12 = arith.constant 0 : index
    %get3A_13 = arith.constant 0 : index
    %get3A_14 = vector.load %arg4[%get3A_12, %get3A_13] : memref<256x512xbf16, #tpu.memory_space<vmem>>, vector<256x512xbf16>
    %dot_general3A = arith.constant dense<0.000000e+00> : vector<5000x512xf32>
    %dot_general3A_15 = tpu.matmul %concatenate3A, %get3A_14, %dot_general3A {dimension_numbers = #tpu.dot_dimension_numbers<[1], [0], [0], [1], [0, 0, 1, 1], [], []>, transpose_lhs_hint = false} : vector<5000x256xbf16>, vector<256x512xbf16>, vector<5000x512xf32> -> vector<5000x512xf32>
    %get3A_16 = arith.constant 0 : index
    %get3A_17 = arith.constant 0 : index
    %get3A_18 = vector.load %arg5[%get3A_16, %get3A_17] : memref<1x512xf32, #tpu.memory_space<vmem>>, vector<1x512xf32>
    %add3A = vector.broadcast %get3A_18 : vector<1x512xf32> to vector<5000x512xf32>
    %add3A_19 = arith.addf %dot_general3A_15, %add3A : vector<5000x512xf32>
    %tanh3A = math.tanh %add3A_19 : vector<5000x512xf32>
    %slice3A = vector.extract_strided_slice %tanh3A {offsets = [0, 0], sizes = [5000, 128], strides = [1, 1]} : vector<5000x512xf32> to vector<5000x128xf32>
    %mul3A = arith.constant 5.000000e-01 : f32
    %mul3A_20 = vector.broadcast %mul3A : f32 to vector<5000x128xf32>
    %mul3A_21 = arith.mulf %mul3A_20, %slice3A : vector<5000x128xf32>
    %add3A_22 = arith.constant 5.000000e-01 : f32
    %add3A_23 = vector.broadcast %add3A_22 : f32 to vector<5000x128xf32>
    %add3A_24 = arith.addf %mul3A_21, %add3A_23 : vector<5000x128xf32>
    %slice3A_25 = vector.extract_strided_slice %tanh3A {offsets = [0, 128], sizes = [5000, 128], strides = [1, 1]} : vector<5000x512xf32> to vector<5000x128xf32>
    %mul3A_26 = arith.constant 5.000000e-01 : f32
    %mul3A_27 = vector.broadcast %mul3A_26 : f32 to vector<5000x128xf32>
    %mul3A_28 = arith.mulf %mul3A_27, %slice3A_25 : vector<5000x128xf32>
    %add3A_29 = arith.constant 5.000000e-01 : f32
    %add3A_30 = vector.broadcast %add3A_29 : f32 to vector<5000x128xf32>
    %add3A_31 = arith.addf %mul3A_28, %add3A_30 : vector<5000x128xf32>
    %slice3A_32 = vector.extract_strided_slice %tanh3A {offsets = [0, 256], sizes = [5000, 128], strides = [1, 1]} : vector<5000x512xf32> to vector<5000x128xf32>
    %slice3A_33 = vector.extract_strided_slice %tanh3A {offsets = [0, 384], sizes = [5000, 128], strides = [1, 1]} : vector<5000x512xf32> to vector<5000x128xf32>
    %mul3A_34 = arith.constant 5.000000e-01 : f32
    %mul3A_35 = vector.broadcast %mul3A_34 : f32 to vector<5000x128xf32>
    %mul3A_36 = arith.mulf %mul3A_35, %slice3A_33 : vector<5000x128xf32>
    %add3A_37 = arith.constant 5.000000e-01 : f32
    %add3A_38 = vector.broadcast %add3A_37 : f32 to vector<5000x128xf32>
    %add3A_39 = arith.addf %mul3A_36, %add3A_38 : vector<5000x128xf32>
    %mul3A_40 = arith.mulf %add3A_31, %get3A_6 : vector<5000x128xf32>
    %mul3A_41 = arith.mulf %add3A_24, %slice3A_32 : vector<5000x128xf32>
    %add3A_42 = arith.addf %mul3A_40, %mul3A_41 : vector<5000x128xf32>
    %tanh3A_43 = math.tanh %add3A_42 : vector<5000x128xf32>
    %mul3A_44 = arith.mulf %add3A_39, %tanh3A_43 : vector<5000x128xf32>
    %get3A_45 = arith.constant 5000 : index
    %get3A_46 = arith.constant 0 : index
    %get3A_47 = vector.load %arg2[%get3A_45, %get3A_46] : memref<20000x128xf32, #tpu.memory_space<vmem>>, vector<5000x128xf32>
    %convert_element_type3A_48 = arith.truncf %get3A_47 : vector<5000x128xf32> to vector<5000x128xbf16>
    %convert_element_type3A_49 = arith.truncf %mul3A_44 : vector<5000x128xf32> to vector<5000x128xbf16>
    %concatenate3A_50 = tpu.concatenate %convert_element_type3A_48, %convert_element_type3A_49 in 1 : vector<5000x128xbf16>, vector<5000x128xbf16> -> vector<5000x256xbf16>
    %get3A_51 = arith.constant 0 : index
    %get3A_52 = arith.constant 0 : index
    %get3A_53 = vector.load %arg4[%get3A_51, %get3A_52] : memref<256x512xbf16, #tpu.memory_space<vmem>>, vector<256x512xbf16>
    %dot_general3A_54 = arith.constant dense<0.000000e+00> : vector<5000x512xf32>
    %dot_general3A_55 = tpu.matmul %concatenate3A_50, %get3A_53, %dot_general3A_54 {dimension_numbers = #tpu.dot_dimension_numbers<[1], [0], [0], [1], [0, 0, 1, 1], [], []>, transpose_lhs_hint = false} : vector<5000x256xbf16>, vector<256x512xbf16>, vector<5000x512xf32> -> vector<5000x512xf32>
    %get3A_56 = arith.constant 0 : index
    %get3A_57 = arith.constant 0 : index
    %get3A_58 = vector.load %arg5[%get3A_56, %get3A_57] : memref<1x512xf32, #tpu.memory_space<vmem>>, vector<1x512xf32>
    %add3A_59 = vector.broadcast %get3A_58 : vector<1x512xf32> to vector<5000x512xf32>
    %add3A_60 = arith.addf %dot_general3A_55, %add3A_59 : vector<5000x512xf32>
    %tanh3A_61 = math.tanh %add3A_60 : vector<5000x512xf32>
    %slice3A_62 = vector.extract_strided_slice %tanh3A_61 {offsets = [0, 0], sizes = [5000, 128], strides = [1, 1]} : vector<5000x512xf32> to vector<5000x128xf32>
    %mul3A_63 = arith.constant 5.000000e-01 : f32
    %mul3A_64 = vector.broadcast %mul3A_63 : f32 to vector<5000x128xf32>
    %mul3A_65 = arith.mulf %mul3A_64, %slice3A_62 : vector<5000x128xf32>
    %add3A_66 = arith.constant 5.000000e-01 : f32
    %add3A_67 = vector.broadcast %add3A_66 : f32 to vector<5000x128xf32>
    %add3A_68 = arith.addf %mul3A_65, %add3A_67 : vector<5000x128xf32>
    %slice3A_69 = vector.extract_strided_slice %tanh3A_61 {offsets = [0, 128], sizes = [5000, 128], strides = [1, 1]} : vector<5000x512xf32> to vector<5000x128xf32>
    %mul3A_70 = arith.constant 5.000000e-01 : f32
    %mul3A_71 = vector.broadcast %mul3A_70 : f32 to vector<5000x128xf32>
    %mul3A_72 = arith.mulf %mul3A_71, %slice3A_69 : vector<5000x128xf32>
    %add3A_73 = arith.constant 5.000000e-01 : f32
    %add3A_74 = vector.broadcast %add3A_73 : f32 to vector<5000x128xf32>
    %add3A_75 = arith.addf %mul3A_72, %add3A_74 : vector<5000x128xf32>
    %slice3A_76 = vector.extract_strided_slice %tanh3A_61 {offsets = [0, 256], sizes = [5000, 128], strides = [1, 1]} : vector<5000x512xf32> to vector<5000x128xf32>
    %slice3A_77 = vector.extract_strided_slice %tanh3A_61 {offsets = [0, 384], sizes = [5000, 128], strides = [1, 1]} : vector<5000x512xf32> to vector<5000x128xf32>
    %mul3A_78 = arith.constant 5.000000e-01 : f32
    %mul3A_79 = vector.broadcast %mul3A_78 : f32 to vector<5000x128xf32>
    %mul3A_80 = arith.mulf %mul3A_79, %slice3A_77 : vector<5000x128xf32>
    %add3A_81 = arith.constant 5.000000e-01 : f32
    %add3A_82 = vector.broadcast %add3A_81 : f32 to vector<5000x128xf32>
    %add3A_83 = arith.addf %mul3A_80, %add3A_82 : vector<5000x128xf32>
    %mul3A_84 = arith.mulf %add3A_75, %add3A_42 : vector<5000x128xf32>
    %mul3A_85 = arith.mulf %add3A_68, %slice3A_76 : vector<5000x128xf32>
    %add3A_86 = arith.addf %mul3A_84, %mul3A_85 : vector<5000x128xf32>
    %tanh3A_87 = math.tanh %add3A_86 : vector<5000x128xf32>
    %mul3A_88 = arith.mulf %add3A_83, %tanh3A_87 : vector<5000x128xf32>
    %get3A_89 = arith.constant 10000 : index
    %get3A_90 = arith.constant 0 : index
    %get3A_91 = vector.load %arg2[%get3A_89, %get3A_90] : memref<20000x128xf32, #tpu.memory_space<vmem>>, vector<5000x128xf32>
    %convert_element_type3A_92 = arith.truncf %get3A_91 : vector<5000x128xf32> to vector<5000x128xbf16>
    %convert_element_type3A_93 = arith.truncf %mul3A_88 : vector<5000x128xf32> to vector<5000x128xbf16>
    %concatenate3A_94 = tpu.concatenate %convert_element_type3A_92, %convert_element_type3A_93 in 1 : vector<5000x128xbf16>, vector<5000x128xbf16> -> vector<5000x256xbf16>
    %get3A_95 = arith.constant 0 : index
    %get3A_96 = arith.constant 0 : index
    %get3A_97 = vector.load %arg4[%get3A_95, %get3A_96] : memref<256x512xbf16, #tpu.memory_space<vmem>>, vector<256x512xbf16>
    %dot_general3A_98 = arith.constant dense<0.000000e+00> : vector<5000x512xf32>
    %dot_general3A_99 = tpu.matmul %concatenate3A_94, %get3A_97, %dot_general3A_98 {dimension_numbers = #tpu.dot_dimension_numbers<[1], [0], [0], [1], [0, 0, 1, 1], [], []>, transpose_lhs_hint = false} : vector<5000x256xbf16>, vector<256x512xbf16>, vector<5000x512xf32> -> vector<5000x512xf32>
    %get3A_100 = arith.constant 0 : index
    %get3A_101 = arith.constant 0 : index
    %get3A_102 = vector.load %arg5[%get3A_100, %get3A_101] : memref<1x512xf32, #tpu.memory_space<vmem>>, vector<1x512xf32>
    %add3A_103 = vector.broadcast %get3A_102 : vector<1x512xf32> to vector<5000x512xf32>
    %add3A_104 = arith.addf %dot_general3A_99, %add3A_103 : vector<5000x512xf32>
    %tanh3A_105 = math.tanh %add3A_104 : vector<5000x512xf32>
    %slice3A_106 = vector.extract_strided_slice %tanh3A_105 {offsets = [0, 0], sizes = [5000, 128], strides = [1, 1]} : vector<5000x512xf32> to vector<5000x128xf32>
    %mul3A_107 = arith.constant 5.000000e-01 : f32
    %mul3A_108 = vector.broadcast %mul3A_107 : f32 to vector<5000x128xf32>
    %mul3A_109 = arith.mulf %mul3A_108, %slice3A_106 : vector<5000x128xf32>
    %add3A_110 = arith.constant 5.000000e-01 : f32
    %add3A_111 = vector.broadcast %add3A_110 : f32 to vector<5000x128xf32>
    %add3A_112 = arith.addf %mul3A_109, %add3A_111 : vector<5000x128xf32>
    %slice3A_113 = vector.extract_strided_slice %tanh3A_105 {offsets = [0, 128], sizes = [5000, 128], strides = [1, 1]} : vector<5000x512xf32> to vector<5000x128xf32>
    %mul3A_114 = arith.constant 5.000000e-01 : f32
    %mul3A_115 = vector.broadcast %mul3A_114 : f32 to vector<5000x128xf32>
    %mul3A_116 = arith.mulf %mul3A_115, %slice3A_113 : vector<5000x128xf32>
    %add3A_117 = arith.constant 5.000000e-01 : f32
    %add3A_118 = vector.broadcast %add3A_117 : f32 to vector<5000x128xf32>
    %add3A_119 = arith.addf %mul3A_116, %add3A_118 : vector<5000x128xf32>
    %slice3A_120 = vector.extract_strided_slice %tanh3A_105 {offsets = [0, 256], sizes = [5000, 128], strides = [1, 1]} : vector<5000x512xf32> to vector<5000x128xf32>
    %slice3A_121 = vector.extract_strided_slice %tanh3A_105 {offsets = [0, 384], sizes = [5000, 128], strides = [1, 1]} : vector<5000x512xf32> to vector<5000x128xf32>
    %mul3A_122 = arith.constant 5.000000e-01 : f32
    %mul3A_123 = vector.broadcast %mul3A_122 : f32 to vector<5000x128xf32>
    %mul3A_124 = arith.mulf %mul3A_123, %slice3A_121 : vector<5000x128xf32>
    %add3A_125 = arith.constant 5.000000e-01 : f32
    %add3A_126 = vector.broadcast %add3A_125 : f32 to vector<5000x128xf32>
    %add3A_127 = arith.addf %mul3A_124, %add3A_126 : vector<5000x128xf32>
    %mul3A_128 = arith.mulf %add3A_119, %add3A_86 : vector<5000x128xf32>
    %mul3A_129 = arith.mulf %add3A_112, %slice3A_120 : vector<5000x128xf32>
    %add3A_130 = arith.addf %mul3A_128, %mul3A_129 : vector<5000x128xf32>
    %tanh3A_131 = math.tanh %add3A_130 : vector<5000x128xf32>
    %mul3A_132 = arith.mulf %add3A_127, %tanh3A_131 : vector<5000x128xf32>
    %get3A_133 = arith.constant 15000 : index
    %get3A_134 = arith.constant 0 : index
    %get3A_135 = vector.load %arg2[%get3A_133, %get3A_134] : memref<20000x128xf32, #tpu.memory_space<vmem>>, vector<5000x128xf32>
    %convert_element_type3A_136 = arith.truncf %get3A_135 : vector<5000x128xf32> to vector<5000x128xbf16>
    %convert_element_type3A_137 = arith.truncf %mul3A_132 : vector<5000x128xf32> to vector<5000x128xbf16>
    %concatenate3A_138 = tpu.concatenate %convert_element_type3A_136, %convert_element_type3A_137 in 1 : vector<5000x128xbf16>, vector<5000x128xbf16> -> vector<5000x256xbf16>
    %get3A_139 = arith.constant 0 : index
    %get3A_140 = arith.constant 0 : index
    %get3A_141 = vector.load %arg4[%get3A_139, %get3A_140] : memref<256x512xbf16, #tpu.memory_space<vmem>>, vector<256x512xbf16>
    %dot_general3A_142 = arith.constant dense<0.000000e+00> : vector<5000x512xf32>
    %dot_general3A_143 = tpu.matmul %concatenate3A_138, %get3A_141, %dot_general3A_142 {dimension_numbers = #tpu.dot_dimension_numbers<[1], [0], [0], [1], [0, 0, 1, 1], [], []>, transpose_lhs_hint = false} : vector<5000x256xbf16>, vector<256x512xbf16>, vector<5000x512xf32> -> vector<5000x512xf32>
    %get3A_144 = arith.constant 0 : index
    %get3A_145 = arith.constant 0 : index
    %get3A_146 = vector.load %arg5[%get3A_144, %get3A_145] : memref<1x512xf32, #tpu.memory_space<vmem>>, vector<1x512xf32>
    %add3A_147 = vector.broadcast %get3A_146 : vector<1x512xf32> to vector<5000x512xf32>
    %add3A_148 = arith.addf %dot_general3A_143, %add3A_147 : vector<5000x512xf32>
    %tanh3A_149 = math.tanh %add3A_148 : vector<5000x512xf32>
    %slice3A_150 = vector.extract_strided_slice %tanh3A_149 {offsets = [0, 0], sizes = [5000, 128], strides = [1, 1]} : vector<5000x512xf32> to vector<5000x128xf32>
    %mul3A_151 = arith.constant 5.000000e-01 : f32
    %mul3A_152 = vector.broadcast %mul3A_151 : f32 to vector<5000x128xf32>
    %mul3A_153 = arith.mulf %mul3A_152, %slice3A_150 : vector<5000x128xf32>
    %add3A_154 = arith.constant 5.000000e-01 : f32
    %add3A_155 = vector.broadcast %add3A_154 : f32 to vector<5000x128xf32>
    %add3A_156 = arith.addf %mul3A_153, %add3A_155 : vector<5000x128xf32>
    %slice3A_157 = vector.extract_strided_slice %tanh3A_149 {offsets = [0, 128], sizes = [5000, 128], strides = [1, 1]} : vector<5000x512xf32> to vector<5000x128xf32>
    %mul3A_158 = arith.constant 5.000000e-01 : f32
    %mul3A_159 = vector.broadcast %mul3A_158 : f32 to vector<5000x128xf32>
    %mul3A_160 = arith.mulf %mul3A_159, %slice3A_157 : vector<5000x128xf32>
    %add3A_161 = arith.constant 5.000000e-01 : f32
    %add3A_162 = vector.broadcast %add3A_161 : f32 to vector<5000x128xf32>
    %add3A_163 = arith.addf %mul3A_160, %add3A_162 : vector<5000x128xf32>
    %slice3A_164 = vector.extract_strided_slice %tanh3A_149 {offsets = [0, 256], sizes = [5000, 128], strides = [1, 1]} : vector<5000x512xf32> to vector<5000x128xf32>
    %slice3A_165 = vector.extract_strided_slice %tanh3A_149 {offsets = [0, 384], sizes = [5000, 128], strides = [1, 1]} : vector<5000x512xf32> to vector<5000x128xf32>
    %mul3A_166 = arith.constant 5.000000e-01 : f32
    %mul3A_167 = vector.broadcast %mul3A_166 : f32 to vector<5000x128xf32>
    %mul3A_168 = arith.mulf %mul3A_167, %slice3A_165 : vector<5000x128xf32>
    %add3A_169 = arith.constant 5.000000e-01 : f32
    %add3A_170 = vector.broadcast %add3A_169 : f32 to vector<5000x128xf32>
    %add3A_171 = arith.addf %mul3A_168, %add3A_170 : vector<5000x128xf32>
    %mul3A_172 = arith.mulf %add3A_163, %add3A_130 : vector<5000x128xf32>
    %mul3A_173 = arith.mulf %add3A_156, %slice3A_164 : vector<5000x128xf32>
    %add3A_174 = arith.addf %mul3A_172, %mul3A_173 : vector<5000x128xf32>
    %tanh3A_175 = math.tanh %add3A_174 : vector<5000x128xf32>
    %mul3A_176 = arith.mulf %add3A_171, %tanh3A_175 : vector<5000x128xf32>
    %swap3A = arith.constant 0 : index
    %swap3A_177 = arith.constant 0 : index
    %swap3A_178 = vector.load %arg10[%swap3A, %swap3A_177] : memref<5000x128xf32, #tpu.memory_space<vmem>>, vector<5000x128xf32>
    tpu.vector_store %arg10[%swap3A, %swap3A_177], %mul3A_176 {strides = array<i32>} : memref<5000x128xf32, #tpu.memory_space<vmem>>, vector<5000x128xf32>,
    %swap3A_179 = arith.constant 0 : index
    %swap3A_180 = arith.constant 0 : index
    %swap3A_181 = vector.load %arg11[%swap3A_179, %swap3A_180] : memref<5000x128xf32, #tpu.memory_space<vmem>>, vector<5000x128xf32>
    tpu.vector_store %arg11[%swap3A_179, %swap3A_180], %add3A_174 {strides = array<i32>} : memref<5000x128xf32, #tpu.memory_space<vmem>>, vector<5000x128xf32>,
    %eq3A_182 = arith.constant 7 : i32
    %eq3A_183 = arith.cmpi eq, %arg1, %eq3A_182 : i32
    %convert_element_type3A_184 = arith.extui %eq3A_183 : i1 to i32
    %cond3A_185 = arith.constant 0 : i32
    %cond3A_186 = arith.cmpi ne, %convert_element_type3A_184, %cond3A_185 : i32
    scf.if %cond3A_186 {
      %get3A_187 = arith.constant 0 : index
      %get3A_188 = arith.constant 0 : index
      %get3A_189 = vector.load %arg3[%get3A_187, %get3A_188] : memref<5000x128xf32, #tpu.memory_space<vmem>>, vector<5000x128xf32>
      %convert_element_type3A_190 = arith.truncf %mul3A_176 : vector<5000x128xf32> to vector<5000x128xbf16>
      %get3A_191 = arith.constant 0 : index
      %get3A_192 = arith.constant 0 : index
      %get3A_193 = vector.load %arg6[%get3A_191, %get3A_192] : memref<128x128xbf16, #tpu.memory_space<vmem>>, vector<128x128xbf16>
      %dot_general3A_194 = arith.constant dense<0.000000e+00> : vector<5000x128xf32>
      %dot_general3A_195 = tpu.matmul %convert_element_type3A_190, %get3A_193, %dot_general3A_194 {dimension_numbers = #tpu.dot_dimension_numbers<[1], [0], [0], [1], [0, 0, 1, 1], [], []>, transpose_lhs_hint = false} : vector<5000x128xbf16>, vector<128x128xbf16>, vector<5000x128xf32> -> vector<5000x128xf32>
      %convert_element_type3A_196 = arith.truncf %get3A_189 : vector<5000x128xf32> to vector<5000x128xbf16>
      %get3A_197 = arith.constant 0 : index
      %get3A_198 = arith.constant 0 : index
      %get3A_199 = vector.load %arg7[%get3A_197, %get3A_198] : memref<128x128xbf16, #tpu.memory_space<vmem>>, vector<128x128xbf16>
      %dot_general3A_200 = arith.constant dense<0.000000e+00> : vector<5000x128xf32>
      %dot_general3A_201 = tpu.matmul %convert_element_type3A_196, %get3A_199, %dot_general3A_200 {dimension_numbers = #tpu.dot_dimension_numbers<[1], [0], [0], [1], [0, 0, 1, 1], [], []>, transpose_lhs_hint = false} : vector<5000x128xbf16>, vector<128x128xbf16>, vector<5000x128xf32> -> vector<5000x128xf32>
      %add3A_202 = arith.addf %dot_general3A_195, %dot_general3A_201 : vector<5000x128xf32>
      %get3A_203 = arith.constant 0 : index
      %get3A_204 = arith.constant 0 : index
      %get3A_205 = vector.load %arg8[%get3A_203, %get3A_204] : memref<1x128xf32, #tpu.memory_space<vmem>>, vector<1x128xf32>
      %add3A_206 = vector.broadcast %get3A_205 : vector<1x128xf32> to vector<5000x128xf32>
      %add3A_207 = arith.addf %add3A_202, %add3A_206 : vector<5000x128xf32>
      %add3A_208 = arith.addf %add3A_207, %get3A_189 : vector<5000x128xf32>
      %max3A = arith.constant 0.000000e+00 : f32
      %max3A_209 = vector.broadcast %max3A : f32 to vector<5000x128xf32>
      %max3A_210 = arith.maximumf %add3A_208, %max3A_209 : vector<5000x128xf32>
      %swap3A_211 = arith.constant 0 : index
      %swap3A_212 = arith.constant 0 : index
      %swap3A_213 = vector.load %arg9[%swap3A_211, %swap3A_212] : memref<5000x128xf32, #tpu.memory_space<vmem>>, vector<5000x128xf32>
      tpu.vector_store %arg9[%swap3A_211, %swap3A_212], %max3A_210 {strides = array<i32>} : memref<5000x128xf32, #tpu.memory_space<vmem>>, vector<5000x128xf32>,
    } else {
    }
    return
  }
  func.func @transform_0(%arg0: i32, %arg1: i32) -> (i32, i32) {
    %mul3A = arith.constant 1 : i32
    %mul3A_0 = arith.muli %arg1, %mul3A : i32
    %add3A = arith.addi %mul3A_0, %arg0 : i32
    %c0_i32 = arith.constant 0 : i32
    %c0_i32_1 = arith.constant 0 : i32
    return %add3A, %c0_i32 : i32, i32
  }
  func.func @transform_1(%arg0: i32, %arg1: i32) -> (i32, i32) {
    %add3A = arith.constant 0 : i32
    %add3A_0 = arith.addi %add3A, %arg0 : i32
    %c0_i32 = arith.constant 0 : i32
    %c0_i32_1 = arith.constant 0 : i32
    return %add3A_0, %c0_i32 : i32, i32
  }
  func.func @transform_2(%arg0: i32, %arg1: i32) -> (i32, i32) {
    %c0_i32 = arith.constant 0 : i32
    %c0_i32_0 = arith.constant 0 : i32
    %c0_i32_1 = arith.constant 0 : i32
    return %c0_i32, %c0_i32_0 : i32, i32
  }
  func.func @transform_3(%arg0: i32, %arg1: i32) -> (i32, i32) {
    %c0_i32 = arith.constant 0 : i32
    %c0_i32_0 = arith.constant 0 : i32
    %c0_i32_1 = arith.constant 0 : i32
    return %c0_i32, %c0_i32_0 : i32, i32
  }
  func.func @transform_4(%arg0: i32, %arg1: i32) -> (i32, i32) {
    %c0_i32 = arith.constant 0 : i32
    %c0_i32_0 = arith.constant 0 : i32
    %c0_i32_1 = arith.constant 0 : i32
    return %c0_i32, %c0_i32_0 : i32, i32
  }
  func.func @transform_5(%arg0: i32, %arg1: i32) -> (i32, i32) {
    %c0_i32 = arith.constant 0 : i32
    %c0_i32_0 = arith.constant 0 : i32
    %c0_i32_1 = arith.constant 0 : i32
    return %c0_i32, %c0_i32_0 : i32, i32
  }
  func.func @transform_6(%arg0: i32, %arg1: i32) -> (i32, i32) {
    %c0_i32 = arith.constant 0 : i32
    %c0_i32_0 = arith.constant 0 : i32
    %c0_i32_1 = arith.constant 0 : i32
    return %c0_i32, %c0_i32_0 : i32, i32
  }
  func.func @transform_7(%arg0: i32, %arg1: i32) -> (i32, i32) {
    %c0_i32 = arith.constant 0 : i32
    %c0_i32_0 = arith.constant 0 : i32
    return %arg0, %c0_i32 : i32, i32
  }
}

module attributes {stable_mosaic.version = 14 : i64} {
  func.func @_lstm_body(%arg0: i32, %arg1: i32, %arg2: memref<20000x128xf32, #tpu.memory_space<vmem>>, %arg3: memref<5000x128xf32, #tpu.memory_space<vmem>>, %arg4: memref<256x512xbf16, #tpu.memory_space<vmem>>, %arg5: memref<1x512xf32, #tpu.memory_space<vmem>>, %arg6: memref<128x128xbf16, #tpu.memory_space<vmem>>, %arg7: memref<128x128xbf16, #tpu.memory_space<vmem>>, %arg8: memref<1x128xf32, #tpu.memory_space<vmem>>, %arg9: memref<5000x128xf32, #tpu.memory_space<vmem>>, %arg10: memref<5000x128xf32, #tpu.memory_space<vmem>>, %arg11: memref<5000x128xf32, #tpu.memory_space<vmem>>) attributes {dimension_semantics = [#tpu.dimension_semantics<arbitrary>, #tpu.dimension_semantics<arbitrary>], iteration_bounds = array<i64: 1, 8>, scalar_prefetch = 0 : i64, scratch_operands = 2 : i64, tpu.core_type = #tpu.core_type<tc>, window_params = [{transform_indices = @transform_0, window_bounds = array<i64: 20000, 128>}, {transform_indices = @transform_1, window_bounds = array<i64: 5000, 128>}, {pipeline_mode = #tpu.pipeline_mode<synchronous>, transform_indices = @transform_2, window_bounds = array<i64: 256, 512>}, {pipeline_mode = #tpu.pipeline_mode<synchronous>, transform_indices = @transform_3, window_bounds = array<i64: 1, 512>}, {pipeline_mode = #tpu.pipeline_mode<synchronous>, transform_indices = @transform_4, window_bounds = array<i64: 128, 128>}, {pipeline_mode = #tpu.pipeline_mode<synchronous>, transform_indices = @transform_5, window_bounds = array<i64: 128, 128>}, {pipeline_mode = #tpu.pipeline_mode<synchronous>, transform_indices = @transform_6, window_bounds = array<i64: 1, 128>}, {transform_indices = @transform_7, window_bounds = array<i64: 5000, 128>}]} {
    %eq3A = arith.constant 0 : i32
    %eq3A_0 = arith.cmpi eq, %arg1, %eq3A : i32
    %convert_element_type3A = arith.extui %eq3A_0 : i1 to i32
    %cond3A = arith.constant 0 : i32
    %cond3A_1 = arith.cmpi ne, %convert_element_type3A, %cond3A : i32
    scf.if %cond3A_1 {
      %broadcast_in_dim3A = arith.constant 0.000000e+00 : f32
      %broadcast_in_dim3A_187 = vector.broadcast %broadcast_in_dim3A : f32 to vector<5000x128xf32>
      %swap3A_188 = arith.constant 0 : index
      %swap3A_189 = arith.constant 0 : index
      %swap3A_190 = vector.load %arg10[%swap3A_188, %swap3A_189] : memref<5000x128xf32, #tpu.memory_space<vmem>>, vector<5000x128xf32>
      tpu.vector_store %arg10[%swap3A_188, %swap3A_189], %broadcast_in_dim3A_187 {strides = array<i32>} : memref<5000x128xf32, #tpu.memory_space<vmem>>, vector<5000x128xf32>,
      %broadcast_in_dim3A_191 = arith.constant 0.000000e+00 : f32
      %broadcast_in_dim3A_192 = vector.broadcast %broadcast_in_dim3A_191 : f32 to vector<5000x128xf32>
      %swap3A_193 = arith.constant 0 : index
      %swap3A_194 = arith.constant 0 : index
      %swap3A_195 = vector.load %arg11[%swap3A_193, %swap3A_194] : memref<5000x128xf32, #tpu.memory_space<vmem>>, vector<5000x128xf32>
      tpu.vector_store %arg11[%swap3A_193, %swap3A_194], %broadcast_in_dim3A_192 {strides = array<i32>} : memref<5000x128xf32, #tpu.memory_space<vmem>>, vector<5000x128xf32>,
    } else {
    }
    %get3A = arith.constant 0 : index
    %get3A_2 = arith.constant 0 : index
    %get3A_3 = vector.load %arg10[%get3A, %get3A_2] : memref<5000x128xf32, #tpu.memory_space<vmem>>, vector<5000x128xf32>
    %get3A_4 = arith.constant 0 : index
    %get3A_5 = arith.constant 0 : index
    %get3A_6 = vector.load %arg11[%get3A_4, %get3A_5] : memref<5000x128xf32, #tpu.memory_space<vmem>>, vector<5000x128xf32>
    %get3A_7 = arith.constant 0 : index
    %get3A_8 = arith.constant 0 : index
    %get3A_9 = vector.load %arg2[%get3A_7, %get3A_8] : memref<20000x128xf32, #tpu.memory_space<vmem>>, vector<5000x128xf32>
    %convert_element_type3A_10 = arith.truncf %get3A_9 : vector<5000x128xf32> to vector<5000x128xbf16>
    %convert_element_type3A_11 = arith.truncf %get3A_3 : vector<5000x128xf32> to vector<5000x128xbf16>
    %concatenate3A = tpu.concatenate %convert_element_type3A_10, %convert_element_type3A_11 in 1 : vector<5000x128xbf16>, vector<5000x128xbf16> -> vector<5000x256xbf16>
    %get3A_12 = arith.constant 0 : index
    %get3A_13 = arith.constant 0 : index
    %get3A_14 = vector.load %arg4[%get3A_12, %get3A_13] : memref<256x512xbf16, #tpu.memory_space<vmem>>, vector<256x512xbf16>
    %dot_general3A = arith.constant dense<0.000000e+00> : vector<5000x512xf32>
    %dot_general3A_15 = tpu.matmul %concatenate3A, %get3A_14, %dot_general3A {dimension_numbers = #tpu.dot_dimension_numbers<[1], [0], [0], [1], [0, 0, 1, 1], [], []>, transpose_lhs_hint = false} : vector<5000x256xbf16>, vector<256x512xbf16>, vector<5000x512xf32> -> vector<5000x512xf32>
    %get3A_16 = arith.constant 0 : index
    %get3A_17 = arith.constant 0 : index
    %get3A_18 = vector.load %arg5[%get3A_16, %get3A_17] : memref<1x512xf32, #tpu.memory_space<vmem>>, vector<1x512xf32>
    %add3A = vector.broadcast %get3A_18 : vector<1x512xf32> to vector<5000x512xf32>
    %add3A_19 = arith.addf %dot_general3A_15, %add3A : vector<5000x512xf32>
    %tanh3A = math.tanh %add3A_19 : vector<5000x512xf32>
    %slice3A = vector.extract_strided_slice %tanh3A {offsets = [0, 0], sizes = [5000, 128], strides = [1, 1]} : vector<5000x512xf32> to vector<5000x128xf32>
    %mul3A = arith.constant 5.000000e-01 : f32
    %mul3A_20 = vector.broadcast %mul3A : f32 to vector<5000x128xf32>
    %mul3A_21 = arith.mulf %mul3A_20, %slice3A : vector<5000x128xf32>
    %add3A_22 = arith.constant 5.000000e-01 : f32
    %add3A_23 = vector.broadcast %add3A_22 : f32 to vector<5000x128xf32>
    %add3A_24 = arith.addf %mul3A_21, %add3A_23 : vector<5000x128xf32>
    %slice3A_25 = vector.extract_strided_slice %tanh3A {offsets = [0, 128], sizes = [5000, 128], strides = [1, 1]} : vector<5000x512xf32> to vector<5000x128xf32>
    %mul3A_26 = arith.constant 5.000000e-01 : f32
    %mul3A_27 = vector.broadcast %mul3A_26 : f32 to vector<5000x128xf32>
    %mul3A_28 = arith.mulf %mul3A_27, %slice3A_25 : vector<5000x128xf32>
    %add3A_29 = arith.constant 5.000000e-01 : f32
    %add3A_30 = vector.broadcast %add3A_29 : f32 to vector<5000x128xf32>
    %add3A_31 = arith.addf %mul3A_28, %add3A_30 : vector<5000x128xf32>
    %slice3A_32 = vector.extract_strided_slice %tanh3A {offsets = [0, 256], sizes = [5000, 128], strides = [1, 1]} : vector<5000x512xf32> to vector<5000x128xf32>
    %slice3A_33 = vector.extract_strided_slice %tanh3A {offsets = [0, 384], sizes = [5000, 128], strides = [1, 1]} : vector<5000x512xf32> to vector<5000x128xf32>
    %mul3A_34 = arith.constant 5.000000e-01 : f32
    %mul3A_35 = vector.broadcast %mul3A_34 : f32 to vector<5000x128xf32>
    %mul3A_36 = arith.mulf %mul3A_35, %slice3A_33 : vector<5000x128xf32>
    %add3A_37 = arith.constant 5.000000e-01 : f32
    %add3A_38 = vector.broadcast %add3A_37 : f32 to vector<5000x128xf32>
    %add3A_39 = arith.addf %mul3A_36, %add3A_38 : vector<5000x128xf32>
    %mul3A_40 = arith.mulf %add3A_31, %get3A_6 : vector<5000x128xf32>
    %mul3A_41 = arith.mulf %add3A_24, %slice3A_32 : vector<5000x128xf32>
    %add3A_42 = arith.addf %mul3A_40, %mul3A_41 : vector<5000x128xf32>
    %tanh3A_43 = math.tanh %add3A_42 : vector<5000x128xf32>
    %mul3A_44 = arith.mulf %add3A_39, %tanh3A_43 : vector<5000x128xf32>
    %get3A_45 = arith.constant 5000 : index
    %get3A_46 = arith.constant 0 : index
    %get3A_47 = vector.load %arg2[%get3A_45, %get3A_46] : memref<20000x128xf32, #tpu.memory_space<vmem>>, vector<5000x128xf32>
    %convert_element_type3A_48 = arith.truncf %get3A_47 : vector<5000x128xf32> to vector<5000x128xbf16>
    %convert_element_type3A_49 = arith.truncf %mul3A_44 : vector<5000x128xf32> to vector<5000x128xbf16>
    %concatenate3A_50 = tpu.concatenate %convert_element_type3A_48, %convert_element_type3A_49 in 1 : vector<5000x128xbf16>, vector<5000x128xbf16> -> vector<5000x256xbf16>
    %get3A_51 = arith.constant 0 : index
    %get3A_52 = arith.constant 0 : index
    %get3A_53 = vector.load %arg4[%get3A_51, %get3A_52] : memref<256x512xbf16, #tpu.memory_space<vmem>>, vector<256x512xbf16>
    %dot_general3A_54 = arith.constant dense<0.000000e+00> : vector<5000x512xf32>
    %dot_general3A_55 = tpu.matmul %concatenate3A_50, %get3A_53, %dot_general3A_54 {dimension_numbers = #tpu.dot_dimension_numbers<[1], [0], [0], [1], [0, 0, 1, 1], [], []>, transpose_lhs_hint = false} : vector<5000x256xbf16>, vector<256x512xbf16>, vector<5000x512xf32> -> vector<5000x512xf32>
    %get3A_56 = arith.constant 0 : index
    %get3A_57 = arith.constant 0 : index
    %get3A_58 = vector.load %arg5[%get3A_56, %get3A_57] : memref<1x512xf32, #tpu.memory_space<vmem>>, vector<1x512xf32>
    %add3A_59 = vector.broadcast %get3A_58 : vector<1x512xf32> to vector<5000x512xf32>
    %add3A_60 = arith.addf %dot_general3A_55, %add3A_59 : vector<5000x512xf32>
    %tanh3A_61 = math.tanh %add3A_60 : vector<5000x512xf32>
    %slice3A_62 = vector.extract_strided_slice %tanh3A_61 {offsets = [0, 0], sizes = [5000, 128], strides = [1, 1]} : vector<5000x512xf32> to vector<5000x128xf32>
    %mul3A_63 = arith.constant 5.000000e-01 : f32
    %mul3A_64 = vector.broadcast %mul3A_63 : f32 to vector<5000x128xf32>
    %mul3A_65 = arith.mulf %mul3A_64, %slice3A_62 : vector<5000x128xf32>
    %add3A_66 = arith.constant 5.000000e-01 : f32
    %add3A_67 = vector.broadcast %add3A_66 : f32 to vector<5000x128xf32>
    %add3A_68 = arith.addf %mul3A_65, %add3A_67 : vector<5000x128xf32>
    %slice3A_69 = vector.extract_strided_slice %tanh3A_61 {offsets = [0, 128], sizes = [5000, 128], strides = [1, 1]} : vector<5000x512xf32> to vector<5000x128xf32>
    %mul3A_70 = arith.constant 5.000000e-01 : f32
    %mul3A_71 = vector.broadcast %mul3A_70 : f32 to vector<5000x128xf32>
    %mul3A_72 = arith.mulf %mul3A_71, %slice3A_69 : vector<5000x128xf32>
    %add3A_73 = arith.constant 5.000000e-01 : f32
    %add3A_74 = vector.broadcast %add3A_73 : f32 to vector<5000x128xf32>
    %add3A_75 = arith.addf %mul3A_72, %add3A_74 : vector<5000x128xf32>
    %slice3A_76 = vector.extract_strided_slice %tanh3A_61 {offsets = [0, 256], sizes = [5000, 128], strides = [1, 1]} : vector<5000x512xf32> to vector<5000x128xf32>
    %slice3A_77 = vector.extract_strided_slice %tanh3A_61 {offsets = [0, 384], sizes = [5000, 128], strides = [1, 1]} : vector<5000x512xf32> to vector<5000x128xf32>
    %mul3A_78 = arith.constant 5.000000e-01 : f32
    %mul3A_79 = vector.broadcast %mul3A_78 : f32 to vector<5000x128xf32>
    %mul3A_80 = arith.mulf %mul3A_79, %slice3A_77 : vector<5000x128xf32>
    %add3A_81 = arith.constant 5.000000e-01 : f32
    %add3A_82 = vector.broadcast %add3A_81 : f32 to vector<5000x128xf32>
    %add3A_83 = arith.addf %mul3A_80, %add3A_82 : vector<5000x128xf32>
    %mul3A_84 = arith.mulf %add3A_75, %add3A_42 : vector<5000x128xf32>
    %mul3A_85 = arith.mulf %add3A_68, %slice3A_76 : vector<5000x128xf32>
    %add3A_86 = arith.addf %mul3A_84, %mul3A_85 : vector<5000x128xf32>
    %tanh3A_87 = math.tanh %add3A_86 : vector<5000x128xf32>
    %mul3A_88 = arith.mulf %add3A_83, %tanh3A_87 : vector<5000x128xf32>
    %get3A_89 = arith.constant 10000 : index
    %get3A_90 = arith.constant 0 : index
    %get3A_91 = vector.load %arg2[%get3A_89, %get3A_90] : memref<20000x128xf32, #tpu.memory_space<vmem>>, vector<5000x128xf32>
    %convert_element_type3A_92 = arith.truncf %get3A_91 : vector<5000x128xf32> to vector<5000x128xbf16>
    %convert_element_type3A_93 = arith.truncf %mul3A_88 : vector<5000x128xf32> to vector<5000x128xbf16>
    %concatenate3A_94 = tpu.concatenate %convert_element_type3A_92, %convert_element_type3A_93 in 1 : vector<5000x128xbf16>, vector<5000x128xbf16> -> vector<5000x256xbf16>
    %get3A_95 = arith.constant 0 : index
    %get3A_96 = arith.constant 0 : index
    %get3A_97 = vector.load %arg4[%get3A_95, %get3A_96] : memref<256x512xbf16, #tpu.memory_space<vmem>>, vector<256x512xbf16>
    %dot_general3A_98 = arith.constant dense<0.000000e+00> : vector<5000x512xf32>
    %dot_general3A_99 = tpu.matmul %concatenate3A_94, %get3A_97, %dot_general3A_98 {dimension_numbers = #tpu.dot_dimension_numbers<[1], [0], [0], [1], [0, 0, 1, 1], [], []>, transpose_lhs_hint = false} : vector<5000x256xbf16>, vector<256x512xbf16>, vector<5000x512xf32> -> vector<5000x512xf32>
    %get3A_100 = arith.constant 0 : index
    %get3A_101 = arith.constant 0 : index
    %get3A_102 = vector.load %arg5[%get3A_100, %get3A_101] : memref<1x512xf32, #tpu.memory_space<vmem>>, vector<1x512xf32>
    %add3A_103 = vector.broadcast %get3A_102 : vector<1x512xf32> to vector<5000x512xf32>
    %add3A_104 = arith.addf %dot_general3A_99, %add3A_103 : vector<5000x512xf32>
    %tanh3A_105 = math.tanh %add3A_104 : vector<5000x512xf32>
    %slice3A_106 = vector.extract_strided_slice %tanh3A_105 {offsets = [0, 0], sizes = [5000, 128], strides = [1, 1]} : vector<5000x512xf32> to vector<5000x128xf32>
    %mul3A_107 = arith.constant 5.000000e-01 : f32
    %mul3A_108 = vector.broadcast %mul3A_107 : f32 to vector<5000x128xf32>
    %mul3A_109 = arith.mulf %mul3A_108, %slice3A_106 : vector<5000x128xf32>
    %add3A_110 = arith.constant 5.000000e-01 : f32
    %add3A_111 = vector.broadcast %add3A_110 : f32 to vector<5000x128xf32>
    %add3A_112 = arith.addf %mul3A_109, %add3A_111 : vector<5000x128xf32>
    %slice3A_113 = vector.extract_strided_slice %tanh3A_105 {offsets = [0, 128], sizes = [5000, 128], strides = [1, 1]} : vector<5000x512xf32> to vector<5000x128xf32>
    %mul3A_114 = arith.constant 5.000000e-01 : f32
    %mul3A_115 = vector.broadcast %mul3A_114 : f32 to vector<5000x128xf32>
    %mul3A_116 = arith.mulf %mul3A_115, %slice3A_113 : vector<5000x128xf32>
    %add3A_117 = arith.constant 5.000000e-01 : f32
    %add3A_118 = vector.broadcast %add3A_117 : f32 to vector<5000x128xf32>
    %add3A_119 = arith.addf %mul3A_116, %add3A_118 : vector<5000x128xf32>
    %slice3A_120 = vector.extract_strided_slice %tanh3A_105 {offsets = [0, 256], sizes = [5000, 128], strides = [1, 1]} : vector<5000x512xf32> to vector<5000x128xf32>
    %slice3A_121 = vector.extract_strided_slice %tanh3A_105 {offsets = [0, 384], sizes = [5000, 128], strides = [1, 1]} : vector<5000x512xf32> to vector<5000x128xf32>
    %mul3A_122 = arith.constant 5.000000e-01 : f32
    %mul3A_123 = vector.broadcast %mul3A_122 : f32 to vector<5000x128xf32>
    %mul3A_124 = arith.mulf %mul3A_123, %slice3A_121 : vector<5000x128xf32>
    %add3A_125 = arith.constant 5.000000e-01 : f32
    %add3A_126 = vector.broadcast %add3A_125 : f32 to vector<5000x128xf32>
    %add3A_127 = arith.addf %mul3A_124, %add3A_126 : vector<5000x128xf32>
    %mul3A_128 = arith.mulf %add3A_119, %add3A_86 : vector<5000x128xf32>
    %mul3A_129 = arith.mulf %add3A_112, %slice3A_120 : vector<5000x128xf32>
    %add3A_130 = arith.addf %mul3A_128, %mul3A_129 : vector<5000x128xf32>
    %tanh3A_131 = math.tanh %add3A_130 : vector<5000x128xf32>
    %mul3A_132 = arith.mulf %add3A_127, %tanh3A_131 : vector<5000x128xf32>
    %get3A_133 = arith.constant 15000 : index
    %get3A_134 = arith.constant 0 : index
    %get3A_135 = vector.load %arg2[%get3A_133, %get3A_134] : memref<20000x128xf32, #tpu.memory_space<vmem>>, vector<5000x128xf32>
    %convert_element_type3A_136 = arith.truncf %get3A_135 : vector<5000x128xf32> to vector<5000x128xbf16>
    %convert_element_type3A_137 = arith.truncf %mul3A_132 : vector<5000x128xf32> to vector<5000x128xbf16>
    %concatenate3A_138 = tpu.concatenate %convert_element_type3A_136, %convert_element_type3A_137 in 1 : vector<5000x128xbf16>, vector<5000x128xbf16> -> vector<5000x256xbf16>
    %get3A_139 = arith.constant 0 : index
    %get3A_140 = arith.constant 0 : index
    %get3A_141 = vector.load %arg4[%get3A_139, %get3A_140] : memref<256x512xbf16, #tpu.memory_space<vmem>>, vector<256x512xbf16>
    %dot_general3A_142 = arith.constant dense<0.000000e+00> : vector<5000x512xf32>
    %dot_general3A_143 = tpu.matmul %concatenate3A_138, %get3A_141, %dot_general3A_142 {dimension_numbers = #tpu.dot_dimension_numbers<[1], [0], [0], [1], [0, 0, 1, 1], [], []>, transpose_lhs_hint = false} : vector<5000x256xbf16>, vector<256x512xbf16>, vector<5000x512xf32> -> vector<5000x512xf32>
    %get3A_144 = arith.constant 0 : index
    %get3A_145 = arith.constant 0 : index
    %get3A_146 = vector.load %arg5[%get3A_144, %get3A_145] : memref<1x512xf32, #tpu.memory_space<vmem>>, vector<1x512xf32>
    %add3A_147 = vector.broadcast %get3A_146 : vector<1x512xf32> to vector<5000x512xf32>
    %add3A_148 = arith.addf %dot_general3A_143, %add3A_147 : vector<5000x512xf32>
    %tanh3A_149 = math.tanh %add3A_148 : vector<5000x512xf32>
    %slice3A_150 = vector.extract_strided_slice %tanh3A_149 {offsets = [0, 0], sizes = [5000, 128], strides = [1, 1]} : vector<5000x512xf32> to vector<5000x128xf32>
    %mul3A_151 = arith.constant 5.000000e-01 : f32
    %mul3A_152 = vector.broadcast %mul3A_151 : f32 to vector<5000x128xf32>
    %mul3A_153 = arith.mulf %mul3A_152, %slice3A_150 : vector<5000x128xf32>
    %add3A_154 = arith.constant 5.000000e-01 : f32
    %add3A_155 = vector.broadcast %add3A_154 : f32 to vector<5000x128xf32>
    %add3A_156 = arith.addf %mul3A_153, %add3A_155 : vector<5000x128xf32>
    %slice3A_157 = vector.extract_strided_slice %tanh3A_149 {offsets = [0, 128], sizes = [5000, 128], strides = [1, 1]} : vector<5000x512xf32> to vector<5000x128xf32>
    %mul3A_158 = arith.constant 5.000000e-01 : f32
    %mul3A_159 = vector.broadcast %mul3A_158 : f32 to vector<5000x128xf32>
    %mul3A_160 = arith.mulf %mul3A_159, %slice3A_157 : vector<5000x128xf32>
    %add3A_161 = arith.constant 5.000000e-01 : f32
    %add3A_162 = vector.broadcast %add3A_161 : f32 to vector<5000x128xf32>
    %add3A_163 = arith.addf %mul3A_160, %add3A_162 : vector<5000x128xf32>
    %slice3A_164 = vector.extract_strided_slice %tanh3A_149 {offsets = [0, 256], sizes = [5000, 128], strides = [1, 1]} : vector<5000x512xf32> to vector<5000x128xf32>
    %slice3A_165 = vector.extract_strided_slice %tanh3A_149 {offsets = [0, 384], sizes = [5000, 128], strides = [1, 1]} : vector<5000x512xf32> to vector<5000x128xf32>
    %mul3A_166 = arith.constant 5.000000e-01 : f32
    %mul3A_167 = vector.broadcast %mul3A_166 : f32 to vector<5000x128xf32>
    %mul3A_168 = arith.mulf %mul3A_167, %slice3A_165 : vector<5000x128xf32>
    %add3A_169 = arith.constant 5.000000e-01 : f32
    %add3A_170 = vector.broadcast %add3A_169 : f32 to vector<5000x128xf32>
    %add3A_171 = arith.addf %mul3A_168, %add3A_170 : vector<5000x128xf32>
    %mul3A_172 = arith.mulf %add3A_163, %add3A_130 : vector<5000x128xf32>
    %mul3A_173 = arith.mulf %add3A_156, %slice3A_164 : vector<5000x128xf32>
    %add3A_174 = arith.addf %mul3A_172, %mul3A_173 : vector<5000x128xf32>
    %tanh3A_175 = math.tanh %add3A_174 : vector<5000x128xf32>
    %mul3A_176 = arith.mulf %add3A_171, %tanh3A_175 : vector<5000x128xf32>
    %swap3A = arith.constant 0 : index
    %swap3A_177 = arith.constant 0 : index
    %swap3A_178 = vector.load %arg10[%swap3A, %swap3A_177] : memref<5000x128xf32, #tpu.memory_space<vmem>>, vector<5000x128xf32>
    tpu.vector_store %arg10[%swap3A, %swap3A_177], %mul3A_176 {strides = array<i32>} : memref<5000x128xf32, #tpu.memory_space<vmem>>, vector<5000x128xf32>,
    %swap3A_179 = arith.constant 0 : index
    %swap3A_180 = arith.constant 0 : index
    %swap3A_181 = vector.load %arg11[%swap3A_179, %swap3A_180] : memref<5000x128xf32, #tpu.memory_space<vmem>>, vector<5000x128xf32>
    tpu.vector_store %arg11[%swap3A_179, %swap3A_180], %add3A_174 {strides = array<i32>} : memref<5000x128xf32, #tpu.memory_space<vmem>>, vector<5000x128xf32>,
    %eq3A_182 = arith.constant 7 : i32
    %eq3A_183 = arith.cmpi eq, %arg1, %eq3A_182 : i32
    %convert_element_type3A_184 = arith.extui %eq3A_183 : i1 to i32
    %cond3A_185 = arith.constant 0 : i32
    %cond3A_186 = arith.cmpi ne, %convert_element_type3A_184, %cond3A_185 : i32
    scf.if %cond3A_186 {
      %get3A_187 = arith.constant 0 : index
      %get3A_188 = arith.constant 0 : index
      %get3A_189 = vector.load %arg3[%get3A_187, %get3A_188] : memref<5000x128xf32, #tpu.memory_space<vmem>>, vector<5000x128xf32>
      %convert_element_type3A_190 = arith.truncf %mul3A_176 : vector<5000x128xf32> to vector<5000x128xbf16>
      %get3A_191 = arith.constant 0 : index
      %get3A_192 = arith.constant 0 : index
      %get3A_193 = vector.load %arg6[%get3A_191, %get3A_192] : memref<128x128xbf16, #tpu.memory_space<vmem>>, vector<128x128xbf16>
      %dot_general3A_194 = arith.constant dense<0.000000e+00> : vector<5000x128xf32>
      %dot_general3A_195 = tpu.matmul %convert_element_type3A_190, %get3A_193, %dot_general3A_194 {dimension_numbers = #tpu.dot_dimension_numbers<[1], [0], [0], [1], [0, 0, 1, 1], [], []>, transpose_lhs_hint = false} : vector<5000x128xbf16>, vector<128x128xbf16>, vector<5000x128xf32> -> vector<5000x128xf32>
      %convert_element_type3A_196 = arith.truncf %get3A_189 : vector<5000x128xf32> to vector<5000x128xbf16>
      %get3A_197 = arith.constant 0 : index
      %get3A_198 = arith.constant 0 : index
      %get3A_199 = vector.load %arg7[%get3A_197, %get3A_198] : memref<128x128xbf16, #tpu.memory_space<vmem>>, vector<128x128xbf16>
      %dot_general3A_200 = arith.constant dense<0.000000e+00> : vector<5000x128xf32>
      %dot_general3A_201 = tpu.matmul %convert_element_type3A_196, %get3A_199, %dot_general3A_200 {dimension_numbers = #tpu.dot_dimension_numbers<[1], [0], [0], [1], [0, 0, 1, 1], [], []>, transpose_lhs_hint = false} : vector<5000x128xbf16>, vector<128x128xbf16>, vector<5000x128xf32> -> vector<5000x128xf32>
      %add3A_202 = arith.addf %dot_general3A_195, %dot_general3A_201 : vector<5000x128xf32>
      %get3A_203 = arith.constant 0 : index
      %get3A_204 = arith.constant 0 : index
      %get3A_205 = vector.load %arg8[%get3A_203, %get3A_204] : memref<1x128xf32, #tpu.memory_space<vmem>>, vector<1x128xf32>
      %add3A_206 = vector.broadcast %get3A_205 : vector<1x128xf32> to vector<5000x128xf32>
      %add3A_207 = arith.addf %add3A_202, %add3A_206 : vector<5000x128xf32>
      %swap3A_208 = arith.constant 0 : index
      %swap3A_209 = arith.constant 0 : index
      %swap3A_210 = vector.load %arg9[%swap3A_208, %swap3A_209] : memref<5000x128xf32, #tpu.memory_space<vmem>>, vector<5000x128xf32>
      tpu.vector_store %arg9[%swap3A_208, %swap3A_209], %add3A_207 {strides = array<i32>} : memref<5000x128xf32, #tpu.memory_space<vmem>>, vector<5000x128xf32>,
    } else {
    }
    return
  }
  func.func @transform_0(%arg0: i32, %arg1: i32) -> (i32, i32) {
    %mul3A = arith.constant 1 : i32
    %mul3A_0 = arith.muli %arg1, %mul3A : i32
    %add3A = arith.addi %mul3A_0, %arg0 : i32
    %c0_i32 = arith.constant 0 : i32
    %c0_i32_1 = arith.constant 0 : i32
    return %add3A, %c0_i32 : i32, i32
  }
  func.func @transform_1(%arg0: i32, %arg1: i32) -> (i32, i32) {
    %add3A = arith.constant 1 : i32
    %add3A_0 = arith.addi %add3A, %arg0 : i32
    %c0_i32 = arith.constant 0 : i32
    %c0_i32_1 = arith.constant 0 : i32
    return %add3A_0, %c0_i32 : i32, i32
  }
  func.func @transform_2(%arg0: i32, %arg1: i32) -> (i32, i32) {
    %c0_i32 = arith.constant 0 : i32
    %c0_i32_0 = arith.constant 0 : i32
    %c0_i32_1 = arith.constant 0 : i32
    return %c0_i32, %c0_i32_0 : i32, i32
  }
  func.func @transform_3(%arg0: i32, %arg1: i32) -> (i32, i32) {
    %c0_i32 = arith.constant 0 : i32
    %c0_i32_0 = arith.constant 0 : i32
    %c0_i32_1 = arith.constant 0 : i32
    return %c0_i32, %c0_i32_0 : i32, i32
  }
  func.func @transform_4(%arg0: i32, %arg1: i32) -> (i32, i32) {
    %c0_i32 = arith.constant 0 : i32
    %c0_i32_0 = arith.constant 0 : i32
    %c0_i32_1 = arith.constant 0 : i32
    return %c0_i32, %c0_i32_0 : i32, i32
  }
  func.func @transform_5(%arg0: i32, %arg1: i32) -> (i32, i32) {
    %c0_i32 = arith.constant 0 : i32
    %c0_i32_0 = arith.constant 0 : i32
    %c0_i32_1 = arith.constant 0 : i32
    return %c0_i32, %c0_i32_0 : i32, i32
  }
  func.func @transform_6(%arg0: i32, %arg1: i32) -> (i32, i32) {
    %c0_i32 = arith.constant 0 : i32
    %c0_i32_0 = arith.constant 0 : i32
    %c0_i32_1 = arith.constant 0 : i32
    return %c0_i32, %c0_i32_0 : i32, i32
  }
  func.func @transform_7(%arg0: i32, %arg1: i32) -> (i32, i32) {
    %c0_i32 = arith.constant 0 : i32
    %c0_i32_0 = arith.constant 0 : i32
    return %arg0, %c0_i32 : i32, i32
  }
}

module attributes {stable_mosaic.version = 14 : i64} {
  func.func @_lstm_body(%arg0: i32, %arg1: i32, %arg2: memref<20000x128xf32, #tpu.memory_space<vmem>>, %arg3: memref<5000x128xf32, #tpu.memory_space<vmem>>, %arg4: memref<256x512xbf16, #tpu.memory_space<vmem>>, %arg5: memref<1x512xf32, #tpu.memory_space<vmem>>, %arg6: memref<128x128xbf16, #tpu.memory_space<vmem>>, %arg7: memref<128x128xbf16, #tpu.memory_space<vmem>>, %arg8: memref<1x128xf32, #tpu.memory_space<vmem>>, %arg9: memref<5000x128xf32, #tpu.memory_space<vmem>>, %arg10: memref<5000x128xf32, #tpu.memory_space<vmem>>, %arg11: memref<5000x128xf32, #tpu.memory_space<vmem>>) attributes {dimension_semantics = [#tpu.dimension_semantics<arbitrary>, #tpu.dimension_semantics<arbitrary>], iteration_bounds = array<i64: 1, 8>, scalar_prefetch = 0 : i64, scratch_operands = 2 : i64, tpu.core_type = #tpu.core_type<tc>, window_params = [{transform_indices = @transform_0, window_bounds = array<i64: 20000, 128>}, {transform_indices = @transform_1, window_bounds = array<i64: 5000, 128>}, {pipeline_mode = #tpu.pipeline_mode<synchronous>, transform_indices = @transform_2, window_bounds = array<i64: 256, 512>}, {pipeline_mode = #tpu.pipeline_mode<synchronous>, transform_indices = @transform_3, window_bounds = array<i64: 1, 512>}, {pipeline_mode = #tpu.pipeline_mode<synchronous>, transform_indices = @transform_4, window_bounds = array<i64: 128, 128>}, {pipeline_mode = #tpu.pipeline_mode<synchronous>, transform_indices = @transform_5, window_bounds = array<i64: 128, 128>}, {pipeline_mode = #tpu.pipeline_mode<synchronous>, transform_indices = @transform_6, window_bounds = array<i64: 1, 128>}, {transform_indices = @transform_7, window_bounds = array<i64: 5000, 128>}]} {
    %eq3A = arith.constant 0 : i32
    %eq3A_0 = arith.cmpi eq, %arg1, %eq3A : i32
    %convert_element_type3A = arith.extui %eq3A_0 : i1 to i32
    %cond3A = arith.constant 0 : i32
    %cond3A_1 = arith.cmpi ne, %convert_element_type3A, %cond3A : i32
    scf.if %cond3A_1 {
      %broadcast_in_dim3A = arith.constant 0.000000e+00 : f32
      %broadcast_in_dim3A_187 = vector.broadcast %broadcast_in_dim3A : f32 to vector<5000x128xf32>
      %swap3A_188 = arith.constant 0 : index
      %swap3A_189 = arith.constant 0 : index
      %swap3A_190 = vector.load %arg10[%swap3A_188, %swap3A_189] : memref<5000x128xf32, #tpu.memory_space<vmem>>, vector<5000x128xf32>
      tpu.vector_store %arg10[%swap3A_188, %swap3A_189], %broadcast_in_dim3A_187 {strides = array<i32>} : memref<5000x128xf32, #tpu.memory_space<vmem>>, vector<5000x128xf32>,
      %broadcast_in_dim3A_191 = arith.constant 0.000000e+00 : f32
      %broadcast_in_dim3A_192 = vector.broadcast %broadcast_in_dim3A_191 : f32 to vector<5000x128xf32>
      %swap3A_193 = arith.constant 0 : index
      %swap3A_194 = arith.constant 0 : index
      %swap3A_195 = vector.load %arg11[%swap3A_193, %swap3A_194] : memref<5000x128xf32, #tpu.memory_space<vmem>>, vector<5000x128xf32>
      tpu.vector_store %arg11[%swap3A_193, %swap3A_194], %broadcast_in_dim3A_192 {strides = array<i32>} : memref<5000x128xf32, #tpu.memory_space<vmem>>, vector<5000x128xf32>,
    } else {
    }
    %get3A = arith.constant 0 : index
    %get3A_2 = arith.constant 0 : index
    %get3A_3 = vector.load %arg10[%get3A, %get3A_2] : memref<5000x128xf32, #tpu.memory_space<vmem>>, vector<5000x128xf32>
    %get3A_4 = arith.constant 0 : index
    %get3A_5 = arith.constant 0 : index
    %get3A_6 = vector.load %arg11[%get3A_4, %get3A_5] : memref<5000x128xf32, #tpu.memory_space<vmem>>, vector<5000x128xf32>
    %get3A_7 = arith.constant 0 : index
    %get3A_8 = arith.constant 0 : index
    %get3A_9 = vector.load %arg2[%get3A_7, %get3A_8] : memref<20000x128xf32, #tpu.memory_space<vmem>>, vector<5000x128xf32>
    %convert_element_type3A_10 = arith.truncf %get3A_9 : vector<5000x128xf32> to vector<5000x128xbf16>
    %convert_element_type3A_11 = arith.truncf %get3A_3 : vector<5000x128xf32> to vector<5000x128xbf16>
    %concatenate3A = tpu.concatenate %convert_element_type3A_10, %convert_element_type3A_11 in 1 : vector<5000x128xbf16>, vector<5000x128xbf16> -> vector<5000x256xbf16>
    %get3A_12 = arith.constant 0 : index
    %get3A_13 = arith.constant 0 : index
    %get3A_14 = vector.load %arg4[%get3A_12, %get3A_13] : memref<256x512xbf16, #tpu.memory_space<vmem>>, vector<256x512xbf16>
    %dot_general3A = arith.constant dense<0.000000e+00> : vector<5000x512xf32>
    %dot_general3A_15 = tpu.matmul %concatenate3A, %get3A_14, %dot_general3A {dimension_numbers = #tpu.dot_dimension_numbers<[1], [0], [0], [1], [0, 0, 1, 1], [], []>, transpose_lhs_hint = false} : vector<5000x256xbf16>, vector<256x512xbf16>, vector<5000x512xf32> -> vector<5000x512xf32>
    %get3A_16 = arith.constant 0 : index
    %get3A_17 = arith.constant 0 : index
    %get3A_18 = vector.load %arg5[%get3A_16, %get3A_17] : memref<1x512xf32, #tpu.memory_space<vmem>>, vector<1x512xf32>
    %add3A = vector.broadcast %get3A_18 : vector<1x512xf32> to vector<5000x512xf32>
    %add3A_19 = arith.addf %dot_general3A_15, %add3A : vector<5000x512xf32>
    %tanh3A = math.tanh %add3A_19 : vector<5000x512xf32>
    %slice3A = vector.extract_strided_slice %tanh3A {offsets = [0, 0], sizes = [5000, 128], strides = [1, 1]} : vector<5000x512xf32> to vector<5000x128xf32>
    %mul3A = arith.constant 5.000000e-01 : f32
    %mul3A_20 = vector.broadcast %mul3A : f32 to vector<5000x128xf32>
    %mul3A_21 = arith.mulf %mul3A_20, %slice3A : vector<5000x128xf32>
    %add3A_22 = arith.constant 5.000000e-01 : f32
    %add3A_23 = vector.broadcast %add3A_22 : f32 to vector<5000x128xf32>
    %add3A_24 = arith.addf %mul3A_21, %add3A_23 : vector<5000x128xf32>
    %slice3A_25 = vector.extract_strided_slice %tanh3A {offsets = [0, 128], sizes = [5000, 128], strides = [1, 1]} : vector<5000x512xf32> to vector<5000x128xf32>
    %mul3A_26 = arith.constant 5.000000e-01 : f32
    %mul3A_27 = vector.broadcast %mul3A_26 : f32 to vector<5000x128xf32>
    %mul3A_28 = arith.mulf %mul3A_27, %slice3A_25 : vector<5000x128xf32>
    %add3A_29 = arith.constant 5.000000e-01 : f32
    %add3A_30 = vector.broadcast %add3A_29 : f32 to vector<5000x128xf32>
    %add3A_31 = arith.addf %mul3A_28, %add3A_30 : vector<5000x128xf32>
    %slice3A_32 = vector.extract_strided_slice %tanh3A {offsets = [0, 256], sizes = [5000, 128], strides = [1, 1]} : vector<5000x512xf32> to vector<5000x128xf32>
    %slice3A_33 = vector.extract_strided_slice %tanh3A {offsets = [0, 384], sizes = [5000, 128], strides = [1, 1]} : vector<5000x512xf32> to vector<5000x128xf32>
    %mul3A_34 = arith.constant 5.000000e-01 : f32
    %mul3A_35 = vector.broadcast %mul3A_34 : f32 to vector<5000x128xf32>
    %mul3A_36 = arith.mulf %mul3A_35, %slice3A_33 : vector<5000x128xf32>
    %add3A_37 = arith.constant 5.000000e-01 : f32
    %add3A_38 = vector.broadcast %add3A_37 : f32 to vector<5000x128xf32>
    %add3A_39 = arith.addf %mul3A_36, %add3A_38 : vector<5000x128xf32>
    %mul3A_40 = arith.mulf %add3A_31, %get3A_6 : vector<5000x128xf32>
    %mul3A_41 = arith.mulf %add3A_24, %slice3A_32 : vector<5000x128xf32>
    %add3A_42 = arith.addf %mul3A_40, %mul3A_41 : vector<5000x128xf32>
    %tanh3A_43 = math.tanh %add3A_42 : vector<5000x128xf32>
    %mul3A_44 = arith.mulf %add3A_39, %tanh3A_43 : vector<5000x128xf32>
    %get3A_45 = arith.constant 5000 : index
    %get3A_46 = arith.constant 0 : index
    %get3A_47 = vector.load %arg2[%get3A_45, %get3A_46] : memref<20000x128xf32, #tpu.memory_space<vmem>>, vector<5000x128xf32>
    %convert_element_type3A_48 = arith.truncf %get3A_47 : vector<5000x128xf32> to vector<5000x128xbf16>
    %convert_element_type3A_49 = arith.truncf %mul3A_44 : vector<5000x128xf32> to vector<5000x128xbf16>
    %concatenate3A_50 = tpu.concatenate %convert_element_type3A_48, %convert_element_type3A_49 in 1 : vector<5000x128xbf16>, vector<5000x128xbf16> -> vector<5000x256xbf16>
    %get3A_51 = arith.constant 0 : index
    %get3A_52 = arith.constant 0 : index
    %get3A_53 = vector.load %arg4[%get3A_51, %get3A_52] : memref<256x512xbf16, #tpu.memory_space<vmem>>, vector<256x512xbf16>
    %dot_general3A_54 = arith.constant dense<0.000000e+00> : vector<5000x512xf32>
    %dot_general3A_55 = tpu.matmul %concatenate3A_50, %get3A_53, %dot_general3A_54 {dimension_numbers = #tpu.dot_dimension_numbers<[1], [0], [0], [1], [0, 0, 1, 1], [], []>, transpose_lhs_hint = false} : vector<5000x256xbf16>, vector<256x512xbf16>, vector<5000x512xf32> -> vector<5000x512xf32>
    %get3A_56 = arith.constant 0 : index
    %get3A_57 = arith.constant 0 : index
    %get3A_58 = vector.load %arg5[%get3A_56, %get3A_57] : memref<1x512xf32, #tpu.memory_space<vmem>>, vector<1x512xf32>
    %add3A_59 = vector.broadcast %get3A_58 : vector<1x512xf32> to vector<5000x512xf32>
    %add3A_60 = arith.addf %dot_general3A_55, %add3A_59 : vector<5000x512xf32>
    %tanh3A_61 = math.tanh %add3A_60 : vector<5000x512xf32>
    %slice3A_62 = vector.extract_strided_slice %tanh3A_61 {offsets = [0, 0], sizes = [5000, 128], strides = [1, 1]} : vector<5000x512xf32> to vector<5000x128xf32>
    %mul3A_63 = arith.constant 5.000000e-01 : f32
    %mul3A_64 = vector.broadcast %mul3A_63 : f32 to vector<5000x128xf32>
    %mul3A_65 = arith.mulf %mul3A_64, %slice3A_62 : vector<5000x128xf32>
    %add3A_66 = arith.constant 5.000000e-01 : f32
    %add3A_67 = vector.broadcast %add3A_66 : f32 to vector<5000x128xf32>
    %add3A_68 = arith.addf %mul3A_65, %add3A_67 : vector<5000x128xf32>
    %slice3A_69 = vector.extract_strided_slice %tanh3A_61 {offsets = [0, 128], sizes = [5000, 128], strides = [1, 1]} : vector<5000x512xf32> to vector<5000x128xf32>
    %mul3A_70 = arith.constant 5.000000e-01 : f32
    %mul3A_71 = vector.broadcast %mul3A_70 : f32 to vector<5000x128xf32>
    %mul3A_72 = arith.mulf %mul3A_71, %slice3A_69 : vector<5000x128xf32>
    %add3A_73 = arith.constant 5.000000e-01 : f32
    %add3A_74 = vector.broadcast %add3A_73 : f32 to vector<5000x128xf32>
    %add3A_75 = arith.addf %mul3A_72, %add3A_74 : vector<5000x128xf32>
    %slice3A_76 = vector.extract_strided_slice %tanh3A_61 {offsets = [0, 256], sizes = [5000, 128], strides = [1, 1]} : vector<5000x512xf32> to vector<5000x128xf32>
    %slice3A_77 = vector.extract_strided_slice %tanh3A_61 {offsets = [0, 384], sizes = [5000, 128], strides = [1, 1]} : vector<5000x512xf32> to vector<5000x128xf32>
    %mul3A_78 = arith.constant 5.000000e-01 : f32
    %mul3A_79 = vector.broadcast %mul3A_78 : f32 to vector<5000x128xf32>
    %mul3A_80 = arith.mulf %mul3A_79, %slice3A_77 : vector<5000x128xf32>
    %add3A_81 = arith.constant 5.000000e-01 : f32
    %add3A_82 = vector.broadcast %add3A_81 : f32 to vector<5000x128xf32>
    %add3A_83 = arith.addf %mul3A_80, %add3A_82 : vector<5000x128xf32>
    %mul3A_84 = arith.mulf %add3A_75, %add3A_42 : vector<5000x128xf32>
    %mul3A_85 = arith.mulf %add3A_68, %slice3A_76 : vector<5000x128xf32>
    %add3A_86 = arith.addf %mul3A_84, %mul3A_85 : vector<5000x128xf32>
    %tanh3A_87 = math.tanh %add3A_86 : vector<5000x128xf32>
    %mul3A_88 = arith.mulf %add3A_83, %tanh3A_87 : vector<5000x128xf32>
    %get3A_89 = arith.constant 10000 : index
    %get3A_90 = arith.constant 0 : index
    %get3A_91 = vector.load %arg2[%get3A_89, %get3A_90] : memref<20000x128xf32, #tpu.memory_space<vmem>>, vector<5000x128xf32>
    %convert_element_type3A_92 = arith.truncf %get3A_91 : vector<5000x128xf32> to vector<5000x128xbf16>
    %convert_element_type3A_93 = arith.truncf %mul3A_88 : vector<5000x128xf32> to vector<5000x128xbf16>
    %concatenate3A_94 = tpu.concatenate %convert_element_type3A_92, %convert_element_type3A_93 in 1 : vector<5000x128xbf16>, vector<5000x128xbf16> -> vector<5000x256xbf16>
    %get3A_95 = arith.constant 0 : index
    %get3A_96 = arith.constant 0 : index
    %get3A_97 = vector.load %arg4[%get3A_95, %get3A_96] : memref<256x512xbf16, #tpu.memory_space<vmem>>, vector<256x512xbf16>
    %dot_general3A_98 = arith.constant dense<0.000000e+00> : vector<5000x512xf32>
    %dot_general3A_99 = tpu.matmul %concatenate3A_94, %get3A_97, %dot_general3A_98 {dimension_numbers = #tpu.dot_dimension_numbers<[1], [0], [0], [1], [0, 0, 1, 1], [], []>, transpose_lhs_hint = false} : vector<5000x256xbf16>, vector<256x512xbf16>, vector<5000x512xf32> -> vector<5000x512xf32>
    %get3A_100 = arith.constant 0 : index
    %get3A_101 = arith.constant 0 : index
    %get3A_102 = vector.load %arg5[%get3A_100, %get3A_101] : memref<1x512xf32, #tpu.memory_space<vmem>>, vector<1x512xf32>
    %add3A_103 = vector.broadcast %get3A_102 : vector<1x512xf32> to vector<5000x512xf32>
    %add3A_104 = arith.addf %dot_general3A_99, %add3A_103 : vector<5000x512xf32>
    %tanh3A_105 = math.tanh %add3A_104 : vector<5000x512xf32>
    %slice3A_106 = vector.extract_strided_slice %tanh3A_105 {offsets = [0, 0], sizes = [5000, 128], strides = [1, 1]} : vector<5000x512xf32> to vector<5000x128xf32>
    %mul3A_107 = arith.constant 5.000000e-01 : f32
    %mul3A_108 = vector.broadcast %mul3A_107 : f32 to vector<5000x128xf32>
    %mul3A_109 = arith.mulf %mul3A_108, %slice3A_106 : vector<5000x128xf32>
    %add3A_110 = arith.constant 5.000000e-01 : f32
    %add3A_111 = vector.broadcast %add3A_110 : f32 to vector<5000x128xf32>
    %add3A_112 = arith.addf %mul3A_109, %add3A_111 : vector<5000x128xf32>
    %slice3A_113 = vector.extract_strided_slice %tanh3A_105 {offsets = [0, 128], sizes = [5000, 128], strides = [1, 1]} : vector<5000x512xf32> to vector<5000x128xf32>
    %mul3A_114 = arith.constant 5.000000e-01 : f32
    %mul3A_115 = vector.broadcast %mul3A_114 : f32 to vector<5000x128xf32>
    %mul3A_116 = arith.mulf %mul3A_115, %slice3A_113 : vector<5000x128xf32>
    %add3A_117 = arith.constant 5.000000e-01 : f32
    %add3A_118 = vector.broadcast %add3A_117 : f32 to vector<5000x128xf32>
    %add3A_119 = arith.addf %mul3A_116, %add3A_118 : vector<5000x128xf32>
    %slice3A_120 = vector.extract_strided_slice %tanh3A_105 {offsets = [0, 256], sizes = [5000, 128], strides = [1, 1]} : vector<5000x512xf32> to vector<5000x128xf32>
    %slice3A_121 = vector.extract_strided_slice %tanh3A_105 {offsets = [0, 384], sizes = [5000, 128], strides = [1, 1]} : vector<5000x512xf32> to vector<5000x128xf32>
    %mul3A_122 = arith.constant 5.000000e-01 : f32
    %mul3A_123 = vector.broadcast %mul3A_122 : f32 to vector<5000x128xf32>
    %mul3A_124 = arith.mulf %mul3A_123, %slice3A_121 : vector<5000x128xf32>
    %add3A_125 = arith.constant 5.000000e-01 : f32
    %add3A_126 = vector.broadcast %add3A_125 : f32 to vector<5000x128xf32>
    %add3A_127 = arith.addf %mul3A_124, %add3A_126 : vector<5000x128xf32>
    %mul3A_128 = arith.mulf %add3A_119, %add3A_86 : vector<5000x128xf32>
    %mul3A_129 = arith.mulf %add3A_112, %slice3A_120 : vector<5000x128xf32>
    %add3A_130 = arith.addf %mul3A_128, %mul3A_129 : vector<5000x128xf32>
    %tanh3A_131 = math.tanh %add3A_130 : vector<5000x128xf32>
    %mul3A_132 = arith.mulf %add3A_127, %tanh3A_131 : vector<5000x128xf32>
    %get3A_133 = arith.constant 15000 : index
    %get3A_134 = arith.constant 0 : index
    %get3A_135 = vector.load %arg2[%get3A_133, %get3A_134] : memref<20000x128xf32, #tpu.memory_space<vmem>>, vector<5000x128xf32>
    %convert_element_type3A_136 = arith.truncf %get3A_135 : vector<5000x128xf32> to vector<5000x128xbf16>
    %convert_element_type3A_137 = arith.truncf %mul3A_132 : vector<5000x128xf32> to vector<5000x128xbf16>
    %concatenate3A_138 = tpu.concatenate %convert_element_type3A_136, %convert_element_type3A_137 in 1 : vector<5000x128xbf16>, vector<5000x128xbf16> -> vector<5000x256xbf16>
    %get3A_139 = arith.constant 0 : index
    %get3A_140 = arith.constant 0 : index
    %get3A_141 = vector.load %arg4[%get3A_139, %get3A_140] : memref<256x512xbf16, #tpu.memory_space<vmem>>, vector<256x512xbf16>
    %dot_general3A_142 = arith.constant dense<0.000000e+00> : vector<5000x512xf32>
    %dot_general3A_143 = tpu.matmul %concatenate3A_138, %get3A_141, %dot_general3A_142 {dimension_numbers = #tpu.dot_dimension_numbers<[1], [0], [0], [1], [0, 0, 1, 1], [], []>, transpose_lhs_hint = false} : vector<5000x256xbf16>, vector<256x512xbf16>, vector<5000x512xf32> -> vector<5000x512xf32>
    %get3A_144 = arith.constant 0 : index
    %get3A_145 = arith.constant 0 : index
    %get3A_146 = vector.load %arg5[%get3A_144, %get3A_145] : memref<1x512xf32, #tpu.memory_space<vmem>>, vector<1x512xf32>
    %add3A_147 = vector.broadcast %get3A_146 : vector<1x512xf32> to vector<5000x512xf32>
    %add3A_148 = arith.addf %dot_general3A_143, %add3A_147 : vector<5000x512xf32>
    %tanh3A_149 = math.tanh %add3A_148 : vector<5000x512xf32>
    %slice3A_150 = vector.extract_strided_slice %tanh3A_149 {offsets = [0, 0], sizes = [5000, 128], strides = [1, 1]} : vector<5000x512xf32> to vector<5000x128xf32>
    %mul3A_151 = arith.constant 5.000000e-01 : f32
    %mul3A_152 = vector.broadcast %mul3A_151 : f32 to vector<5000x128xf32>
    %mul3A_153 = arith.mulf %mul3A_152, %slice3A_150 : vector<5000x128xf32>
    %add3A_154 = arith.constant 5.000000e-01 : f32
    %add3A_155 = vector.broadcast %add3A_154 : f32 to vector<5000x128xf32>
    %add3A_156 = arith.addf %mul3A_153, %add3A_155 : vector<5000x128xf32>
    %slice3A_157 = vector.extract_strided_slice %tanh3A_149 {offsets = [0, 128], sizes = [5000, 128], strides = [1, 1]} : vector<5000x512xf32> to vector<5000x128xf32>
    %mul3A_158 = arith.constant 5.000000e-01 : f32
    %mul3A_159 = vector.broadcast %mul3A_158 : f32 to vector<5000x128xf32>
    %mul3A_160 = arith.mulf %mul3A_159, %slice3A_157 : vector<5000x128xf32>
    %add3A_161 = arith.constant 5.000000e-01 : f32
    %add3A_162 = vector.broadcast %add3A_161 : f32 to vector<5000x128xf32>
    %add3A_163 = arith.addf %mul3A_160, %add3A_162 : vector<5000x128xf32>
    %slice3A_164 = vector.extract_strided_slice %tanh3A_149 {offsets = [0, 256], sizes = [5000, 128], strides = [1, 1]} : vector<5000x512xf32> to vector<5000x128xf32>
    %slice3A_165 = vector.extract_strided_slice %tanh3A_149 {offsets = [0, 384], sizes = [5000, 128], strides = [1, 1]} : vector<5000x512xf32> to vector<5000x128xf32>
    %mul3A_166 = arith.constant 5.000000e-01 : f32
    %mul3A_167 = vector.broadcast %mul3A_166 : f32 to vector<5000x128xf32>
    %mul3A_168 = arith.mulf %mul3A_167, %slice3A_165 : vector<5000x128xf32>
    %add3A_169 = arith.constant 5.000000e-01 : f32
    %add3A_170 = vector.broadcast %add3A_169 : f32 to vector<5000x128xf32>
    %add3A_171 = arith.addf %mul3A_168, %add3A_170 : vector<5000x128xf32>
    %mul3A_172 = arith.mulf %add3A_163, %add3A_130 : vector<5000x128xf32>
    %mul3A_173 = arith.mulf %add3A_156, %slice3A_164 : vector<5000x128xf32>
    %add3A_174 = arith.addf %mul3A_172, %mul3A_173 : vector<5000x128xf32>
    %tanh3A_175 = math.tanh %add3A_174 : vector<5000x128xf32>
    %mul3A_176 = arith.mulf %add3A_171, %tanh3A_175 : vector<5000x128xf32>
    %swap3A = arith.constant 0 : index
    %swap3A_177 = arith.constant 0 : index
    %swap3A_178 = vector.load %arg10[%swap3A, %swap3A_177] : memref<5000x128xf32, #tpu.memory_space<vmem>>, vector<5000x128xf32>
    tpu.vector_store %arg10[%swap3A, %swap3A_177], %mul3A_176 {strides = array<i32>} : memref<5000x128xf32, #tpu.memory_space<vmem>>, vector<5000x128xf32>,
    %swap3A_179 = arith.constant 0 : index
    %swap3A_180 = arith.constant 0 : index
    %swap3A_181 = vector.load %arg11[%swap3A_179, %swap3A_180] : memref<5000x128xf32, #tpu.memory_space<vmem>>, vector<5000x128xf32>
    tpu.vector_store %arg11[%swap3A_179, %swap3A_180], %add3A_174 {strides = array<i32>} : memref<5000x128xf32, #tpu.memory_space<vmem>>, vector<5000x128xf32>,
    %eq3A_182 = arith.constant 7 : i32
    %eq3A_183 = arith.cmpi eq, %arg1, %eq3A_182 : i32
    %convert_element_type3A_184 = arith.extui %eq3A_183 : i1 to i32
    %cond3A_185 = arith.constant 0 : i32
    %cond3A_186 = arith.cmpi ne, %convert_element_type3A_184, %cond3A_185 : i32
    scf.if %cond3A_186 {
      %get3A_187 = arith.constant 0 : index
      %get3A_188 = arith.constant 0 : index
      %get3A_189 = vector.load %arg3[%get3A_187, %get3A_188] : memref<5000x128xf32, #tpu.memory_space<vmem>>, vector<5000x128xf32>
      %convert_element_type3A_190 = arith.truncf %mul3A_176 : vector<5000x128xf32> to vector<5000x128xbf16>
      %get3A_191 = arith.constant 0 : index
      %get3A_192 = arith.constant 0 : index
      %get3A_193 = vector.load %arg6[%get3A_191, %get3A_192] : memref<128x128xbf16, #tpu.memory_space<vmem>>, vector<128x128xbf16>
      %dot_general3A_194 = arith.constant dense<0.000000e+00> : vector<5000x128xf32>
      %dot_general3A_195 = tpu.matmul %convert_element_type3A_190, %get3A_193, %dot_general3A_194 {dimension_numbers = #tpu.dot_dimension_numbers<[1], [0], [0], [1], [0, 0, 1, 1], [], []>, transpose_lhs_hint = false} : vector<5000x128xbf16>, vector<128x128xbf16>, vector<5000x128xf32> -> vector<5000x128xf32>
      %convert_element_type3A_196 = arith.truncf %get3A_189 : vector<5000x128xf32> to vector<5000x128xbf16>
      %get3A_197 = arith.constant 0 : index
      %get3A_198 = arith.constant 0 : index
      %get3A_199 = vector.load %arg7[%get3A_197, %get3A_198] : memref<128x128xbf16, #tpu.memory_space<vmem>>, vector<128x128xbf16>
      %dot_general3A_200 = arith.constant dense<0.000000e+00> : vector<5000x128xf32>
      %dot_general3A_201 = tpu.matmul %convert_element_type3A_196, %get3A_199, %dot_general3A_200 {dimension_numbers = #tpu.dot_dimension_numbers<[1], [0], [0], [1], [0, 0, 1, 1], [], []>, transpose_lhs_hint = false} : vector<5000x128xbf16>, vector<128x128xbf16>, vector<5000x128xf32> -> vector<5000x128xf32>
      %add3A_202 = arith.addf %dot_general3A_195, %dot_general3A_201 : vector<5000x128xf32>
      %get3A_203 = arith.constant 0 : index
      %get3A_204 = arith.constant 0 : index
      %get3A_205 = vector.load %arg8[%get3A_203, %get3A_204] : memref<1x128xf32, #tpu.memory_space<vmem>>, vector<1x128xf32>
      %add3A_206 = vector.broadcast %get3A_205 : vector<1x128xf32> to vector<5000x128xf32>
      %add3A_207 = arith.addf %add3A_202, %add3A_206 : vector<5000x128xf32>
      %swap3A_208 = arith.constant 0 : index
      %swap3A_209 = arith.constant 0 : index
      %swap3A_210 = vector.load %arg9[%swap3A_208, %swap3A_209] : memref<5000x128xf32, #tpu.memory_space<vmem>>, vector<5000x128xf32>
      tpu.vector_store %arg9[%swap3A_208, %swap3A_209], %add3A_207 {strides = array<i32>} : memref<5000x128xf32, #tpu.memory_space<vmem>>, vector<5000x128xf32>,
    } else {
    }
    return
  }
  func.func @transform_0(%arg0: i32, %arg1: i32) -> (i32, i32) {
    %mul3A = arith.constant 1 : i32
    %mul3A_0 = arith.muli %arg1, %mul3A : i32
    %add3A = arith.addi %mul3A_0, %arg0 : i32
    %c0_i32 = arith.constant 0 : i32
    %c0_i32_1 = arith.constant 0 : i32
    return %add3A, %c0_i32 : i32, i32
  }
  func.func @transform_1(%arg0: i32, %arg1: i32) -> (i32, i32) {
    %add3A = arith.constant 0 : i32
    %add3A_0 = arith.addi %add3A, %arg0 : i32
    %c0_i32 = arith.constant 0 : i32
    %c0_i32_1 = arith.constant 0 : i32
    return %add3A_0, %c0_i32 : i32, i32
  }
  func.func @transform_2(%arg0: i32, %arg1: i32) -> (i32, i32) {
    %c0_i32 = arith.constant 0 : i32
    %c0_i32_0 = arith.constant 0 : i32
    %c0_i32_1 = arith.constant 0 : i32
    return %c0_i32, %c0_i32_0 : i32, i32
  }
  func.func @transform_3(%arg0: i32, %arg1: i32) -> (i32, i32) {
    %c0_i32 = arith.constant 0 : i32
    %c0_i32_0 = arith.constant 0 : i32
    %c0_i32_1 = arith.constant 0 : i32
    return %c0_i32, %c0_i32_0 : i32, i32
  }
  func.func @transform_4(%arg0: i32, %arg1: i32) -> (i32, i32) {
    %c0_i32 = arith.constant 0 : i32
    %c0_i32_0 = arith.constant 0 : i32
    %c0_i32_1 = arith.constant 0 : i32
    return %c0_i32, %c0_i32_0 : i32, i32
  }
  func.func @transform_5(%arg0: i32, %arg1: i32) -> (i32, i32) {
    %c0_i32 = arith.constant 0 : i32
    %c0_i32_0 = arith.constant 0 : i32
    %c0_i32_1 = arith.constant 0 : i32
    return %c0_i32, %c0_i32_0 : i32, i32
  }
  func.func @transform_6(%arg0: i32, %arg1: i32) -> (i32, i32) {
    %c0_i32 = arith.constant 0 : i32
    %c0_i32_0 = arith.constant 0 : i32
    %c0_i32_1 = arith.constant 0 : i32
    return %c0_i32, %c0_i32_0 : i32, i32
  }
  func.func @transform_7(%arg0: i32, %arg1: i32) -> (i32, i32) {
    %c0_i32 = arith.constant 0 : i32
    %c0_i32_0 = arith.constant 0 : i32
    return %arg0, %c0_i32 : i32, i32
  }
}

</mosaic_0001>

<sc_bundles>
// kernel: kernel.18.cloned.1.call-start
scs
__scs_entry_jumppad:
0x0: {  	(pc) =	sbr.rel $0x88, $3  }
0x1: {  	(tag) =	ssettag $0x0;
	lr =	simm.s32 $0x1  }
0x2: {  	[smem:$0x3F98] =	sst lr;
	_ =	strace $0xD0000000  }
0x3: {  	_ = 	snop  }
0x4: {  	_ = 	snop  }
0x5: {  	_ = 	snop  }
0x6: {  	_ = 	snop  }
0x7: {  	_ = 	snop  }
__scs_overlays_trampoline_lowered:
0x8: {  	[smem:$0x3FA7] =	sst s0  }
0x9: {  	[smem:$0x3FA8] =	sst s1  }
0xa: {  	[smem:$0x3FA9] =	sst s2  }
0xb: {  	[smem:$0x3FAA] =	sst s3  }
0xc: {  	[smem:$0x3FAB] =	sst s4  }
0xd: {  	[smem:$0x3FAC] =	sst s5  }
0xe: {  	[smem:$0x3FAD] =	sst s6  }
0xf: {  	[smem:$0x3FAE] =	sst s7  }
0x10: {  	[smem:$0x3FAF] =	sst s8  }
0x11: {  	[smem:$0x3FB0] =	sst s9;
	s0 =	simm.s32 @!p0 $0x0  }
0x12: {  	s1 =	sld [smem:$0x3F96];
	s0 =	simm.s32 @p0 $0x1  }
0x13: {  	[smem:$0x3FB1] =	sst s0;
	s0 =	simm.s32 @!p1 $0x0  }
0x14: {  	s2 =	sld [smem:$0x3F95];
	s0 =	simm.s32 @p1 $0x1  }
0x15: {  	[smem:$0x3FB2] =	sst s0;
	s0 =	simm.s32 @!p2 $0x0  }
0x16: {  	s3 =	sld [smem:$0x3FDB];
	s0 =	simm.s32 @p2 $0x1  }
0x17: {  	s4 =	simm.s32 $0x1BF5;
	[smem:$0x3FB4] =	sst s0  }
0x18: {  	s0 =	sld [smem:$0x3F97];
	_ =	swait.ge [sflag:s4], $0x0  }
0x19: {  	s7 =	sld [smem:$0x3F98]  }
0x1a: {  	s8 =	sadd.s32 $0xFFFFE003, lr  }
0x1b: {  	s9 =	sadd.s32 $0xFFFFFEF7, lr;
	s5 =	simm.s32 $0xFFFFFFFF;
	p2 =	slt.u32 s8, $0xFFFFF086  }
0x1c: {  	p1 =	slt.u32 s9, $0xF7A;
	s5 =	simm.s32 @!p2 $0x0  }
0x1d: {  	s5 =	simm.s32 @p1 $0x1;
	p0 =	seq.s32 s7, s2  }
0x1e: {  	s7 =	smul.u32 @!p0 $0xF7A, s2;
	p2 =	seq.s32 @!p0 s5, $0x0  }
0x1f: {  	s9 =	smul.u32 $0xF7A, s1;
	s8 =	simm.s32 @!p0 $0x1BF5;
	p2 =	por !p2, p0  }
0x20: {  	[sflag:s8] =	ssyncset.s32 @!p0 $0xFFFFF086;
	s6 =	sadd.s32 @!p0 s3, s7;
	s7 =	simm.s32 @!p0 $0x108  }
0x21: {  	s3 =	sadd.s32 s3, s9;
	s6 =	sadd.s32 @!p0 $0x88, s6;
	s7 =	simm.s32 @p2 $0x1082  }
0x22: {  	[simem:s7], [sflag:s8] =	dma.local @!p0 [hbm:s6], $0xF7A  }
0x23: {  	s9 =	sor.u32 $0xD0000000, s2;
	s6 =	simm.s32 $0x108;
	_ =	swait.ge @!p0 [sflag:s8], $0x0  }
0x24: {  	s3 =	sadd.s32 $0x88, s3;
	s6 =	simm.s32 @!p1 $0x1082;
	[sflag:s4] =	ssyncset.s32 $0xFFFFF086  }
0x25: {  	[simem:s6], [sflag:s4] =	dma.local [hbm:s3], $0xF7A  }
0x26: {  	[smem:$0x3F98] =	sst s1;
	(tag) =	ssettag s2;
	_ =	strace s9  }
0x27: {  	s1 =	sld [smem:$0x3FA8]  }
0x28: {  	s2 =	sld [smem:$0x3FA9]  }
0x29: {  	s4 =	sld [smem:$0x3FAB]  }
0x2a: {  	p0 =	seq.s32 s5, $0x0;
	s5 =	sld [smem:$0x3FAC]  }
0x2b: {  	s6 =	sld [smem:$0x3FAD]  }
0x2c: {  	s7 =	sld [smem:$0x3FAE]  }
0x2d: {  	s3 =	simm.s32 $0x108;
	s8 =	sld [smem:$0x3FAF]  }
0x2e: {  	s3 =	simm.s32 @!p0 $0x1082;
	s9 =	sld [smem:$0x3FB0]  }
0x2f: {  	lr =	sadd.s32 s0, s3;
	s0 =	sld [smem:$0x3FA7]  }
0x30: {  	s3 =	sld [smem:$0x3FAA]  }
0x31: {  	[smem:$0x3FB3] =	sst s10  }
0x32: {  	s10 =	sld [smem:$0x3FB1];
	_ =	sdelay $0x3  }
0x33: {  	p0 =	seq.s32 s10, $0x1;
	s10 =	sld [smem:$0x3FB3];
	_ =	sdelay $0x3  }
0x34: {  	[smem:$0x3FB3] =	sst s10  }
0x35: {  	s10 =	sld [smem:$0x3FB2];
	_ =	sdelay $0x3  }
0x36: {  	p1 =	seq.s32 s10, $0x1;
	s10 =	sld [smem:$0x3FB3];
	_ =	sdelay $0x3  }
0x37: {  	[smem:$0x3FB3] =	sst s10  }
0x38: {  	s10 =	sld [smem:$0x3FB4]  }
0x39: {  	_ = 	snop;
	(pc) =	sbr.ind lr, $3  }
0x3a: {  	_ = 	snop  }
0x3b: {  	_ = 	snop  }
0x3c: {  	p2 =	seq.s32 s10, $0x1;
	s10 =	sld [smem:$0x3FB3]  }
0x3d: {  	_ =	shalt  }
0x3e: {  	_ =	shalt  }
0x3f: {  	_ =	shalt  }
0x40: {  	_ =	shalt  }
0x41: {  	_ =	shalt  }
0x42: {  	_ =	shalt  }
0x43: {  	_ =	shalt  }
0x44: {  	_ =	shalt  }
0x45: {  	_ =	shalt  }
0x46: {  	_ =	shalt  }
0x47: {  	_ =	shalt  }
0x48: {  	_ =	shalt  }
0x49: {  	_ =	shalt  }
0x4a: {  	_ =	shalt  }
0x4b: {  	_ =	shalt  }
0x4c: {  	_ =	shalt  }
0x4d: {  	_ =	shalt  }
0x4e: {  	_ =	shalt  }
0x4f: {  	_ =	shalt  }
0x50: {  	_ =	shalt  }
0x51: {  	_ =	shalt  }
0x52: {  	_ =	shalt  }
0x53: {  	_ =	shalt  }
0x54: {  	_ =	shalt  }
0x55: {  	_ =	shalt  }
0x56: {  	_ =	shalt  }
0x57: {  	_ =	shalt  }
0x58: {  	_ =	shalt  }
0x59: {  	_ =	shalt  }
0x5a: {  	_ =	shalt  }
0x5b: {  	_ =	shalt  }
0x5c: {  	_ =	shalt  }
0x5d: {  	_ =	shalt  }
0x5e: {  	_ =	shalt  }
0x5f: {  	_ =	shalt  }
0x60: {  	_ =	shalt  }
0x61: {  	_ =	shalt  }
0x62: {  	_ =	shalt  }
0x63: {  	_ =	shalt  }
0x64: {  	_ =	shalt  }
0x65: {  	_ =	shalt  }
0x66: {  	_ =	shalt  }
0x67: {  	_ =	shalt  }
0x68: {  	_ =	shalt  }
0x69: {  	_ =	shalt  }
0x6a: {  	_ =	shalt  }
0x6b: {  	_ =	shalt  }
0x6c: {  	_ =	shalt  }
0x6d: {  	_ =	shalt  }
0x6e: {  	_ =	shalt  }
0x6f: {  	_ =	shalt  }
0x70: {  	_ =	shalt  }
0x71: {  	_ =	shalt  }
0x72: {  	_ =	shalt  }
0x73: {  	_ =	shalt  }
0x74: {  	_ =	shalt  }
0x75: {  	_ =	shalt  }
0x76: {  	_ =	shalt  }
0x77: {  	_ =	shalt  }
0x78: {  	_ =	shalt  }
0x79: {  	_ =	shalt  }
0x7a: {  	_ =	shalt  }
0x7b: {  	_ =	shalt  }
0x7c: {  	_ =	shalt  }
0x7d: {  	_ =	shalt  }
0x7e: {  	_ =	shalt  }
0x7f: {  	_ =	shalt  }
0x80: {  	_ =	shalt  }
0x81: {  	_ =	shalt  }
0x82: {  	_ =	shalt  }
0x83: {  	_ =	shalt  }
0x84: {  	_ =	shalt  }
0x85: {  	_ =	shalt  }
0x86: {  	_ =	shalt  }
0x87: {  	_ =	shalt  }
.Lfunc_end0:
.L_simem_size_0:
called_computation_lowered:
.L_overlay_start_0:
0x88: {  	s2 =	sld [smem:$0x3FD9]  }
0x89: {  	s3 =	sld [smem:$0x3FFE];
	_ =	sdelay $0x1  }
0x8a: {  	s1 =	srdreg.scid  }
0x8b: {  	s0 =	sand.u32 $0x1, s1  }
0x8c: {  	s17 =	sshll.u32 s0, $0xA;
	s2 =	sadd.s32 s3, s2  }
0x8d: {  	s2 =	sadd.s32 s2, s17  }
0x8e: {  	[smem:$0x3FBF] =	sst s2  }
0x8f: {  	_ = 	snop  }
0x90: {  	s18 =	sld [smem:$0x3FC9];
	(tm) =	ssettm $0x1  }
0x91: {  	s19 =	sld [smem:$0x3FFB];
	_ =	sdelay $0x3  }
0x92: {  	_ =	strace s19  }
0x93: {  	s2 =	sld [smem:$0x3FFC];
	_ =	sdelay $0x3  }
0x94: {  	_ =	strace s2  }
0x95: {  	s2 =	sld [smem:$0x3FFD];
	_ =	sdelay $0x3  }
0x96: {  	_ =	strace s2  }
0x97: {  	_ =	strace $0x8FFFFFFF  }
0x98: {  	s20 =	sld [smem:$0x3FDB];
	_ =	sdelay $0x1  }
0x99: {  	s4 =	simm.s32 $_scs_section_size  }
0x9a: {  	s5 =	simm.s32 $_size__tile_overlayer_lowered;
	s6 =	simm.s32 $_tile_overlayer_lowered  }
0x9b: {  	s7 =	simm.s32 $0x1BFF;
	s21 =	sshll.u32 s6, $0x1;
	s4 =	sadd.s32 s4, s20  }
0x9c: {  	s22 =	simm.s32 $0x0;
	s5 =	sshll.u32 s5, $0x1;
	s6 =	sadd.s32 s21, s4  }
0x9d: {  	[timem:s22], [sflag:s7] =	dma.local [hbm:s6], s5  }
0x9e: {  	_ =	swait.ge [sflag:s7], s5  }
0x9f: {  	s5 =	ssub.s32 $0x0, s5;
	[sflag:s7] =	ssyncset.done $0x0  }
0xa0: {  	[sflag:s7] =	ssyncadd.s32 s5;
	_ =	sdelay $0x1  }
0xa1: {  	s23 =	simm.s32 $0x1B8B  }
0xa2: {  	_ =	swait.ge [sflag:s23], $0x1  }
0xa3: {  	[sflag:s23] =	ssyncset.done $0x0  }
0xa4: {  	[sflag:s23] =	ssyncadd.s32 $0xFFFFFFFF  }
0xa5: {  	s5 =	sld [smem:$0x0]  }
0xa6: {  	s6 =	sand.u32 $0xFFFFFFFE, s1  }
0xa7: {  	p0 =	sne.s32 s1, s6  }
0xa8: {  	s6 =	sshll.u32 @p0 s6, $0xE  }
0xa9: {  	s6 =	sadd.s32 @p0 $0x11B8D, s6;
	s7 =	sshll.u32 @p0 s5, $0x11  }
0xaa: {  	s6 =	sor.u32 @p0 s7, s6  }
0xab: {  	[sflag:s6] =	ssyncadd.remote.s32 @p0 $0x1;
	_ =	sdelay $0x1  }
0xac: {  	s6 =	simm.s32 @p0 $0x1B8D  }
0xad: {  	_ =	swait.eq @p0 [sflag:s6], $0x1  }
0xae: {  	[sflag:s6] =	ssyncadd.s32 @p0 $0xFFFFFFFF  }
0xaf: {  	s7 =	sshll.u32 @!p0 s1, $0xE  }
0xb0: {  	s7 =	sor.u32 @!p0 $0x4000, s7;
	s6 =	simm.s32 @!p0 $0x1B8D  }
0xb1: {  	s5 =	sshll.u32 @!p0 s5, $0x11;
	s7 =	sadd.s32 @!p0 $0x11B8D, s7;
	_ =	swait.eq @!p0 [sflag:s6], $0x1  }
0xb2: {  	s5 =	sor.u32 @!p0 s5, s7;
	[sflag:s6] =	ssyncadd.s32 @!p0 $0xFFFFFFFF  }
0xb3: {  	s25 =	simm.s32 $0x1B8E;
	s24 =	sld [smem:$0x3FFE];
	[sflag:s5] =	ssyncadd.remote.s32 @!p0 $0x1  }
0xb4: {  	s26 =	simm.s32 $execute0_lowered;
	[smem:$0x3FD2] =	sst s25  }
0xb5: {  	s6 =	sshll.u32 s26, $0x1;
	_ =	strace $0x80000049;
	[dreg:$0x1] =	wrdreg $0xFFFFFFFF  }
0xb6: {  	s28 =	simm.s32 $_size_execute0_lowered;
	s4 =	sadd.s32 s4, s6;
	[dreg:$0x0] =	wrdreg $0x0  }
0xb7: {  	s6 =	sshll.u32 s28, $0x1;
	[dreg:$0x2] =	wrdreg s4  }
0xb8: {  	[dreg:$0x3] =	wrdreg s6  }
0xb9: {  	[dreg:$0x4] =	wrdreg $0xC0  }
0xba: {  	_ =	task [dreg:s22], $0x5FFFF  }
0xbb: {  	[dreg:$0x1] =	wrdreg $0xFFFFFFFF  }
0xbc: {  	[dreg:$0x0] =	wrdreg $0x60  }
0xbd: {  	[dreg:$0x2] =	wrdreg s18  }
0xbe: {  	[dreg:$0x3] =	wrdreg s24  }
0xbf: {  	[dreg:$0x4] =	wrdreg $0x9  }
0xc0: {  	_ =	task.clear_ibuf [dreg:s22], $0x5FFFF;
	_ =	strace $0x90000049  }
0xc1: {  	s29 =	simm.s32 $0x9;
	_ =	strace $0x8000004B  }
0xc2: {  	_ =	swait.ge [sflag:s29], $0x1  }
0xc3: {  	[sflag:s29] =	ssyncadd.s32 $0xFFFFFFFF  }
0xc4: {  	_ =	strace $0x9000004B  }
0xc5: {  	_ =	sfence  }
0xc6: {  	s30 =	sld [smem:$0x0];
	_ =	sdelay $0x2  }
0xc7: {  	s31 =	sshll.u32 s1, $0xD;
	s1 =	sshrl.u32 s1, $0x2  }
0xc8: {  	s4 =	sand.u32 $0x4000, s31;
	s1 =	sadd.s32 s1, s30  }
0xc9: {  	s0 =	sor.u32 s4, s0;
	s1 =	sshll.u32 s1, $0x11  }
0xca: {  	s0 =	sor.u32 s1, s0  }
0xcb: {  	s0 =	sadd.s32 $0x8F2B, s0  }
0xcc: {  	[sflag:s0] =	ssyncadd.remote.s32 $0x1  }
0xcd: {  	_ =	sfence.sel $0xFFFF  }
0xce: {  	[dreg:$0x0] =	wrdreg $0xFFFFFFFF;
	(pc) =	sbr.abs _section_cstart, $3  }
0xcf: {  	[dreg:$0x1] =	wrdreg $0xFFFFFFFF  }
0xd0: {  	_ =	task.clear_ibuf [dreg:s22], $0x2FFFF;
	_ =	strace $0x9FFFFFFF  }
0xd1: {  	(tm) =	ssettm $0x7FFFFFFF  }
tec
execute0_lowered:
.L_overlay_start_1:
0x0: {  	(tag) =	ssettag $0x1  }
0x1: {  	s1 =	srdreg.scid  }
0x2: {  	s0 =	stileid.u32;
	s2 =	rddreg [dreg:$0x0]  }
0x3: {  	s5 =	rddreg [dreg:$0x1];
	s3 =	simm.s32 $0x0;
	s13 =	simm.s32 $0x4E00  }
0x4: {  	s14 =	simm.s32 $0x1;
	s15 =	simm.s32 $0x100;
	s16 =	simm.s32 $0x8000  }
0x5: {  	s17 =	simm.s32 $0x180;
	s18 =	simm.s32 $0xB200;
	s19 =	simm.s32 $0x2  }
0x6: {  	s20 =	simm.s32 $0x0;
	s4 =	sand.u32 $0x1, s1;
	s1 =	rddreg [dreg:$0x2]  }
0x7: {  	s28 =	sshll.u32 s0, $0x1;
	[smem:$0x7FF] =	sst s3;
	s9 =	smul.u32 $0x27100, s0  }
0x8: {  	s10 =	sadd.s32 $0x285800, s5;
	s6 =	sor.u32 s4, s28;
	s12 =	smul.u32 $0x13880, s4  }
0x9: {  	_ =	strace $0x8000004A;
	s8 =	ssub.s32 $0x2, s4;
	s7 =	smul.u32 $0x380, s6  }
0xa: {  	s6 =	smul.u32 $0x13880, s6;
	s11 =	sshrl.u32 s8, $0x1;
	s31 =	sadd.s32 s9, s10  }
0xb: {  	s9 =	simm.s32 $0x3;
	s30 =	ssub.s32 s8, s11;
	s8 =	sadd.s32 s12, s31  }
0xc: {  	s11 =	simm.s32 $0x1C00;
	s12 =	simm.s32 $0x80;
	s29 =	sadd.s32 s7, s5  }
0xd: {  	s5 =	sadd.s32 s10, s6;
	s6 =	smax.u32 s30, $0x1;
	s8 =	sadd.s32 $0x1900, s8  }
0xe: {  	s10 =	simm.s32 $0x64;
	s4 =	sadd.s32 $0x27E800, s29;
	s7 =	sadd.s32 $0xC80, s5  }
.LBB2_1:
0xf: {  	[tilespmem:s3], [sflag:$0x3] =	stream.linear.gather [hbm4b:s4+s3], $0x1900, $0x38;
	[tilespmem:$0xE400] =	vst v63  }
0x10: {  	_ =	swait.ge [sflag:s9], $0x1900  }
0x11: {  	[sflag:s9] =	ssyncset.done $0x0  }
0x12: {  	[sflag:s9] =	ssyncadd.s32 $0xFFFFE700  }
0x13: {  	[tilespmem:s11], [sflag:$0x1] =	stream.indirect.gather [hbm4b:s2+s10], $0x80, s3, s10, $0xb8;
	[tilespmem:$0xE400] =	vst v63  }
0x14: {  	_ = 	snop  }
0x15: {  	[tilespmem:s13], [sflag:$0x1] =	stream.indirect.gather [hbm4b:s2+s10], $0x80, s12, s10, $0xb8;
	[tilespmem:$0xE400] =	vst v63  }
0x16: {  	_ =	swait.ge [sflag:s14], $0x3200  }
0x17: {  	[sflag:s14] =	ssyncset.done $0x0  }
0x18: {  	[sflag:s14] =	ssyncadd.s32 $0xFFFFCE00  }
0x19: {  	_ =	swait.ge [sflag:s14], $0x3200  }
0x1a: {  	[sflag:s14] =	ssyncset.done $0x0  }
0x1b: {  	[sflag:s14] =	ssyncadd.s32 $0xFFFFCE00  }
0x1c: {  	[hbm4b:s5+s3] =	stream.linear.scatter [tilespmem:s11], [sflag:$0x2], $0x6400, $0x38;
	[tilespmem:$0xE400] =	vst v63  }
0x1d: {  	_ = 	snop  }
0x1e: {  	[tilespmem:s16], [sflag:$0x1] =	stream.indirect.gather [hbm4b:s2+s10], $0x80, s15, s10, $0xb8;
	[tilespmem:$0xE400] =	vst v63  }
0x1f: {  	_ = 	snop  }
0x20: {  	[tilespmem:s18], [sflag:$0x1] =	stream.indirect.gather [hbm4b:s2+s10], $0x80, s17, s10, $0xb8;
	[tilespmem:$0xE400] =	vst v63  }
0x21: {  	_ =	swait.ge [sflag:s14], $0x3200  }
0x22: {  	[sflag:s14] =	ssyncset.done $0x0  }
0x23: {  	[sflag:s14] =	ssyncadd.s32 $0xFFFFCE00  }
0x24: {  	_ =	swait.ge [sflag:s14], $0x3200  }
0x25: {  	[sflag:s14] =	ssyncset.done $0x0  }
0x26: {  	s21 =	sand.u32 $0x1, s19;
	[sflag:s14] =	ssyncadd.s32 $0xFFFFCE00  }
0x27: {  	[hbm4b:s7+s3] =	stream.linear.scatter [tilespmem:s16], [sflag:$0x2], $0x6400, $0x38;
	[tilespmem:$0xE400] =	vst v63  }
0x28: {  	p0 =	seq.s32 s21, $0x1;
	s21 =	simm.s32 $0x6400;
	_ =	swait.ge [sflag:s19], $0x6400  }
0x29: {  	s21 =	simm.s32 @!p0 $0x0;
	[sflag:s19] =	ssyncset.done $0x0  }
0x2a: {  	s22 =	simm.s32 $0x200;
	s24 =	sadd.s32 $0x1C00, s21;
	[sflag:s19] =	ssyncadd.s32 $0xFFFF9C00  }
0x2b: {  	[tilespmem:s24], [sflag:$0x1] =	stream.indirect.gather [hbm4b:s2+s10], $0x80, s22, s10, $0xb8;
	[tilespmem:$0xE400] =	vst v63  }
0x2c: {  	s30 =	simm.s32 $0x280;
	s21 =	sadd.s32 $0x4E00, s21  }
0x2d: {  	[tilespmem:s21], [sflag:$0x1] =	stream.indirect.gather [hbm4b:s2+s10], $0x80, s30, s10, $0xb8;
	[tilespmem:$0xE400] =	vst v63  }
0x2e: {  	_ =	swait.ge [sflag:s14], $0x3200  }
0x2f: {  	[sflag:s14] =	ssyncset.done $0x0  }
0x30: {  	[sflag:s14] =	ssyncadd.s32 $0xFFFFCE00  }
0x31: {  	s31 =	simm.s32 $0x3;
	s26 =	simm.s32 $0x4;
	_ =	swait.ge [sflag:s14], $0x3200  }
0x32: {  	s25 =	smov.u32 s8;
	s23 =	sand.u32 $0x1, s31;
	[sflag:s14] =	ssyncset.done $0x0  }
0x33: {  	s22 =	simm.s32 $0x380;
	s21 =	sadd.s32 $0xC80, s8;
	[sflag:s14] =	ssyncadd.s32 $0xFFFFCE00  }
.LBB2_2:
0x34: {  	[hbm4b:s25+s3] =	stream.linear.scatter [tilespmem:s24], [sflag:$0x2], $0x6400, $0x38;
	[tilespmem:$0xE400] =	vst v63  }
0x35: {  	s24 =	smov.u32 s26;
	s25 =	smov.u32 s21;
	p0 =	seq.s32 s23, $0x1  }
0x36: {  	s23 =	sand.u32 $0x1, s26;
	s29 =	simm.s32 $0x6400;
	_ =	swait.ge [sflag:s19], $0x6400  }
0x37: {  	s28 =	sadd.s32 $0x1, s26;
	s29 =	simm.s32 @!p0 $0x0;
	[sflag:s19] =	ssyncset.done $0x0  }
0x38: {  	s30 =	sadd.s32 $0xFFFFFF80, s22;
	s24 =	sadd.s32 $0x1C00, s29;
	[sflag:s19] =	ssyncadd.s32 $0xFFFF9C00  }
0x39: {  	[tilespmem:s24], [sflag:$0x1] =	stream.indirect.gather [hbm4b:s2+s10], $0x80, s30, s10, $0xb8;
	[tilespmem:$0xE400] =	vst v63  }
0x3a: {  	p0 =	sne.s32 s26, $0x18;
	s26 =	sadd.s32 $0x4E00, s29  }
0x3b: {  	[tilespmem:s26], [sflag:$0x1] =	stream.indirect.gather [hbm4b:s2+s10], $0x80, s22, s10, $0xb8;
	[tilespmem:$0xE400] =	vst v63  }
0x3c: {  	_ =	swait.ge [sflag:s14], $0x3200  }
.Ltmp0:
0x3d: {  	[sflag:s14] =	ssyncset.done $0x0;
	(pc) =	sbr.rel @p0 .LBB2_2-.Ltmp0, $4  }
0x3e: {  	[sflag:s14] =	ssyncadd.s32 $0xFFFFCE00  }
0x3f: {  	_ =	swait.ge [sflag:s14], $0x3200  }
0x40: {  	s21 =	sadd.s32 $0xC80, s21;
	[sflag:s14] =	ssyncset.done $0x0  }
0x41: {  	s22 =	sadd.s32 $0x100, s22;
	s26 =	smov.u32 s28;
	[sflag:s14] =	ssyncadd.s32 $0xFFFFCE00  }
0x42: {  	[hbm4b:s25+s3] =	stream.linear.scatter [tilespmem:s24], [sflag:$0x2], $0x6400, $0x38;
	[tilespmem:$0xE400] =	vst v63  }
0x43: {  	p0 =	seq.s32 s23, $0x1;
	s23 =	simm.s32 $0x6400;
	_ =	swait.ge [sflag:s19], $0x6400  }
0x44: {  	s23 =	simm.s32 @!p0 $0x0;
	[sflag:s19] =	ssyncset.done $0x0  }
0x45: {  	s31 =	sadd.s32 $0xFFFFFF80, s22;
	s30 =	sadd.s32 $0x1C00, s23;
	[sflag:s19] =	ssyncadd.s32 $0xFFFF9C00  }
0x46: {  	[tilespmem:s30], [sflag:$0x1] =	stream.indirect.gather [hbm4b:s2+s10], $0x80, s31, s10, $0xb8;
	[tilespmem:$0xE400] =	vst v63  }
0x47: {  	s23 =	sadd.s32 $0x4E00, s23  }
0x48: {  	[tilespmem:s23], [sflag:$0x1] =	stream.indirect.gather [hbm4b:s2+s10], $0x80, s22, s10, $0xb8;
	[tilespmem:$0xE400] =	vst v63  }
0x49: {  	_ =	swait.ge [sflag:s14], $0x3200  }
0x4a: {  	[sflag:s14] =	ssyncset.done $0x0  }
0x4b: {  	[sflag:s14] =	ssyncadd.s32 $0xFFFFCE00  }
0x4c: {  	_ =	swait.ge [sflag:s14], $0x3200  }
0x4d: {  	[sflag:s14] =	ssyncset.done $0x0  }
0x4e: {  	s20 =	sadd.s32 $0x1, s20;
	[sflag:s14] =	ssyncadd.s32 $0xFFFFCE00  }
0x4f: {  	[hbm4b:s21+s3] =	stream.linear.scatter [tilespmem:s30], [sflag:$0x2], $0x6400, $0x38;
	[tilespmem:$0xE400] =	vst v63  }
0x50: {  	p0 =	sne.s32 s20, s6;
	_ =	swait.ge [sflag:s19], $0x6400  }
.Ltmp1:
0x51: {  	[sflag:s19] =	ssyncset.done $0x0;
	(pc) =	sbr.rel @p0 .LBB2_1-.Ltmp1, $4  }
0x52: {  	[sflag:s19] =	ssyncadd.s32 $0xFFFF9C00  }
0x53: {  	_ =	swait.ge [sflag:s19], $0x6400  }
0x54: {  	[sflag:s19] =	ssyncset.done $0x0  }
0x55: {  	[sflag:s19] =	ssyncadd.s32 $0xFFFF9C00  }
0x56: {  	_ =	sfence.sel $0x180000  }
0x57: {  	[bflag:$0x0] =	sbarrier.arrive $0xFFFF  }
0x58: {  	p0 =	sne.s32 s0, $0x0;
	_ =	strace $0x9000004A  }
0x59: {  	s0 =	sadd.s32 @!p0 $0x100000, s1;
	[bflag:$0x2] =	sbarrier.arrive $0xFFFF  }
0x5a: {  	[sflag:s0] =	ssyncadd.tile.s32 @!p0 $0x1;
	_ =	shalt  }
.Lfunc_end2:
_tile_overlayer_lowered:
.L_overlay_start_2:
0x5b: {  	(tag) =	ssettag $0x2  }
0x5c: {  	s0 =	rddreg [dreg:$0x0];
	s2 =	stileid.u32  }
0x5d: {  	s1 =	rddreg [dreg:$0x1];
	p0 =	sne.s32 s2, $0x0  }
0x5e: {  	s3 =	rddreg [dreg:$0x2];
	[bflag:$0x3] =	sbarrier.arrive $0xFFFF;
	s2 =	simm.s32 @!p0 $0x1C03  }
0x5f: {  	[timem:s3], [sflag:s2] =	dma.local @!p0 [hbm:s0], s1  }
0x60: {  	s0 =	simm.s32 @!p0 $0x3  }
0x61: {  	_ =	swait.ge @!p0 [sflag:s0], s1  }
0x62: {  	s1 =	ssub.s32 @!p0 $0x0, s1;
	[sflag:s0] =	ssyncset.done @!p0 $0x0  }
0x63: {  	[sflag:s0] =	ssyncadd.s32 @!p0 s1  }
0x64: {  	[bflag:$0x3] =	sbarrier.arrive $0xFFFF  }
0x65: {  	_ =	shalt  }

// kernel: kernel.21.cloned.1.call-start
scs
__scs_entry_jumppad:
0x0: {  	(pc) =	sbr.rel $0x88, $3  }
0x1: {  	(tag) =	ssettag $0x0;
	lr =	simm.s32 $0x1  }
0x2: {  	[smem:$0x3F98] =	sst lr;
	_ =	strace $0xD0000000  }
0x3: {  	_ = 	snop  }
0x4: {  	_ = 	snop  }
0x5: {  	_ = 	snop  }
0x6: {  	_ = 	snop  }
0x7: {  	_ = 	snop  }
__scs_overlays_trampoline_lowered:
0x8: {  	[smem:$0x3FA7] =	sst s0  }
0x9: {  	[smem:$0x3FA8] =	sst s1  }
0xa: {  	[smem:$0x3FA9] =	sst s2  }
0xb: {  	[smem:$0x3FAA] =	sst s3  }
0xc: {  	[smem:$0x3FAB] =	sst s4  }
0xd: {  	[smem:$0x3FAC] =	sst s5  }
0xe: {  	[smem:$0x3FAD] =	sst s6  }
0xf: {  	[smem:$0x3FAE] =	sst s7  }
0x10: {  	[smem:$0x3FAF] =	sst s8  }
0x11: {  	[smem:$0x3FB0] =	sst s9;
	s0 =	simm.s32 @!p0 $0x0  }
0x12: {  	s1 =	sld [smem:$0x3F96];
	s0 =	simm.s32 @p0 $0x1  }
0x13: {  	[smem:$0x3FB1] =	sst s0;
	s0 =	simm.s32 @!p1 $0x0  }
0x14: {  	s2 =	sld [smem:$0x3F95];
	s0 =	simm.s32 @p1 $0x1  }
0x15: {  	[smem:$0x3FB2] =	sst s0;
	s0 =	simm.s32 @!p2 $0x0  }
0x16: {  	s3 =	sld [smem:$0x3FDB];
	s0 =	simm.s32 @p2 $0x1  }
0x17: {  	s4 =	simm.s32 $0x1BF5;
	[smem:$0x3FB4] =	sst s0  }
0x18: {  	s0 =	sld [smem:$0x3F97];
	_ =	swait.ge [sflag:s4], $0x0  }
0x19: {  	s7 =	sld [smem:$0x3F98]  }
0x1a: {  	s8 =	sadd.s32 $0xFFFFE003, lr  }
0x1b: {  	s9 =	sadd.s32 $0xFFFFFEF7, lr;
	s5 =	simm.s32 $0xFFFFFFFF;
	p2 =	slt.u32 s8, $0xFFFFF086  }
0x1c: {  	p1 =	slt.u32 s9, $0xF7A;
	s5 =	simm.s32 @!p2 $0x0  }
0x1d: {  	s5 =	simm.s32 @p1 $0x1;
	p0 =	seq.s32 s7, s2  }
0x1e: {  	s7 =	smul.u32 @!p0 $0xF7A, s2;
	p2 =	seq.s32 @!p0 s5, $0x0  }
0x1f: {  	s9 =	smul.u32 $0xF7A, s1;
	s8 =	simm.s32 @!p0 $0x1BF5;
	p2 =	por !p2, p0  }
0x20: {  	[sflag:s8] =	ssyncset.s32 @!p0 $0xFFFFF086;
	s6 =	sadd.s32 @!p0 s3, s7;
	s7 =	simm.s32 @!p0 $0x108  }
0x21: {  	s3 =	sadd.s32 s3, s9;
	s6 =	sadd.s32 @!p0 $0x88, s6;
	s7 =	simm.s32 @p2 $0x1082  }
0x22: {  	[simem:s7], [sflag:s8] =	dma.local @!p0 [hbm:s6], $0xF7A  }
0x23: {  	s9 =	sor.u32 $0xD0000000, s2;
	s6 =	simm.s32 $0x108;
	_ =	swait.ge @!p0 [sflag:s8], $0x0  }
0x24: {  	s3 =	sadd.s32 $0x88, s3;
	s6 =	simm.s32 @!p1 $0x1082;
	[sflag:s4] =	ssyncset.s32 $0xFFFFF086  }
0x25: {  	[simem:s6], [sflag:s4] =	dma.local [hbm:s3], $0xF7A  }
0x26: {  	[smem:$0x3F98] =	sst s1;
	(tag) =	ssettag s2;
	_ =	strace s9  }
0x27: {  	s1 =	sld [smem:$0x3FA8]  }
0x28: {  	s2 =	sld [smem:$0x3FA9]  }
0x29: {  	s4 =	sld [smem:$0x3FAB]  }
0x2a: {  	p0 =	seq.s32 s5, $0x0;
	s5 =	sld [smem:$0x3FAC]  }
0x2b: {  	s6 =	sld [smem:$0x3FAD]  }
0x2c: {  	s7 =	sld [smem:$0x3FAE]  }
0x2d: {  	s3 =	simm.s32 $0x108;
	s8 =	sld [smem:$0x3FAF]  }
0x2e: {  	s3 =	simm.s32 @!p0 $0x1082;
	s9 =	sld [smem:$0x3FB0]  }
0x2f: {  	lr =	sadd.s32 s0, s3;
	s0 =	sld [smem:$0x3FA7]  }
0x30: {  	s3 =	sld [smem:$0x3FAA]  }
0x31: {  	[smem:$0x3FB3] =	sst s10  }
0x32: {  	s10 =	sld [smem:$0x3FB1];
	_ =	sdelay $0x3  }
0x33: {  	p0 =	seq.s32 s10, $0x1;
	s10 =	sld [smem:$0x3FB3];
	_ =	sdelay $0x3  }
0x34: {  	[smem:$0x3FB3] =	sst s10  }
0x35: {  	s10 =	sld [smem:$0x3FB2];
	_ =	sdelay $0x3  }
0x36: {  	p1 =	seq.s32 s10, $0x1;
	s10 =	sld [smem:$0x3FB3];
	_ =	sdelay $0x3  }
0x37: {  	[smem:$0x3FB3] =	sst s10  }
0x38: {  	s10 =	sld [smem:$0x3FB4]  }
0x39: {  	_ = 	snop;
	(pc) =	sbr.ind lr, $3  }
0x3a: {  	_ = 	snop  }
0x3b: {  	_ = 	snop  }
0x3c: {  	p2 =	seq.s32 s10, $0x1;
	s10 =	sld [smem:$0x3FB3]  }
0x3d: {  	_ =	shalt  }
0x3e: {  	_ =	shalt  }
0x3f: {  	_ =	shalt  }
0x40: {  	_ =	shalt  }
0x41: {  	_ =	shalt  }
0x42: {  	_ =	shalt  }
0x43: {  	_ =	shalt  }
0x44: {  	_ =	shalt  }
0x45: {  	_ =	shalt  }
0x46: {  	_ =	shalt  }
0x47: {  	_ =	shalt  }
0x48: {  	_ =	shalt  }
0x49: {  	_ =	shalt  }
0x4a: {  	_ =	shalt  }
0x4b: {  	_ =	shalt  }
0x4c: {  	_ =	shalt  }
0x4d: {  	_ =	shalt  }
0x4e: {  	_ =	shalt  }
0x4f: {  	_ =	shalt  }
0x50: {  	_ =	shalt  }
0x51: {  	_ =	shalt  }
0x52: {  	_ =	shalt  }
0x53: {  	_ =	shalt  }
0x54: {  	_ =	shalt  }
0x55: {  	_ =	shalt  }
0x56: {  	_ =	shalt  }
0x57: {  	_ =	shalt  }
0x58: {  	_ =	shalt  }
0x59: {  	_ =	shalt  }
0x5a: {  	_ =	shalt  }
0x5b: {  	_ =	shalt  }
0x5c: {  	_ =	shalt  }
0x5d: {  	_ =	shalt  }
0x5e: {  	_ =	shalt  }
0x5f: {  	_ =	shalt  }
0x60: {  	_ =	shalt  }
0x61: {  	_ =	shalt  }
0x62: {  	_ =	shalt  }
0x63: {  	_ =	shalt  }
0x64: {  	_ =	shalt  }
0x65: {  	_ =	shalt  }
0x66: {  	_ =	shalt  }
0x67: {  	_ =	shalt  }
0x68: {  	_ =	shalt  }
0x69: {  	_ =	shalt  }
0x6a: {  	_ =	shalt  }
0x6b: {  	_ =	shalt  }
0x6c: {  	_ =	shalt  }
0x6d: {  	_ =	shalt  }
0x6e: {  	_ =	shalt  }
0x6f: {  	_ =	shalt  }
0x70: {  	_ =	shalt  }
0x71: {  	_ =	shalt  }
0x72: {  	_ =	shalt  }
0x73: {  	_ =	shalt  }
0x74: {  	_ =	shalt  }
0x75: {  	_ =	shalt  }
0x76: {  	_ =	shalt  }
0x77: {  	_ =	shalt  }
0x78: {  	_ =	shalt  }
0x79: {  	_ =	shalt  }
0x7a: {  	_ =	shalt  }
0x7b: {  	_ =	shalt  }
0x7c: {  	_ =	shalt  }
0x7d: {  	_ =	shalt  }
0x7e: {  	_ =	shalt  }
0x7f: {  	_ =	shalt  }
0x80: {  	_ =	shalt  }
0x81: {  	_ =	shalt  }
0x82: {  	_ =	shalt  }
0x83: {  	_ =	shalt  }
0x84: {  	_ =	shalt  }
0x85: {  	_ =	shalt  }
0x86: {  	_ =	shalt  }
0x87: {  	_ =	shalt  }
.Lfunc_end0:
.L_simem_size_0:
called_computation.1_lowered:
.L_overlay_start_0:
0x88: {  	s2 =	sld [smem:$0x3FD9]  }
0x89: {  	s3 =	sld [smem:$0x3FFE];
	_ =	sdelay $0x1  }
0x8a: {  	s1 =	srdreg.scid  }
0x8b: {  	s0 =	sand.u32 $0x1, s1  }
0x8c: {  	s17 =	sshll.u32 s0, $0xA;
	s2 =	sadd.s32 s3, s2  }
0x8d: {  	s2 =	sadd.s32 s2, s17  }
0x8e: {  	[smem:$0x3FBF] =	sst s2  }
0x8f: {  	_ = 	snop  }
0x90: {  	s2 =	sld [smem:$0x3FC9];
	(tm) =	ssettm $0x1  }
0x91: {  	s18 =	sld [smem:$0x3FFB];
	_ =	sdelay $0x3  }
0x92: {  	_ =	strace s18  }
0x93: {  	s3 =	sld [smem:$0x3FFC];
	_ =	sdelay $0x3  }
0x94: {  	_ =	strace s3  }
0x95: {  	s3 =	sld [smem:$0x3FFD];
	_ =	sdelay $0x3  }
0x96: {  	_ =	strace s3  }
0x97: {  	_ =	strace $0x8FFFFFFF  }
0x98: {  	s19 =	sld [smem:$0x3FDB];
	_ =	sdelay $0x1  }
0x99: {  	s4 =	simm.s32 $_scs_section_size  }
0x9a: {  	s5 =	simm.s32 $_size__tile_overlayer_lowered;
	s6 =	simm.s32 $_tile_overlayer_lowered  }
0x9b: {  	s22 =	simm.s32 $0x1BFF;
	s21 =	sshll.u32 s6, $0x1;
	s3 =	sadd.s32 s4, s19  }
0x9c: {  	s7 =	simm.s32 $0x0;
	s20 =	sshll.u32 s5, $0x1;
	s5 =	sadd.s32 s21, s3  }
0x9d: {  	[timem:s7], [sflag:s22] =	dma.local [hbm:s5], s20  }
0x9e: {  	_ =	swait.ge [sflag:s22], s20  }
0x9f: {  	s4 =	ssub.s32 $0x0, s20;
	[sflag:s22] =	ssyncset.done $0x0  }
0xa0: {  	[sflag:s22] =	ssyncadd.s32 s4;
	_ =	sdelay $0x1  }
0xa1: {  	s23 =	simm.s32 $0x1B8B  }
0xa2: {  	_ =	swait.ge [sflag:s23], $0x1  }
0xa3: {  	[sflag:s23] =	ssyncset.done $0x0  }
0xa4: {  	s25 =	simm.s32 $0x1B8E;
	s24 =	sld [smem:$0x3FFE];
	[sflag:s23] =	ssyncadd.s32 $0xFFFFFFFF  }
0xa5: {  	s26 =	simm.s32 $execute0_lowered;
	[smem:$0x3FD2] =	sst s25  }
0xa6: {  	s5 =	sshll.u32 s26, $0x1;
	_ =	strace $0x80000046;
	[dreg:$0x1] =	wrdreg $0xFFFFFFFF  }
0xa7: {  	s28 =	simm.s32 $_size_execute0_lowered;
	s3 =	sadd.s32 s3, s5;
	[dreg:$0x0] =	wrdreg $0x0  }
0xa8: {  	s5 =	sshll.u32 s28, $0x1;
	[dreg:$0x2] =	wrdreg s3  }
0xa9: {  	[dreg:$0x3] =	wrdreg s5  }
0xaa: {  	[dreg:$0x4] =	wrdreg $0xC0  }
0xab: {  	_ =	task [dreg:s7], $0x5FFFF  }
0xac: {  	[dreg:$0x1] =	wrdreg $0xFFFFFFFF  }
0xad: {  	[dreg:$0x0] =	wrdreg $0x60  }
0xae: {  	[dreg:$0x2] =	wrdreg s2  }
0xaf: {  	[dreg:$0x3] =	wrdreg s24  }
0xb0: {  	[dreg:$0x4] =	wrdreg $0xA  }
0xb1: {  	_ =	task.clear_ibuf [dreg:s7], $0x5FFFF;
	_ =	strace $0x90000046  }
0xb2: {  	s29 =	simm.s32 $0xA;
	_ =	strace $0x80000048  }
0xb3: {  	_ =	swait.ge [sflag:s29], $0x1  }
0xb4: {  	[sflag:s29] =	ssyncadd.s32 $0xFFFFFFFF  }
0xb5: {  	_ =	strace $0x90000048  }
0xb6: {  	_ =	sfence  }
0xb7: {  	s30 =	sld [smem:$0x0];
	_ =	sdelay $0x2  }
0xb8: {  	s31 =	sshll.u32 s1, $0xD;
	s1 =	sshrl.u32 s1, $0x2  }
0xb9: {  	s3 =	sand.u32 $0x4000, s31;
	s1 =	sadd.s32 s1, s30  }
0xba: {  	s0 =	sor.u32 s3, s0;
	s1 =	sshll.u32 s1, $0x11  }
0xbb: {  	s0 =	sor.u32 s1, s0  }
0xbc: {  	s0 =	sadd.s32 $0x8F2B, s0  }
0xbd: {  	[sflag:s0] =	ssyncadd.remote.s32 $0x1  }
0xbe: {  	_ =	sfence.sel $0xFFFF  }
0xbf: {  	[dreg:$0x0] =	wrdreg $0xFFFFFFFF;
	(pc) =	sbr.abs _section_cstart, $3  }
0xc0: {  	[dreg:$0x1] =	wrdreg $0xFFFFFFFF  }
0xc1: {  	_ =	task.clear_ibuf [dreg:s7], $0x2FFFF;
	_ =	strace $0x9FFFFFFF  }
0xc2: {  	(tm) =	ssettm $0x7FFFFFFF  }
0xc3: {  	_ =	shalt  }
tec
execute0_lowered:
.L_overlay_start_1:
0x0: {  	(tag) =	ssettag $0x1  }
0x1: {  	s1 =	srdreg.scid  }
0x2: {  	s0 =	stileid.u32;
	s2 =	rddreg [dreg:$0x0]  }
0x3: {  	s5 =	rddreg [dreg:$0x1];
	s3 =	simm.s32 $0x0;
	s13 =	simm.s32 $0x4E00  }
0x4: {  	s14 =	simm.s32 $0x1;
	s15 =	simm.s32 $0x100;
	s16 =	simm.s32 $0x8000  }
0x5: {  	s17 =	simm.s32 $0x180;
	s18 =	simm.s32 $0xB200;
	s19 =	simm.s32 $0x2  }
0x6: {  	s20 =	simm.s32 $0x0;
	s4 =	sand.u32 $0x1, s1;
	s1 =	rddreg [dreg:$0x2]  }
0x7: {  	s28 =	sshll.u32 s0, $0x1;
	[smem:$0x7FF] =	sst s3;
	s9 =	smul.u32 $0x27100, s0  }
0x8: {  	s10 =	sadd.s32 $0xD800, s5;
	s6 =	sor.u32 s4, s28;
	s12 =	smul.u32 $0x13880, s4  }
0x9: {  	_ =	strace $0x80000047;
	s8 =	ssub.s32 $0x2, s4;
	s7 =	smul.u32 $0x380, s6  }
0xa: {  	s6 =	smul.u32 $0x13880, s6;
	s11 =	sshrl.u32 s8, $0x1;
	s31 =	sadd.s32 s9, s10  }
0xb: {  	s9 =	simm.s32 $0x3;
	s30 =	ssub.s32 s8, s11;
	s8 =	sadd.s32 s12, s31  }
0xc: {  	s11 =	simm.s32 $0x1C00;
	s12 =	simm.s32 $0x80;
	s29 =	sadd.s32 s7, s5  }
0xd: {  	s5 =	sadd.s32 s10, s6;
	s6 =	smax.u32 s30, $0x1;
	s8 =	sadd.s32 $0x1900, s8  }
0xe: {  	s10 =	simm.s32 $0x64;
	s4 =	sadd.s32 $0x6800, s29;
	s7 =	sadd.s32 $0xC80, s5  }
.LBB2_1:
0xf: {  	[tilespmem:s3], [sflag:$0x3] =	stream.linear.gather [hbm4b:s4+s3], $0x1900, $0x38;
	[tilespmem:$0xE400] =	vst v63  }
0x10: {  	_ =	swait.ge [sflag:s9], $0x1900  }
0x11: {  	[sflag:s9] =	ssyncset.done $0x0  }
0x12: {  	[sflag:s9] =	ssyncadd.s32 $0xFFFFE700  }
0x13: {  	[tilespmem:s11], [sflag:$0x1] =	stream.indirect.gather [hbm4b:s2+s10], $0x80, s3, s10, $0xb8;
	[tilespmem:$0xE400] =	vst v63  }
0x14: {  	_ = 	snop  }
0x15: {  	[tilespmem:s13], [sflag:$0x1] =	stream.indirect.gather [hbm4b:s2+s10], $0x80, s12, s10, $0xb8;
	[tilespmem:$0xE400] =	vst v63  }
0x16: {  	_ =	swait.ge [sflag:s14], $0x3200  }
0x17: {  	[sflag:s14] =	ssyncset.done $0x0  }
0x18: {  	[sflag:s14] =	ssyncadd.s32 $0xFFFFCE00  }
0x19: {  	_ =	swait.ge [sflag:s14], $0x3200  }
0x1a: {  	[sflag:s14] =	ssyncset.done $0x0  }
0x1b: {  	[sflag:s14] =	ssyncadd.s32 $0xFFFFCE00  }
0x1c: {  	[hbm4b:s5+s3] =	stream.linear.scatter [tilespmem:s11], [sflag:$0x2], $0x6400, $0x38;
	[tilespmem:$0xE400] =	vst v63  }
0x1d: {  	_ = 	snop  }
0x1e: {  	[tilespmem:s16], [sflag:$0x1] =	stream.indirect.gather [hbm4b:s2+s10], $0x80, s15, s10, $0xb8;
	[tilespmem:$0xE400] =	vst v63  }
0x1f: {  	_ = 	snop  }
0x20: {  	[tilespmem:s18], [sflag:$0x1] =	stream.indirect.gather [hbm4b:s2+s10], $0x80, s17, s10, $0xb8;
	[tilespmem:$0xE400] =	vst v63  }
0x21: {  	_ =	swait.ge [sflag:s14], $0x3200  }
0x22: {  	[sflag:s14] =	ssyncset.done $0x0  }
0x23: {  	[sflag:s14] =	ssyncadd.s32 $0xFFFFCE00  }
0x24: {  	_ =	swait.ge [sflag:s14], $0x3200  }
0x25: {  	[sflag:s14] =	ssyncset.done $0x0  }
0x26: {  	s21 =	sand.u32 $0x1, s19;
	[sflag:s14] =	ssyncadd.s32 $0xFFFFCE00  }
0x27: {  	[hbm4b:s7+s3] =	stream.linear.scatter [tilespmem:s16], [sflag:$0x2], $0x6400, $0x38;
	[tilespmem:$0xE400] =	vst v63  }
0x28: {  	p0 =	seq.s32 s21, $0x1;
	s21 =	simm.s32 $0x6400;
	_ =	swait.ge [sflag:s19], $0x6400  }
0x29: {  	s21 =	simm.s32 @!p0 $0x0;
	[sflag:s19] =	ssyncset.done $0x0  }
0x2a: {  	s22 =	simm.s32 $0x200;
	s24 =	sadd.s32 $0x1C00, s21;
	[sflag:s19] =	ssyncadd.s32 $0xFFFF9C00  }
0x2b: {  	[tilespmem:s24], [sflag:$0x1] =	stream.indirect.gather [hbm4b:s2+s10], $0x80, s22, s10, $0xb8;
	[tilespmem:$0xE400] =	vst v63  }
0x2c: {  	s30 =	simm.s32 $0x280;
	s21 =	sadd.s32 $0x4E00, s21  }
0x2d: {  	[tilespmem:s21], [sflag:$0x1] =	stream.indirect.gather [hbm4b:s2+s10], $0x80, s30, s10, $0xb8;
	[tilespmem:$0xE400] =	vst v63  }
0x2e: {  	_ =	swait.ge [sflag:s14], $0x3200  }
0x2f: {  	[sflag:s14] =	ssyncset.done $0x0  }
0x30: {  	[sflag:s14] =	ssyncadd.s32 $0xFFFFCE00  }
0x31: {  	s31 =	simm.s32 $0x3;
	s26 =	simm.s32 $0x4;
	_ =	swait.ge [sflag:s14], $0x3200  }
0x32: {  	s25 =	smov.u32 s8;
	s23 =	sand.u32 $0x1, s31;
	[sflag:s14] =	ssyncset.done $0x0  }
0x33: {  	s22 =	simm.s32 $0x380;
	s21 =	sadd.s32 $0xC80, s8;
	[sflag:s14] =	ssyncadd.s32 $0xFFFFCE00  }
.LBB2_2:
0x34: {  	[hbm4b:s25+s3] =	stream.linear.scatter [tilespmem:s24], [sflag:$0x2], $0x6400, $0x38;
	[tilespmem:$0xE400] =	vst v63  }
0x35: {  	s24 =	smov.u32 s26;
	s25 =	smov.u32 s21;
	p0 =	seq.s32 s23, $0x1  }
0x36: {  	s23 =	sand.u32 $0x1, s26;
	s29 =	simm.s32 $0x6400;
	_ =	swait.ge [sflag:s19], $0x6400  }
0x37: {  	s28 =	sadd.s32 $0x1, s26;
	s29 =	simm.s32 @!p0 $0x0;
	[sflag:s19] =	ssyncset.done $0x0  }
0x38: {  	s30 =	sadd.s32 $0xFFFFFF80, s22;
	s24 =	sadd.s32 $0x1C00, s29;
	[sflag:s19] =	ssyncadd.s32 $0xFFFF9C00  }
0x39: {  	[tilespmem:s24], [sflag:$0x1] =	stream.indirect.gather [hbm4b:s2+s10], $0x80, s30, s10, $0xb8;
	[tilespmem:$0xE400] =	vst v63  }
0x3a: {  	p0 =	sne.s32 s26, $0x18;
	s26 =	sadd.s32 $0x4E00, s29  }
0x3b: {  	[tilespmem:s26], [sflag:$0x1] =	stream.indirect.gather [hbm4b:s2+s10], $0x80, s22, s10, $0xb8;
	[tilespmem:$0xE400] =	vst v63  }
0x3c: {  	_ =	swait.ge [sflag:s14], $0x3200  }
.Ltmp0:
0x3d: {  	[sflag:s14] =	ssyncset.done $0x0;
	(pc) =	sbr.rel @p0 .LBB2_2-.Ltmp0, $4  }
0x3e: {  	[sflag:s14] =	ssyncadd.s32 $0xFFFFCE00  }
0x3f: {  	_ =	swait.ge [sflag:s14], $0x3200  }
0x40: {  	s21 =	sadd.s32 $0xC80, s21;
	[sflag:s14] =	ssyncset.done $0x0  }
0x41: {  	s22 =	sadd.s32 $0x100, s22;
	s26 =	smov.u32 s28;
	[sflag:s14] =	ssyncadd.s32 $0xFFFFCE00  }
0x42: {  	[hbm4b:s25+s3] =	stream.linear.scatter [tilespmem:s24], [sflag:$0x2], $0x6400, $0x38;
	[tilespmem:$0xE400] =	vst v63  }
0x43: {  	p0 =	seq.s32 s23, $0x1;
	s23 =	simm.s32 $0x6400;
	_ =	swait.ge [sflag:s19], $0x6400  }
0x44: {  	s23 =	simm.s32 @!p0 $0x0;
	[sflag:s19] =	ssyncset.done $0x0  }
0x45: {  	s31 =	sadd.s32 $0xFFFFFF80, s22;
	s30 =	sadd.s32 $0x1C00, s23;
	[sflag:s19] =	ssyncadd.s32 $0xFFFF9C00  }
0x46: {  	[tilespmem:s30], [sflag:$0x1] =	stream.indirect.gather [hbm4b:s2+s10], $0x80, s31, s10, $0xb8;
	[tilespmem:$0xE400] =	vst v63  }
0x47: {  	s23 =	sadd.s32 $0x4E00, s23  }
0x48: {  	[tilespmem:s23], [sflag:$0x1] =	stream.indirect.gather [hbm4b:s2+s10], $0x80, s22, s10, $0xb8;
	[tilespmem:$0xE400] =	vst v63  }
0x49: {  	_ =	swait.ge [sflag:s14], $0x3200  }
0x4a: {  	[sflag:s14] =	ssyncset.done $0x0  }
0x4b: {  	[sflag:s14] =	ssyncadd.s32 $0xFFFFCE00  }
0x4c: {  	_ =	swait.ge [sflag:s14], $0x3200  }
0x4d: {  	[sflag:s14] =	ssyncset.done $0x0  }
0x4e: {  	s20 =	sadd.s32 $0x1, s20;
	[sflag:s14] =	ssyncadd.s32 $0xFFFFCE00  }
0x4f: {  	[hbm4b:s21+s3] =	stream.linear.scatter [tilespmem:s30], [sflag:$0x2], $0x6400, $0x38;
	[tilespmem:$0xE400] =	vst v63  }
0x50: {  	p0 =	sne.s32 s20, s6;
	_ =	swait.ge [sflag:s19], $0x6400  }
.Ltmp1:
0x51: {  	[sflag:s19] =	ssyncset.done $0x0;
	(pc) =	sbr.rel @p0 .LBB2_1-.Ltmp1, $4  }
0x52: {  	[sflag:s19] =	ssyncadd.s32 $0xFFFF9C00  }
0x53: {  	_ =	swait.ge [sflag:s19], $0x6400  }
0x54: {  	[sflag:s19] =	ssyncset.done $0x0  }
0x55: {  	[sflag:s19] =	ssyncadd.s32 $0xFFFF9C00  }
0x56: {  	_ =	sfence.sel $0x180000  }
0x57: {  	[bflag:$0x0] =	sbarrier.arrive $0xFFFF  }
0x58: {  	p0 =	sne.s32 s0, $0x0;
	_ =	strace $0x90000047  }
0x59: {  	s0 =	sadd.s32 @!p0 $0x100000, s1;
	[bflag:$0x2] =	sbarrier.arrive $0xFFFF  }
0x5a: {  	[sflag:s0] =	ssyncadd.tile.s32 @!p0 $0x1;
	_ =	shalt  }
.Lfunc_end2:
_tile_overlayer_lowered:
.L_overlay_start_2:
0x5b: {  	(tag) =	ssettag $0x2  }
0x5c: {  	s0 =	rddreg [dreg:$0x0];
	s2 =	stileid.u32  }
0x5d: {  	s1 =	rddreg [dreg:$0x1];
	p0 =	sne.s32 s2, $0x0  }
0x5e: {  	s3 =	rddreg [dreg:$0x2];
	[bflag:$0x3] =	sbarrier.arrive $0xFFFF;
	s2 =	simm.s32 @!p0 $0x1C03  }
0x5f: {  	[timem:s3], [sflag:s2] =	dma.local @!p0 [hbm:s0], s1  }
0x60: {  	s0 =	simm.s32 @!p0 $0x3  }
0x61: {  	_ =	swait.ge @!p0 [sflag:s0], s1  }
0x62: {  	s1 =	ssub.s32 @!p0 $0x0, s1;
	[sflag:s0] =	ssyncset.done @!p0 $0x0  }
0x63: {  	[sflag:s0] =	ssyncadd.s32 @!p0 s1  }
0x64: {  	[bflag:$0x3] =	sbarrier.arrive $0xFFFF  }
0x65: {  	_ =	shalt  }

// kernel: kernel.24.cloned.1.call-start
scs
__scs_entry_jumppad:
0x0: {  	(pc) =	sbr.rel $0x88, $3  }
0x1: {  	(tag) =	ssettag $0x0;
	lr =	simm.s32 $0x1  }
0x2: {  	[smem:$0x3F98] =	sst lr;
	_ =	strace $0xD0000000  }
0x3: {  	_ = 	snop  }
0x4: {  	_ = 	snop  }
0x5: {  	_ = 	snop  }
0x6: {  	_ = 	snop  }
0x7: {  	_ = 	snop  }
__scs_overlays_trampoline_lowered:
0x8: {  	[smem:$0x3FA7] =	sst s0  }
0x9: {  	[smem:$0x3FA8] =	sst s1  }
0xa: {  	[smem:$0x3FA9] =	sst s2  }
0xb: {  	[smem:$0x3FAA] =	sst s3  }
0xc: {  	[smem:$0x3FAB] =	sst s4  }
0xd: {  	[smem:$0x3FAC] =	sst s5  }
0xe: {  	[smem:$0x3FAD] =	sst s6  }
0xf: {  	[smem:$0x3FAE] =	sst s7  }
0x10: {  	[smem:$0x3FAF] =	sst s8  }
0x11: {  	[smem:$0x3FB0] =	sst s9;
	s0 =	simm.s32 @!p0 $0x0  }
0x12: {  	s1 =	sld [smem:$0x3F96];
	s0 =	simm.s32 @p0 $0x1  }
0x13: {  	[smem:$0x3FB1] =	sst s0;
	s0 =	simm.s32 @!p1 $0x0  }
0x14: {  	s2 =	sld [smem:$0x3F95];
	s0 =	simm.s32 @p1 $0x1  }
0x15: {  	[smem:$0x3FB2] =	sst s0;
	s0 =	simm.s32 @!p2 $0x0  }
0x16: {  	s3 =	sld [smem:$0x3FDB];
	s0 =	simm.s32 @p2 $0x1  }
0x17: {  	s4 =	simm.s32 $0x1BF5;
	[smem:$0x3FB4] =	sst s0  }
0x18: {  	s0 =	sld [smem:$0x3F97];
	_ =	swait.ge [sflag:s4], $0x0  }
0x19: {  	s7 =	sld [smem:$0x3F98]  }
0x1a: {  	s8 =	sadd.s32 $0xFFFFE003, lr  }
0x1b: {  	s9 =	sadd.s32 $0xFFFFFEF7, lr;
	s5 =	simm.s32 $0xFFFFFFFF;
	p2 =	slt.u32 s8, $0xFFFFF086  }
0x1c: {  	p1 =	slt.u32 s9, $0xF7A;
	s5 =	simm.s32 @!p2 $0x0  }
0x1d: {  	s5 =	simm.s32 @p1 $0x1;
	p0 =	seq.s32 s7, s2  }
0x1e: {  	s7 =	smul.u32 @!p0 $0xF7A, s2;
	p2 =	seq.s32 @!p0 s5, $0x0  }
0x1f: {  	s9 =	smul.u32 $0xF7A, s1;
	s8 =	simm.s32 @!p0 $0x1BF5;
	p2 =	por !p2, p0  }
0x20: {  	[sflag:s8] =	ssyncset.s32 @!p0 $0xFFFFF086;
	s6 =	sadd.s32 @!p0 s3, s7;
	s7 =	simm.s32 @!p0 $0x108  }
0x21: {  	s3 =	sadd.s32 s3, s9;
	s6 =	sadd.s32 @!p0 $0x88, s6;
	s7 =	simm.s32 @p2 $0x1082  }
0x22: {  	[simem:s7], [sflag:s8] =	dma.local @!p0 [hbm:s6], $0xF7A  }
0x23: {  	s9 =	sor.u32 $0xD0000000, s2;
	s6 =	simm.s32 $0x108;
	_ =	swait.ge @!p0 [sflag:s8], $0x0  }
0x24: {  	s3 =	sadd.s32 $0x88, s3;
	s6 =	simm.s32 @!p1 $0x1082;
	[sflag:s4] =	ssyncset.s32 $0xFFFFF086  }
0x25: {  	[simem:s6], [sflag:s4] =	dma.local [hbm:s3], $0xF7A  }
0x26: {  	[smem:$0x3F98] =	sst s1;
	(tag) =	ssettag s2;
	_ =	strace s9  }
0x27: {  	s1 =	sld [smem:$0x3FA8]  }
0x28: {  	s2 =	sld [smem:$0x3FA9]  }
0x29: {  	s4 =	sld [smem:$0x3FAB]  }
0x2a: {  	p0 =	seq.s32 s5, $0x0;
	s5 =	sld [smem:$0x3FAC]  }
0x2b: {  	s6 =	sld [smem:$0x3FAD]  }
0x2c: {  	s7 =	sld [smem:$0x3FAE]  }
0x2d: {  	s3 =	simm.s32 $0x108;
	s8 =	sld [smem:$0x3FAF]  }
0x2e: {  	s3 =	simm.s32 @!p0 $0x1082;
	s9 =	sld [smem:$0x3FB0]  }
0x2f: {  	lr =	sadd.s32 s0, s3;
	s0 =	sld [smem:$0x3FA7]  }
0x30: {  	s3 =	sld [smem:$0x3FAA]  }
0x31: {  	[smem:$0x3FB3] =	sst s10  }
0x32: {  	s10 =	sld [smem:$0x3FB1];
	_ =	sdelay $0x3  }
0x33: {  	p0 =	seq.s32 s10, $0x1;
	s10 =	sld [smem:$0x3FB3];
	_ =	sdelay $0x3  }
0x34: {  	[smem:$0x3FB3] =	sst s10  }
0x35: {  	s10 =	sld [smem:$0x3FB2];
	_ =	sdelay $0x3  }
0x36: {  	p1 =	seq.s32 s10, $0x1;
	s10 =	sld [smem:$0x3FB3];
	_ =	sdelay $0x3  }
0x37: {  	[smem:$0x3FB3] =	sst s10  }
0x38: {  	s10 =	sld [smem:$0x3FB4]  }
0x39: {  	_ = 	snop;
	(pc) =	sbr.ind lr, $3  }
0x3a: {  	_ = 	snop  }
0x3b: {  	_ = 	snop  }
0x3c: {  	p2 =	seq.s32 s10, $0x1;
	s10 =	sld [smem:$0x3FB3]  }
0x3d: {  	_ =	shalt  }
0x3e: {  	_ =	shalt  }
0x3f: {  	_ =	shalt  }
0x40: {  	_ =	shalt  }
0x41: {  	_ =	shalt  }
0x42: {  	_ =	shalt  }
0x43: {  	_ =	shalt  }
0x44: {  	_ =	shalt  }
0x45: {  	_ =	shalt  }
0x46: {  	_ =	shalt  }
0x47: {  	_ =	shalt  }
0x48: {  	_ =	shalt  }
0x49: {  	_ =	shalt  }
0x4a: {  	_ =	shalt  }
0x4b: {  	_ =	shalt  }
0x4c: {  	_ =	shalt  }
0x4d: {  	_ =	shalt  }
0x4e: {  	_ =	shalt  }
0x4f: {  	_ =	shalt  }
0x50: {  	_ =	shalt  }
0x51: {  	_ =	shalt  }
0x52: {  	_ =	shalt  }
0x53: {  	_ =	shalt  }
0x54: {  	_ =	shalt  }
0x55: {  	_ =	shalt  }
0x56: {  	_ =	shalt  }
0x57: {  	_ =	shalt  }
0x58: {  	_ =	shalt  }
0x59: {  	_ =	shalt  }
0x5a: {  	_ =	shalt  }
0x5b: {  	_ =	shalt  }
0x5c: {  	_ =	shalt  }
0x5d: {  	_ =	shalt  }
0x5e: {  	_ =	shalt  }
0x5f: {  	_ =	shalt  }
0x60: {  	_ =	shalt  }
0x61: {  	_ =	shalt  }
0x62: {  	_ =	shalt  }
0x63: {  	_ =	shalt  }
0x64: {  	_ =	shalt  }
0x65: {  	_ =	shalt  }
0x66: {  	_ =	shalt  }
0x67: {  	_ =	shalt  }
0x68: {  	_ =	shalt  }
0x69: {  	_ =	shalt  }
0x6a: {  	_ =	shalt  }
0x6b: {  	_ =	shalt  }
0x6c: {  	_ =	shalt  }
0x6d: {  	_ =	shalt  }
0x6e: {  	_ =	shalt  }
0x6f: {  	_ =	shalt  }
0x70: {  	_ =	shalt  }
0x71: {  	_ =	shalt  }
0x72: {  	_ =	shalt  }
0x73: {  	_ =	shalt  }
0x74: {  	_ =	shalt  }
0x75: {  	_ =	shalt  }
0x76: {  	_ =	shalt  }
0x77: {  	_ =	shalt  }
0x78: {  	_ =	shalt  }
0x79: {  	_ =	shalt  }
0x7a: {  	_ =	shalt  }
0x7b: {  	_ =	shalt  }
0x7c: {  	_ =	shalt  }
0x7d: {  	_ =	shalt  }
0x7e: {  	_ =	shalt  }
0x7f: {  	_ =	shalt  }
0x80: {  	_ =	shalt  }
0x81: {  	_ =	shalt  }
0x82: {  	_ =	shalt  }
0x83: {  	_ =	shalt  }
0x84: {  	_ =	shalt  }
0x85: {  	_ =	shalt  }
0x86: {  	_ =	shalt  }
0x87: {  	_ =	shalt  }
.Lfunc_end0:
.L_simem_size_0:
called_computation.2_lowered:
.L_overlay_start_0:
0x88: {  	s2 =	sld [smem:$0x3FD9]  }
0x89: {  	s3 =	sld [smem:$0x3FFE];
	_ =	sdelay $0x1  }
0x8a: {  	s1 =	srdreg.scid  }
0x8b: {  	s0 =	sand.u32 $0x1, s1  }
0x8c: {  	s17 =	sshll.u32 s0, $0xA;
	s2 =	sadd.s32 s3, s2  }
0x8d: {  	s2 =	sadd.s32 s2, s17  }
0x8e: {  	[smem:$0x3FBF] =	sst s2  }
0x8f: {  	_ = 	snop  }
0x90: {  	s18 =	sld [smem:$0x3FD0];
	(tm) =	ssettm $0x1  }
0x91: {  	s19 =	sld [smem:$0x3FFB];
	_ =	sdelay $0x3  }
0x92: {  	_ =	strace s19  }
0x93: {  	s2 =	sld [smem:$0x3FFC];
	_ =	sdelay $0x3  }
0x94: {  	_ =	strace s2  }
0x95: {  	s2 =	sld [smem:$0x3FFD];
	_ =	sdelay $0x3  }
0x96: {  	_ =	strace s2  }
0x97: {  	_ =	strace $0x8FFFFFFF  }
0x98: {  	s20 =	sld [smem:$0x3FDB];
	_ =	sdelay $0x1  }
0x99: {  	s4 =	simm.s32 $_scs_section_size  }
0x9a: {  	s5 =	simm.s32 $_size__tile_overlayer_lowered;
	s6 =	simm.s32 $_tile_overlayer_lowered  }
0x9b: {  	s7 =	simm.s32 $0x1BFF;
	s21 =	sshll.u32 s6, $0x1;
	s4 =	sadd.s32 s4, s20  }
0x9c: {  	s22 =	simm.s32 $0x0;
	s5 =	sshll.u32 s5, $0x1;
	s6 =	sadd.s32 s21, s4  }
0x9d: {  	[timem:s22], [sflag:s7] =	dma.local [hbm:s6], s5  }
0x9e: {  	_ =	swait.ge [sflag:s7], s5  }
0x9f: {  	s5 =	ssub.s32 $0x0, s5;
	[sflag:s7] =	ssyncset.done $0x0  }
0xa0: {  	[sflag:s7] =	ssyncadd.s32 s5;
	_ =	sdelay $0x1  }
0xa1: {  	s23 =	simm.s32 $0x1B8B  }
0xa2: {  	_ =	swait.ge [sflag:s23], $0x1  }
0xa3: {  	[sflag:s23] =	ssyncset.done $0x0  }
0xa4: {  	[sflag:s23] =	ssyncadd.s32 $0xFFFFFFFF  }
0xa5: {  	s5 =	sld [smem:$0x0]  }
0xa6: {  	s6 =	sand.u32 $0xFFFFFFFE, s1  }
0xa7: {  	p0 =	sne.s32 s1, s6  }
0xa8: {  	s6 =	sshll.u32 @p0 s6, $0xE  }
0xa9: {  	s6 =	sadd.s32 @p0 $0x11B8D, s6;
	s7 =	sshll.u32 @p0 s5, $0x11  }
0xaa: {  	s6 =	sor.u32 @p0 s7, s6  }
0xab: {  	[sflag:s6] =	ssyncadd.remote.s32 @p0 $0x1;
	_ =	sdelay $0x1  }
0xac: {  	s6 =	simm.s32 @p0 $0x1B8D  }
0xad: {  	_ =	swait.eq @p0 [sflag:s6], $0x1  }
0xae: {  	[sflag:s6] =	ssyncadd.s32 @p0 $0xFFFFFFFF  }
0xaf: {  	s7 =	sshll.u32 @!p0 s1, $0xE  }
0xb0: {  	s7 =	sor.u32 @!p0 $0x4000, s7;
	s6 =	simm.s32 @!p0 $0x1B8D  }
0xb1: {  	s5 =	sshll.u32 @!p0 s5, $0x11;
	s7 =	sadd.s32 @!p0 $0x11B8D, s7;
	_ =	swait.eq @!p0 [sflag:s6], $0x1  }
0xb2: {  	s5 =	sor.u32 @!p0 s5, s7;
	[sflag:s6] =	ssyncadd.s32 @!p0 $0xFFFFFFFF  }
0xb3: {  	s25 =	simm.s32 $0x1B8E;
	s24 =	sld [smem:$0x3FFE];
	[sflag:s5] =	ssyncadd.remote.s32 @!p0 $0x1  }
0xb4: {  	s26 =	simm.s32 $execute0_lowered;
	[smem:$0x3FD2] =	sst s25  }
0xb5: {  	s6 =	sshll.u32 s26, $0x1;
	_ =	strace $0x8000004F;
	[dreg:$0x1] =	wrdreg $0xFFFFFFFF  }
0xb6: {  	s28 =	simm.s32 $_size_execute0_lowered;
	s4 =	sadd.s32 s4, s6;
	[dreg:$0x0] =	wrdreg $0x0  }
0xb7: {  	s6 =	sshll.u32 s28, $0x1;
	[dreg:$0x2] =	wrdreg s4  }
0xb8: {  	[dreg:$0x3] =	wrdreg s6  }
0xb9: {  	[dreg:$0x4] =	wrdreg $0xC0  }
0xba: {  	_ =	task [dreg:s22], $0x5FFFF  }
0xbb: {  	[dreg:$0x1] =	wrdreg $0xFFFFFFFF  }
0xbc: {  	[dreg:$0x0] =	wrdreg $0x60  }
0xbd: {  	[dreg:$0x2] =	wrdreg s18  }
0xbe: {  	[dreg:$0x3] =	wrdreg s24  }
0xbf: {  	[dreg:$0x4] =	wrdreg $0x9  }
0xc0: {  	_ =	task.clear_ibuf [dreg:s22], $0x5FFFF;
	_ =	strace $0x9000004F  }
0xc1: {  	s29 =	simm.s32 $0x9;
	_ =	strace $0x80000051  }
0xc2: {  	_ =	swait.ge [sflag:s29], $0x1  }
0xc3: {  	[sflag:s29] =	ssyncadd.s32 $0xFFFFFFFF  }
0xc4: {  	_ =	strace $0x90000051  }
0xc5: {  	_ =	sfence  }
0xc6: {  	s30 =	sld [smem:$0x0];
	_ =	sdelay $0x2  }
0xc7: {  	s31 =	sshll.u32 s1, $0xD;
	s1 =	sshrl.u32 s1, $0x2  }
0xc8: {  	s4 =	sand.u32 $0x4000, s31;
	s1 =	sadd.s32 s1, s30  }
0xc9: {  	s0 =	sor.u32 s4, s0;
	s1 =	sshll.u32 s1, $0x11  }
0xca: {  	s0 =	sor.u32 s1, s0  }
0xcb: {  	s0 =	sadd.s32 $0x8F2B, s0  }
0xcc: {  	[sflag:s0] =	ssyncadd.remote.s32 $0x1  }
0xcd: {  	_ =	sfence.sel $0xFFFF  }
0xce: {  	[dreg:$0x0] =	wrdreg $0xFFFFFFFF;
	(pc) =	sbr.abs _section_cstart, $3  }
0xcf: {  	[dreg:$0x1] =	wrdreg $0xFFFFFFFF  }
0xd0: {  	_ =	task.clear_ibuf [dreg:s22], $0x2FFFF;
	_ =	strace $0x9FFFFFFF  }
0xd1: {  	(tm) =	ssettm $0x7FFFFFFF  }
tec
execute0_lowered:
.L_overlay_start_1:
0x0: {  	(tag) =	ssettag $0x1  }
0x1: {  	s1 =	srdreg.scid  }
0x2: {  	s0 =	stileid.u32;
	s2 =	rddreg [dreg:$0x0]  }
0x3: {  	s5 =	rddreg [dreg:$0x1];
	s3 =	simm.s32 $0x0;
	s13 =	simm.s32 $0x4E00  }
0x4: {  	s14 =	simm.s32 $0x1;
	s15 =	simm.s32 $0x100;
	s16 =	simm.s32 $0x8000  }
0x5: {  	s17 =	simm.s32 $0x180;
	s18 =	simm.s32 $0xB200;
	s19 =	simm.s32 $0x2  }
0x6: {  	s20 =	simm.s32 $0x0;
	s4 =	sand.u32 $0x1, s1;
	s1 =	rddreg [dreg:$0x2]  }
0x7: {  	s28 =	sshll.u32 s0, $0x1;
	[smem:$0x7FF] =	sst s3;
	s9 =	smul.u32 $0x27100, s0  }
0x8: {  	s10 =	sadd.s32 $0x285800, s5;
	s6 =	sor.u32 s4, s28;
	s12 =	smul.u32 $0x13880, s4  }
0x9: {  	_ =	strace $0x80000050;
	s8 =	ssub.s32 $0x2, s4;
	s7 =	smul.u32 $0x380, s6  }
0xa: {  	s6 =	smul.u32 $0x13880, s6;
	s11 =	sshrl.u32 s8, $0x1;
	s31 =	sadd.s32 s9, s10  }
0xb: {  	s9 =	simm.s32 $0x3;
	s30 =	ssub.s32 s8, s11;
	s8 =	sadd.s32 s12, s31  }
0xc: {  	s11 =	simm.s32 $0x1C00;
	s12 =	simm.s32 $0x80;
	s29 =	sadd.s32 s7, s5  }
0xd: {  	s5 =	sadd.s32 s10, s6;
	s6 =	smax.u32 s30, $0x1;
	s8 =	sadd.s32 $0x1900, s8  }
0xe: {  	s10 =	simm.s32 $0x64;
	s4 =	sadd.s32 $0x27E800, s29;
	s7 =	sadd.s32 $0xC80, s5  }
.LBB2_1:
0xf: {  	[tilespmem:s3], [sflag:$0x3] =	stream.linear.gather [hbm4b:s4+s3], $0x1900, $0x38;
	[tilespmem:$0xE400] =	vst v63  }
0x10: {  	_ =	swait.ge [sflag:s9], $0x1900  }
0x11: {  	[sflag:s9] =	ssyncset.done $0x0  }
0x12: {  	[sflag:s9] =	ssyncadd.s32 $0xFFFFE700  }
0x13: {  	[tilespmem:s11], [sflag:$0x1] =	stream.indirect.gather [hbm4b:s2+s10], $0x80, s3, s10, $0xb8;
	[tilespmem:$0xE400] =	vst v63  }
0x14: {  	_ = 	snop  }
0x15: {  	[tilespmem:s13], [sflag:$0x1] =	stream.indirect.gather [hbm4b:s2+s10], $0x80, s12, s10, $0xb8;
	[tilespmem:$0xE400] =	vst v63  }
0x16: {  	_ =	swait.ge [sflag:s14], $0x3200  }
0x17: {  	[sflag:s14] =	ssyncset.done $0x0  }
0x18: {  	[sflag:s14] =	ssyncadd.s32 $0xFFFFCE00  }
0x19: {  	_ =	swait.ge [sflag:s14], $0x3200  }
0x1a: {  	[sflag:s14] =	ssyncset.done $0x0  }
0x1b: {  	[sflag:s14] =	ssyncadd.s32 $0xFFFFCE00  }
0x1c: {  	[hbm4b:s5+s3] =	stream.linear.scatter [tilespmem:s11], [sflag:$0x2], $0x6400, $0x38;
	[tilespmem:$0xE400] =	vst v63  }
0x1d: {  	_ = 	snop  }
0x1e: {  	[tilespmem:s16], [sflag:$0x1] =	stream.indirect.gather [hbm4b:s2+s10], $0x80, s15, s10, $0xb8;
	[tilespmem:$0xE400] =	vst v63  }
0x1f: {  	_ = 	snop  }
0x20: {  	[tilespmem:s18], [sflag:$0x1] =	stream.indirect.gather [hbm4b:s2+s10], $0x80, s17, s10, $0xb8;
	[tilespmem:$0xE400] =	vst v63  }
0x21: {  	_ =	swait.ge [sflag:s14], $0x3200  }
0x22: {  	[sflag:s14] =	ssyncset.done $0x0  }
0x23: {  	[sflag:s14] =	ssyncadd.s32 $0xFFFFCE00  }
0x24: {  	_ =	swait.ge [sflag:s14], $0x3200  }
0x25: {  	[sflag:s14] =	ssyncset.done $0x0  }
0x26: {  	s21 =	sand.u32 $0x1, s19;
	[sflag:s14] =	ssyncadd.s32 $0xFFFFCE00  }
0x27: {  	[hbm4b:s7+s3] =	stream.linear.scatter [tilespmem:s16], [sflag:$0x2], $0x6400, $0x38;
	[tilespmem:$0xE400] =	vst v63  }
0x28: {  	p0 =	seq.s32 s21, $0x1;
	s21 =	simm.s32 $0x6400;
	_ =	swait.ge [sflag:s19], $0x6400  }
0x29: {  	s21 =	simm.s32 @!p0 $0x0;
	[sflag:s19] =	ssyncset.done $0x0  }
0x2a: {  	s22 =	simm.s32 $0x200;
	s24 =	sadd.s32 $0x1C00, s21;
	[sflag:s19] =	ssyncadd.s32 $0xFFFF9C00  }
0x2b: {  	[tilespmem:s24], [sflag:$0x1] =	stream.indirect.gather [hbm4b:s2+s10], $0x80, s22, s10, $0xb8;
	[tilespmem:$0xE400] =	vst v63  }
0x2c: {  	s30 =	simm.s32 $0x280;
	s21 =	sadd.s32 $0x4E00, s21  }
0x2d: {  	[tilespmem:s21], [sflag:$0x1] =	stream.indirect.gather [hbm4b:s2+s10], $0x80, s30, s10, $0xb8;
	[tilespmem:$0xE400] =	vst v63  }
0x2e: {  	_ =	swait.ge [sflag:s14], $0x3200  }
0x2f: {  	[sflag:s14] =	ssyncset.done $0x0  }
0x30: {  	[sflag:s14] =	ssyncadd.s32 $0xFFFFCE00  }
0x31: {  	s31 =	simm.s32 $0x3;
	s26 =	simm.s32 $0x4;
	_ =	swait.ge [sflag:s14], $0x3200  }
0x32: {  	s25 =	smov.u32 s8;
	s23 =	sand.u32 $0x1, s31;
	[sflag:s14] =	ssyncset.done $0x0  }
0x33: {  	s22 =	simm.s32 $0x380;
	s21 =	sadd.s32 $0xC80, s8;
	[sflag:s14] =	ssyncadd.s32 $0xFFFFCE00  }
.LBB2_2:
0x34: {  	[hbm4b:s25+s3] =	stream.linear.scatter [tilespmem:s24], [sflag:$0x2], $0x6400, $0x38;
	[tilespmem:$0xE400] =	vst v63  }
0x35: {  	s24 =	smov.u32 s26;
	s25 =	smov.u32 s21;
	p0 =	seq.s32 s23, $0x1  }
0x36: {  	s23 =	sand.u32 $0x1, s26;
	s29 =	simm.s32 $0x6400;
	_ =	swait.ge [sflag:s19], $0x6400  }
0x37: {  	s28 =	sadd.s32 $0x1, s26;
	s29 =	simm.s32 @!p0 $0x0;
	[sflag:s19] =	ssyncset.done $0x0  }
0x38: {  	s30 =	sadd.s32 $0xFFFFFF80, s22;
	s24 =	sadd.s32 $0x1C00, s29;
	[sflag:s19] =	ssyncadd.s32 $0xFFFF9C00  }
0x39: {  	[tilespmem:s24], [sflag:$0x1] =	stream.indirect.gather [hbm4b:s2+s10], $0x80, s30, s10, $0xb8;
	[tilespmem:$0xE400] =	vst v63  }
0x3a: {  	p0 =	sne.s32 s26, $0x18;
	s26 =	sadd.s32 $0x4E00, s29  }
0x3b: {  	[tilespmem:s26], [sflag:$0x1] =	stream.indirect.gather [hbm4b:s2+s10], $0x80, s22, s10, $0xb8;
	[tilespmem:$0xE400] =	vst v63  }
0x3c: {  	_ =	swait.ge [sflag:s14], $0x3200  }
.Ltmp0:
0x3d: {  	[sflag:s14] =	ssyncset.done $0x0;
	(pc) =	sbr.rel @p0 .LBB2_2-.Ltmp0, $4  }
0x3e: {  	[sflag:s14] =	ssyncadd.s32 $0xFFFFCE00  }
0x3f: {  	_ =	swait.ge [sflag:s14], $0x3200  }
0x40: {  	s21 =	sadd.s32 $0xC80, s21;
	[sflag:s14] =	ssyncset.done $0x0  }
0x41: {  	s22 =	sadd.s32 $0x100, s22;
	s26 =	smov.u32 s28;
	[sflag:s14] =	ssyncadd.s32 $0xFFFFCE00  }
0x42: {  	[hbm4b:s25+s3] =	stream.linear.scatter [tilespmem:s24], [sflag:$0x2], $0x6400, $0x38;
	[tilespmem:$0xE400] =	vst v63  }
0x43: {  	p0 =	seq.s32 s23, $0x1;
	s23 =	simm.s32 $0x6400;
	_ =	swait.ge [sflag:s19], $0x6400  }
0x44: {  	s23 =	simm.s32 @!p0 $0x0;
	[sflag:s19] =	ssyncset.done $0x0  }
0x45: {  	s31 =	sadd.s32 $0xFFFFFF80, s22;
	s30 =	sadd.s32 $0x1C00, s23;
	[sflag:s19] =	ssyncadd.s32 $0xFFFF9C00  }
0x46: {  	[tilespmem:s30], [sflag:$0x1] =	stream.indirect.gather [hbm4b:s2+s10], $0x80, s31, s10, $0xb8;
	[tilespmem:$0xE400] =	vst v63  }
0x47: {  	s23 =	sadd.s32 $0x4E00, s23  }
0x48: {  	[tilespmem:s23], [sflag:$0x1] =	stream.indirect.gather [hbm4b:s2+s10], $0x80, s22, s10, $0xb8;
	[tilespmem:$0xE400] =	vst v63  }
0x49: {  	_ =	swait.ge [sflag:s14], $0x3200  }
0x4a: {  	[sflag:s14] =	ssyncset.done $0x0  }
0x4b: {  	[sflag:s14] =	ssyncadd.s32 $0xFFFFCE00  }
0x4c: {  	_ =	swait.ge [sflag:s14], $0x3200  }
0x4d: {  	[sflag:s14] =	ssyncset.done $0x0  }
0x4e: {  	s20 =	sadd.s32 $0x1, s20;
	[sflag:s14] =	ssyncadd.s32 $0xFFFFCE00  }
0x4f: {  	[hbm4b:s21+s3] =	stream.linear.scatter [tilespmem:s30], [sflag:$0x2], $0x6400, $0x38;
	[tilespmem:$0xE400] =	vst v63  }
0x50: {  	p0 =	sne.s32 s20, s6;
	_ =	swait.ge [sflag:s19], $0x6400  }
.Ltmp1:
0x51: {  	[sflag:s19] =	ssyncset.done $0x0;
	(pc) =	sbr.rel @p0 .LBB2_1-.Ltmp1, $4  }
0x52: {  	[sflag:s19] =	ssyncadd.s32 $0xFFFF9C00  }
0x53: {  	_ =	swait.ge [sflag:s19], $0x6400  }
0x54: {  	[sflag:s19] =	ssyncset.done $0x0  }
0x55: {  	[sflag:s19] =	ssyncadd.s32 $0xFFFF9C00  }
0x56: {  	_ =	sfence.sel $0x180000  }
0x57: {  	[bflag:$0x0] =	sbarrier.arrive $0xFFFF  }
0x58: {  	p0 =	sne.s32 s0, $0x0;
	_ =	strace $0x90000050  }
0x59: {  	s0 =	sadd.s32 @!p0 $0x100000, s1;
	[bflag:$0x2] =	sbarrier.arrive $0xFFFF  }
0x5a: {  	[sflag:s0] =	ssyncadd.tile.s32 @!p0 $0x1;
	_ =	shalt  }
.Lfunc_end2:
_tile_overlayer_lowered:
.L_overlay_start_2:
0x5b: {  	(tag) =	ssettag $0x2  }
0x5c: {  	s0 =	rddreg [dreg:$0x0];
	s2 =	stileid.u32  }
0x5d: {  	s1 =	rddreg [dreg:$0x1];
	p0 =	sne.s32 s2, $0x0  }
0x5e: {  	s3 =	rddreg [dreg:$0x2];
	[bflag:$0x3] =	sbarrier.arrive $0xFFFF;
	s2 =	simm.s32 @!p0 $0x1C03  }
0x5f: {  	[timem:s3], [sflag:s2] =	dma.local @!p0 [hbm:s0], s1  }
0x60: {  	s0 =	simm.s32 @!p0 $0x3  }
0x61: {  	_ =	swait.ge @!p0 [sflag:s0], s1  }
0x62: {  	s1 =	ssub.s32 @!p0 $0x0, s1;
	[sflag:s0] =	ssyncset.done @!p0 $0x0  }
0x63: {  	[sflag:s0] =	ssyncadd.s32 @!p0 s1  }
0x64: {  	[bflag:$0x3] =	sbarrier.arrive $0xFFFF  }
0x65: {  	_ =	shalt  }

// kernel: kernel.27.cloned.1.call-start
scs
__scs_entry_jumppad:
0x0: {  	(pc) =	sbr.rel $0x88, $3  }
0x1: {  	(tag) =	ssettag $0x0;
	lr =	simm.s32 $0x1  }
0x2: {  	[smem:$0x3F98] =	sst lr;
	_ =	strace $0xD0000000  }
0x3: {  	_ = 	snop  }
0x4: {  	_ = 	snop  }
0x5: {  	_ = 	snop  }
0x6: {  	_ = 	snop  }
0x7: {  	_ = 	snop  }
__scs_overlays_trampoline_lowered:
0x8: {  	[smem:$0x3FA7] =	sst s0  }
0x9: {  	[smem:$0x3FA8] =	sst s1  }
0xa: {  	[smem:$0x3FA9] =	sst s2  }
0xb: {  	[smem:$0x3FAA] =	sst s3  }
0xc: {  	[smem:$0x3FAB] =	sst s4  }
0xd: {  	[smem:$0x3FAC] =	sst s5  }
0xe: {  	[smem:$0x3FAD] =	sst s6  }
0xf: {  	[smem:$0x3FAE] =	sst s7  }
0x10: {  	[smem:$0x3FAF] =	sst s8  }
0x11: {  	[smem:$0x3FB0] =	sst s9;
	s0 =	simm.s32 @!p0 $0x0  }
0x12: {  	s1 =	sld [smem:$0x3F96];
	s0 =	simm.s32 @p0 $0x1  }
0x13: {  	[smem:$0x3FB1] =	sst s0;
	s0 =	simm.s32 @!p1 $0x0  }
0x14: {  	s2 =	sld [smem:$0x3F95];
	s0 =	simm.s32 @p1 $0x1  }
0x15: {  	[smem:$0x3FB2] =	sst s0;
	s0 =	simm.s32 @!p2 $0x0  }
0x16: {  	s3 =	sld [smem:$0x3FDB];
	s0 =	simm.s32 @p2 $0x1  }
0x17: {  	s4 =	simm.s32 $0x1BF5;
	[smem:$0x3FB4] =	sst s0  }
0x18: {  	s0 =	sld [smem:$0x3F97];
	_ =	swait.ge [sflag:s4], $0x0  }
0x19: {  	s7 =	sld [smem:$0x3F98]  }
0x1a: {  	s8 =	sadd.s32 $0xFFFFE003, lr  }
0x1b: {  	s9 =	sadd.s32 $0xFFFFFEF7, lr;
	s5 =	simm.s32 $0xFFFFFFFF;
	p2 =	slt.u32 s8, $0xFFFFF086  }
0x1c: {  	p1 =	slt.u32 s9, $0xF7A;
	s5 =	simm.s32 @!p2 $0x0  }
0x1d: {  	s5 =	simm.s32 @p1 $0x1;
	p0 =	seq.s32 s7, s2  }
0x1e: {  	s7 =	smul.u32 @!p0 $0xF7A, s2;
	p2 =	seq.s32 @!p0 s5, $0x0  }
0x1f: {  	s9 =	smul.u32 $0xF7A, s1;
	s8 =	simm.s32 @!p0 $0x1BF5;
	p2 =	por !p2, p0  }
0x20: {  	[sflag:s8] =	ssyncset.s32 @!p0 $0xFFFFF086;
	s6 =	sadd.s32 @!p0 s3, s7;
	s7 =	simm.s32 @!p0 $0x108  }
0x21: {  	s3 =	sadd.s32 s3, s9;
	s6 =	sadd.s32 @!p0 $0x88, s6;
	s7 =	simm.s32 @p2 $0x1082  }
0x22: {  	[simem:s7], [sflag:s8] =	dma.local @!p0 [hbm:s6], $0xF7A  }
0x23: {  	s9 =	sor.u32 $0xD0000000, s2;
	s6 =	simm.s32 $0x108;
	_ =	swait.ge @!p0 [sflag:s8], $0x0  }
0x24: {  	s3 =	sadd.s32 $0x88, s3;
	s6 =	simm.s32 @!p1 $0x1082;
	[sflag:s4] =	ssyncset.s32 $0xFFFFF086  }
0x25: {  	[simem:s6], [sflag:s4] =	dma.local [hbm:s3], $0xF7A  }
0x26: {  	[smem:$0x3F98] =	sst s1;
	(tag) =	ssettag s2;
	_ =	strace s9  }
0x27: {  	s1 =	sld [smem:$0x3FA8]  }
0x28: {  	s2 =	sld [smem:$0x3FA9]  }
0x29: {  	s4 =	sld [smem:$0x3FAB]  }
0x2a: {  	p0 =	seq.s32 s5, $0x0;
	s5 =	sld [smem:$0x3FAC]  }
0x2b: {  	s6 =	sld [smem:$0x3FAD]  }
0x2c: {  	s7 =	sld [smem:$0x3FAE]  }
0x2d: {  	s3 =	simm.s32 $0x108;
	s8 =	sld [smem:$0x3FAF]  }
0x2e: {  	s3 =	simm.s32 @!p0 $0x1082;
	s9 =	sld [smem:$0x3FB0]  }
0x2f: {  	lr =	sadd.s32 s0, s3;
	s0 =	sld [smem:$0x3FA7]  }
0x30: {  	s3 =	sld [smem:$0x3FAA]  }
0x31: {  	[smem:$0x3FB3] =	sst s10  }
0x32: {  	s10 =	sld [smem:$0x3FB1];
	_ =	sdelay $0x3  }
0x33: {  	p0 =	seq.s32 s10, $0x1;
	s10 =	sld [smem:$0x3FB3];
	_ =	sdelay $0x3  }
0x34: {  	[smem:$0x3FB3] =	sst s10  }
0x35: {  	s10 =	sld [smem:$0x3FB2];
	_ =	sdelay $0x3  }
0x36: {  	p1 =	seq.s32 s10, $0x1;
	s10 =	sld [smem:$0x3FB3];
	_ =	sdelay $0x3  }
0x37: {  	[smem:$0x3FB3] =	sst s10  }
0x38: {  	s10 =	sld [smem:$0x3FB4]  }
0x39: {  	_ = 	snop;
	(pc) =	sbr.ind lr, $3  }
0x3a: {  	_ = 	snop  }
0x3b: {  	_ = 	snop  }
0x3c: {  	p2 =	seq.s32 s10, $0x1;
	s10 =	sld [smem:$0x3FB3]  }
0x3d: {  	_ =	shalt  }
0x3e: {  	_ =	shalt  }
0x3f: {  	_ =	shalt  }
0x40: {  	_ =	shalt  }
0x41: {  	_ =	shalt  }
0x42: {  	_ =	shalt  }
0x43: {  	_ =	shalt  }
0x44: {  	_ =	shalt  }
0x45: {  	_ =	shalt  }
0x46: {  	_ =	shalt  }
0x47: {  	_ =	shalt  }
0x48: {  	_ =	shalt  }
0x49: {  	_ =	shalt  }
0x4a: {  	_ =	shalt  }
0x4b: {  	_ =	shalt  }
0x4c: {  	_ =	shalt  }
0x4d: {  	_ =	shalt  }
0x4e: {  	_ =	shalt  }
0x4f: {  	_ =	shalt  }
0x50: {  	_ =	shalt  }
0x51: {  	_ =	shalt  }
0x52: {  	_ =	shalt  }
0x53: {  	_ =	shalt  }
0x54: {  	_ =	shalt  }
0x55: {  	_ =	shalt  }
0x56: {  	_ =	shalt  }
0x57: {  	_ =	shalt  }
0x58: {  	_ =	shalt  }
0x59: {  	_ =	shalt  }
0x5a: {  	_ =	shalt  }
0x5b: {  	_ =	shalt  }
0x5c: {  	_ =	shalt  }
0x5d: {  	_ =	shalt  }
0x5e: {  	_ =	shalt  }
0x5f: {  	_ =	shalt  }
0x60: {  	_ =	shalt  }
0x61: {  	_ =	shalt  }
0x62: {  	_ =	shalt  }
0x63: {  	_ =	shalt  }
0x64: {  	_ =	shalt  }
0x65: {  	_ =	shalt  }
0x66: {  	_ =	shalt  }
0x67: {  	_ =	shalt  }
0x68: {  	_ =	shalt  }
0x69: {  	_ =	shalt  }
0x6a: {  	_ =	shalt  }
0x6b: {  	_ =	shalt  }
0x6c: {  	_ =	shalt  }
0x6d: {  	_ =	shalt  }
0x6e: {  	_ =	shalt  }
0x6f: {  	_ =	shalt  }
0x70: {  	_ =	shalt  }
0x71: {  	_ =	shalt  }
0x72: {  	_ =	shalt  }
0x73: {  	_ =	shalt  }
0x74: {  	_ =	shalt  }
0x75: {  	_ =	shalt  }
0x76: {  	_ =	shalt  }
0x77: {  	_ =	shalt  }
0x78: {  	_ =	shalt  }
0x79: {  	_ =	shalt  }
0x7a: {  	_ =	shalt  }
0x7b: {  	_ =	shalt  }
0x7c: {  	_ =	shalt  }
0x7d: {  	_ =	shalt  }
0x7e: {  	_ =	shalt  }
0x7f: {  	_ =	shalt  }
0x80: {  	_ =	shalt  }
0x81: {  	_ =	shalt  }
0x82: {  	_ =	shalt  }
0x83: {  	_ =	shalt  }
0x84: {  	_ =	shalt  }
0x85: {  	_ =	shalt  }
0x86: {  	_ =	shalt  }
0x87: {  	_ =	shalt  }
.Lfunc_end0:
.L_simem_size_0:
called_computation.3_lowered:
.L_overlay_start_0:
0x88: {  	s2 =	sld [smem:$0x3FD9]  }
0x89: {  	s3 =	sld [smem:$0x3FFE];
	_ =	sdelay $0x1  }
0x8a: {  	s1 =	srdreg.scid  }
0x8b: {  	s0 =	sand.u32 $0x1, s1  }
0x8c: {  	s17 =	sshll.u32 s0, $0xA;
	s2 =	sadd.s32 s3, s2  }
0x8d: {  	s2 =	sadd.s32 s2, s17  }
0x8e: {  	[smem:$0x3FBF] =	sst s2  }
0x8f: {  	_ = 	snop  }
0x90: {  	s2 =	sld [smem:$0x3FD0];
	(tm) =	ssettm $0x1  }
0x91: {  	s18 =	sld [smem:$0x3FFB];
	_ =	sdelay $0x3  }
0x92: {  	_ =	strace s18  }
0x93: {  	s3 =	sld [smem:$0x3FFC];
	_ =	sdelay $0x3  }
0x94: {  	_ =	strace s3  }
0x95: {  	s3 =	sld [smem:$0x3FFD];
	_ =	sdelay $0x3  }
0x96: {  	_ =	strace s3  }
0x97: {  	_ =	strace $0x8FFFFFFF  }
0x98: {  	s19 =	sld [smem:$0x3FDB];
	_ =	sdelay $0x1  }
0x99: {  	s4 =	simm.s32 $_scs_section_size  }
0x9a: {  	s5 =	simm.s32 $_size__tile_overlayer_lowered;
	s6 =	simm.s32 $_tile_overlayer_lowered  }
0x9b: {  	s22 =	simm.s32 $0x1BFF;
	s21 =	sshll.u32 s6, $0x1;
	s3 =	sadd.s32 s4, s19  }
0x9c: {  	s7 =	simm.s32 $0x0;
	s20 =	sshll.u32 s5, $0x1;
	s5 =	sadd.s32 s21, s3  }
0x9d: {  	[timem:s7], [sflag:s22] =	dma.local [hbm:s5], s20  }
0x9e: {  	_ =	swait.ge [sflag:s22], s20  }
0x9f: {  	s4 =	ssub.s32 $0x0, s20;
	[sflag:s22] =	ssyncset.done $0x0  }
0xa0: {  	[sflag:s22] =	ssyncadd.s32 s4;
	_ =	sdelay $0x1  }
0xa1: {  	s23 =	simm.s32 $0x1B8B  }
0xa2: {  	_ =	swait.ge [sflag:s23], $0x1  }
0xa3: {  	[sflag:s23] =	ssyncset.done $0x0  }
0xa4: {  	s25 =	simm.s32 $0x1B8E;
	s24 =	sld [smem:$0x3FFE];
	[sflag:s23] =	ssyncadd.s32 $0xFFFFFFFF  }
0xa5: {  	s26 =	simm.s32 $execute0_lowered;
	[smem:$0x3FD2] =	sst s25  }
0xa6: {  	s5 =	sshll.u32 s26, $0x1;
	_ =	strace $0x8000004C;
	[dreg:$0x1] =	wrdreg $0xFFFFFFFF  }
0xa7: {  	s28 =	simm.s32 $_size_execute0_lowered;
	s3 =	sadd.s32 s3, s5;
	[dreg:$0x0] =	wrdreg $0x0  }
0xa8: {  	s5 =	sshll.u32 s28, $0x1;
	[dreg:$0x2] =	wrdreg s3  }
0xa9: {  	[dreg:$0x3] =	wrdreg s5  }
0xaa: {  	[dreg:$0x4] =	wrdreg $0xC0  }
0xab: {  	_ =	task [dreg:s7], $0x5FFFF  }
0xac: {  	[dreg:$0x1] =	wrdreg $0xFFFFFFFF  }
0xad: {  	[dreg:$0x0] =	wrdreg $0x60  }
0xae: {  	[dreg:$0x2] =	wrdreg s2  }
0xaf: {  	[dreg:$0x3] =	wrdreg s24  }
0xb0: {  	[dreg:$0x4] =	wrdreg $0xA  }
0xb1: {  	_ =	task.clear_ibuf [dreg:s7], $0x5FFFF;
	_ =	strace $0x9000004C  }
0xb2: {  	s29 =	simm.s32 $0xA;
	_ =	strace $0x8000004E  }
0xb3: {  	_ =	swait.ge [sflag:s29], $0x1  }
0xb4: {  	[sflag:s29] =	ssyncadd.s32 $0xFFFFFFFF  }
0xb5: {  	_ =	strace $0x9000004E  }
0xb6: {  	_ =	sfence  }
0xb7: {  	s30 =	sld [smem:$0x0];
	_ =	sdelay $0x2  }
0xb8: {  	s31 =	sshll.u32 s1, $0xD;
	s1 =	sshrl.u32 s1, $0x2  }
0xb9: {  	s3 =	sand.u32 $0x4000, s31;
	s1 =	sadd.s32 s1, s30  }
0xba: {  	s0 =	sor.u32 s3, s0;
	s1 =	sshll.u32 s1, $0x11  }
0xbb: {  	s0 =	sor.u32 s1, s0  }
0xbc: {  	s0 =	sadd.s32 $0x8F2B, s0  }
0xbd: {  	[sflag:s0] =	ssyncadd.remote.s32 $0x1  }
0xbe: {  	_ =	sfence.sel $0xFFFF  }
0xbf: {  	[dreg:$0x0] =	wrdreg $0xFFFFFFFF;
	(pc) =	sbr.abs _section_cstart, $3  }
0xc0: {  	[dreg:$0x1] =	wrdreg $0xFFFFFFFF  }
0xc1: {  	_ =	task.clear_ibuf [dreg:s7], $0x2FFFF;
	_ =	strace $0x9FFFFFFF  }
0xc2: {  	(tm) =	ssettm $0x7FFFFFFF  }
0xc3: {  	_ =	shalt  }
tec
execute0_lowered:
.L_overlay_start_1:
0x0: {  	(tag) =	ssettag $0x1  }
0x1: {  	s1 =	srdreg.scid  }
0x2: {  	s0 =	stileid.u32;
	s2 =	rddreg [dreg:$0x0]  }
0x3: {  	s5 =	rddreg [dreg:$0x1];
	s3 =	simm.s32 $0x0;
	s13 =	simm.s32 $0x4E00  }
0x4: {  	s14 =	simm.s32 $0x1;
	s15 =	simm.s32 $0x100;
	s16 =	simm.s32 $0x8000  }
0x5: {  	s17 =	simm.s32 $0x180;
	s18 =	simm.s32 $0xB200;
	s19 =	simm.s32 $0x2  }
0x6: {  	s20 =	simm.s32 $0x0;
	s4 =	sand.u32 $0x1, s1;
	s1 =	rddreg [dreg:$0x2]  }
0x7: {  	s28 =	sshll.u32 s0, $0x1;
	[smem:$0x7FF] =	sst s3;
	s9 =	smul.u32 $0x27100, s0  }
0x8: {  	s10 =	sadd.s32 $0xD800, s5;
	s6 =	sor.u32 s4, s28;
	s12 =	smul.u32 $0x13880, s4  }
0x9: {  	_ =	strace $0x8000004D;
	s8 =	ssub.s32 $0x2, s4;
	s7 =	smul.u32 $0x380, s6  }
0xa: {  	s6 =	smul.u32 $0x13880, s6;
	s11 =	sshrl.u32 s8, $0x1;
	s31 =	sadd.s32 s9, s10  }
0xb: {  	s9 =	simm.s32 $0x3;
	s30 =	ssub.s32 s8, s11;
	s8 =	sadd.s32 s12, s31  }
0xc: {  	s11 =	simm.s32 $0x1C00;
	s12 =	simm.s32 $0x80;
	s29 =	sadd.s32 s7, s5  }
0xd: {  	s5 =	sadd.s32 s10, s6;
	s6 =	smax.u32 s30, $0x1;
	s8 =	sadd.s32 $0x1900, s8  }
0xe: {  	s10 =	simm.s32 $0x64;
	s4 =	sadd.s32 $0x6800, s29;
	s7 =	sadd.s32 $0xC80, s5  }
.LBB2_1:
0xf: {  	[tilespmem:s3], [sflag:$0x3] =	stream.linear.gather [hbm4b:s4+s3], $0x1900, $0x38;
	[tilespmem:$0xE400] =	vst v63  }
0x10: {  	_ =	swait.ge [sflag:s9], $0x1900  }
0x11: {  	[sflag:s9] =	ssyncset.done $0x0  }
0x12: {  	[sflag:s9] =	ssyncadd.s32 $0xFFFFE700  }
0x13: {  	[tilespmem:s11], [sflag:$0x1] =	stream.indirect.gather [hbm4b:s2+s10], $0x80, s3, s10, $0xb8;
	[tilespmem:$0xE400] =	vst v63  }
0x14: {  	_ = 	snop  }
0x15: {  	[tilespmem:s13], [sflag:$0x1] =	stream.indirect.gather [hbm4b:s2+s10], $0x80, s12, s10, $0xb8;
	[tilespmem:$0xE400] =	vst v63  }
0x16: {  	_ =	swait.ge [sflag:s14], $0x3200  }
0x17: {  	[sflag:s14] =	ssyncset.done $0x0  }
0x18: {  	[sflag:s14] =	ssyncadd.s32 $0xFFFFCE00  }
0x19: {  	_ =	swait.ge [sflag:s14], $0x3200  }
0x1a: {  	[sflag:s14] =	ssyncset.done $0x0  }
0x1b: {  	[sflag:s14] =	ssyncadd.s32 $0xFFFFCE00  }
0x1c: {  	[hbm4b:s5+s3] =	stream.linear.scatter [tilespmem:s11], [sflag:$0x2], $0x6400, $0x38;
	[tilespmem:$0xE400] =	vst v63  }
0x1d: {  	_ = 	snop  }
0x1e: {  	[tilespmem:s16], [sflag:$0x1] =	stream.indirect.gather [hbm4b:s2+s10], $0x80, s15, s10, $0xb8;
	[tilespmem:$0xE400] =	vst v63  }
0x1f: {  	_ = 	snop  }
0x20: {  	[tilespmem:s18], [sflag:$0x1] =	stream.indirect.gather [hbm4b:s2+s10], $0x80, s17, s10, $0xb8;
	[tilespmem:$0xE400] =	vst v63  }
0x21: {  	_ =	swait.ge [sflag:s14], $0x3200  }
0x22: {  	[sflag:s14] =	ssyncset.done $0x0  }
0x23: {  	[sflag:s14] =	ssyncadd.s32 $0xFFFFCE00  }
0x24: {  	_ =	swait.ge [sflag:s14], $0x3200  }
0x25: {  	[sflag:s14] =	ssyncset.done $0x0  }
0x26: {  	s21 =	sand.u32 $0x1, s19;
	[sflag:s14] =	ssyncadd.s32 $0xFFFFCE00  }
0x27: {  	[hbm4b:s7+s3] =	stream.linear.scatter [tilespmem:s16], [sflag:$0x2], $0x6400, $0x38;
	[tilespmem:$0xE400] =	vst v63  }
0x28: {  	p0 =	seq.s32 s21, $0x1;
	s21 =	simm.s32 $0x6400;
	_ =	swait.ge [sflag:s19], $0x6400  }
0x29: {  	s21 =	simm.s32 @!p0 $0x0;
	[sflag:s19] =	ssyncset.done $0x0  }
0x2a: {  	s22 =	simm.s32 $0x200;
	s24 =	sadd.s32 $0x1C00, s21;
	[sflag:s19] =	ssyncadd.s32 $0xFFFF9C00  }
0x2b: {  	[tilespmem:s24], [sflag:$0x1] =	stream.indirect.gather [hbm4b:s2+s10], $0x80, s22, s10, $0xb8;
	[tilespmem:$0xE400] =	vst v63  }
0x2c: {  	s30 =	simm.s32 $0x280;
	s21 =	sadd.s32 $0x4E00, s21  }
0x2d: {  	[tilespmem:s21], [sflag:$0x1] =	stream.indirect.gather [hbm4b:s2+s10], $0x80, s30, s10, $0xb8;
	[tilespmem:$0xE400] =	vst v63  }
0x2e: {  	_ =	swait.ge [sflag:s14], $0x3200  }
0x2f: {  	[sflag:s14] =	ssyncset.done $0x0  }
0x30: {  	[sflag:s14] =	ssyncadd.s32 $0xFFFFCE00  }
0x31: {  	s31 =	simm.s32 $0x3;
	s26 =	simm.s32 $0x4;
	_ =	swait.ge [sflag:s14], $0x3200  }
0x32: {  	s25 =	smov.u32 s8;
	s23 =	sand.u32 $0x1, s31;
	[sflag:s14] =	ssyncset.done $0x0  }
0x33: {  	s22 =	simm.s32 $0x380;
	s21 =	sadd.s32 $0xC80, s8;
	[sflag:s14] =	ssyncadd.s32 $0xFFFFCE00  }
.LBB2_2:
0x34: {  	[hbm4b:s25+s3] =	stream.linear.scatter [tilespmem:s24], [sflag:$0x2], $0x6400, $0x38;
	[tilespmem:$0xE400] =	vst v63  }
0x35: {  	s24 =	smov.u32 s26;
	s25 =	smov.u32 s21;
	p0 =	seq.s32 s23, $0x1  }
0x36: {  	s23 =	sand.u32 $0x1, s26;
	s29 =	simm.s32 $0x6400;
	_ =	swait.ge [sflag:s19], $0x6400  }
0x37: {  	s28 =	sadd.s32 $0x1, s26;
	s29 =	simm.s32 @!p0 $0x0;
	[sflag:s19] =	ssyncset.done $0x0  }
0x38: {  	s30 =	sadd.s32 $0xFFFFFF80, s22;
	s24 =	sadd.s32 $0x1C00, s29;
	[sflag:s19] =	ssyncadd.s32 $0xFFFF9C00  }
0x39: {  	[tilespmem:s24], [sflag:$0x1] =	stream.indirect.gather [hbm4b:s2+s10], $0x80, s30, s10, $0xb8;
	[tilespmem:$0xE400] =	vst v63  }
0x3a: {  	p0 =	sne.s32 s26, $0x18;
	s26 =	sadd.s32 $0x4E00, s29  }
0x3b: {  	[tilespmem:s26], [sflag:$0x1] =	stream.indirect.gather [hbm4b:s2+s10], $0x80, s22, s10, $0xb8;
	[tilespmem:$0xE400] =	vst v63  }
0x3c: {  	_ =	swait.ge [sflag:s14], $0x3200  }
.Ltmp0:
0x3d: {  	[sflag:s14] =	ssyncset.done $0x0;
	(pc) =	sbr.rel @p0 .LBB2_2-.Ltmp0, $4  }
0x3e: {  	[sflag:s14] =	ssyncadd.s32 $0xFFFFCE00  }
0x3f: {  	_ =	swait.ge [sflag:s14], $0x3200  }
0x40: {  	s21 =	sadd.s32 $0xC80, s21;
	[sflag:s14] =	ssyncset.done $0x0  }
0x41: {  	s22 =	sadd.s32 $0x100, s22;
	s26 =	smov.u32 s28;
	[sflag:s14] =	ssyncadd.s32 $0xFFFFCE00  }
0x42: {  	[hbm4b:s25+s3] =	stream.linear.scatter [tilespmem:s24], [sflag:$0x2], $0x6400, $0x38;
	[tilespmem:$0xE400] =	vst v63  }
0x43: {  	p0 =	seq.s32 s23, $0x1;
	s23 =	simm.s32 $0x6400;
	_ =	swait.ge [sflag:s19], $0x6400  }
0x44: {  	s23 =	simm.s32 @!p0 $0x0;
	[sflag:s19] =	ssyncset.done $0x0  }
0x45: {  	s31 =	sadd.s32 $0xFFFFFF80, s22;
	s30 =	sadd.s32 $0x1C00, s23;
	[sflag:s19] =	ssyncadd.s32 $0xFFFF9C00  }
0x46: {  	[tilespmem:s30], [sflag:$0x1] =	stream.indirect.gather [hbm4b:s2+s10], $0x80, s31, s10, $0xb8;
	[tilespmem:$0xE400] =	vst v63  }
0x47: {  	s23 =	sadd.s32 $0x4E00, s23  }
0x48: {  	[tilespmem:s23], [sflag:$0x1] =	stream.indirect.gather [hbm4b:s2+s10], $0x80, s22, s10, $0xb8;
	[tilespmem:$0xE400] =	vst v63  }
0x49: {  	_ =	swait.ge [sflag:s14], $0x3200  }
0x4a: {  	[sflag:s14] =	ssyncset.done $0x0  }
0x4b: {  	[sflag:s14] =	ssyncadd.s32 $0xFFFFCE00  }
0x4c: {  	_ =	swait.ge [sflag:s14], $0x3200  }
0x4d: {  	[sflag:s14] =	ssyncset.done $0x0  }
0x4e: {  	s20 =	sadd.s32 $0x1, s20;
	[sflag:s14] =	ssyncadd.s32 $0xFFFFCE00  }
0x4f: {  	[hbm4b:s21+s3] =	stream.linear.scatter [tilespmem:s30], [sflag:$0x2], $0x6400, $0x38;
	[tilespmem:$0xE400] =	vst v63  }
0x50: {  	p0 =	sne.s32 s20, s6;
	_ =	swait.ge [sflag:s19], $0x6400  }
.Ltmp1:
0x51: {  	[sflag:s19] =	ssyncset.done $0x0;
	(pc) =	sbr.rel @p0 .LBB2_1-.Ltmp1, $4  }
0x52: {  	[sflag:s19] =	ssyncadd.s32 $0xFFFF9C00  }
0x53: {  	_ =	swait.ge [sflag:s19], $0x6400  }
0x54: {  	[sflag:s19] =	ssyncset.done $0x0  }
0x55: {  	[sflag:s19] =	ssyncadd.s32 $0xFFFF9C00  }
0x56: {  	_ =	sfence.sel $0x180000  }
0x57: {  	[bflag:$0x0] =	sbarrier.arrive $0xFFFF  }
0x58: {  	p0 =	sne.s32 s0, $0x0;
	_ =	strace $0x9000004D  }
0x59: {  	s0 =	sadd.s32 @!p0 $0x100000, s1;
	[bflag:$0x2] =	sbarrier.arrive $0xFFFF  }
0x5a: {  	[sflag:s0] =	ssyncadd.tile.s32 @!p0 $0x1;
	_ =	shalt  }
.Lfunc_end2:
_tile_overlayer_lowered:
.L_overlay_start_2:
0x5b: {  	(tag) =	ssettag $0x2  }
0x5c: {  	s0 =	rddreg [dreg:$0x0];
	s2 =	stileid.u32  }
0x5d: {  	s1 =	rddreg [dreg:$0x1];
	p0 =	sne.s32 s2, $0x0  }
0x5e: {  	s3 =	rddreg [dreg:$0x2];
	[bflag:$0x3] =	sbarrier.arrive $0xFFFF;
	s2 =	simm.s32 @!p0 $0x1C03  }
0x5f: {  	[timem:s3], [sflag:s2] =	dma.local @!p0 [hbm:s0], s1  }
0x60: {  	s0 =	simm.s32 @!p0 $0x3  }
0x61: {  	_ =	swait.ge @!p0 [sflag:s0], s1  }
0x62: {  	s1 =	ssub.s32 @!p0 $0x0, s1;
	[sflag:s0] =	ssyncset.done @!p0 $0x0  }
0x63: {  	[sflag:s0] =	ssyncadd.s32 @!p0 s1  }
0x64: {  	[bflag:$0x3] =	sbarrier.arrive $0xFFFF  }
0x65: {  	_ =	shalt  }

// kernel: kernel.30.cloned.1.call-start
scs
__scs_entry_jumppad:
0x0: {  	(pc) =	sbr.rel $0x88, $3  }
0x1: {  	(tag) =	ssettag $0x0;
	lr =	simm.s32 $0x1  }
0x2: {  	[smem:$0x3F98] =	sst lr;
	_ =	strace $0xD0000000  }
0x3: {  	_ = 	snop  }
0x4: {  	_ = 	snop  }
0x5: {  	_ = 	snop  }
0x6: {  	_ = 	snop  }
0x7: {  	_ = 	snop  }
__scs_overlays_trampoline_lowered:
0x8: {  	[smem:$0x3FA7] =	sst s0  }
0x9: {  	[smem:$0x3FA8] =	sst s1  }
0xa: {  	[smem:$0x3FA9] =	sst s2  }
0xb: {  	[smem:$0x3FAA] =	sst s3  }
0xc: {  	[smem:$0x3FAB] =	sst s4  }
0xd: {  	[smem:$0x3FAC] =	sst s5  }
0xe: {  	[smem:$0x3FAD] =	sst s6  }
0xf: {  	[smem:$0x3FAE] =	sst s7  }
0x10: {  	[smem:$0x3FAF] =	sst s8  }
0x11: {  	[smem:$0x3FB0] =	sst s9;
	s0 =	simm.s32 @!p0 $0x0  }
0x12: {  	s1 =	sld [smem:$0x3F96];
	s0 =	simm.s32 @p0 $0x1  }
0x13: {  	[smem:$0x3FB1] =	sst s0;
	s0 =	simm.s32 @!p1 $0x0  }
0x14: {  	s2 =	sld [smem:$0x3F95];
	s0 =	simm.s32 @p1 $0x1  }
0x15: {  	[smem:$0x3FB2] =	sst s0;
	s0 =	simm.s32 @!p2 $0x0  }
0x16: {  	s3 =	sld [smem:$0x3FDB];
	s0 =	simm.s32 @p2 $0x1  }
0x17: {  	s4 =	simm.s32 $0x1BF5;
	[smem:$0x3FB4] =	sst s0  }
0x18: {  	s0 =	sld [smem:$0x3F97];
	_ =	swait.ge [sflag:s4], $0x0  }
0x19: {  	s7 =	sld [smem:$0x3F98]  }
0x1a: {  	s8 =	sadd.s32 $0xFFFFE003, lr  }
0x1b: {  	s9 =	sadd.s32 $0xFFFFFEF7, lr;
	s5 =	simm.s32 $0xFFFFFFFF;
	p2 =	slt.u32 s8, $0xFFFFF086  }
0x1c: {  	p1 =	slt.u32 s9, $0xF7A;
	s5 =	simm.s32 @!p2 $0x0  }
0x1d: {  	s5 =	simm.s32 @p1 $0x1;
	p0 =	seq.s32 s7, s2  }
0x1e: {  	s7 =	smul.u32 @!p0 $0xF7A, s2;
	p2 =	seq.s32 @!p0 s5, $0x0  }
0x1f: {  	s9 =	smul.u32 $0xF7A, s1;
	s8 =	simm.s32 @!p0 $0x1BF5;
	p2 =	por !p2, p0  }
0x20: {  	[sflag:s8] =	ssyncset.s32 @!p0 $0xFFFFF086;
	s6 =	sadd.s32 @!p0 s3, s7;
	s7 =	simm.s32 @!p0 $0x108  }
0x21: {  	s3 =	sadd.s32 s3, s9;
	s6 =	sadd.s32 @!p0 $0x88, s6;
	s7 =	simm.s32 @p2 $0x1082  }
0x22: {  	[simem:s7], [sflag:s8] =	dma.local @!p0 [hbm:s6], $0xF7A  }
0x23: {  	s9 =	sor.u32 $0xD0000000, s2;
	s6 =	simm.s32 $0x108;
	_ =	swait.ge @!p0 [sflag:s8], $0x0  }
0x24: {  	s3 =	sadd.s32 $0x88, s3;
	s6 =	simm.s32 @!p1 $0x1082;
	[sflag:s4] =	ssyncset.s32 $0xFFFFF086  }
0x25: {  	[simem:s6], [sflag:s4] =	dma.local [hbm:s3], $0xF7A  }
0x26: {  	[smem:$0x3F98] =	sst s1;
	(tag) =	ssettag s2;
	_ =	strace s9  }
0x27: {  	s1 =	sld [smem:$0x3FA8]  }
0x28: {  	s2 =	sld [smem:$0x3FA9]  }
0x29: {  	s4 =	sld [smem:$0x3FAB]  }
0x2a: {  	p0 =	seq.s32 s5, $0x0;
	s5 =	sld [smem:$0x3FAC]  }
0x2b: {  	s6 =	sld [smem:$0x3FAD]  }
0x2c: {  	s7 =	sld [smem:$0x3FAE]  }
0x2d: {  	s3 =	simm.s32 $0x108;
	s8 =	sld [smem:$0x3FAF]  }
0x2e: {  	s3 =	simm.s32 @!p0 $0x1082;
	s9 =	sld [smem:$0x3FB0]  }
0x2f: {  	lr =	sadd.s32 s0, s3;
	s0 =	sld [smem:$0x3FA7]  }
0x30: {  	s3 =	sld [smem:$0x3FAA]  }
0x31: {  	[smem:$0x3FB3] =	sst s10  }
0x32: {  	s10 =	sld [smem:$0x3FB1];
	_ =	sdelay $0x3  }
0x33: {  	p0 =	seq.s32 s10, $0x1;
	s10 =	sld [smem:$0x3FB3];
	_ =	sdelay $0x3  }
0x34: {  	[smem:$0x3FB3] =	sst s10  }
0x35: {  	s10 =	sld [smem:$0x3FB2];
	_ =	sdelay $0x3  }
0x36: {  	p1 =	seq.s32 s10, $0x1;
	s10 =	sld [smem:$0x3FB3];
	_ =	sdelay $0x3  }
0x37: {  	[smem:$0x3FB3] =	sst s10  }
0x38: {  	s10 =	sld [smem:$0x3FB4]  }
0x39: {  	_ = 	snop;
	(pc) =	sbr.ind lr, $3  }
0x3a: {  	_ = 	snop  }
0x3b: {  	_ = 	snop  }
0x3c: {  	p2 =	seq.s32 s10, $0x1;
	s10 =	sld [smem:$0x3FB3]  }
0x3d: {  	_ =	shalt  }
0x3e: {  	_ =	shalt  }
0x3f: {  	_ =	shalt  }
0x40: {  	_ =	shalt  }
0x41: {  	_ =	shalt  }
0x42: {  	_ =	shalt  }
0x43: {  	_ =	shalt  }
0x44: {  	_ =	shalt  }
0x45: {  	_ =	shalt  }
0x46: {  	_ =	shalt  }
0x47: {  	_ =	shalt  }
0x48: {  	_ =	shalt  }
0x49: {  	_ =	shalt  }
0x4a: {  	_ =	shalt  }
0x4b: {  	_ =	shalt  }
0x4c: {  	_ =	shalt  }
0x4d: {  	_ =	shalt  }
0x4e: {  	_ =	shalt  }
0x4f: {  	_ =	shalt  }
0x50: {  	_ =	shalt  }
0x51: {  	_ =	shalt  }
0x52: {  	_ =	shalt  }
0x53: {  	_ =	shalt  }
0x54: {  	_ =	shalt  }
0x55: {  	_ =	shalt  }
0x56: {  	_ =	shalt  }
0x57: {  	_ =	shalt  }
0x58: {  	_ =	shalt  }
0x59: {  	_ =	shalt  }
0x5a: {  	_ =	shalt  }
0x5b: {  	_ =	shalt  }
0x5c: {  	_ =	shalt  }
0x5d: {  	_ =	shalt  }
0x5e: {  	_ =	shalt  }
0x5f: {  	_ =	shalt  }
0x60: {  	_ =	shalt  }
0x61: {  	_ =	shalt  }
0x62: {  	_ =	shalt  }
0x63: {  	_ =	shalt  }
0x64: {  	_ =	shalt  }
0x65: {  	_ =	shalt  }
0x66: {  	_ =	shalt  }
0x67: {  	_ =	shalt  }
0x68: {  	_ =	shalt  }
0x69: {  	_ =	shalt  }
0x6a: {  	_ =	shalt  }
0x6b: {  	_ =	shalt  }
0x6c: {  	_ =	shalt  }
0x6d: {  	_ =	shalt  }
0x6e: {  	_ =	shalt  }
0x6f: {  	_ =	shalt  }
0x70: {  	_ =	shalt  }
0x71: {  	_ =	shalt  }
0x72: {  	_ =	shalt  }
0x73: {  	_ =	shalt  }
0x74: {  	_ =	shalt  }
0x75: {  	_ =	shalt  }
0x76: {  	_ =	shalt  }
0x77: {  	_ =	shalt  }
0x78: {  	_ =	shalt  }
0x79: {  	_ =	shalt  }
0x7a: {  	_ =	shalt  }
0x7b: {  	_ =	shalt  }
0x7c: {  	_ =	shalt  }
0x7d: {  	_ =	shalt  }
0x7e: {  	_ =	shalt  }
0x7f: {  	_ =	shalt  }
0x80: {  	_ =	shalt  }
0x81: {  	_ =	shalt  }
0x82: {  	_ =	shalt  }
0x83: {  	_ =	shalt  }
0x84: {  	_ =	shalt  }
0x85: {  	_ =	shalt  }
0x86: {  	_ =	shalt  }
0x87: {  	_ =	shalt  }
.Lfunc_end0:
.L_simem_size_0:
called_computation.4_lowered:
.L_overlay_start_0:
0x88: {  	s2 =	sld [smem:$0x3FD9]  }
0x89: {  	s3 =	sld [smem:$0x3FFE];
	_ =	sdelay $0x1  }
0x8a: {  	s1 =	srdreg.scid  }
0x8b: {  	s0 =	sand.u32 $0x1, s1  }
0x8c: {  	s17 =	sshll.u32 s0, $0xA;
	s2 =	sadd.s32 s3, s2  }
0x8d: {  	s2 =	sadd.s32 s2, s17  }
0x8e: {  	[smem:$0x3FBF] =	sst s2  }
0x8f: {  	_ = 	snop  }
0x90: {  	s18 =	sld [smem:$0x3FD0];
	(tm) =	ssettm $0x1  }
0x91: {  	s19 =	sld [smem:$0x3FFB];
	_ =	sdelay $0x3  }
0x92: {  	_ =	strace s19  }
0x93: {  	s2 =	sld [smem:$0x3FFC];
	_ =	sdelay $0x3  }
0x94: {  	_ =	strace s2  }
0x95: {  	s2 =	sld [smem:$0x3FFD];
	_ =	sdelay $0x3  }
0x96: {  	_ =	strace s2  }
0x97: {  	_ =	strace $0x8FFFFFFF  }
0x98: {  	s20 =	sld [smem:$0x3FDB];
	_ =	sdelay $0x1  }
0x99: {  	s4 =	simm.s32 $_scs_section_size  }
0x9a: {  	s5 =	simm.s32 $_size__tile_overlayer_lowered;
	s6 =	simm.s32 $_tile_overlayer_lowered  }
0x9b: {  	s7 =	simm.s32 $0x1BFF;
	s21 =	sshll.u32 s6, $0x1;
	s4 =	sadd.s32 s4, s20  }
0x9c: {  	s22 =	simm.s32 $0x0;
	s5 =	sshll.u32 s5, $0x1;
	s6 =	sadd.s32 s21, s4  }
0x9d: {  	[timem:s22], [sflag:s7] =	dma.local [hbm:s6], s5  }
0x9e: {  	_ =	swait.ge [sflag:s7], s5  }
0x9f: {  	s5 =	ssub.s32 $0x0, s5;
	[sflag:s7] =	ssyncset.done $0x0  }
0xa0: {  	[sflag:s7] =	ssyncadd.s32 s5;
	_ =	sdelay $0x1  }
0xa1: {  	s23 =	simm.s32 $0x1B8B  }
0xa2: {  	_ =	swait.ge [sflag:s23], $0x1  }
0xa3: {  	[sflag:s23] =	ssyncset.done $0x0  }
0xa4: {  	[sflag:s23] =	ssyncadd.s32 $0xFFFFFFFF  }
0xa5: {  	s5 =	sld [smem:$0x0]  }
0xa6: {  	s6 =	sand.u32 $0xFFFFFFFE, s1  }
0xa7: {  	p0 =	sne.s32 s1, s6  }
0xa8: {  	s6 =	sshll.u32 @p0 s6, $0xE  }
0xa9: {  	s6 =	sadd.s32 @p0 $0x11B8D, s6;
	s7 =	sshll.u32 @p0 s5, $0x11  }
0xaa: {  	s6 =	sor.u32 @p0 s7, s6  }
0xab: {  	[sflag:s6] =	ssyncadd.remote.s32 @p0 $0x1;
	_ =	sdelay $0x1  }
0xac: {  	s6 =	simm.s32 @p0 $0x1B8D  }
0xad: {  	_ =	swait.eq @p0 [sflag:s6], $0x1  }
0xae: {  	[sflag:s6] =	ssyncadd.s32 @p0 $0xFFFFFFFF  }
0xaf: {  	s7 =	sshll.u32 @!p0 s1, $0xE  }
0xb0: {  	s7 =	sor.u32 @!p0 $0x4000, s7;
	s6 =	simm.s32 @!p0 $0x1B8D  }
0xb1: {  	s5 =	sshll.u32 @!p0 s5, $0x11;
	s7 =	sadd.s32 @!p0 $0x11B8D, s7;
	_ =	swait.eq @!p0 [sflag:s6], $0x1  }
0xb2: {  	s5 =	sor.u32 @!p0 s5, s7;
	[sflag:s6] =	ssyncadd.s32 @!p0 $0xFFFFFFFF  }
0xb3: {  	s25 =	simm.s32 $0x1B8E;
	s24 =	sld [smem:$0x3FFE];
	[sflag:s5] =	ssyncadd.remote.s32 @!p0 $0x1  }
0xb4: {  	s26 =	simm.s32 $execute0_lowered;
	[smem:$0x3FD2] =	sst s25  }
0xb5: {  	s6 =	sshll.u32 s26, $0x1;
	_ =	strace $0x80000055;
	[dreg:$0x1] =	wrdreg $0xFFFFFFFF  }
0xb6: {  	s28 =	simm.s32 $_size_execute0_lowered;
	s4 =	sadd.s32 s4, s6;
	[dreg:$0x0] =	wrdreg $0x0  }
0xb7: {  	s6 =	sshll.u32 s28, $0x1;
	[dreg:$0x2] =	wrdreg s4  }
0xb8: {  	[dreg:$0x3] =	wrdreg s6  }
0xb9: {  	[dreg:$0x4] =	wrdreg $0xC0  }
0xba: {  	_ =	task [dreg:s22], $0x5FFFF  }
0xbb: {  	[dreg:$0x1] =	wrdreg $0xFFFFFFFF  }
0xbc: {  	[dreg:$0x0] =	wrdreg $0x60  }
0xbd: {  	[dreg:$0x2] =	wrdreg s18  }
0xbe: {  	[dreg:$0x3] =	wrdreg s24  }
0xbf: {  	[dreg:$0x4] =	wrdreg $0x9  }
0xc0: {  	_ =	task.clear_ibuf [dreg:s22], $0x5FFFF;
	_ =	strace $0x90000055  }
0xc1: {  	s29 =	simm.s32 $0x9;
	_ =	strace $0x80000057  }
0xc2: {  	_ =	swait.ge [sflag:s29], $0x1  }
0xc3: {  	[sflag:s29] =	ssyncadd.s32 $0xFFFFFFFF  }
0xc4: {  	_ =	strace $0x90000057  }
0xc5: {  	_ =	sfence  }
0xc6: {  	s30 =	sld [smem:$0x0];
	_ =	sdelay $0x2  }
0xc7: {  	s31 =	sshll.u32 s1, $0xD;
	s1 =	sshrl.u32 s1, $0x2  }
0xc8: {  	s4 =	sand.u32 $0x4000, s31;
	s1 =	sadd.s32 s1, s30  }
0xc9: {  	s0 =	sor.u32 s4, s0;
	s1 =	sshll.u32 s1, $0x11  }
0xca: {  	s0 =	sor.u32 s1, s0  }
0xcb: {  	s0 =	sadd.s32 $0x8F2B, s0  }
0xcc: {  	[sflag:s0] =	ssyncadd.remote.s32 $0x1  }
0xcd: {  	_ =	sfence.sel $0xFFFF  }
0xce: {  	[dreg:$0x0] =	wrdreg $0xFFFFFFFF;
	(pc) =	sbr.abs _section_cstart, $3  }
0xcf: {  	[dreg:$0x1] =	wrdreg $0xFFFFFFFF  }
0xd0: {  	_ =	task.clear_ibuf [dreg:s22], $0x2FFFF;
	_ =	strace $0x9FFFFFFF  }
0xd1: {  	(tm) =	ssettm $0x7FFFFFFF  }
tec
execute0_lowered:
.L_overlay_start_1:
0x0: {  	(tag) =	ssettag $0x1  }
0x1: {  	s1 =	srdreg.scid  }
0x2: {  	s0 =	stileid.u32;
	s2 =	rddreg [dreg:$0x0]  }
0x3: {  	s5 =	rddreg [dreg:$0x1];
	s3 =	simm.s32 $0x0;
	s13 =	simm.s32 $0x4E00  }
0x4: {  	s14 =	simm.s32 $0x1;
	s15 =	simm.s32 $0x100;
	s16 =	simm.s32 $0x8000  }
0x5: {  	s17 =	simm.s32 $0x180;
	s18 =	simm.s32 $0xB200;
	s19 =	simm.s32 $0x2  }
0x6: {  	s20 =	simm.s32 $0x0;
	s4 =	sand.u32 $0x1, s1;
	s1 =	rddreg [dreg:$0x2]  }
0x7: {  	s28 =	sshll.u32 s0, $0x1;
	[smem:$0x7FF] =	sst s3;
	s9 =	smul.u32 $0x27100, s0  }
0x8: {  	s10 =	sadd.s32 $0x285800, s5;
	s6 =	sor.u32 s4, s28;
	s12 =	smul.u32 $0x13880, s4  }
0x9: {  	_ =	strace $0x80000056;
	s8 =	ssub.s32 $0x2, s4;
	s7 =	smul.u32 $0x380, s6  }
0xa: {  	s6 =	smul.u32 $0x13880, s6;
	s11 =	sshrl.u32 s8, $0x1;
	s31 =	sadd.s32 s9, s10  }
0xb: {  	s9 =	simm.s32 $0x3;
	s30 =	ssub.s32 s8, s11;
	s8 =	sadd.s32 s12, s31  }
0xc: {  	s11 =	simm.s32 $0x1C00;
	s12 =	simm.s32 $0x80;
	s29 =	sadd.s32 s7, s5  }
0xd: {  	s5 =	sadd.s32 s10, s6;
	s6 =	smax.u32 s30, $0x1;
	s8 =	sadd.s32 $0x1900, s8  }
0xe: {  	s10 =	simm.s32 $0x64;
	s4 =	sadd.s32 $0x27E800, s29;
	s7 =	sadd.s32 $0xC80, s5  }
.LBB2_1:
0xf: {  	[tilespmem:s3], [sflag:$0x3] =	stream.linear.gather [hbm4b:s4+s3], $0x1900, $0x38;
	[tilespmem:$0xE400] =	vst v63  }
0x10: {  	_ =	swait.ge [sflag:s9], $0x1900  }
0x11: {  	[sflag:s9] =	ssyncset.done $0x0  }
0x12: {  	[sflag:s9] =	ssyncadd.s32 $0xFFFFE700  }
0x13: {  	[tilespmem:s11], [sflag:$0x1] =	stream.indirect.gather [hbm4b:s2+s10], $0x80, s3, s10, $0xb8;
	[tilespmem:$0xE400] =	vst v63  }
0x14: {  	_ = 	snop  }
0x15: {  	[tilespmem:s13], [sflag:$0x1] =	stream.indirect.gather [hbm4b:s2+s10], $0x80, s12, s10, $0xb8;
	[tilespmem:$0xE400] =	vst v63  }
0x16: {  	_ =	swait.ge [sflag:s14], $0x3200  }
0x17: {  	[sflag:s14] =	ssyncset.done $0x0  }
0x18: {  	[sflag:s14] =	ssyncadd.s32 $0xFFFFCE00  }
0x19: {  	_ =	swait.ge [sflag:s14], $0x3200  }
0x1a: {  	[sflag:s14] =	ssyncset.done $0x0  }
0x1b: {  	[sflag:s14] =	ssyncadd.s32 $0xFFFFCE00  }
0x1c: {  	[hbm4b:s5+s3] =	stream.linear.scatter [tilespmem:s11], [sflag:$0x2], $0x6400, $0x38;
	[tilespmem:$0xE400] =	vst v63  }
0x1d: {  	_ = 	snop  }
0x1e: {  	[tilespmem:s16], [sflag:$0x1] =	stream.indirect.gather [hbm4b:s2+s10], $0x80, s15, s10, $0xb8;
	[tilespmem:$0xE400] =	vst v63  }
0x1f: {  	_ = 	snop  }
0x20: {  	[tilespmem:s18], [sflag:$0x1] =	stream.indirect.gather [hbm4b:s2+s10], $0x80, s17, s10, $0xb8;
	[tilespmem:$0xE400] =	vst v63  }
0x21: {  	_ =	swait.ge [sflag:s14], $0x3200  }
0x22: {  	[sflag:s14] =	ssyncset.done $0x0  }
0x23: {  	[sflag:s14] =	ssyncadd.s32 $0xFFFFCE00  }
0x24: {  	_ =	swait.ge [sflag:s14], $0x3200  }
0x25: {  	[sflag:s14] =	ssyncset.done $0x0  }
0x26: {  	s21 =	sand.u32 $0x1, s19;
	[sflag:s14] =	ssyncadd.s32 $0xFFFFCE00  }
0x27: {  	[hbm4b:s7+s3] =	stream.linear.scatter [tilespmem:s16], [sflag:$0x2], $0x6400, $0x38;
	[tilespmem:$0xE400] =	vst v63  }
0x28: {  	p0 =	seq.s32 s21, $0x1;
	s21 =	simm.s32 $0x6400;
	_ =	swait.ge [sflag:s19], $0x6400  }
0x29: {  	s21 =	simm.s32 @!p0 $0x0;
	[sflag:s19] =	ssyncset.done $0x0  }
0x2a: {  	s22 =	simm.s32 $0x200;
	s24 =	sadd.s32 $0x1C00, s21;
	[sflag:s19] =	ssyncadd.s32 $0xFFFF9C00  }
0x2b: {  	[tilespmem:s24], [sflag:$0x1] =	stream.indirect.gather [hbm4b:s2+s10], $0x80, s22, s10, $0xb8;
	[tilespmem:$0xE400] =	vst v63  }
0x2c: {  	s30 =	simm.s32 $0x280;
	s21 =	sadd.s32 $0x4E00, s21  }
0x2d: {  	[tilespmem:s21], [sflag:$0x1] =	stream.indirect.gather [hbm4b:s2+s10], $0x80, s30, s10, $0xb8;
	[tilespmem:$0xE400] =	vst v63  }
0x2e: {  	_ =	swait.ge [sflag:s14], $0x3200  }
0x2f: {  	[sflag:s14] =	ssyncset.done $0x0  }
0x30: {  	[sflag:s14] =	ssyncadd.s32 $0xFFFFCE00  }
0x31: {  	s31 =	simm.s32 $0x3;
	s26 =	simm.s32 $0x4;
	_ =	swait.ge [sflag:s14], $0x3200  }
0x32: {  	s25 =	smov.u32 s8;
	s23 =	sand.u32 $0x1, s31;
	[sflag:s14] =	ssyncset.done $0x0  }
0x33: {  	s22 =	simm.s32 $0x380;
	s21 =	sadd.s32 $0xC80, s8;
	[sflag:s14] =	ssyncadd.s32 $0xFFFFCE00  }
.LBB2_2:
0x34: {  	[hbm4b:s25+s3] =	stream.linear.scatter [tilespmem:s24], [sflag:$0x2], $0x6400, $0x38;
	[tilespmem:$0xE400] =	vst v63  }
0x35: {  	s24 =	smov.u32 s26;
	s25 =	smov.u32 s21;
	p0 =	seq.s32 s23, $0x1  }
0x36: {  	s23 =	sand.u32 $0x1, s26;
	s29 =	simm.s32 $0x6400;
	_ =	swait.ge [sflag:s19], $0x6400  }
0x37: {  	s28 =	sadd.s32 $0x1, s26;
	s29 =	simm.s32 @!p0 $0x0;
	[sflag:s19] =	ssyncset.done $0x0  }
0x38: {  	s30 =	sadd.s32 $0xFFFFFF80, s22;
	s24 =	sadd.s32 $0x1C00, s29;
	[sflag:s19] =	ssyncadd.s32 $0xFFFF9C00  }
0x39: {  	[tilespmem:s24], [sflag:$0x1] =	stream.indirect.gather [hbm4b:s2+s10], $0x80, s30, s10, $0xb8;
	[tilespmem:$0xE400] =	vst v63  }
0x3a: {  	p0 =	sne.s32 s26, $0x18;
	s26 =	sadd.s32 $0x4E00, s29  }
0x3b: {  	[tilespmem:s26], [sflag:$0x1] =	stream.indirect.gather [hbm4b:s2+s10], $0x80, s22, s10, $0xb8;
	[tilespmem:$0xE400] =	vst v63  }
0x3c: {  	_ =	swait.ge [sflag:s14], $0x3200  }
.Ltmp0:
0x3d: {  	[sflag:s14] =	ssyncset.done $0x0;
	(pc) =	sbr.rel @p0 .LBB2_2-.Ltmp0, $4  }
0x3e: {  	[sflag:s14] =	ssyncadd.s32 $0xFFFFCE00  }
0x3f: {  	_ =	swait.ge [sflag:s14], $0x3200  }
0x40: {  	s21 =	sadd.s32 $0xC80, s21;
	[sflag:s14] =	ssyncset.done $0x0  }
0x41: {  	s22 =	sadd.s32 $0x100, s22;
	s26 =	smov.u32 s28;
	[sflag:s14] =	ssyncadd.s32 $0xFFFFCE00  }
0x42: {  	[hbm4b:s25+s3] =	stream.linear.scatter [tilespmem:s24], [sflag:$0x2], $0x6400, $0x38;
	[tilespmem:$0xE400] =	vst v63  }
0x43: {  	p0 =	seq.s32 s23, $0x1;
	s23 =	simm.s32 $0x6400;
	_ =	swait.ge [sflag:s19], $0x6400  }
0x44: {  	s23 =	simm.s32 @!p0 $0x0;
	[sflag:s19] =	ssyncset.done $0x0  }
0x45: {  	s31 =	sadd.s32 $0xFFFFFF80, s22;
	s30 =	sadd.s32 $0x1C00, s23;
	[sflag:s19] =	ssyncadd.s32 $0xFFFF9C00  }
0x46: {  	[tilespmem:s30], [sflag:$0x1] =	stream.indirect.gather [hbm4b:s2+s10], $0x80, s31, s10, $0xb8;
	[tilespmem:$0xE400] =	vst v63  }
0x47: {  	s23 =	sadd.s32 $0x4E00, s23  }
0x48: {  	[tilespmem:s23], [sflag:$0x1] =	stream.indirect.gather [hbm4b:s2+s10], $0x80, s22, s10, $0xb8;
	[tilespmem:$0xE400] =	vst v63  }
0x49: {  	_ =	swait.ge [sflag:s14], $0x3200  }
0x4a: {  	[sflag:s14] =	ssyncset.done $0x0  }
0x4b: {  	[sflag:s14] =	ssyncadd.s32 $0xFFFFCE00  }
0x4c: {  	_ =	swait.ge [sflag:s14], $0x3200  }
0x4d: {  	[sflag:s14] =	ssyncset.done $0x0  }
0x4e: {  	s20 =	sadd.s32 $0x1, s20;
	[sflag:s14] =	ssyncadd.s32 $0xFFFFCE00  }
0x4f: {  	[hbm4b:s21+s3] =	stream.linear.scatter [tilespmem:s30], [sflag:$0x2], $0x6400, $0x38;
	[tilespmem:$0xE400] =	vst v63  }
0x50: {  	p0 =	sne.s32 s20, s6;
	_ =	swait.ge [sflag:s19], $0x6400  }
.Ltmp1:
0x51: {  	[sflag:s19] =	ssyncset.done $0x0;
	(pc) =	sbr.rel @p0 .LBB2_1-.Ltmp1, $4  }
0x52: {  	[sflag:s19] =	ssyncadd.s32 $0xFFFF9C00  }
0x53: {  	_ =	swait.ge [sflag:s19], $0x6400  }
0x54: {  	[sflag:s19] =	ssyncset.done $0x0  }
0x55: {  	[sflag:s19] =	ssyncadd.s32 $0xFFFF9C00  }
0x56: {  	_ =	sfence.sel $0x180000  }
0x57: {  	[bflag:$0x0] =	sbarrier.arrive $0xFFFF  }
0x58: {  	p0 =	sne.s32 s0, $0x0;
	_ =	strace $0x90000056  }
0x59: {  	s0 =	sadd.s32 @!p0 $0x100000, s1;
	[bflag:$0x2] =	sbarrier.arrive $0xFFFF  }
0x5a: {  	[sflag:s0] =	ssyncadd.tile.s32 @!p0 $0x1;
	_ =	shalt  }
.Lfunc_end2:
_tile_overlayer_lowered:
.L_overlay_start_2:
0x5b: {  	(tag) =	ssettag $0x2  }
0x5c: {  	s0 =	rddreg [dreg:$0x0];
	s2 =	stileid.u32  }
0x5d: {  	s1 =	rddreg [dreg:$0x1];
	p0 =	sne.s32 s2, $0x0  }
0x5e: {  	s3 =	rddreg [dreg:$0x2];
	[bflag:$0x3] =	sbarrier.arrive $0xFFFF;
	s2 =	simm.s32 @!p0 $0x1C03  }
0x5f: {  	[timem:s3], [sflag:s2] =	dma.local @!p0 [hbm:s0], s1  }
0x60: {  	s0 =	simm.s32 @!p0 $0x3  }
0x61: {  	_ =	swait.ge @!p0 [sflag:s0], s1  }
0x62: {  	s1 =	ssub.s32 @!p0 $0x0, s1;
	[sflag:s0] =	ssyncset.done @!p0 $0x0  }
0x63: {  	[sflag:s0] =	ssyncadd.s32 @!p0 s1  }
0x64: {  	[bflag:$0x3] =	sbarrier.arrive $0xFFFF  }
0x65: {  	_ =	shalt  }

// kernel: kernel.33.cloned.1.call-start
scs
__scs_entry_jumppad:
0x0: {  	(pc) =	sbr.rel $0x88, $3  }
0x1: {  	(tag) =	ssettag $0x0;
	lr =	simm.s32 $0x1  }
0x2: {  	[smem:$0x3F98] =	sst lr;
	_ =	strace $0xD0000000  }
0x3: {  	_ = 	snop  }
0x4: {  	_ = 	snop  }
0x5: {  	_ = 	snop  }
0x6: {  	_ = 	snop  }
0x7: {  	_ = 	snop  }
__scs_overlays_trampoline_lowered:
0x8: {  	[smem:$0x3FA7] =	sst s0  }
0x9: {  	[smem:$0x3FA8] =	sst s1  }
0xa: {  	[smem:$0x3FA9] =	sst s2  }
0xb: {  	[smem:$0x3FAA] =	sst s3  }
0xc: {  	[smem:$0x3FAB] =	sst s4  }
0xd: {  	[smem:$0x3FAC] =	sst s5  }
0xe: {  	[smem:$0x3FAD] =	sst s6  }
0xf: {  	[smem:$0x3FAE] =	sst s7  }
0x10: {  	[smem:$0x3FAF] =	sst s8  }
0x11: {  	[smem:$0x3FB0] =	sst s9;
	s0 =	simm.s32 @!p0 $0x0  }
0x12: {  	s1 =	sld [smem:$0x3F96];
	s0 =	simm.s32 @p0 $0x1  }
0x13: {  	[smem:$0x3FB1] =	sst s0;
	s0 =	simm.s32 @!p1 $0x0  }
0x14: {  	s2 =	sld [smem:$0x3F95];
	s0 =	simm.s32 @p1 $0x1  }
0x15: {  	[smem:$0x3FB2] =	sst s0;
	s0 =	simm.s32 @!p2 $0x0  }
0x16: {  	s3 =	sld [smem:$0x3FDB];
	s0 =	simm.s32 @p2 $0x1  }
0x17: {  	s4 =	simm.s32 $0x1BF5;
	[smem:$0x3FB4] =	sst s0  }
0x18: {  	s0 =	sld [smem:$0x3F97];
	_ =	swait.ge [sflag:s4], $0x0  }
0x19: {  	s7 =	sld [smem:$0x3F98]  }
0x1a: {  	s8 =	sadd.s32 $0xFFFFE003, lr  }
0x1b: {  	s9 =	sadd.s32 $0xFFFFFEF7, lr;
	s5 =	simm.s32 $0xFFFFFFFF;
	p2 =	slt.u32 s8, $0xFFFFF086  }
0x1c: {  	p1 =	slt.u32 s9, $0xF7A;
	s5 =	simm.s32 @!p2 $0x0  }
0x1d: {  	s5 =	simm.s32 @p1 $0x1;
	p0 =	seq.s32 s7, s2  }
0x1e: {  	s7 =	smul.u32 @!p0 $0xF7A, s2;
	p2 =	seq.s32 @!p0 s5, $0x0  }
0x1f: {  	s9 =	smul.u32 $0xF7A, s1;
	s8 =	simm.s32 @!p0 $0x1BF5;
	p2 =	por !p2, p0  }
0x20: {  	[sflag:s8] =	ssyncset.s32 @!p0 $0xFFFFF086;
	s6 =	sadd.s32 @!p0 s3, s7;
	s7 =	simm.s32 @!p0 $0x108  }
0x21: {  	s3 =	sadd.s32 s3, s9;
	s6 =	sadd.s32 @!p0 $0x88, s6;
	s7 =	simm.s32 @p2 $0x1082  }
0x22: {  	[simem:s7], [sflag:s8] =	dma.local @!p0 [hbm:s6], $0xF7A  }
0x23: {  	s9 =	sor.u32 $0xD0000000, s2;
	s6 =	simm.s32 $0x108;
	_ =	swait.ge @!p0 [sflag:s8], $0x0  }
0x24: {  	s3 =	sadd.s32 $0x88, s3;
	s6 =	simm.s32 @!p1 $0x1082;
	[sflag:s4] =	ssyncset.s32 $0xFFFFF086  }
0x25: {  	[simem:s6], [sflag:s4] =	dma.local [hbm:s3], $0xF7A  }
0x26: {  	[smem:$0x3F98] =	sst s1;
	(tag) =	ssettag s2;
	_ =	strace s9  }
0x27: {  	s1 =	sld [smem:$0x3FA8]  }
0x28: {  	s2 =	sld [smem:$0x3FA9]  }
0x29: {  	s4 =	sld [smem:$0x3FAB]  }
0x2a: {  	p0 =	seq.s32 s5, $0x0;
	s5 =	sld [smem:$0x3FAC]  }
0x2b: {  	s6 =	sld [smem:$0x3FAD]  }
0x2c: {  	s7 =	sld [smem:$0x3FAE]  }
0x2d: {  	s3 =	simm.s32 $0x108;
	s8 =	sld [smem:$0x3FAF]  }
0x2e: {  	s3 =	simm.s32 @!p0 $0x1082;
	s9 =	sld [smem:$0x3FB0]  }
0x2f: {  	lr =	sadd.s32 s0, s3;
	s0 =	sld [smem:$0x3FA7]  }
0x30: {  	s3 =	sld [smem:$0x3FAA]  }
0x31: {  	[smem:$0x3FB3] =	sst s10  }
0x32: {  	s10 =	sld [smem:$0x3FB1];
	_ =	sdelay $0x3  }
0x33: {  	p0 =	seq.s32 s10, $0x1;
	s10 =	sld [smem:$0x3FB3];
	_ =	sdelay $0x3  }
0x34: {  	[smem:$0x3FB3] =	sst s10  }
0x35: {  	s10 =	sld [smem:$0x3FB2];
	_ =	sdelay $0x3  }
0x36: {  	p1 =	seq.s32 s10, $0x1;
	s10 =	sld [smem:$0x3FB3];
	_ =	sdelay $0x3  }
0x37: {  	[smem:$0x3FB3] =	sst s10  }
0x38: {  	s10 =	sld [smem:$0x3FB4]  }
0x39: {  	_ = 	snop;
	(pc) =	sbr.ind lr, $3  }
0x3a: {  	_ = 	snop  }
0x3b: {  	_ = 	snop  }
0x3c: {  	p2 =	seq.s32 s10, $0x1;
	s10 =	sld [smem:$0x3FB3]  }
0x3d: {  	_ =	shalt  }
0x3e: {  	_ =	shalt  }
0x3f: {  	_ =	shalt  }
0x40: {  	_ =	shalt  }
0x41: {  	_ =	shalt  }
0x42: {  	_ =	shalt  }
0x43: {  	_ =	shalt  }
0x44: {  	_ =	shalt  }
0x45: {  	_ =	shalt  }
0x46: {  	_ =	shalt  }
0x47: {  	_ =	shalt  }
0x48: {  	_ =	shalt  }
0x49: {  	_ =	shalt  }
0x4a: {  	_ =	shalt  }
0x4b: {  	_ =	shalt  }
0x4c: {  	_ =	shalt  }
0x4d: {  	_ =	shalt  }
0x4e: {  	_ =	shalt  }
0x4f: {  	_ =	shalt  }
0x50: {  	_ =	shalt  }
0x51: {  	_ =	shalt  }
0x52: {  	_ =	shalt  }
0x53: {  	_ =	shalt  }
0x54: {  	_ =	shalt  }
0x55: {  	_ =	shalt  }
0x56: {  	_ =	shalt  }
0x57: {  	_ =	shalt  }
0x58: {  	_ =	shalt  }
0x59: {  	_ =	shalt  }
0x5a: {  	_ =	shalt  }
0x5b: {  	_ =	shalt  }
0x5c: {  	_ =	shalt  }
0x5d: {  	_ =	shalt  }
0x5e: {  	_ =	shalt  }
0x5f: {  	_ =	shalt  }
0x60: {  	_ =	shalt  }
0x61: {  	_ =	shalt  }
0x62: {  	_ =	shalt  }
0x63: {  	_ =	shalt  }
0x64: {  	_ =	shalt  }
0x65: {  	_ =	shalt  }
0x66: {  	_ =	shalt  }
0x67: {  	_ =	shalt  }
0x68: {  	_ =	shalt  }
0x69: {  	_ =	shalt  }
0x6a: {  	_ =	shalt  }
0x6b: {  	_ =	shalt  }
0x6c: {  	_ =	shalt  }
0x6d: {  	_ =	shalt  }
0x6e: {  	_ =	shalt  }
0x6f: {  	_ =	shalt  }
0x70: {  	_ =	shalt  }
0x71: {  	_ =	shalt  }
0x72: {  	_ =	shalt  }
0x73: {  	_ =	shalt  }
0x74: {  	_ =	shalt  }
0x75: {  	_ =	shalt  }
0x76: {  	_ =	shalt  }
0x77: {  	_ =	shalt  }
0x78: {  	_ =	shalt  }
0x79: {  	_ =	shalt  }
0x7a: {  	_ =	shalt  }
0x7b: {  	_ =	shalt  }
0x7c: {  	_ =	shalt  }
0x7d: {  	_ =	shalt  }
0x7e: {  	_ =	shalt  }
0x7f: {  	_ =	shalt  }
0x80: {  	_ =	shalt  }
0x81: {  	_ =	shalt  }
0x82: {  	_ =	shalt  }
0x83: {  	_ =	shalt  }
0x84: {  	_ =	shalt  }
0x85: {  	_ =	shalt  }
0x86: {  	_ =	shalt  }
0x87: {  	_ =	shalt  }
.Lfunc_end0:
.L_simem_size_0:
called_computation.5_lowered:
.L_overlay_start_0:
0x88: {  	s2 =	sld [smem:$0x3FD9]  }
0x89: {  	s3 =	sld [smem:$0x3FFE];
	_ =	sdelay $0x1  }
0x8a: {  	s1 =	srdreg.scid  }
0x8b: {  	s0 =	sand.u32 $0x1, s1  }
0x8c: {  	s17 =	sshll.u32 s0, $0xA;
	s2 =	sadd.s32 s3, s2  }
0x8d: {  	s2 =	sadd.s32 s2, s17  }
0x8e: {  	[smem:$0x3FBF] =	sst s2  }
0x8f: {  	_ = 	snop  }
0x90: {  	s2 =	sld [smem:$0x3FD0];
	(tm) =	ssettm $0x1  }
0x91: {  	s18 =	sld [smem:$0x3FFB];
	_ =	sdelay $0x3  }
0x92: {  	_ =	strace s18  }
0x93: {  	s3 =	sld [smem:$0x3FFC];
	_ =	sdelay $0x3  }
0x94: {  	_ =	strace s3  }
0x95: {  	s3 =	sld [smem:$0x3FFD];
	_ =	sdelay $0x3  }
0x96: {  	_ =	strace s3  }
0x97: {  	_ =	strace $0x8FFFFFFF  }
0x98: {  	s19 =	sld [smem:$0x3FDB];
	_ =	sdelay $0x1  }
0x99: {  	s4 =	simm.s32 $_scs_section_size  }
0x9a: {  	s5 =	simm.s32 $_size__tile_overlayer_lowered;
	s6 =	simm.s32 $_tile_overlayer_lowered  }
0x9b: {  	s22 =	simm.s32 $0x1BFF;
	s21 =	sshll.u32 s6, $0x1;
	s3 =	sadd.s32 s4, s19  }
0x9c: {  	s7 =	simm.s32 $0x0;
	s20 =	sshll.u32 s5, $0x1;
	s5 =	sadd.s32 s21, s3  }
0x9d: {  	[timem:s7], [sflag:s22] =	dma.local [hbm:s5], s20  }
0x9e: {  	_ =	swait.ge [sflag:s22], s20  }
0x9f: {  	s4 =	ssub.s32 $0x0, s20;
	[sflag:s22] =	ssyncset.done $0x0  }
0xa0: {  	[sflag:s22] =	ssyncadd.s32 s4;
	_ =	sdelay $0x1  }
0xa1: {  	s23 =	simm.s32 $0x1B8B  }
0xa2: {  	_ =	swait.ge [sflag:s23], $0x1  }
0xa3: {  	[sflag:s23] =	ssyncset.done $0x0  }
0xa4: {  	s25 =	simm.s32 $0x1B8E;
	s24 =	sld [smem:$0x3FFE];
	[sflag:s23] =	ssyncadd.s32 $0xFFFFFFFF  }
0xa5: {  	s26 =	simm.s32 $execute0_lowered;
	[smem:$0x3FD2] =	sst s25  }
0xa6: {  	s5 =	sshll.u32 s26, $0x1;
	_ =	strace $0x80000052;
	[dreg:$0x1] =	wrdreg $0xFFFFFFFF  }
0xa7: {  	s28 =	simm.s32 $_size_execute0_lowered;
	s3 =	sadd.s32 s3, s5;
	[dreg:$0x0] =	wrdreg $0x0  }
0xa8: {  	s5 =	sshll.u32 s28, $0x1;
	[dreg:$0x2] =	wrdreg s3  }
0xa9: {  	[dreg:$0x3] =	wrdreg s5  }
0xaa: {  	[dreg:$0x4] =	wrdreg $0xC0  }
0xab: {  	_ =	task [dreg:s7], $0x5FFFF  }
0xac: {  	[dreg:$0x1] =	wrdreg $0xFFFFFFFF  }
0xad: {  	[dreg:$0x0] =	wrdreg $0x60  }
0xae: {  	[dreg:$0x2] =	wrdreg s2  }
0xaf: {  	[dreg:$0x3] =	wrdreg s24  }
0xb0: {  	[dreg:$0x4] =	wrdreg $0xA  }
0xb1: {  	_ =	task.clear_ibuf [dreg:s7], $0x5FFFF;
	_ =	strace $0x90000052  }
0xb2: {  	s29 =	simm.s32 $0xA;
	_ =	strace $0x80000054  }
0xb3: {  	_ =	swait.ge [sflag:s29], $0x1  }
0xb4: {  	[sflag:s29] =	ssyncadd.s32 $0xFFFFFFFF  }
0xb5: {  	_ =	strace $0x90000054  }
0xb6: {  	_ =	sfence  }
0xb7: {  	s30 =	sld [smem:$0x0];
	_ =	sdelay $0x2  }
0xb8: {  	s31 =	sshll.u32 s1, $0xD;
	s1 =	sshrl.u32 s1, $0x2  }
0xb9: {  	s3 =	sand.u32 $0x4000, s31;
	s1 =	sadd.s32 s1, s30  }
0xba: {  	s0 =	sor.u32 s3, s0;
	s1 =	sshll.u32 s1, $0x11  }
0xbb: {  	s0 =	sor.u32 s1, s0  }
0xbc: {  	s0 =	sadd.s32 $0x8F2B, s0  }
0xbd: {  	[sflag:s0] =	ssyncadd.remote.s32 $0x1  }
0xbe: {  	_ =	sfence.sel $0xFFFF  }
0xbf: {  	[dreg:$0x0] =	wrdreg $0xFFFFFFFF;
	(pc) =	sbr.abs _section_cstart, $3  }
0xc0: {  	[dreg:$0x1] =	wrdreg $0xFFFFFFFF  }
0xc1: {  	_ =	task.clear_ibuf [dreg:s7], $0x2FFFF;
	_ =	strace $0x9FFFFFFF  }
0xc2: {  	(tm) =	ssettm $0x7FFFFFFF  }
0xc3: {  	_ =	shalt  }
tec
execute0_lowered:
.L_overlay_start_1:
0x0: {  	(tag) =	ssettag $0x1  }
0x1: {  	s1 =	srdreg.scid  }
0x2: {  	s0 =	stileid.u32;
	s2 =	rddreg [dreg:$0x0]  }
0x3: {  	s5 =	rddreg [dreg:$0x1];
	s3 =	simm.s32 $0x0;
	s13 =	simm.s32 $0x4E00  }
0x4: {  	s14 =	simm.s32 $0x1;
	s15 =	simm.s32 $0x100;
	s16 =	simm.s32 $0x8000  }
0x5: {  	s17 =	simm.s32 $0x180;
	s18 =	simm.s32 $0xB200;
	s19 =	simm.s32 $0x2  }
0x6: {  	s20 =	simm.s32 $0x0;
	s4 =	sand.u32 $0x1, s1;
	s1 =	rddreg [dreg:$0x2]  }
0x7: {  	s28 =	sshll.u32 s0, $0x1;
	[smem:$0x7FF] =	sst s3;
	s9 =	smul.u32 $0x27100, s0  }
0x8: {  	s10 =	sadd.s32 $0xD800, s5;
	s6 =	sor.u32 s4, s28;
	s12 =	smul.u32 $0x13880, s4  }
0x9: {  	_ =	strace $0x80000053;
	s8 =	ssub.s32 $0x2, s4;
	s7 =	smul.u32 $0x380, s6  }
0xa: {  	s6 =	smul.u32 $0x13880, s6;
	s11 =	sshrl.u32 s8, $0x1;
	s31 =	sadd.s32 s9, s10  }
0xb: {  	s9 =	simm.s32 $0x3;
	s30 =	ssub.s32 s8, s11;
	s8 =	sadd.s32 s12, s31  }
0xc: {  	s11 =	simm.s32 $0x1C00;
	s12 =	simm.s32 $0x80;
	s29 =	sadd.s32 s7, s5  }
0xd: {  	s5 =	sadd.s32 s10, s6;
	s6 =	smax.u32 s30, $0x1;
	s8 =	sadd.s32 $0x1900, s8  }
0xe: {  	s10 =	simm.s32 $0x64;
	s4 =	sadd.s32 $0x6800, s29;
	s7 =	sadd.s32 $0xC80, s5  }
.LBB2_1:
0xf: {  	[tilespmem:s3], [sflag:$0x3] =	stream.linear.gather [hbm4b:s4+s3], $0x1900, $0x38;
	[tilespmem:$0xE400] =	vst v63  }
0x10: {  	_ =	swait.ge [sflag:s9], $0x1900  }
0x11: {  	[sflag:s9] =	ssyncset.done $0x0  }
0x12: {  	[sflag:s9] =	ssyncadd.s32 $0xFFFFE700  }
0x13: {  	[tilespmem:s11], [sflag:$0x1] =	stream.indirect.gather [hbm4b:s2+s10], $0x80, s3, s10, $0xb8;
	[tilespmem:$0xE400] =	vst v63  }
0x14: {  	_ = 	snop  }
0x15: {  	[tilespmem:s13], [sflag:$0x1] =	stream.indirect.gather [hbm4b:s2+s10], $0x80, s12, s10, $0xb8;
	[tilespmem:$0xE400] =	vst v63  }
0x16: {  	_ =	swait.ge [sflag:s14], $0x3200  }
0x17: {  	[sflag:s14] =	ssyncset.done $0x0  }
0x18: {  	[sflag:s14] =	ssyncadd.s32 $0xFFFFCE00  }
0x19: {  	_ =	swait.ge [sflag:s14], $0x3200  }
0x1a: {  	[sflag:s14] =	ssyncset.done $0x0  }
0x1b: {  	[sflag:s14] =	ssyncadd.s32 $0xFFFFCE00  }
0x1c: {  	[hbm4b:s5+s3] =	stream.linear.scatter [tilespmem:s11], [sflag:$0x2], $0x6400, $0x38;
	[tilespmem:$0xE400] =	vst v63  }
0x1d: {  	_ = 	snop  }
0x1e: {  	[tilespmem:s16], [sflag:$0x1] =	stream.indirect.gather [hbm4b:s2+s10], $0x80, s15, s10, $0xb8;
	[tilespmem:$0xE400] =	vst v63  }
0x1f: {  	_ = 	snop  }
0x20: {  	[tilespmem:s18], [sflag:$0x1] =	stream.indirect.gather [hbm4b:s2+s10], $0x80, s17, s10, $0xb8;
	[tilespmem:$0xE400] =	vst v63  }
0x21: {  	_ =	swait.ge [sflag:s14], $0x3200  }
0x22: {  	[sflag:s14] =	ssyncset.done $0x0  }
0x23: {  	[sflag:s14] =	ssyncadd.s32 $0xFFFFCE00  }
0x24: {  	_ =	swait.ge [sflag:s14], $0x3200  }
0x25: {  	[sflag:s14] =	ssyncset.done $0x0  }
0x26: {  	s21 =	sand.u32 $0x1, s19;
	[sflag:s14] =	ssyncadd.s32 $0xFFFFCE00  }
0x27: {  	[hbm4b:s7+s3] =	stream.linear.scatter [tilespmem:s16], [sflag:$0x2], $0x6400, $0x38;
	[tilespmem:$0xE400] =	vst v63  }
0x28: {  	p0 =	seq.s32 s21, $0x1;
	s21 =	simm.s32 $0x6400;
	_ =	swait.ge [sflag:s19], $0x6400  }
0x29: {  	s21 =	simm.s32 @!p0 $0x0;
	[sflag:s19] =	ssyncset.done $0x0  }
0x2a: {  	s22 =	simm.s32 $0x200;
	s24 =	sadd.s32 $0x1C00, s21;
	[sflag:s19] =	ssyncadd.s32 $0xFFFF9C00  }
0x2b: {  	[tilespmem:s24], [sflag:$0x1] =	stream.indirect.gather [hbm4b:s2+s10], $0x80, s22, s10, $0xb8;
	[tilespmem:$0xE400] =	vst v63  }
0x2c: {  	s30 =	simm.s32 $0x280;
	s21 =	sadd.s32 $0x4E00, s21  }
0x2d: {  	[tilespmem:s21], [sflag:$0x1] =	stream.indirect.gather [hbm4b:s2+s10], $0x80, s30, s10, $0xb8;
	[tilespmem:$0xE400] =	vst v63  }
0x2e: {  	_ =	swait.ge [sflag:s14], $0x3200  }
0x2f: {  	[sflag:s14] =	ssyncset.done $0x0  }
0x30: {  	[sflag:s14] =	ssyncadd.s32 $0xFFFFCE00  }
0x31: {  	s31 =	simm.s32 $0x3;
	s26 =	simm.s32 $0x4;
	_ =	swait.ge [sflag:s14], $0x3200  }
0x32: {  	s25 =	smov.u32 s8;
	s23 =	sand.u32 $0x1, s31;
	[sflag:s14] =	ssyncset.done $0x0  }
0x33: {  	s22 =	simm.s32 $0x380;
	s21 =	sadd.s32 $0xC80, s8;
	[sflag:s14] =	ssyncadd.s32 $0xFFFFCE00  }
.LBB2_2:
0x34: {  	[hbm4b:s25+s3] =	stream.linear.scatter [tilespmem:s24], [sflag:$0x2], $0x6400, $0x38;
	[tilespmem:$0xE400] =	vst v63  }
0x35: {  	s24 =	smov.u32 s26;
	s25 =	smov.u32 s21;
	p0 =	seq.s32 s23, $0x1  }
0x36: {  	s23 =	sand.u32 $0x1, s26;
	s29 =	simm.s32 $0x6400;
	_ =	swait.ge [sflag:s19], $0x6400  }
0x37: {  	s28 =	sadd.s32 $0x1, s26;
	s29 =	simm.s32 @!p0 $0x0;
	[sflag:s19] =	ssyncset.done $0x0  }
0x38: {  	s30 =	sadd.s32 $0xFFFFFF80, s22;
	s24 =	sadd.s32 $0x1C00, s29;
	[sflag:s19] =	ssyncadd.s32 $0xFFFF9C00  }
0x39: {  	[tilespmem:s24], [sflag:$0x1] =	stream.indirect.gather [hbm4b:s2+s10], $0x80, s30, s10, $0xb8;
	[tilespmem:$0xE400] =	vst v63  }
0x3a: {  	p0 =	sne.s32 s26, $0x18;
	s26 =	sadd.s32 $0x4E00, s29  }
0x3b: {  	[tilespmem:s26], [sflag:$0x1] =	stream.indirect.gather [hbm4b:s2+s10], $0x80, s22, s10, $0xb8;
	[tilespmem:$0xE400] =	vst v63  }
0x3c: {  	_ =	swait.ge [sflag:s14], $0x3200  }
.Ltmp0:
0x3d: {  	[sflag:s14] =	ssyncset.done $0x0;
	(pc) =	sbr.rel @p0 .LBB2_2-.Ltmp0, $4  }
0x3e: {  	[sflag:s14] =	ssyncadd.s32 $0xFFFFCE00  }
0x3f: {  	_ =	swait.ge [sflag:s14], $0x3200  }
0x40: {  	s21 =	sadd.s32 $0xC80, s21;
	[sflag:s14] =	ssyncset.done $0x0  }
0x41: {  	s22 =	sadd.s32 $0x100, s22;
	s26 =	smov.u32 s28;
	[sflag:s14] =	ssyncadd.s32 $0xFFFFCE00  }
0x42: {  	[hbm4b:s25+s3] =	stream.linear.scatter [tilespmem:s24], [sflag:$0x2], $0x6400, $0x38;
	[tilespmem:$0xE400] =	vst v63  }
0x43: {  	p0 =	seq.s32 s23, $0x1;
	s23 =	simm.s32 $0x6400;
	_ =	swait.ge [sflag:s19], $0x6400  }
0x44: {  	s23 =	simm.s32 @!p0 $0x0;
	[sflag:s19] =	ssyncset.done $0x0  }
0x45: {  	s31 =	sadd.s32 $0xFFFFFF80, s22;
	s30 =	sadd.s32 $0x1C00, s23;
	[sflag:s19] =	ssyncadd.s32 $0xFFFF9C00  }
0x46: {  	[tilespmem:s30], [sflag:$0x1] =	stream.indirect.gather [hbm4b:s2+s10], $0x80, s31, s10, $0xb8;
	[tilespmem:$0xE400] =	vst v63  }
0x47: {  	s23 =	sadd.s32 $0x4E00, s23  }
0x48: {  	[tilespmem:s23], [sflag:$0x1] =	stream.indirect.gather [hbm4b:s2+s10], $0x80, s22, s10, $0xb8;
	[tilespmem:$0xE400] =	vst v63  }
0x49: {  	_ =	swait.ge [sflag:s14], $0x3200  }
0x4a: {  	[sflag:s14] =	ssyncset.done $0x0  }
0x4b: {  	[sflag:s14] =	ssyncadd.s32 $0xFFFFCE00  }
0x4c: {  	_ =	swait.ge [sflag:s14], $0x3200  }
0x4d: {  	[sflag:s14] =	ssyncset.done $0x0  }
0x4e: {  	s20 =	sadd.s32 $0x1, s20;
	[sflag:s14] =	ssyncadd.s32 $0xFFFFCE00  }
0x4f: {  	[hbm4b:s21+s3] =	stream.linear.scatter [tilespmem:s30], [sflag:$0x2], $0x6400, $0x38;
	[tilespmem:$0xE400] =	vst v63  }
0x50: {  	p0 =	sne.s32 s20, s6;
	_ =	swait.ge [sflag:s19], $0x6400  }
.Ltmp1:
0x51: {  	[sflag:s19] =	ssyncset.done $0x0;
	(pc) =	sbr.rel @p0 .LBB2_1-.Ltmp1, $4  }
0x52: {  	[sflag:s19] =	ssyncadd.s32 $0xFFFF9C00  }
0x53: {  	_ =	swait.ge [sflag:s19], $0x6400  }
0x54: {  	[sflag:s19] =	ssyncset.done $0x0  }
0x55: {  	[sflag:s19] =	ssyncadd.s32 $0xFFFF9C00  }
0x56: {  	_ =	sfence.sel $0x180000  }
0x57: {  	[bflag:$0x0] =	sbarrier.arrive $0xFFFF  }
0x58: {  	p0 =	sne.s32 s0, $0x0;
	_ =	strace $0x90000053  }
0x59: {  	s0 =	sadd.s32 @!p0 $0x100000, s1;
	[bflag:$0x2] =	sbarrier.arrive $0xFFFF  }
0x5a: {  	[sflag:s0] =	ssyncadd.tile.s32 @!p0 $0x1;
	_ =	shalt  }
.Lfunc_end2:
_tile_overlayer_lowered:
.L_overlay_start_2:
0x5b: {  	(tag) =	ssettag $0x2  }
0x5c: {  	s0 =	rddreg [dreg:$0x0];
	s2 =	stileid.u32  }
0x5d: {  	s1 =	rddreg [dreg:$0x1];
	p0 =	sne.s32 s2, $0x0  }
0x5e: {  	s3 =	rddreg [dreg:$0x2];
	[bflag:$0x3] =	sbarrier.arrive $0xFFFF;
	s2 =	simm.s32 @!p0 $0x1C03  }
0x5f: {  	[timem:s3], [sflag:s2] =	dma.local @!p0 [hbm:s0], s1  }
0x60: {  	s0 =	simm.s32 @!p0 $0x3  }
0x61: {  	_ =	swait.ge @!p0 [sflag:s0], s1  }
0x62: {  	s1 =	ssub.s32 @!p0 $0x0, s1;
	[sflag:s0] =	ssyncset.done @!p0 $0x0  }
0x63: {  	[sflag:s0] =	ssyncadd.s32 @!p0 s1  }
0x64: {  	[bflag:$0x3] =	sbarrier.arrive $0xFFFF  }
0x65: {  	_ =	shalt  }

// kernel: kernel.36.cloned.1.call-start
scs
__scs_entry_jumppad:
0x0: {  	(pc) =	sbr.rel $0x88, $3  }
0x1: {  	(tag) =	ssettag $0x0;
	lr =	simm.s32 $0x1  }
0x2: {  	[smem:$0x3F98] =	sst lr;
	_ =	strace $0xD0000000  }
0x3: {  	_ = 	snop  }
0x4: {  	_ = 	snop  }
0x5: {  	_ = 	snop  }
0x6: {  	_ = 	snop  }
0x7: {  	_ = 	snop  }
__scs_overlays_trampoline_lowered:
0x8: {  	[smem:$0x3FA7] =	sst s0  }
0x9: {  	[smem:$0x3FA8] =	sst s1  }
0xa: {  	[smem:$0x3FA9] =	sst s2  }
0xb: {  	[smem:$0x3FAA] =	sst s3  }
0xc: {  	[smem:$0x3FAB] =	sst s4  }
0xd: {  	[smem:$0x3FAC] =	sst s5  }
0xe: {  	[smem:$0x3FAD] =	sst s6  }
0xf: {  	[smem:$0x3FAE] =	sst s7  }
0x10: {  	[smem:$0x3FAF] =	sst s8  }
0x11: {  	[smem:$0x3FB0] =	sst s9;
	s0 =	simm.s32 @!p0 $0x0  }
0x12: {  	s1 =	sld [smem:$0x3F96];
	s0 =	simm.s32 @p0 $0x1  }
0x13: {  	[smem:$0x3FB1] =	sst s0;
	s0 =	simm.s32 @!p1 $0x0  }
0x14: {  	s2 =	sld [smem:$0x3F95];
	s0 =	simm.s32 @p1 $0x1  }
0x15: {  	[smem:$0x3FB2] =	sst s0;
	s0 =	simm.s32 @!p2 $0x0  }
0x16: {  	s3 =	sld [smem:$0x3FDB];
	s0 =	simm.s32 @p2 $0x1  }
0x17: {  	s4 =	simm.s32 $0x1BF5;
	[smem:$0x3FB4] =	sst s0  }
0x18: {  	s0 =	sld [smem:$0x3F97];
	_ =	swait.ge [sflag:s4], $0x0  }
0x19: {  	s7 =	sld [smem:$0x3F98]  }
0x1a: {  	s8 =	sadd.s32 $0xFFFFE003, lr  }
0x1b: {  	s9 =	sadd.s32 $0xFFFFFEF7, lr;
	s5 =	simm.s32 $0xFFFFFFFF;
	p2 =	slt.u32 s8, $0xFFFFF086  }
0x1c: {  	p1 =	slt.u32 s9, $0xF7A;
	s5 =	simm.s32 @!p2 $0x0  }
0x1d: {  	s5 =	simm.s32 @p1 $0x1;
	p0 =	seq.s32 s7, s2  }
0x1e: {  	s7 =	smul.u32 @!p0 $0xF7A, s2;
	p2 =	seq.s32 @!p0 s5, $0x0  }
0x1f: {  	s9 =	smul.u32 $0xF7A, s1;
	s8 =	simm.s32 @!p0 $0x1BF5;
	p2 =	por !p2, p0  }
0x20: {  	[sflag:s8] =	ssyncset.s32 @!p0 $0xFFFFF086;
	s6 =	sadd.s32 @!p0 s3, s7;
	s7 =	simm.s32 @!p0 $0x108  }
0x21: {  	s3 =	sadd.s32 s3, s9;
	s6 =	sadd.s32 @!p0 $0x88, s6;
	s7 =	simm.s32 @p2 $0x1082  }
0x22: {  	[simem:s7], [sflag:s8] =	dma.local @!p0 [hbm:s6], $0xF7A  }
0x23: {  	s9 =	sor.u32 $0xD0000000, s2;
	s6 =	simm.s32 $0x108;
	_ =	swait.ge @!p0 [sflag:s8], $0x0  }
0x24: {  	s3 =	sadd.s32 $0x88, s3;
	s6 =	simm.s32 @!p1 $0x1082;
	[sflag:s4] =	ssyncset.s32 $0xFFFFF086  }
0x25: {  	[simem:s6], [sflag:s4] =	dma.local [hbm:s3], $0xF7A  }
0x26: {  	[smem:$0x3F98] =	sst s1;
	(tag) =	ssettag s2;
	_ =	strace s9  }
0x27: {  	s1 =	sld [smem:$0x3FA8]  }
0x28: {  	s2 =	sld [smem:$0x3FA9]  }
0x29: {  	s4 =	sld [smem:$0x3FAB]  }
0x2a: {  	p0 =	seq.s32 s5, $0x0;
	s5 =	sld [smem:$0x3FAC]  }
0x2b: {  	s6 =	sld [smem:$0x3FAD]  }
0x2c: {  	s7 =	sld [smem:$0x3FAE]  }
0x2d: {  	s3 =	simm.s32 $0x108;
	s8 =	sld [smem:$0x3FAF]  }
0x2e: {  	s3 =	simm.s32 @!p0 $0x1082;
	s9 =	sld [smem:$0x3FB0]  }
0x2f: {  	lr =	sadd.s32 s0, s3;
	s0 =	sld [smem:$0x3FA7]  }
0x30: {  	s3 =	sld [smem:$0x3FAA]  }
0x31: {  	[smem:$0x3FB3] =	sst s10  }
0x32: {  	s10 =	sld [smem:$0x3FB1];
	_ =	sdelay $0x3  }
0x33: {  	p0 =	seq.s32 s10, $0x1;
	s10 =	sld [smem:$0x3FB3];
	_ =	sdelay $0x3  }
0x34: {  	[smem:$0x3FB3] =	sst s10  }
0x35: {  	s10 =	sld [smem:$0x3FB2];
	_ =	sdelay $0x3  }
0x36: {  	p1 =	seq.s32 s10, $0x1;
	s10 =	sld [smem:$0x3FB3];
	_ =	sdelay $0x3  }
0x37: {  	[smem:$0x3FB3] =	sst s10  }
0x38: {  	s10 =	sld [smem:$0x3FB4]  }
0x39: {  	_ = 	snop;
	(pc) =	sbr.ind lr, $3  }
0x3a: {  	_ = 	snop  }
0x3b: {  	_ = 	snop  }
0x3c: {  	p2 =	seq.s32 s10, $0x1;
	s10 =	sld [smem:$0x3FB3]  }
0x3d: {  	_ =	shalt  }
0x3e: {  	_ =	shalt  }
0x3f: {  	_ =	shalt  }
0x40: {  	_ =	shalt  }
0x41: {  	_ =	shalt  }
0x42: {  	_ =	shalt  }
0x43: {  	_ =	shalt  }
0x44: {  	_ =	shalt  }
0x45: {  	_ =	shalt  }
0x46: {  	_ =	shalt  }
0x47: {  	_ =	shalt  }
0x48: {  	_ =	shalt  }
0x49: {  	_ =	shalt  }
0x4a: {  	_ =	shalt  }
0x4b: {  	_ =	shalt  }
0x4c: {  	_ =	shalt  }
0x4d: {  	_ =	shalt  }
0x4e: {  	_ =	shalt  }
0x4f: {  	_ =	shalt  }
0x50: {  	_ =	shalt  }
0x51: {  	_ =	shalt  }
0x52: {  	_ =	shalt  }
0x53: {  	_ =	shalt  }
0x54: {  	_ =	shalt  }
0x55: {  	_ =	shalt  }
0x56: {  	_ =	shalt  }
0x57: {  	_ =	shalt  }
0x58: {  	_ =	shalt  }
0x59: {  	_ =	shalt  }
0x5a: {  	_ =	shalt  }
0x5b: {  	_ =	shalt  }
0x5c: {  	_ =	shalt  }
0x5d: {  	_ =	shalt  }
0x5e: {  	_ =	shalt  }
0x5f: {  	_ =	shalt  }
0x60: {  	_ =	shalt  }
0x61: {  	_ =	shalt  }
0x62: {  	_ =	shalt  }
0x63: {  	_ =	shalt  }
0x64: {  	_ =	shalt  }
0x65: {  	_ =	shalt  }
0x66: {  	_ =	shalt  }
0x67: {  	_ =	shalt  }
0x68: {  	_ =	shalt  }
0x69: {  	_ =	shalt  }
0x6a: {  	_ =	shalt  }
0x6b: {  	_ =	shalt  }
0x6c: {  	_ =	shalt  }
0x6d: {  	_ =	shalt  }
0x6e: {  	_ =	shalt  }
0x6f: {  	_ =	shalt  }
0x70: {  	_ =	shalt  }
0x71: {  	_ =	shalt  }
0x72: {  	_ =	shalt  }
0x73: {  	_ =	shalt  }
0x74: {  	_ =	shalt  }
0x75: {  	_ =	shalt  }
0x76: {  	_ =	shalt  }
0x77: {  	_ =	shalt  }
0x78: {  	_ =	shalt  }
0x79: {  	_ =	shalt  }
0x7a: {  	_ =	shalt  }
0x7b: {  	_ =	shalt  }
0x7c: {  	_ =	shalt  }
0x7d: {  	_ =	shalt  }
0x7e: {  	_ =	shalt  }
0x7f: {  	_ =	shalt  }
0x80: {  	_ =	shalt  }
0x81: {  	_ =	shalt  }
0x82: {  	_ =	shalt  }
0x83: {  	_ =	shalt  }
0x84: {  	_ =	shalt  }
0x85: {  	_ =	shalt  }
0x86: {  	_ =	shalt  }
0x87: {  	_ =	shalt  }
.Lfunc_end0:
.L_simem_size_0:
called_computation.6_lowered:
.L_overlay_start_0:
0x88: {  	s2 =	sld [smem:$0x3FD9]  }
0x89: {  	s3 =	sld [smem:$0x3FFE];
	_ =	sdelay $0x1  }
0x8a: {  	s1 =	srdreg.scid  }
0x8b: {  	s0 =	sand.u32 $0x1, s1  }
0x8c: {  	s17 =	sshll.u32 s0, $0xA;
	s2 =	sadd.s32 s3, s2  }
0x8d: {  	s2 =	sadd.s32 s2, s17  }
0x8e: {  	[smem:$0x3FBF] =	sst s2  }
0x8f: {  	_ = 	snop  }
0x90: {  	s18 =	sld [smem:$0x3FD0];
	(tm) =	ssettm $0x1  }
0x91: {  	s19 =	sld [smem:$0x3FFB];
	_ =	sdelay $0x3  }
0x92: {  	_ =	strace s19  }
0x93: {  	s2 =	sld [smem:$0x3FFC];
	_ =	sdelay $0x3  }
0x94: {  	_ =	strace s2  }
0x95: {  	s2 =	sld [smem:$0x3FFD];
	_ =	sdelay $0x3  }
0x96: {  	_ =	strace s2  }
0x97: {  	_ =	strace $0x8FFFFFFF  }
0x98: {  	s20 =	sld [smem:$0x3FDB];
	_ =	sdelay $0x1  }
0x99: {  	s4 =	simm.s32 $_scs_section_size  }
0x9a: {  	s5 =	simm.s32 $_size__tile_overlayer_lowered;
	s6 =	simm.s32 $_tile_overlayer_lowered  }
0x9b: {  	s7 =	simm.s32 $0x1BFF;
	s21 =	sshll.u32 s6, $0x1;
	s4 =	sadd.s32 s4, s20  }
0x9c: {  	s22 =	simm.s32 $0x0;
	s5 =	sshll.u32 s5, $0x1;
	s6 =	sadd.s32 s21, s4  }
0x9d: {  	[timem:s22], [sflag:s7] =	dma.local [hbm:s6], s5  }
0x9e: {  	_ =	swait.ge [sflag:s7], s5  }
0x9f: {  	s5 =	ssub.s32 $0x0, s5;
	[sflag:s7] =	ssyncset.done $0x0  }
0xa0: {  	[sflag:s7] =	ssyncadd.s32 s5;
	_ =	sdelay $0x1  }
0xa1: {  	s23 =	simm.s32 $0x1B8B  }
0xa2: {  	_ =	swait.ge [sflag:s23], $0x1  }
0xa3: {  	[sflag:s23] =	ssyncset.done $0x0  }
0xa4: {  	[sflag:s23] =	ssyncadd.s32 $0xFFFFFFFF  }
0xa5: {  	s5 =	sld [smem:$0x0]  }
0xa6: {  	s6 =	sand.u32 $0xFFFFFFFE, s1  }
0xa7: {  	p0 =	sne.s32 s1, s6  }
0xa8: {  	s6 =	sshll.u32 @p0 s6, $0xE  }
0xa9: {  	s6 =	sadd.s32 @p0 $0x11B8D, s6;
	s7 =	sshll.u32 @p0 s5, $0x11  }
0xaa: {  	s6 =	sor.u32 @p0 s7, s6  }
0xab: {  	[sflag:s6] =	ssyncadd.remote.s32 @p0 $0x1;
	_ =	sdelay $0x1  }
0xac: {  	s6 =	simm.s32 @p0 $0x1B8D  }
0xad: {  	_ =	swait.eq @p0 [sflag:s6], $0x1  }
0xae: {  	[sflag:s6] =	ssyncadd.s32 @p0 $0xFFFFFFFF  }
0xaf: {  	s7 =	sshll.u32 @!p0 s1, $0xE  }
0xb0: {  	s7 =	sor.u32 @!p0 $0x4000, s7;
	s6 =	simm.s32 @!p0 $0x1B8D  }
0xb1: {  	s5 =	sshll.u32 @!p0 s5, $0x11;
	s7 =	sadd.s32 @!p0 $0x11B8D, s7;
	_ =	swait.eq @!p0 [sflag:s6], $0x1  }
0xb2: {  	s5 =	sor.u32 @!p0 s5, s7;
	[sflag:s6] =	ssyncadd.s32 @!p0 $0xFFFFFFFF  }
0xb3: {  	s25 =	simm.s32 $0x1B8E;
	s24 =	sld [smem:$0x3FFE];
	[sflag:s5] =	ssyncadd.remote.s32 @!p0 $0x1  }
0xb4: {  	s26 =	simm.s32 $execute0_lowered;
	[smem:$0x3FD2] =	sst s25  }
0xb5: {  	s6 =	sshll.u32 s26, $0x1;
	_ =	strace $0x8000005B;
	[dreg:$0x1] =	wrdreg $0xFFFFFFFF  }
0xb6: {  	s28 =	simm.s32 $_size_execute0_lowered;
	s4 =	sadd.s32 s4, s6;
	[dreg:$0x0] =	wrdreg $0x0  }
0xb7: {  	s6 =	sshll.u32 s28, $0x1;
	[dreg:$0x2] =	wrdreg s4  }
0xb8: {  	[dreg:$0x3] =	wrdreg s6  }
0xb9: {  	[dreg:$0x4] =	wrdreg $0xC0  }
0xba: {  	_ =	task [dreg:s22], $0x5FFFF  }
0xbb: {  	[dreg:$0x1] =	wrdreg $0xFFFFFFFF  }
0xbc: {  	[dreg:$0x0] =	wrdreg $0x60  }
0xbd: {  	[dreg:$0x2] =	wrdreg s18  }
0xbe: {  	[dreg:$0x3] =	wrdreg s24  }
0xbf: {  	[dreg:$0x4] =	wrdreg $0x9  }
0xc0: {  	_ =	task.clear_ibuf [dreg:s22], $0x5FFFF;
	_ =	strace $0x9000005B  }
0xc1: {  	s29 =	simm.s32 $0x9;
	_ =	strace $0x8000005D  }
0xc2: {  	_ =	swait.ge [sflag:s29], $0x1  }
0xc3: {  	[sflag:s29] =	ssyncadd.s32 $0xFFFFFFFF  }
0xc4: {  	_ =	strace $0x9000005D  }
0xc5: {  	_ =	sfence  }
0xc6: {  	s30 =	sld [smem:$0x0];
	_ =	sdelay $0x2  }
0xc7: {  	s31 =	sshll.u32 s1, $0xD;
	s1 =	sshrl.u32 s1, $0x2  }
0xc8: {  	s4 =	sand.u32 $0x4000, s31;
	s1 =	sadd.s32 s1, s30  }
0xc9: {  	s0 =	sor.u32 s4, s0;
	s1 =	sshll.u32 s1, $0x11  }
0xca: {  	s0 =	sor.u32 s1, s0  }
0xcb: {  	s0 =	sadd.s32 $0x8F2B, s0  }
0xcc: {  	[sflag:s0] =	ssyncadd.remote.s32 $0x1  }
0xcd: {  	_ =	sfence.sel $0xFFFF  }
0xce: {  	[dreg:$0x0] =	wrdreg $0xFFFFFFFF;
	(pc) =	sbr.abs _section_cstart, $3  }
0xcf: {  	[dreg:$0x1] =	wrdreg $0xFFFFFFFF  }
0xd0: {  	_ =	task.clear_ibuf [dreg:s22], $0x2FFFF;
	_ =	strace $0x9FFFFFFF  }
0xd1: {  	(tm) =	ssettm $0x7FFFFFFF  }
tec
execute0_lowered:
.L_overlay_start_1:
0x0: {  	(tag) =	ssettag $0x1  }
0x1: {  	s1 =	srdreg.scid  }
0x2: {  	s0 =	stileid.u32;
	s2 =	rddreg [dreg:$0x0]  }
0x3: {  	s5 =	rddreg [dreg:$0x1];
	s3 =	simm.s32 $0x0;
	s13 =	simm.s32 $0x4E00  }
0x4: {  	s14 =	simm.s32 $0x1;
	s15 =	simm.s32 $0x100;
	s16 =	simm.s32 $0x8000  }
0x5: {  	s17 =	simm.s32 $0x180;
	s18 =	simm.s32 $0xB200;
	s19 =	simm.s32 $0x2  }
0x6: {  	s20 =	simm.s32 $0x0;
	s4 =	sand.u32 $0x1, s1;
	s1 =	rddreg [dreg:$0x2]  }
0x7: {  	s28 =	sshll.u32 s0, $0x1;
	[smem:$0x7FF] =	sst s3;
	s9 =	smul.u32 $0x27100, s0  }
0x8: {  	s10 =	sadd.s32 $0x285800, s5;
	s6 =	sor.u32 s4, s28;
	s12 =	smul.u32 $0x13880, s4  }
0x9: {  	_ =	strace $0x8000005C;
	s8 =	ssub.s32 $0x2, s4;
	s7 =	smul.u32 $0x380, s6  }
0xa: {  	s6 =	smul.u32 $0x13880, s6;
	s11 =	sshrl.u32 s8, $0x1;
	s31 =	sadd.s32 s9, s10  }
0xb: {  	s9 =	simm.s32 $0x3;
	s30 =	ssub.s32 s8, s11;
	s8 =	sadd.s32 s12, s31  }
0xc: {  	s11 =	simm.s32 $0x1C00;
	s12 =	simm.s32 $0x80;
	s29 =	sadd.s32 s7, s5  }
0xd: {  	s5 =	sadd.s32 s10, s6;
	s6 =	smax.u32 s30, $0x1;
	s8 =	sadd.s32 $0x1900, s8  }
0xe: {  	s10 =	simm.s32 $0x64;
	s4 =	sadd.s32 $0x27E800, s29;
	s7 =	sadd.s32 $0xC80, s5  }
.LBB2_1:
0xf: {  	[tilespmem:s3], [sflag:$0x3] =	stream.linear.gather [hbm4b:s4+s3], $0x1900, $0x38;
	[tilespmem:$0xE400] =	vst v63  }
0x10: {  	_ =	swait.ge [sflag:s9], $0x1900  }
0x11: {  	[sflag:s9] =	ssyncset.done $0x0  }
0x12: {  	[sflag:s9] =	ssyncadd.s32 $0xFFFFE700  }
0x13: {  	[tilespmem:s11], [sflag:$0x1] =	stream.indirect.gather [hbm4b:s2+s10], $0x80, s3, s10, $0xb8;
	[tilespmem:$0xE400] =	vst v63  }
0x14: {  	_ = 	snop  }
0x15: {  	[tilespmem:s13], [sflag:$0x1] =	stream.indirect.gather [hbm4b:s2+s10], $0x80, s12, s10, $0xb8;
	[tilespmem:$0xE400] =	vst v63  }
0x16: {  	_ =	swait.ge [sflag:s14], $0x3200  }
0x17: {  	[sflag:s14] =	ssyncset.done $0x0  }
0x18: {  	[sflag:s14] =	ssyncadd.s32 $0xFFFFCE00  }
0x19: {  	_ =	swait.ge [sflag:s14], $0x3200  }
0x1a: {  	[sflag:s14] =	ssyncset.done $0x0  }
0x1b: {  	[sflag:s14] =	ssyncadd.s32 $0xFFFFCE00  }
0x1c: {  	[hbm4b:s5+s3] =	stream.linear.scatter [tilespmem:s11], [sflag:$0x2], $0x6400, $0x38;
	[tilespmem:$0xE400] =	vst v63  }
0x1d: {  	_ = 	snop  }
0x1e: {  	[tilespmem:s16], [sflag:$0x1] =	stream.indirect.gather [hbm4b:s2+s10], $0x80, s15, s10, $0xb8;
	[tilespmem:$0xE400] =	vst v63  }
0x1f: {  	_ = 	snop  }
0x20: {  	[tilespmem:s18], [sflag:$0x1] =	stream.indirect.gather [hbm4b:s2+s10], $0x80, s17, s10, $0xb8;
	[tilespmem:$0xE400] =	vst v63  }
0x21: {  	_ =	swait.ge [sflag:s14], $0x3200  }
0x22: {  	[sflag:s14] =	ssyncset.done $0x0  }
0x23: {  	[sflag:s14] =	ssyncadd.s32 $0xFFFFCE00  }
0x24: {  	_ =	swait.ge [sflag:s14], $0x3200  }
0x25: {  	[sflag:s14] =	ssyncset.done $0x0  }
0x26: {  	s21 =	sand.u32 $0x1, s19;
	[sflag:s14] =	ssyncadd.s32 $0xFFFFCE00  }
0x27: {  	[hbm4b:s7+s3] =	stream.linear.scatter [tilespmem:s16], [sflag:$0x2], $0x6400, $0x38;
	[tilespmem:$0xE400] =	vst v63  }
0x28: {  	p0 =	seq.s32 s21, $0x1;
	s21 =	simm.s32 $0x6400;
	_ =	swait.ge [sflag:s19], $0x6400  }
0x29: {  	s21 =	simm.s32 @!p0 $0x0;
	[sflag:s19] =	ssyncset.done $0x0  }
0x2a: {  	s22 =	simm.s32 $0x200;
	s24 =	sadd.s32 $0x1C00, s21;
	[sflag:s19] =	ssyncadd.s32 $0xFFFF9C00  }
0x2b: {  	[tilespmem:s24], [sflag:$0x1] =	stream.indirect.gather [hbm4b:s2+s10], $0x80, s22, s10, $0xb8;
	[tilespmem:$0xE400] =	vst v63  }
0x2c: {  	s30 =	simm.s32 $0x280;
	s21 =	sadd.s32 $0x4E00, s21  }
0x2d: {  	[tilespmem:s21], [sflag:$0x1] =	stream.indirect.gather [hbm4b:s2+s10], $0x80, s30, s10, $0xb8;
	[tilespmem:$0xE400] =	vst v63  }
0x2e: {  	_ =	swait.ge [sflag:s14], $0x3200  }
0x2f: {  	[sflag:s14] =	ssyncset.done $0x0  }
0x30: {  	[sflag:s14] =	ssyncadd.s32 $0xFFFFCE00  }
0x31: {  	s31 =	simm.s32 $0x3;
	s26 =	simm.s32 $0x4;
	_ =	swait.ge [sflag:s14], $0x3200  }
0x32: {  	s25 =	smov.u32 s8;
	s23 =	sand.u32 $0x1, s31;
	[sflag:s14] =	ssyncset.done $0x0  }
0x33: {  	s22 =	simm.s32 $0x380;
	s21 =	sadd.s32 $0xC80, s8;
	[sflag:s14] =	ssyncadd.s32 $0xFFFFCE00  }
.LBB2_2:
0x34: {  	[hbm4b:s25+s3] =	stream.linear.scatter [tilespmem:s24], [sflag:$0x2], $0x6400, $0x38;
	[tilespmem:$0xE400] =	vst v63  }
0x35: {  	s24 =	smov.u32 s26;
	s25 =	smov.u32 s21;
	p0 =	seq.s32 s23, $0x1  }
0x36: {  	s23 =	sand.u32 $0x1, s26;
	s29 =	simm.s32 $0x6400;
	_ =	swait.ge [sflag:s19], $0x6400  }
0x37: {  	s28 =	sadd.s32 $0x1, s26;
	s29 =	simm.s32 @!p0 $0x0;
	[sflag:s19] =	ssyncset.done $0x0  }
0x38: {  	s30 =	sadd.s32 $0xFFFFFF80, s22;
	s24 =	sadd.s32 $0x1C00, s29;
	[sflag:s19] =	ssyncadd.s32 $0xFFFF9C00  }
0x39: {  	[tilespmem:s24], [sflag:$0x1] =	stream.indirect.gather [hbm4b:s2+s10], $0x80, s30, s10, $0xb8;
	[tilespmem:$0xE400] =	vst v63  }
0x3a: {  	p0 =	sne.s32 s26, $0x18;
	s26 =	sadd.s32 $0x4E00, s29  }
0x3b: {  	[tilespmem:s26], [sflag:$0x1] =	stream.indirect.gather [hbm4b:s2+s10], $0x80, s22, s10, $0xb8;
	[tilespmem:$0xE400] =	vst v63  }
0x3c: {  	_ =	swait.ge [sflag:s14], $0x3200  }
.Ltmp0:
0x3d: {  	[sflag:s14] =	ssyncset.done $0x0;
	(pc) =	sbr.rel @p0 .LBB2_2-.Ltmp0, $4  }
0x3e: {  	[sflag:s14] =	ssyncadd.s32 $0xFFFFCE00  }
0x3f: {  	_ =	swait.ge [sflag:s14], $0x3200  }
0x40: {  	s21 =	sadd.s32 $0xC80, s21;
	[sflag:s14] =	ssyncset.done $0x0  }
0x41: {  	s22 =	sadd.s32 $0x100, s22;
	s26 =	smov.u32 s28;
	[sflag:s14] =	ssyncadd.s32 $0xFFFFCE00  }
0x42: {  	[hbm4b:s25+s3] =	stream.linear.scatter [tilespmem:s24], [sflag:$0x2], $0x6400, $0x38;
	[tilespmem:$0xE400] =	vst v63  }
0x43: {  	p0 =	seq.s32 s23, $0x1;
	s23 =	simm.s32 $0x6400;
	_ =	swait.ge [sflag:s19], $0x6400  }
0x44: {  	s23 =	simm.s32 @!p0 $0x0;
	[sflag:s19] =	ssyncset.done $0x0  }
0x45: {  	s31 =	sadd.s32 $0xFFFFFF80, s22;
	s30 =	sadd.s32 $0x1C00, s23;
	[sflag:s19] =	ssyncadd.s32 $0xFFFF9C00  }
0x46: {  	[tilespmem:s30], [sflag:$0x1] =	stream.indirect.gather [hbm4b:s2+s10], $0x80, s31, s10, $0xb8;
	[tilespmem:$0xE400] =	vst v63  }
0x47: {  	s23 =	sadd.s32 $0x4E00, s23  }
0x48: {  	[tilespmem:s23], [sflag:$0x1] =	stream.indirect.gather [hbm4b:s2+s10], $0x80, s22, s10, $0xb8;
	[tilespmem:$0xE400] =	vst v63  }
0x49: {  	_ =	swait.ge [sflag:s14], $0x3200  }
0x4a: {  	[sflag:s14] =	ssyncset.done $0x0  }
0x4b: {  	[sflag:s14] =	ssyncadd.s32 $0xFFFFCE00  }
0x4c: {  	_ =	swait.ge [sflag:s14], $0x3200  }
0x4d: {  	[sflag:s14] =	ssyncset.done $0x0  }
0x4e: {  	s20 =	sadd.s32 $0x1, s20;
	[sflag:s14] =	ssyncadd.s32 $0xFFFFCE00  }
0x4f: {  	[hbm4b:s21+s3] =	stream.linear.scatter [tilespmem:s30], [sflag:$0x2], $0x6400, $0x38;
	[tilespmem:$0xE400] =	vst v63  }
0x50: {  	p0 =	sne.s32 s20, s6;
	_ =	swait.ge [sflag:s19], $0x6400  }
.Ltmp1:
0x51: {  	[sflag:s19] =	ssyncset.done $0x0;
	(pc) =	sbr.rel @p0 .LBB2_1-.Ltmp1, $4  }
0x52: {  	[sflag:s19] =	ssyncadd.s32 $0xFFFF9C00  }
0x53: {  	_ =	swait.ge [sflag:s19], $0x6400  }
0x54: {  	[sflag:s19] =	ssyncset.done $0x0  }
0x55: {  	[sflag:s19] =	ssyncadd.s32 $0xFFFF9C00  }
0x56: {  	_ =	sfence.sel $0x180000  }
0x57: {  	[bflag:$0x0] =	sbarrier.arrive $0xFFFF  }
0x58: {  	p0 =	sne.s32 s0, $0x0;
	_ =	strace $0x9000005C  }
0x59: {  	s0 =	sadd.s32 @!p0 $0x100000, s1;
	[bflag:$0x2] =	sbarrier.arrive $0xFFFF  }
0x5a: {  	[sflag:s0] =	ssyncadd.tile.s32 @!p0 $0x1;
	_ =	shalt  }
.Lfunc_end2:
_tile_overlayer_lowered:
.L_overlay_start_2:
0x5b: {  	(tag) =	ssettag $0x2  }
0x5c: {  	s0 =	rddreg [dreg:$0x0];
	s2 =	stileid.u32  }
0x5d: {  	s1 =	rddreg [dreg:$0x1];
	p0 =	sne.s32 s2, $0x0  }
0x5e: {  	s3 =	rddreg [dreg:$0x2];
	[bflag:$0x3] =	sbarrier.arrive $0xFFFF;
	s2 =	simm.s32 @!p0 $0x1C03  }
0x5f: {  	[timem:s3], [sflag:s2] =	dma.local @!p0 [hbm:s0], s1  }
0x60: {  	s0 =	simm.s32 @!p0 $0x3  }
0x61: {  	_ =	swait.ge @!p0 [sflag:s0], s1  }
0x62: {  	s1 =	ssub.s32 @!p0 $0x0, s1;
	[sflag:s0] =	ssyncset.done @!p0 $0x0  }
0x63: {  	[sflag:s0] =	ssyncadd.s32 @!p0 s1  }
0x64: {  	[bflag:$0x3] =	sbarrier.arrive $0xFFFF  }
0x65: {  	_ =	shalt  }

// kernel: kernel.39.cloned.1.call-start
scs
__scs_entry_jumppad:
0x0: {  	(pc) =	sbr.rel $0x88, $3  }
0x1: {  	(tag) =	ssettag $0x0;
	lr =	simm.s32 $0x1  }
0x2: {  	[smem:$0x3F98] =	sst lr;
	_ =	strace $0xD0000000  }
0x3: {  	_ = 	snop  }
0x4: {  	_ = 	snop  }
0x5: {  	_ = 	snop  }
0x6: {  	_ = 	snop  }
0x7: {  	_ = 	snop  }
__scs_overlays_trampoline_lowered:
0x8: {  	[smem:$0x3FA7] =	sst s0  }
0x9: {  	[smem:$0x3FA8] =	sst s1  }
0xa: {  	[smem:$0x3FA9] =	sst s2  }
0xb: {  	[smem:$0x3FAA] =	sst s3  }
0xc: {  	[smem:$0x3FAB] =	sst s4  }
0xd: {  	[smem:$0x3FAC] =	sst s5  }
0xe: {  	[smem:$0x3FAD] =	sst s6  }
0xf: {  	[smem:$0x3FAE] =	sst s7  }
0x10: {  	[smem:$0x3FAF] =	sst s8  }
0x11: {  	[smem:$0x3FB0] =	sst s9;
	s0 =	simm.s32 @!p0 $0x0  }
0x12: {  	s1 =	sld [smem:$0x3F96];
	s0 =	simm.s32 @p0 $0x1  }
0x13: {  	[smem:$0x3FB1] =	sst s0;
	s0 =	simm.s32 @!p1 $0x0  }
0x14: {  	s2 =	sld [smem:$0x3F95];
	s0 =	simm.s32 @p1 $0x1  }
0x15: {  	[smem:$0x3FB2] =	sst s0;
	s0 =	simm.s32 @!p2 $0x0  }
0x16: {  	s3 =	sld [smem:$0x3FDB];
	s0 =	simm.s32 @p2 $0x1  }
0x17: {  	s4 =	simm.s32 $0x1BF5;
	[smem:$0x3FB4] =	sst s0  }
0x18: {  	s0 =	sld [smem:$0x3F97];
	_ =	swait.ge [sflag:s4], $0x0  }
0x19: {  	s7 =	sld [smem:$0x3F98]  }
0x1a: {  	s8 =	sadd.s32 $0xFFFFE003, lr  }
0x1b: {  	s9 =	sadd.s32 $0xFFFFFEF7, lr;
	s5 =	simm.s32 $0xFFFFFFFF;
	p2 =	slt.u32 s8, $0xFFFFF086  }
0x1c: {  	p1 =	slt.u32 s9, $0xF7A;
	s5 =	simm.s32 @!p2 $0x0  }
0x1d: {  	s5 =	simm.s32 @p1 $0x1;
	p0 =	seq.s32 s7, s2  }
0x1e: {  	s7 =	smul.u32 @!p0 $0xF7A, s2;
	p2 =	seq.s32 @!p0 s5, $0x0  }
0x1f: {  	s9 =	smul.u32 $0xF7A, s1;
	s8 =	simm.s32 @!p0 $0x1BF5;
	p2 =	por !p2, p0  }
0x20: {  	[sflag:s8] =	ssyncset.s32 @!p0 $0xFFFFF086;
	s6 =	sadd.s32 @!p0 s3, s7;
	s7 =	simm.s32 @!p0 $0x108  }
0x21: {  	s3 =	sadd.s32 s3, s9;
	s6 =	sadd.s32 @!p0 $0x88, s6;
	s7 =	simm.s32 @p2 $0x1082  }
0x22: {  	[simem:s7], [sflag:s8] =	dma.local @!p0 [hbm:s6], $0xF7A  }
0x23: {  	s9 =	sor.u32 $0xD0000000, s2;
	s6 =	simm.s32 $0x108;
	_ =	swait.ge @!p0 [sflag:s8], $0x0  }
0x24: {  	s3 =	sadd.s32 $0x88, s3;
	s6 =	simm.s32 @!p1 $0x1082;
	[sflag:s4] =	ssyncset.s32 $0xFFFFF086  }
0x25: {  	[simem:s6], [sflag:s4] =	dma.local [hbm:s3], $0xF7A  }
0x26: {  	[smem:$0x3F98] =	sst s1;
	(tag) =	ssettag s2;
	_ =	strace s9  }
0x27: {  	s1 =	sld [smem:$0x3FA8]  }
0x28: {  	s2 =	sld [smem:$0x3FA9]  }
0x29: {  	s4 =	sld [smem:$0x3FAB]  }
0x2a: {  	p0 =	seq.s32 s5, $0x0;
	s5 =	sld [smem:$0x3FAC]  }
0x2b: {  	s6 =	sld [smem:$0x3FAD]  }
0x2c: {  	s7 =	sld [smem:$0x3FAE]  }
0x2d: {  	s3 =	simm.s32 $0x108;
	s8 =	sld [smem:$0x3FAF]  }
0x2e: {  	s3 =	simm.s32 @!p0 $0x1082;
	s9 =	sld [smem:$0x3FB0]  }
0x2f: {  	lr =	sadd.s32 s0, s3;
	s0 =	sld [smem:$0x3FA7]  }
0x30: {  	s3 =	sld [smem:$0x3FAA]  }
0x31: {  	[smem:$0x3FB3] =	sst s10  }
0x32: {  	s10 =	sld [smem:$0x3FB1];
	_ =	sdelay $0x3  }
0x33: {  	p0 =	seq.s32 s10, $0x1;
	s10 =	sld [smem:$0x3FB3];
	_ =	sdelay $0x3  }
0x34: {  	[smem:$0x3FB3] =	sst s10  }
0x35: {  	s10 =	sld [smem:$0x3FB2];
	_ =	sdelay $0x3  }
0x36: {  	p1 =	seq.s32 s10, $0x1;
	s10 =	sld [smem:$0x3FB3];
	_ =	sdelay $0x3  }
0x37: {  	[smem:$0x3FB3] =	sst s10  }
0x38: {  	s10 =	sld [smem:$0x3FB4]  }
0x39: {  	_ = 	snop;
	(pc) =	sbr.ind lr, $3  }
0x3a: {  	_ = 	snop  }
0x3b: {  	_ = 	snop  }
0x3c: {  	p2 =	seq.s32 s10, $0x1;
	s10 =	sld [smem:$0x3FB3]  }
0x3d: {  	_ =	shalt  }
0x3e: {  	_ =	shalt  }
0x3f: {  	_ =	shalt  }
0x40: {  	_ =	shalt  }
0x41: {  	_ =	shalt  }
0x42: {  	_ =	shalt  }
0x43: {  	_ =	shalt  }
0x44: {  	_ =	shalt  }
0x45: {  	_ =	shalt  }
0x46: {  	_ =	shalt  }
0x47: {  	_ =	shalt  }
0x48: {  	_ =	shalt  }
0x49: {  	_ =	shalt  }
0x4a: {  	_ =	shalt  }
0x4b: {  	_ =	shalt  }
0x4c: {  	_ =	shalt  }
0x4d: {  	_ =	shalt  }
0x4e: {  	_ =	shalt  }
0x4f: {  	_ =	shalt  }
0x50: {  	_ =	shalt  }
0x51: {  	_ =	shalt  }
0x52: {  	_ =	shalt  }
0x53: {  	_ =	shalt  }
0x54: {  	_ =	shalt  }
0x55: {  	_ =	shalt  }
0x56: {  	_ =	shalt  }
0x57: {  	_ =	shalt  }
0x58: {  	_ =	shalt  }
0x59: {  	_ =	shalt  }
0x5a: {  	_ =	shalt  }
0x5b: {  	_ =	shalt  }
0x5c: {  	_ =	shalt  }
0x5d: {  	_ =	shalt  }
0x5e: {  	_ =	shalt  }
0x5f: {  	_ =	shalt  }
0x60: {  	_ =	shalt  }
0x61: {  	_ =	shalt  }
0x62: {  	_ =	shalt  }
0x63: {  	_ =	shalt  }
0x64: {  	_ =	shalt  }
0x65: {  	_ =	shalt  }
0x66: {  	_ =	shalt  }
0x67: {  	_ =	shalt  }
0x68: {  	_ =	shalt  }
0x69: {  	_ =	shalt  }
0x6a: {  	_ =	shalt  }
0x6b: {  	_ =	shalt  }
0x6c: {  	_ =	shalt  }
0x6d: {  	_ =	shalt  }
0x6e: {  	_ =	shalt  }
0x6f: {  	_ =	shalt  }
0x70: {  	_ =	shalt  }
0x71: {  	_ =	shalt  }
0x72: {  	_ =	shalt  }
0x73: {  	_ =	shalt  }
0x74: {  	_ =	shalt  }
0x75: {  	_ =	shalt  }
0x76: {  	_ =	shalt  }
0x77: {  	_ =	shalt  }
0x78: {  	_ =	shalt  }
0x79: {  	_ =	shalt  }
0x7a: {  	_ =	shalt  }
0x7b: {  	_ =	shalt  }
0x7c: {  	_ =	shalt  }
0x7d: {  	_ =	shalt  }
0x7e: {  	_ =	shalt  }
0x7f: {  	_ =	shalt  }
0x80: {  	_ =	shalt  }
0x81: {  	_ =	shalt  }
0x82: {  	_ =	shalt  }
0x83: {  	_ =	shalt  }
0x84: {  	_ =	shalt  }
0x85: {  	_ =	shalt  }
0x86: {  	_ =	shalt  }
0x87: {  	_ =	shalt  }
.Lfunc_end0:
.L_simem_size_0:
called_computation.7_lowered:
.L_overlay_start_0:
0x88: {  	s2 =	sld [smem:$0x3FD9]  }
0x89: {  	s3 =	sld [smem:$0x3FFE];
	_ =	sdelay $0x1  }
0x8a: {  	s1 =	srdreg.scid  }
0x8b: {  	s0 =	sand.u32 $0x1, s1  }
0x8c: {  	s17 =	sshll.u32 s0, $0xA;
	s2 =	sadd.s32 s3, s2  }
0x8d: {  	s2 =	sadd.s32 s2, s17  }
0x8e: {  	[smem:$0x3FBF] =	sst s2  }
0x8f: {  	_ = 	snop  }
0x90: {  	s2 =	sld [smem:$0x3FD0];
	(tm) =	ssettm $0x1  }
0x91: {  	s18 =	sld [smem:$0x3FFB];
	_ =	sdelay $0x3  }
0x92: {  	_ =	strace s18  }
0x93: {  	s3 =	sld [smem:$0x3FFC];
	_ =	sdelay $0x3  }
0x94: {  	_ =	strace s3  }
0x95: {  	s3 =	sld [smem:$0x3FFD];
	_ =	sdelay $0x3  }
0x96: {  	_ =	strace s3  }
0x97: {  	_ =	strace $0x8FFFFFFF  }
0x98: {  	s19 =	sld [smem:$0x3FDB];
	_ =	sdelay $0x1  }
0x99: {  	s4 =	simm.s32 $_scs_section_size  }
0x9a: {  	s5 =	simm.s32 $_size__tile_overlayer_lowered;
	s6 =	simm.s32 $_tile_overlayer_lowered  }
0x9b: {  	s22 =	simm.s32 $0x1BFF;
	s21 =	sshll.u32 s6, $0x1;
	s3 =	sadd.s32 s4, s19  }
0x9c: {  	s7 =	simm.s32 $0x0;
	s20 =	sshll.u32 s5, $0x1;
	s5 =	sadd.s32 s21, s3  }
0x9d: {  	[timem:s7], [sflag:s22] =	dma.local [hbm:s5], s20  }
0x9e: {  	_ =	swait.ge [sflag:s22], s20  }
0x9f: {  	s4 =	ssub.s32 $0x0, s20;
	[sflag:s22] =	ssyncset.done $0x0  }
0xa0: {  	[sflag:s22] =	ssyncadd.s32 s4;
	_ =	sdelay $0x1  }
0xa1: {  	s23 =	simm.s32 $0x1B8B  }
0xa2: {  	_ =	swait.ge [sflag:s23], $0x1  }
0xa3: {  	[sflag:s23] =	ssyncset.done $0x0  }
0xa4: {  	s25 =	simm.s32 $0x1B8E;
	s24 =	sld [smem:$0x3FFE];
	[sflag:s23] =	ssyncadd.s32 $0xFFFFFFFF  }
0xa5: {  	s26 =	simm.s32 $execute0_lowered;
	[smem:$0x3FD2] =	sst s25  }
0xa6: {  	s5 =	sshll.u32 s26, $0x1;
	_ =	strace $0x80000058;
	[dreg:$0x1] =	wrdreg $0xFFFFFFFF  }
0xa7: {  	s28 =	simm.s32 $_size_execute0_lowered;
	s3 =	sadd.s32 s3, s5;
	[dreg:$0x0] =	wrdreg $0x0  }
0xa8: {  	s5 =	sshll.u32 s28, $0x1;
	[dreg:$0x2] =	wrdreg s3  }
0xa9: {  	[dreg:$0x3] =	wrdreg s5  }
0xaa: {  	[dreg:$0x4] =	wrdreg $0xC0  }
0xab: {  	_ =	task [dreg:s7], $0x5FFFF  }
0xac: {  	[dreg:$0x1] =	wrdreg $0xFFFFFFFF  }
0xad: {  	[dreg:$0x0] =	wrdreg $0x60  }
0xae: {  	[dreg:$0x2] =	wrdreg s2  }
0xaf: {  	[dreg:$0x3] =	wrdreg s24  }
0xb0: {  	[dreg:$0x4] =	wrdreg $0xA  }
0xb1: {  	_ =	task.clear_ibuf [dreg:s7], $0x5FFFF;
	_ =	strace $0x90000058  }
0xb2: {  	s29 =	simm.s32 $0xA;
	_ =	strace $0x8000005A  }
0xb3: {  	_ =	swait.ge [sflag:s29], $0x1  }
0xb4: {  	[sflag:s29] =	ssyncadd.s32 $0xFFFFFFFF  }
0xb5: {  	_ =	strace $0x9000005A  }
0xb6: {  	_ =	sfence  }
0xb7: {  	s30 =	sld [smem:$0x0];
	_ =	sdelay $0x2  }
0xb8: {  	s31 =	sshll.u32 s1, $0xD;
	s1 =	sshrl.u32 s1, $0x2  }
0xb9: {  	s3 =	sand.u32 $0x4000, s31;
	s1 =	sadd.s32 s1, s30  }
0xba: {  	s0 =	sor.u32 s3, s0;
	s1 =	sshll.u32 s1, $0x11  }
0xbb: {  	s0 =	sor.u32 s1, s0  }
0xbc: {  	s0 =	sadd.s32 $0x8F2B, s0  }
0xbd: {  	[sflag:s0] =	ssyncadd.remote.s32 $0x1  }
0xbe: {  	_ =	sfence.sel $0xFFFF  }
0xbf: {  	[dreg:$0x0] =	wrdreg $0xFFFFFFFF;
	(pc) =	sbr.abs _section_cstart, $3  }
0xc0: {  	[dreg:$0x1] =	wrdreg $0xFFFFFFFF  }
0xc1: {  	_ =	task.clear_ibuf [dreg:s7], $0x2FFFF;
	_ =	strace $0x9FFFFFFF  }
0xc2: {  	(tm) =	ssettm $0x7FFFFFFF  }
0xc3: {  	_ =	shalt  }
tec
execute0_lowered:
.L_overlay_start_1:
0x0: {  	(tag) =	ssettag $0x1  }
0x1: {  	s1 =	srdreg.scid  }
0x2: {  	s0 =	stileid.u32;
	s2 =	rddreg [dreg:$0x0]  }
0x3: {  	s5 =	rddreg [dreg:$0x1];
	s3 =	simm.s32 $0x0;
	s13 =	simm.s32 $0x4E00  }
0x4: {  	s14 =	simm.s32 $0x1;
	s15 =	simm.s32 $0x100;
	s16 =	simm.s32 $0x8000  }
0x5: {  	s17 =	simm.s32 $0x180;
	s18 =	simm.s32 $0xB200;
	s19 =	simm.s32 $0x2  }
0x6: {  	s20 =	simm.s32 $0x0;
	s4 =	sand.u32 $0x1, s1;
	s1 =	rddreg [dreg:$0x2]  }
0x7: {  	s28 =	sshll.u32 s0, $0x1;
	[smem:$0x7FF] =	sst s3;
	s9 =	smul.u32 $0x27100, s0  }
0x8: {  	s10 =	sadd.s32 $0xD800, s5;
	s6 =	sor.u32 s4, s28;
	s12 =	smul.u32 $0x13880, s4  }
0x9: {  	_ =	strace $0x80000059;
	s8 =	ssub.s32 $0x2, s4;
	s7 =	smul.u32 $0x380, s6  }
0xa: {  	s6 =	smul.u32 $0x13880, s6;
	s11 =	sshrl.u32 s8, $0x1;
	s31 =	sadd.s32 s9, s10  }
0xb: {  	s9 =	simm.s32 $0x3;
	s30 =	ssub.s32 s8, s11;
	s8 =	sadd.s32 s12, s31  }
0xc: {  	s11 =	simm.s32 $0x1C00;
	s12 =	simm.s32 $0x80;
	s29 =	sadd.s32 s7, s5  }
0xd: {  	s5 =	sadd.s32 s10, s6;
	s6 =	smax.u32 s30, $0x1;
	s8 =	sadd.s32 $0x1900, s8  }
0xe: {  	s10 =	simm.s32 $0x64;
	s4 =	sadd.s32 $0x6800, s29;
	s7 =	sadd.s32 $0xC80, s5  }
.LBB2_1:
0xf: {  	[tilespmem:s3], [sflag:$0x3] =	stream.linear.gather [hbm4b:s4+s3], $0x1900, $0x38;
	[tilespmem:$0xE400] =	vst v63  }
0x10: {  	_ =	swait.ge [sflag:s9], $0x1900  }
0x11: {  	[sflag:s9] =	ssyncset.done $0x0  }
0x12: {  	[sflag:s9] =	ssyncadd.s32 $0xFFFFE700  }
0x13: {  	[tilespmem:s11], [sflag:$0x1] =	stream.indirect.gather [hbm4b:s2+s10], $0x80, s3, s10, $0xb8;
	[tilespmem:$0xE400] =	vst v63  }
0x14: {  	_ = 	snop  }
0x15: {  	[tilespmem:s13], [sflag:$0x1] =	stream.indirect.gather [hbm4b:s2+s10], $0x80, s12, s10, $0xb8;
	[tilespmem:$0xE400] =	vst v63  }
0x16: {  	_ =	swait.ge [sflag:s14], $0x3200  }
0x17: {  	[sflag:s14] =	ssyncset.done $0x0  }
0x18: {  	[sflag:s14] =	ssyncadd.s32 $0xFFFFCE00  }
0x19: {  	_ =	swait.ge [sflag:s14], $0x3200  }
0x1a: {  	[sflag:s14] =	ssyncset.done $0x0  }
0x1b: {  	[sflag:s14] =	ssyncadd.s32 $0xFFFFCE00  }
0x1c: {  	[hbm4b:s5+s3] =	stream.linear.scatter [tilespmem:s11], [sflag:$0x2], $0x6400, $0x38;
	[tilespmem:$0xE400] =	vst v63  }
0x1d: {  	_ = 	snop  }
0x1e: {  	[tilespmem:s16], [sflag:$0x1] =	stream.indirect.gather [hbm4b:s2+s10], $0x80, s15, s10, $0xb8;
	[tilespmem:$0xE400] =	vst v63  }
0x1f: {  	_ = 	snop  }
0x20: {  	[tilespmem:s18], [sflag:$0x1] =	stream.indirect.gather [hbm4b:s2+s10], $0x80, s17, s10, $0xb8;
	[tilespmem:$0xE400] =	vst v63  }
0x21: {  	_ =	swait.ge [sflag:s14], $0x3200  }
0x22: {  	[sflag:s14] =	ssyncset.done $0x0  }
0x23: {  	[sflag:s14] =	ssyncadd.s32 $0xFFFFCE00  }
0x24: {  	_ =	swait.ge [sflag:s14], $0x3200  }
0x25: {  	[sflag:s14] =	ssyncset.done $0x0  }
0x26: {  	s21 =	sand.u32 $0x1, s19;
	[sflag:s14] =	ssyncadd.s32 $0xFFFFCE00  }
0x27: {  	[hbm4b:s7+s3] =	stream.linear.scatter [tilespmem:s16], [sflag:$0x2], $0x6400, $0x38;
	[tilespmem:$0xE400] =	vst v63  }
0x28: {  	p0 =	seq.s32 s21, $0x1;
	s21 =	simm.s32 $0x6400;
	_ =	swait.ge [sflag:s19], $0x6400  }
0x29: {  	s21 =	simm.s32 @!p0 $0x0;
	[sflag:s19] =	ssyncset.done $0x0  }
0x2a: {  	s22 =	simm.s32 $0x200;
	s24 =	sadd.s32 $0x1C00, s21;
	[sflag:s19] =	ssyncadd.s32 $0xFFFF9C00  }
0x2b: {  	[tilespmem:s24], [sflag:$0x1] =	stream.indirect.gather [hbm4b:s2+s10], $0x80, s22, s10, $0xb8;
	[tilespmem:$0xE400] =	vst v63  }
0x2c: {  	s30 =	simm.s32 $0x280;
	s21 =	sadd.s32 $0x4E00, s21  }
0x2d: {  	[tilespmem:s21], [sflag:$0x1] =	stream.indirect.gather [hbm4b:s2+s10], $0x80, s30, s10, $0xb8;
	[tilespmem:$0xE400] =	vst v63  }
0x2e: {  	_ =	swait.ge [sflag:s14], $0x3200  }
0x2f: {  	[sflag:s14] =	ssyncset.done $0x0  }
0x30: {  	[sflag:s14] =	ssyncadd.s32 $0xFFFFCE00  }
0x31: {  	s31 =	simm.s32 $0x3;
	s26 =	simm.s32 $0x4;
	_ =	swait.ge [sflag:s14], $0x3200  }
0x32: {  	s25 =	smov.u32 s8;
	s23 =	sand.u32 $0x1, s31;
	[sflag:s14] =	ssyncset.done $0x0  }
0x33: {  	s22 =	simm.s32 $0x380;
	s21 =	sadd.s32 $0xC80, s8;
	[sflag:s14] =	ssyncadd.s32 $0xFFFFCE00  }
.LBB2_2:
0x34: {  	[hbm4b:s25+s3] =	stream.linear.scatter [tilespmem:s24], [sflag:$0x2], $0x6400, $0x38;
	[tilespmem:$0xE400] =	vst v63  }
0x35: {  	s24 =	smov.u32 s26;
	s25 =	smov.u32 s21;
	p0 =	seq.s32 s23, $0x1  }
0x36: {  	s23 =	sand.u32 $0x1, s26;
	s29 =	simm.s32 $0x6400;
	_ =	swait.ge [sflag:s19], $0x6400  }
0x37: {  	s28 =	sadd.s32 $0x1, s26;
	s29 =	simm.s32 @!p0 $0x0;
	[sflag:s19] =	ssyncset.done $0x0  }
0x38: {  	s30 =	sadd.s32 $0xFFFFFF80, s22;
	s24 =	sadd.s32 $0x1C00, s29;
	[sflag:s19] =	ssyncadd.s32 $0xFFFF9C00  }
0x39: {  	[tilespmem:s24], [sflag:$0x1] =	stream.indirect.gather [hbm4b:s2+s10], $0x80, s30, s10, $0xb8;
	[tilespmem:$0xE400] =	vst v63  }
0x3a: {  	p0 =	sne.s32 s26, $0x18;
	s26 =	sadd.s32 $0x4E00, s29  }
0x3b: {  	[tilespmem:s26], [sflag:$0x1] =	stream.indirect.gather [hbm4b:s2+s10], $0x80, s22, s10, $0xb8;
	[tilespmem:$0xE400] =	vst v63  }
0x3c: {  	_ =	swait.ge [sflag:s14], $0x3200  }
.Ltmp0:
0x3d: {  	[sflag:s14] =	ssyncset.done $0x0;
	(pc) =	sbr.rel @p0 .LBB2_2-.Ltmp0, $4  }
0x3e: {  	[sflag:s14] =	ssyncadd.s32 $0xFFFFCE00  }
0x3f: {  	_ =	swait.ge [sflag:s14], $0x3200  }
0x40: {  	s21 =	sadd.s32 $0xC80, s21;
	[sflag:s14] =	ssyncset.done $0x0  }
0x41: {  	s22 =	sadd.s32 $0x100, s22;
	s26 =	smov.u32 s28;
	[sflag:s14] =	ssyncadd.s32 $0xFFFFCE00  }
0x42: {  	[hbm4b:s25+s3] =	stream.linear.scatter [tilespmem:s24], [sflag:$0x2], $0x6400, $0x38;
	[tilespmem:$0xE400] =	vst v63  }
0x43: {  	p0 =	seq.s32 s23, $0x1;
	s23 =	simm.s32 $0x6400;
	_ =	swait.ge [sflag:s19], $0x6400  }
0x44: {  	s23 =	simm.s32 @!p0 $0x0;
	[sflag:s19] =	ssyncset.done $0x0  }
0x45: {  	s31 =	sadd.s32 $0xFFFFFF80, s22;
	s30 =	sadd.s32 $0x1C00, s23;
	[sflag:s19] =	ssyncadd.s32 $0xFFFF9C00  }
0x46: {  	[tilespmem:s30], [sflag:$0x1] =	stream.indirect.gather [hbm4b:s2+s10], $0x80, s31, s10, $0xb8;
	[tilespmem:$0xE400] =	vst v63  }
0x47: {  	s23 =	sadd.s32 $0x4E00, s23  }
0x48: {  	[tilespmem:s23], [sflag:$0x1] =	stream.indirect.gather [hbm4b:s2+s10], $0x80, s22, s10, $0xb8;
	[tilespmem:$0xE400] =	vst v63  }
0x49: {  	_ =	swait.ge [sflag:s14], $0x3200  }
0x4a: {  	[sflag:s14] =	ssyncset.done $0x0  }
0x4b: {  	[sflag:s14] =	ssyncadd.s32 $0xFFFFCE00  }
0x4c: {  	_ =	swait.ge [sflag:s14], $0x3200  }
0x4d: {  	[sflag:s14] =	ssyncset.done $0x0  }
0x4e: {  	s20 =	sadd.s32 $0x1, s20;
	[sflag:s14] =	ssyncadd.s32 $0xFFFFCE00  }
0x4f: {  	[hbm4b:s21+s3] =	stream.linear.scatter [tilespmem:s30], [sflag:$0x2], $0x6400, $0x38;
	[tilespmem:$0xE400] =	vst v63  }
0x50: {  	p0 =	sne.s32 s20, s6;
	_ =	swait.ge [sflag:s19], $0x6400  }
.Ltmp1:
0x51: {  	[sflag:s19] =	ssyncset.done $0x0;
	(pc) =	sbr.rel @p0 .LBB2_1-.Ltmp1, $4  }
0x52: {  	[sflag:s19] =	ssyncadd.s32 $0xFFFF9C00  }
0x53: {  	_ =	swait.ge [sflag:s19], $0x6400  }
0x54: {  	[sflag:s19] =	ssyncset.done $0x0  }
0x55: {  	[sflag:s19] =	ssyncadd.s32 $0xFFFF9C00  }
0x56: {  	_ =	sfence.sel $0x180000  }
0x57: {  	[bflag:$0x0] =	sbarrier.arrive $0xFFFF  }
0x58: {  	p0 =	sne.s32 s0, $0x0;
	_ =	strace $0x90000059  }
0x59: {  	s0 =	sadd.s32 @!p0 $0x100000, s1;
	[bflag:$0x2] =	sbarrier.arrive $0xFFFF  }
0x5a: {  	[sflag:s0] =	ssyncadd.tile.s32 @!p0 $0x1;
	_ =	shalt  }
.Lfunc_end2:
_tile_overlayer_lowered:
.L_overlay_start_2:
0x5b: {  	(tag) =	ssettag $0x2  }
0x5c: {  	s0 =	rddreg [dreg:$0x0];
	s2 =	stileid.u32  }
0x5d: {  	s1 =	rddreg [dreg:$0x1];
	p0 =	sne.s32 s2, $0x0  }
0x5e: {  	s3 =	rddreg [dreg:$0x2];
	[bflag:$0x3] =	sbarrier.arrive $0xFFFF;
	s2 =	simm.s32 @!p0 $0x1C03  }
0x5f: {  	[timem:s3], [sflag:s2] =	dma.local @!p0 [hbm:s0], s1  }
0x60: {  	s0 =	simm.s32 @!p0 $0x3  }
0x61: {  	_ =	swait.ge @!p0 [sflag:s0], s1  }
0x62: {  	s1 =	ssub.s32 @!p0 $0x0, s1;
	[sflag:s0] =	ssyncset.done @!p0 $0x0  }
0x63: {  	[sflag:s0] =	ssyncadd.s32 @!p0 s1  }
0x64: {  	[bflag:$0x3] =	sbarrier.arrive $0xFFFF  }
0x65: {  	_ =	shalt  }

</sc_bundles>
